<compile_context>
chip_gen: v7x
topology: tpu7x:2x2x1
jax: 0.10.2.dev20260603
libtpu: 0.0.44.dev20260713+nightly
codegen_flags: <defaults>
</compile_context>

<pallas_src>
import functools

import jax
import jax.numpy as jnp
from jax import lax
from jax.experimental import pallas as pl
from jax.experimental.pallas import tpu as pltpu
from jax.experimental.pallas import tpu_sc as plsc

_N = 10000
_E = 320000
_NC = 2
_NS = 16
_NW = _NC * _NS
_CHUNK = 96
_EPW = _E // _NW
_NCH = 106
_EPWP = _NCH * _CHUNK
_PAD = _EPWP - _EPW
_NPADROW = 128
_NACC = _N + _NPADROW
_WRPT = 640
_WLAST = _N - 15 * _WRPT


def _leaky(v):
    return jnp.where(v >= 0, v, 0.01 * v)


def _bn(h2, gamma, beta):
    m = jnp.mean(h2, axis=0, keepdims=True)
    var = jnp.mean((h2 - m) * (h2 - m), axis=0, keepdims=True)
    return (h2 - m) / jnp.sqrt(var + 1e-4) * gamma + beta


def _mm(a, w):
    return lax.dot_general(a.astype(jnp.bfloat16), w.astype(jnp.bfloat16),
                           (((1,), (1,)), ((), ())),
                           preferred_element_type=jnp.float32)


def _make_segsum(width):
    mesh = plsc.VectorSubcoreMesh(core_axis_name="c", subcore_axis_name="s",
                                  num_cores=_NC, num_subcores=_NS)

    @functools.partial(
        pl.kernel,
        out_type=jax.ShapeDtypeStruct((2 * _N, width), jnp.float32),
        mesh=mesh,
        scratch_types=[
            pltpu.VMEM((_EPWP,), jnp.int32),
            pltpu.VMEM((_NCH, _CHUNK), jnp.int32),
            pltpu.VMEM((_CHUNK, width), jnp.float32),
            pltpu.VMEM((_CHUNK, width), jnp.float32),
            pltpu.VMEM_SHARED((_NACC, width), jnp.float32),
            pltpu.SemaphoreType.DMA,
            pltpu.SemaphoreType.DMA,
        ],
    )
    def segsum(v_hbm, src_hbm, dst_hbm, zero_hbm, out_hbm,
               src_v, dst_v, rows0, rows1, acc, sem0, sem1):
        c = lax.axis_index("c")
        s = lax.axis_index("s")
        wid = s * _NC + c

        @pl.when(s < 15)
        def _():
            pltpu.sync_copy(zero_hbm, acc.at[pl.ds(s * _WRPT, _WRPT)])

        @pl.when(s == 15)
        def _():
            pltpu.sync_copy(zero_hbm.at[pl.ds(0, _WLAST)],
                            acc.at[pl.ds(15 * _WRPT, _WLAST)])

        pltpu.sync_copy(src_hbm.at[pl.ds(wid * _EPWP, _EPWP)], src_v)
        pltpu.sync_copy(dst_hbm.at[wid], dst_v)
        plsc.subcore_barrier()

        def gather(i, buf, sem):
            pltpu.async_copy(
                v_hbm.at[src_v.at[pl.ds(i * _CHUNK, _CHUNK)]], buf, sem)

        def wait_gather(i, buf, sem):
            pltpu.make_async_copy(
                v_hbm.at[src_v.at[pl.ds(i * _CHUNK, _CHUNK)]], buf, sem).wait()

        gather(0, rows0, sem0)

        def step(j, carry):
            i0 = 2 * j
            gather(i0 + 1, rows1, sem1)
            wait_gather(i0, rows0, sem0)
            pltpu.sync_copy(rows0, acc.at[dst_v.at[i0]], add=True)

            @pl.when(j < _NCH // 2 - 1)
            def _():
                gather(i0 + 2, rows0, sem0)

            wait_gather(i0 + 1, rows1, sem1)
            pltpu.sync_copy(rows1, acc.at[dst_v.at[i0 + 1]], add=True)
            return carry

        lax.fori_loop(0, _NCH // 2, step, 0)
        plsc.subcore_barrier()

        @pl.when(s < 15)
        def _():
            pltpu.sync_copy(acc.at[pl.ds(s * _WRPT, _WRPT)],
                            out_hbm.at[pl.ds(c * _N + s * _WRPT, _WRPT)])

        @pl.when(s == 15)
        def _():
            pltpu.sync_copy(acc.at[pl.ds(15 * _WRPT, _WLAST)],
                            out_hbm.at[pl.ds(c * _N + 15 * _WRPT, _WLAST)])

    return segsum


@functools.lru_cache(maxsize=None)
def _get_segsum(width):
    return _make_segsum(width)


def _segsum(width, *args):
    return _get_segsum(width)(*args)


def _tc_call(body, out_shapes, *args):
    return pl.pallas_call(body, out_shape=out_shapes)(*args)


def _tc2_body(x_ref, s0_ref, w1_ref, b1_ref, w2_ref, b2_ref, g_ref, be_ref,
              h1z_ref):
    t = x_ref[...] + s0_ref[0:_N, :] + s0_ref[_N:2 * _N, :]
    h2 = _mm(_leaky(_mm(t, w1_ref[...]) + b1_ref[...]), w2_ref[...]) + b2_ref[...]
    h1 = _bn(h2, g_ref[...], be_ref[...])
    h1z_ref[...] = jnp.concatenate([h1, jnp.zeros_like(h1)], axis=1)


def _tc3_body(h1z_ref, s1_ref, w1_ref, b1_ref, w2_ref, b2_ref, g_ref, be_ref,
              fw0, fb0, fw1, fb1, fw2, fb2, fws, fbs,
              hid_ref):
    t = (h1z_ref[:, 0:64] + s1_ref[0:_N, 0:64] + s1_ref[_N:2 * _N, 0:64])
    h2 = _mm(_leaky(_mm(t, w1_ref[...]) + b1_ref[...]), w2_ref[...]) + b2_ref[...]
    hb2 = _bn(h2, g_ref[...], be_ref[...])
    hidden = jnp.concatenate([h1z_ref[:, 0:64], hb2], axis=1)
    b = _leaky(_mm(hidden, fw0[...]) + fb0[...])
    b = _leaky(_mm(b, fw1[...]) + fb1[...])
    b = _leaky(_mm(b, fw2[...]) + fb2[...])
    hid_ref[...] = b + _mm(hidden, fws[...]) + fbs[...]


def _tc4_body(hid_ref, s3_ref,
              mw1, mb1, mw2, mb2, mg, mbe,
              lw1, lb1, lw2, lb2, lg, lbe,
              hcat_ref):
    t = hid_ref[...] + s3_ref[0:_N, :] + s3_ref[_N:2 * _N, :]
    h2m = _mm(_leaky(_mm(t, mw1[...]) + mb1[...]), mw2[...]) + mb2[...]
    hm1 = _bn(h2m, mg[...], mbe[...])
    h2l = _mm(_leaky(_mm(t, lw1[...]) + lb1[...]), lw2[...]) + lb2[...]
    hl1 = _bn(h2l, lg[...], lbe[...])
    hcat_ref[...] = jnp.concatenate([hm1, hl1], axis=1)


def _ff_block(h, w0, b0, w1, b1, w2, b2, ws, bs):
    b = _leaky(_mm(h, w0) + b0)
    b = _leaky(_mm(b, w1) + b1)
    b = _leaky(_mm(b, w2) + b2)
    return b + _mm(h, ws) + bs


def _tc5_body(hcat_ref, s45_ref, noise_ref,
              mw1, mb1, mw2, mb2, mg, mbe,
              lw1, lb1, lw2, lb2, lg, lbe,
              mf0w, mf0b, mf1w, mf1b, mf2w, mf2b, mfsw, mfsb,
              lf0w, lf0b, lf1w, lf1b, lf2w, lf2b, lfsw, lfsb,
              z_ref):
    scat = s45_ref[0:_N, :] + s45_ref[_N:2 * _N, :]
    hcat = hcat_ref[...]
    tm = hcat[:, 0:64] + scat[:, 0:64]
    h2m = _mm(_leaky(_mm(tm, mw1[...]) + mb1[...]), mw2[...]) + mb2[...]
    hm2 = _bn(h2m, mg[...], mbe[...])
    tl = hcat[:, 64:128] + scat[:, 64:128]
    h2l = _mm(_leaky(_mm(tl, lw1[...]) + lb1[...]), lw2[...]) + lb2[...]
    hl2 = _bn(h2l, lg[...], lbe[...])
    meanc = jnp.concatenate([hcat[:, 0:64], hm2], axis=1)
    mean = _ff_block(meanc, mf0w[...], mf0b[...], mf1w[...], mf1b[...],
                     mf2w[...], mf2b[...], mfsw[...], mfsb[...])
    logc = jnp.concatenate([hcat[:, 64:128], hl2], axis=1)
    logstd = _ff_block(logc, lf0w[...], lf0b[...], lf1w[...], lf1b[...],
                       lf2w[...], lf2b[...], lfsw[...], lfsb[...])
    z_ref[...] = noise_ref[...] * jnp.exp(logstd) + mean


_BR = 2000
_BC = 2048


def _decode_body(zr_ref, zc_ref, o_ref):
    logits = lax.dot_general(zr_ref[...].astype(jnp.bfloat16),
                             zc_ref[...].astype(jnp.bfloat16),
                             (((1,), (1,)), ((), ())),
                             preferred_element_type=jnp.float32)
    o_ref[...] = jax.nn.sigmoid(logits)


def _decode(z):
    grid = (_N // _BR, (_N + _BC - 1) // _BC)
    return pl.pallas_call(
        _decode_body,
        grid=grid,
        in_specs=[
            pl.BlockSpec((_BR, 128), lambda i, j: (i, 0)),
            pl.BlockSpec((_BC, 128), lambda i, j: (j, 0)),
        ],
        out_specs=pl.BlockSpec((_BR, _BC), lambda i, j: (i, j)),
        out_shape=jax.ShapeDtypeStruct((_N, _N), jnp.float32),
    )(z, z)


def _row(v):
    return v.reshape(1, -1)


def kernel(x, edge_index, batch, params, noise):
    del batch

    order = jnp.argsort(edge_index[1], stable=True)
    src_s = edge_index[0][order]
    dst_s = edge_index[1][order]
    cand = jnp.arange(1, _NW, dtype=jnp.int32) * _EPW
    run_end = jnp.searchsorted(dst_s, dst_s[cand], side='right')
    starts = jnp.concatenate([
        jnp.zeros((1,), jnp.int32),
        jnp.minimum(run_end, cand + _PAD).astype(jnp.int32)])
    lens = jnp.concatenate([starts[1:], jnp.full((1,), _E, jnp.int32)]) - starts
    pos = jnp.arange(_EPWP, dtype=jnp.int32)
    idx = jnp.minimum(starts[:, None] + pos[None, :], _E - 1)
    valid = pos[None, :] < lens[:, None]
    pad_src_row = (pos * 37) % _N
    pad_dst_row = _N + (pos % _NPADROW)
    src_p = jnp.where(valid, src_s[idx], pad_src_row[None, :]).reshape(-1)
    dst_p = jnp.where(valid, dst_s[idx],
                      pad_dst_row[None, :]).reshape(_NW, _NCH, _CHUNK)
    zeros128 = jnp.zeros((_WRPT, 128), jnp.float32)

    p_base0, p_base1 = params['base']
    p_m0, p_m1 = params['mean']
    p_l0, p_l1 = params['logstd']
    ffb, ffm, ffl = params['ff_base'], params['ff_mean'], params['ff_logstd']

    s0 = _segsum(128, x, src_p, dst_p, zeros128)
    h1z = _tc_call(
        _tc2_body, jax.ShapeDtypeStruct((_N, 128), jnp.float32),
        x, s0, p_base0['W1'], _row(p_base0['b1']), p_base0['W2'],
        _row(p_base0['b2']), _row(p_base0['gamma']), _row(p_base0['beta']))

    s1 = _segsum(128, h1z, src_p, dst_p, zeros128)
    (fW0, fb0), (fW1, fb1), (fW2, fb2) = ffb['L']
    fWs, fbs = ffb['S']
    hidden = _tc_call(
        _tc3_body, jax.ShapeDtypeStruct((_N, 128), jnp.float32),
        h1z, s1, p_base1['W1'], _row(p_base1['b1']), p_base1['W2'],
        _row(p_base1['b2']), _row(p_base1['gamma']), _row(p_base1['beta']),
        fW0, _row(fb0), fW1, _row(fb1), fW2, _row(fb2), fWs, _row(fbs))

    s3 = _segsum(128, hidden, src_p, dst_p, zeros128)
    hcat = _tc_call(
        _tc4_body, jax.ShapeDtypeStruct((_N, 128), jnp.float32),
        hidden, s3,
        p_m0['W1'], _row(p_m0['b1']), p_m0['W2'], _row(p_m0['b2']),
        _row(p_m0['gamma']), _row(p_m0['beta']),
        p_l0['W1'], _row(p_l0['b1']), p_l0['W2'], _row(p_l0['b2']),
        _row(p_l0['gamma']), _row(p_l0['beta']))

    s45 = _segsum(128, hcat, src_p, dst_p, zeros128)
    (mf0w, mf0b), (mf1w, mf1b), (mf2w, mf2b) = ffm['L']
    mfsw, mfsb = ffm['S']
    (lf0w, lf0b), (lf1w, lf1b), (lf2w, lf2b) = ffl['L']
    lfsw, lfsb = ffl['S']
    z = _tc_call(
        _tc5_body, jax.ShapeDtypeStruct((_N, 128), jnp.float32),
        hcat, s45, noise,
        p_m1['W1'], _row(p_m1['b1']), p_m1['W2'], _row(p_m1['b2']),
        _row(p_m1['gamma']), _row(p_m1['beta']),
        p_l1['W1'], _row(p_l1['b1']), p_l1['W2'], _row(p_l1['b2']),
        _row(p_l1['gamma']), _row(p_l1['beta']),
        mf0w, _row(mf0b), mf1w, _row(mf1b), mf2w, _row(mf2b), mfsw, _row(mfsb),
        lf0w, _row(lf0b), lf1w, _row(lf1b), lf2w, _row(lf2b), lfsw, _row(lfsb))

    return _decode(z)

# --- scband reference (transcript-rebuilt; emitter-appended) ---
"""Pipeline reference for scband-vgae-68436008894705 (READ-ONLY COPY).

The authoritative reference and input builder live on the scoring server;
editing this copy changes nothing except your own understanding.
"""

import jax, jax.numpy as jnp
import numpy as np

N = 10000
E = 320000
NFEAT = 128
NHID = 64
NLAYER = 2
LATENT = NHID * NLAYER
G = 64


def _lin(key, out_d, in_d):
    k1, k2 = jax.random.split(key)
    W = jax.random.normal(k1, (out_d, in_d), dtype=jnp.float32) * 0.05
    b = jax.random.normal(k2, (out_d,), dtype=jnp.float32) * 0.05
    return (W, b)


def _enc_params(key, nfeat, dim, nlayer):
    layers = []
    for i in range(nlayer):
        key, k1, k2 = jax.random.split(key, 3)
        in_d = nfeat if i == 0 else dim
        W1, b1 = _lin(k1, dim, in_d)
        W2, b2 = _lin(k2, dim, dim)
        layers.append({
            'W1': W1, 'b1': b1, 'W2': W2, 'b2': b2,
            'gamma': jnp.ones((dim,), dtype=jnp.float32),
            'beta': jnp.zeros((dim,), dtype=jnp.float32),
        })
    return layers


def _ff_params(key, d):
    ks = jax.random.split(key, 4)
    return {'L': [_lin(ks[i], d, d) for i in range(3)], 'S': _lin(ks[3], d, d)}


def setup_inputs(seed: int = 0) -> dict:
    key = jax.random.key(seed)
    ks = jax.random.split(key, 12)
    x = jax.random.normal(ks[0], (N, NFEAT), dtype=jnp.float32)
    edge_index = jax.random.randint(ks[1], (2, E), 0, N, dtype=jnp.int32)
    batch = jnp.sort(jax.random.randint(ks[2], (N,), 0, G, dtype=jnp.int32))
    params = {
        'base': _enc_params(ks[3], NFEAT, NHID, NLAYER),
        'mean': _enc_params(ks[4], LATENT, NHID, NLAYER),
        'logstd': _enc_params(ks[5], LATENT, NHID, NLAYER),
        'ff_base': _ff_params(ks[6], LATENT),
        'ff_mean': _ff_params(ks[7], LATENT),
        'ff_logstd': _ff_params(ks[8], LATENT),
    }
    noise = jax.random.normal(ks[9], (N, LATENT), dtype=jnp.float32)
    return {'x': x, 'edge_index': edge_index, 'batch': batch, 'params': params, 'noise': noise}


def _lrelu(v):
    return jax.nn.leaky_relu(v, 0.01)


def _bn(h, gamma, beta):
    m = h.mean(0)
    v = h.var(0)
    return (h - m) / jnp.sqrt(v + 1e-4) * gamma + beta


def _gin(h, p, edge_index):
    # GINConv with eps=0: nn(x + sum_{j in N(i)} x_j)
    agg = jax.ops.segment_sum(h[edge_index[0]], edge_index[1], num_segments=N)
    h2 = h + agg
    h2 = _lrelu(h2 @ p['W1'].T + p['b1']) @ p['W2'].T + p['b2']
    return _bn(h2, p['gamma'], p['beta'])


def _encoder(h, enc_p, edge_index, batch):
    xs = []
    for p in enc_p:
        h = _gin(h, p, edge_index)
        xs.append(h)
    xpool = [jax.ops.segment_sum(t, batch, num_segments=G) for t in xs]
    return jnp.concatenate(xpool, 1), jnp.concatenate(xs, 1)


def _ff(h, p):
    b = h
    for (W, bb) in p['L']:
        b = _lrelu(b @ W.T + bb)
    Ws, bs = p['S']
    return b + h @ Ws.T + bs


def reference(x, edge_index, batch, params, noise):
    _, hidden = _encoder(x, params['base'], edge_index, batch)
    hidden = _ff(hidden, params['ff_base'])
    _, mean = _encoder(hidden, params['mean'], edge_index, batch)
    mean = _ff(mean, params['ff_mean'])
    _, logstd = _encoder(hidden, params['logstd'], edge_index, batch)
    logstd = _ff(logstd, params['ff_logstd'])
    z = noise * jnp.exp(logstd) + mean
    A_pred = jax.nn.sigmoid(z @ z.T)
    return A_pred

if __name__ == "__main__":
    import jax
    _d = setup_inputs()
    print(jax.jit(kernel)(*tuple(_d.values())))

</pallas_src>

<mosaic_0001>
#map = affine_map<(d0, d1) -> (0, 0)>
#map1 = affine_map<(d0, d1) -> (0)>
#map2 = affine_map<(d0, d1) -> (0, 0, 0)>
module attributes {stable_mosaic.version = 14 : i64} {
  func.func @segsum(%arg0: i32, %arg1: i32, %arg2: memref<10000x128xf32, #tpu.memory_space<hbm>>, %arg3: memref<325632xi32, #tpu.memory_space<hbm>>, %arg4: memref<32x106x96xi32, #tpu.memory_space<hbm>>, %arg5: memref<640x128xf32, #tpu.memory_space<hbm>>, %arg6: memref<20000x128xf32, #tpu.memory_space<hbm>>, %arg7: memref<10176xi32, #tpu.memory_space<vmem>>, %arg8: memref<106x96xi32, #tpu.memory_space<vmem>>, %arg9: memref<96x128xf32, #tpu.memory_space<vmem>>, %arg10: memref<96x128xf32, #tpu.memory_space<vmem>>, %arg11: memref<10128x128xf32, #tpu.memory_space<vmem_shared>>, %arg12: memref<!tpu.dma_semaphore, #tpu.memory_space<semaphore_mem>>, %arg13: memref<!tpu.dma_semaphore, #tpu.memory_space<semaphore_mem>>) attributes {dimension_semantics = [#tpu.dimension_semantics<core_parallel>, #tpu.dimension_semantics<subcore_parallel>], iteration_bounds = array<i64: 2, 16>, scalar_prefetch = 0 : i64, scratch_operands = 7 : i64, tpu.core_type = #tpu.core_type<sc_vector_subcore>, window_params = [{transform_indices = #map}, {transform_indices = #map1}, {transform_indices = #map2}, {transform_indices = #map}, {transform_indices = #map}]} {
    %mul3A = arith.constant 2 : i32
    %mul3A_0 = arith.muli %arg1, %mul3A : i32
    %add3A = arith.addi %mul3A_0, %arg0 : i32
    %lt3A = arith.constant 15 : i32
    %lt3A_1 = arith.cmpi slt, %arg1, %lt3A : i32
    %convert_element_type3A = arith.extui %lt3A_1 : i1 to i32
    %cond3A = arith.constant 0 : i32
    %cond3A_2 = arith.cmpi ne, %convert_element_type3A, %cond3A : i32
    scf.if %cond3A_2 {
      %mul3A_29 = arith.constant 640 : i32
      %mul3A_30 = arith.muli %arg1, %mul3A_29 : i32
      "tpu.region"() ({
        %run_scoped3A = tpu.sem_alloc : memref<!tpu.dma_semaphore, #tpu.memory_space<semaphore_mem>>
        %dma_start3A_31 = arith.constant 0 : i32
        %dma_start3A_32 = tpu.memref_slice %arg11[%mul3A_30, %dma_start3A_31] : memref<10128x128xf32, #tpu.memory_space<vmem_shared>> -> memref<640x128xf32, #tpu.memory_space<vmem_shared>>
        tpu.enqueue_dma source(%arg5 : memref<640x128xf32, #tpu.memory_space<hbm>>) target(%dma_start3A_32 : memref<640x128xf32, #tpu.memory_space<vmem_shared>>) target_semaphore(%run_scoped3A : memref<!tpu.dma_semaphore, #tpu.memory_space<semaphore_mem>>)
        %dma_wait3A = arith.constant 0 : i32
        %dma_wait3A_33 = tpu.memref_slice %arg11[%mul3A_30, %dma_wait3A] : memref<10128x128xf32, #tpu.memory_space<vmem_shared>> -> memref<640x128xf32, #tpu.memory_space<vmem_shared>>
        tpu.wait_dma2 semaphore(%run_scoped3A : memref<!tpu.dma_semaphore, #tpu.memory_space<semaphore_mem>>) src(%arg5 : memref<640x128xf32, #tpu.memory_space<hbm>>) dst(%dma_wait3A_33 : memref<640x128xf32, #tpu.memory_space<vmem_shared>>)
        tpu.yield
      }) : () -> ()
    } else {
    }
    %eq3A = arith.constant 15 : i32
    %eq3A_3 = arith.cmpi eq, %arg1, %eq3A : i32
    %convert_element_type3A_4 = arith.extui %eq3A_3 : i1 to i32
    %cond3A_5 = arith.constant 0 : i32
    %cond3A_6 = arith.cmpi ne, %convert_element_type3A_4, %cond3A_5 : i32
    scf.if %cond3A_6 {
      "tpu.region"() ({
        %run_scoped3A = tpu.sem_alloc : memref<!tpu.dma_semaphore, #tpu.memory_space<semaphore_mem>>
        %dma_start3A_29 = arith.constant 9600 : i32
        %dma_start3A_30 = arith.constant 0 : i32
        %dma_start3A_31 = tpu.memref_slice %arg11[%dma_start3A_29, %dma_start3A_30] : memref<10128x128xf32, #tpu.memory_space<vmem_shared>> -> memref<400x128xf32, #tpu.memory_space<vmem_shared>>
        %dma_start3A_32 = arith.constant 0 : i32
        %dma_start3A_33 = arith.constant 0 : i32
        %dma_start3A_34 = tpu.memref_slice %arg5[%dma_start3A_32, %dma_start3A_33] : memref<640x128xf32, #tpu.memory_space<hbm>> -> memref<400x128xf32, #tpu.memory_space<hbm>>
        tpu.enqueue_dma source(%dma_start3A_34 : memref<400x128xf32, #tpu.memory_space<hbm>>) target(%dma_start3A_31 : memref<400x128xf32, #tpu.memory_space<vmem_shared>>) target_semaphore(%run_scoped3A : memref<!tpu.dma_semaphore, #tpu.memory_space<semaphore_mem>>)
        %dma_wait3A = arith.constant 9600 : i32
        %dma_wait3A_35 = arith.constant 0 : i32
        %dma_wait3A_36 = tpu.memref_slice %arg11[%dma_wait3A, %dma_wait3A_35] : memref<10128x128xf32, #tpu.memory_space<vmem_shared>> -> memref<400x128xf32, #tpu.memory_space<vmem_shared>>
        %dma_wait3A_37 = arith.constant 0 : i32
        %dma_wait3A_38 = arith.constant 0 : i32
        %dma_wait3A_39 = tpu.memref_slice %arg5[%dma_wait3A_37, %dma_wait3A_38] : memref<640x128xf32, #tpu.memory_space<hbm>> -> memref<400x128xf32, #tpu.memory_space<hbm>>
        tpu.wait_dma2 semaphore(%run_scoped3A : memref<!tpu.dma_semaphore, #tpu.memory_space<semaphore_mem>>) src(%dma_wait3A_39 : memref<400x128xf32, #tpu.memory_space<hbm>>) dst(%dma_wait3A_36 : memref<400x128xf32, #tpu.memory_space<vmem_shared>>)
        tpu.yield
      }) : () -> ()
    } else {
    }
    %mul3A_7 = arith.constant 10176 : i32
    %mul3A_8 = arith.muli %add3A, %mul3A_7 : i32
    "tpu.region"() ({
      %run_scoped3A = tpu.sem_alloc : memref<!tpu.dma_semaphore, #tpu.memory_space<semaphore_mem>>
      %dma_start3A_29 = tpu.memref_slice %arg3[%mul3A_8] : memref<325632xi32, #tpu.memory_space<hbm>> -> memref<10176xi32, #tpu.memory_space<hbm>>
      %dma_start3A_30 = tpu.memref_slice %arg3[%mul3A_8] : memref<325632xi32, #tpu.memory_space<hbm>> -> memref<10176xi32, #tpu.memory_space<hbm>>
      tpu.enqueue_dma source(%dma_start3A_30 : memref<10176xi32, #tpu.memory_space<hbm>>) target(%arg7 : memref<10176xi32, #tpu.memory_space<vmem>>) target_semaphore(%run_scoped3A : memref<!tpu.dma_semaphore, #tpu.memory_space<semaphore_mem>>)
      %dma_wait3A = tpu.memref_slice %arg3[%mul3A_8] : memref<325632xi32, #tpu.memory_space<hbm>> -> memref<10176xi32, #tpu.memory_space<hbm>>
      %dma_wait3A_31 = tpu.memref_slice %arg3[%mul3A_8] : memref<325632xi32, #tpu.memory_space<hbm>> -> memref<10176xi32, #tpu.memory_space<hbm>>
      tpu.wait_dma2 semaphore(%run_scoped3A : memref<!tpu.dma_semaphore, #tpu.memory_space<semaphore_mem>>) src(%dma_wait3A_31 : memref<10176xi32, #tpu.memory_space<hbm>>) dst(%arg7 : memref<10176xi32, #tpu.memory_space<vmem>>)
      tpu.yield
    }) : () -> ()
    "tpu.region"() ({
      %run_scoped3A = tpu.sem_alloc : memref<!tpu.dma_semaphore, #tpu.memory_space<semaphore_mem>>
      %dma_start3A_29 = arith.constant 0 : i32
      %dma_start3A_30 = arith.constant 0 : i32
      %dma_start3A_31 = tpu.memref_slice %arg4[%add3A, %dma_start3A_29, %dma_start3A_30] : memref<32x106x96xi32, #tpu.memory_space<hbm>> -> memref<1x106x96xi32, #tpu.memory_space<hbm>>
      %dma_start3A_32 = tpu.memref_squeeze %dma_start3A_31 : memref<1x106x96xi32, #tpu.memory_space<hbm>> -> memref<106x96xi32, #tpu.memory_space<hbm>>
      %dma_start3A_33 = arith.constant 0 : i32
      %dma_start3A_34 = arith.constant 0 : i32
      %dma_start3A_35 = tpu.memref_slice %arg4[%add3A, %dma_start3A_33, %dma_start3A_34] : memref<32x106x96xi32, #tpu.memory_space<hbm>> -> memref<1x106x96xi32, #tpu.memory_space<hbm>>
      %dma_start3A_36 = tpu.memref_squeeze %dma_start3A_35 : memref<1x106x96xi32, #tpu.memory_space<hbm>> -> memref<106x96xi32, #tpu.memory_space<hbm>>
      tpu.enqueue_dma source(%dma_start3A_36 : memref<106x96xi32, #tpu.memory_space<hbm>>) target(%arg8 : memref<106x96xi32, #tpu.memory_space<vmem>>) target_semaphore(%run_scoped3A : memref<!tpu.dma_semaphore, #tpu.memory_space<semaphore_mem>>)
      %dma_wait3A = arith.constant 0 : i32
      %dma_wait3A_37 = arith.constant 0 : i32
      %dma_wait3A_38 = tpu.memref_slice %arg4[%add3A, %dma_wait3A, %dma_wait3A_37] : memref<32x106x96xi32, #tpu.memory_space<hbm>> -> memref<1x106x96xi32, #tpu.memory_space<hbm>>
      %dma_wait3A_39 = tpu.memref_squeeze %dma_wait3A_38 : memref<1x106x96xi32, #tpu.memory_space<hbm>> -> memref<106x96xi32, #tpu.memory_space<hbm>>
      %dma_wait3A_40 = arith.constant 0 : i32
      %dma_wait3A_41 = arith.constant 0 : i32
      %dma_wait3A_42 = tpu.memref_slice %arg4[%add3A, %dma_wait3A_40, %dma_wait3A_41] : memref<32x106x96xi32, #tpu.memory_space<hbm>> -> memref<1x106x96xi32, #tpu.memory_space<hbm>>
      %dma_wait3A_43 = tpu.memref_squeeze %dma_wait3A_42 : memref<1x106x96xi32, #tpu.memory_space<hbm>> -> memref<106x96xi32, #tpu.memory_space<hbm>>
      tpu.wait_dma2 semaphore(%run_scoped3A : memref<!tpu.dma_semaphore, #tpu.memory_space<semaphore_mem>>) src(%dma_wait3A_43 : memref<106x96xi32, #tpu.memory_space<hbm>>) dst(%arg8 : memref<106x96xi32, #tpu.memory_space<vmem>>)
      tpu.yield
    }) : () -> ()
    %barrier3A = arith.constant 0 : index
    tpu.barrier barrier_id(%barrier3A)
    %dma_start3A = arith.constant 0 : i32
    %dma_start3A_9 = tpu.memref_slice %arg7[%dma_start3A] : memref<10176xi32, #tpu.memory_space<vmem>> -> memref<96xi32, #tpu.memory_space<vmem>>
    %dma_start3A_10 = arith.constant 0 : i32
    %dma_start3A_11 = arith.constant 0 : i32
    %dma_start3A_12 = tpu.memref_slice %arg2[%dma_start3A_10, %dma_start3A_11] : memref<10000x128xf32, #tpu.memory_space<hbm>> -> memref<10000x128xf32, #tpu.memory_space<hbm>>
    tpu.enqueue_indirect_dma source(%dma_start3A_12 : memref<10000x128xf32, #tpu.memory_space<hbm>>) target(%arg9 : memref<96x128xf32, #tpu.memory_space<vmem>>) offsets(%dma_start3A_9 : memref<96xi32, #tpu.memory_space<vmem>>) semaphore(%arg12 : memref<!tpu.dma_semaphore, #tpu.memory_space<semaphore_mem>>)
    %scan3A = arith.constant 0 : i32
    %scan3A_13 = arith.constant 0 : i32
    %scan3A_14 = arith.constant 53 : i32
    %scan3A_15 = arith.addi %scan3A_13, %scan3A_14 : i32
    %scan3A_16 = arith.constant 1 : i32
    scf.for %scan3A_29 = %scan3A_13 to %scan3A_15 step %scan3A_16  : i32 {
      %mul3A_30 = arith.constant 2 : i32
      %mul3A_31 = arith.muli %mul3A_30, %scan3A_29 : i32
      %add3A_32 = arith.constant 1 : i32
      %add3A_33 = arith.addi %mul3A_31, %add3A_32 : i32
      %mul3A_34 = arith.constant 96 : i32
      %mul3A_35 = arith.muli %add3A_33, %mul3A_34 : i32
      %dma_start3A_36 = tpu.memref_slice %arg7[%mul3A_35] : memref<10176xi32, #tpu.memory_space<vmem>> -> memref<96xi32, #tpu.memory_space<vmem>>
      %dma_start3A_37 = arith.constant 0 : i32
      %dma_start3A_38 = arith.constant 0 : i32
      %dma_start3A_39 = tpu.memref_slice %arg2[%dma_start3A_37, %dma_start3A_38] : memref<10000x128xf32, #tpu.memory_space<hbm>> -> memref<10000x128xf32, #tpu.memory_space<hbm>>
      tpu.enqueue_indirect_dma source(%dma_start3A_39 : memref<10000x128xf32, #tpu.memory_space<hbm>>) target(%arg10 : memref<96x128xf32, #tpu.memory_space<vmem>>) offsets(%dma_start3A_36 : memref<96xi32, #tpu.memory_space<vmem>>) semaphore(%arg13 : memref<!tpu.dma_semaphore, #tpu.memory_space<semaphore_mem>>)
      %mul3A_40 = arith.constant 96 : i32
      %mul3A_41 = arith.muli %mul3A_31, %mul3A_40 : i32
      %dma_wait3A = tpu.memref_slice %arg7[%mul3A_41] : memref<10176xi32, #tpu.memory_space<vmem>> -> memref<96xi32, #tpu.memory_space<vmem>>
      %dma_wait3A_42 = arith.constant 0 : i32
      %dma_wait3A_43 = arith.constant 0 : i32
      %dma_wait3A_44 = tpu.memref_slice %arg2[%dma_wait3A_42, %dma_wait3A_43] : memref<10000x128xf32, #tpu.memory_space<hbm>> -> memref<10000x128xf32, #tpu.memory_space<hbm>>
      tpu.wait_indirect_dma semaphore(%arg12 : memref<!tpu.dma_semaphore, #tpu.memory_space<semaphore_mem>>) src(%dma_wait3A_44 : memref<10000x128xf32, #tpu.memory_space<hbm>>) dst(%arg9 : memref<96x128xf32, #tpu.memory_space<vmem>>)
      "tpu.region"() ({
        %run_scoped3A = tpu.sem_alloc : memref<!tpu.dma_semaphore, #tpu.memory_space<semaphore_mem>>
        %dma_start3A_60 = arith.constant 0 : i32
        %dma_start3A_61 = tpu.memref_slice %arg8[%mul3A_31, %dma_start3A_60] : memref<106x96xi32, #tpu.memory_space<vmem>> -> memref<1x96xi32, #tpu.memory_space<vmem>>
        %dma_start3A_62 = tpu.memref_squeeze %dma_start3A_61 : memref<1x96xi32, #tpu.memory_space<vmem>> -> memref<96xi32, #tpu.memory_space<vmem>>
        %dma_start3A_63 = arith.constant 0 : i32
        %dma_start3A_64 = arith.constant 0 : i32
        %dma_start3A_65 = tpu.memref_slice %arg11[%dma_start3A_63, %dma_start3A_64] : memref<10128x128xf32, #tpu.memory_space<vmem_shared>> -> memref<10128x128xf32, #tpu.memory_space<vmem_shared>>
        tpu.enqueue_indirect_dma source(%arg9 : memref<96x128xf32, #tpu.memory_space<vmem>>) target(%dma_start3A_65 : memref<10128x128xf32, #tpu.memory_space<vmem_shared>>) offsets(%dma_start3A_62 : memref<96xi32, #tpu.memory_space<vmem>>) semaphore(%run_scoped3A : memref<!tpu.dma_semaphore, #tpu.memory_space<semaphore_mem>>) {add = true}
        %dma_wait3A_66 = arith.constant 0 : i32
        %dma_wait3A_67 = tpu.memref_slice %arg8[%mul3A_31, %dma_wait3A_66] : memref<106x96xi32, #tpu.memory_space<vmem>> -> memref<1x96xi32, #tpu.memory_space<vmem>>
        %dma_wait3A_68 = tpu.memref_squeeze %dma_wait3A_67 : memref<1x96xi32, #tpu.memory_space<vmem>> -> memref<96xi32, #tpu.memory_space<vmem>>
        %dma_wait3A_69 = arith.constant 0 : i32
        %dma_wait3A_70 = arith.constant 0 : i32
        %dma_wait3A_71 = tpu.memref_slice %arg11[%dma_wait3A_69, %dma_wait3A_70] : memref<10128x128xf32, #tpu.memory_space<vmem_shared>> -> memref<10128x128xf32, #tpu.memory_space<vmem_shared>>
        tpu.wait_indirect_dma semaphore(%run_scoped3A : memref<!tpu.dma_semaphore, #tpu.memory_space<semaphore_mem>>) src(%arg9 : memref<96x128xf32, #tpu.memory_space<vmem>>) dst(%dma_wait3A_71 : memref<10128x128xf32, #tpu.memory_space<vmem_shared>>)
        tpu.yield
      }) : () -> ()
      %lt3A_45 = arith.constant 52 : i32
      %lt3A_46 = arith.cmpi slt, %scan3A_29, %lt3A_45 : i32
      %convert_element_type3A_47 = arith.extui %lt3A_46 : i1 to i32
      %cond3A_48 = arith.constant 0 : i32
      %cond3A_49 = arith.cmpi ne, %convert_element_type3A_47, %cond3A_48 : i32
      scf.if %cond3A_49 {
        %add3A_60 = arith.constant 2 : i32
        %add3A_61 = arith.addi %mul3A_31, %add3A_60 : i32
        %mul3A_62 = arith.constant 96 : i32
        %mul3A_63 = arith.muli %add3A_61, %mul3A_62 : i32
        %dma_start3A_64 = tpu.memref_slice %arg7[%mul3A_63] : memref<10176xi32, #tpu.memory_space<vmem>> -> memref<96xi32, #tpu.memory_space<vmem>>
        %dma_start3A_65 = arith.constant 0 : i32
        %dma_start3A_66 = arith.constant 0 : i32
        %dma_start3A_67 = tpu.memref_slice %arg2[%dma_start3A_65, %dma_start3A_66] : memref<10000x128xf32, #tpu.memory_space<hbm>> -> memref<10000x128xf32, #tpu.memory_space<hbm>>
        tpu.enqueue_indirect_dma source(%dma_start3A_67 : memref<10000x128xf32, #tpu.memory_space<hbm>>) target(%arg9 : memref<96x128xf32, #tpu.memory_space<vmem>>) offsets(%dma_start3A_64 : memref<96xi32, #tpu.memory_space<vmem>>) semaphore(%arg12 : memref<!tpu.dma_semaphore, #tpu.memory_space<semaphore_mem>>)
      } else {
      }
      %add3A_50 = arith.constant 1 : i32
      %add3A_51 = arith.addi %mul3A_31, %add3A_50 : i32
      %mul3A_52 = arith.constant 96 : i32
      %mul3A_53 = arith.muli %add3A_51, %mul3A_52 : i32
      %dma_wait3A_54 = tpu.memref_slice %arg7[%mul3A_53] : memref<10176xi32, #tpu.memory_space<vmem>> -> memref<96xi32, #tpu.memory_space<vmem>>
      %dma_wait3A_55 = arith.constant 0 : i32
      %dma_wait3A_56 = arith.constant 0 : i32
      %dma_wait3A_57 = tpu.memref_slice %arg2[%dma_wait3A_55, %dma_wait3A_56] : memref<10000x128xf32, #tpu.memory_space<hbm>> -> memref<10000x128xf32, #tpu.memory_space<hbm>>
      tpu.wait_indirect_dma semaphore(%arg13 : memref<!tpu.dma_semaphore, #tpu.memory_space<semaphore_mem>>) src(%dma_wait3A_57 : memref<10000x128xf32, #tpu.memory_space<hbm>>) dst(%arg10 : memref<96x128xf32, #tpu.memory_space<vmem>>)
      %add3A_58 = arith.constant 1 : i32
      %add3A_59 = arith.addi %mul3A_31, %add3A_58 : i32
      "tpu.region"() ({
        %run_scoped3A = tpu.sem_alloc : memref<!tpu.dma_semaphore, #tpu.memory_space<semaphore_mem>>
        %dma_start3A_60 = arith.constant 0 : i32
        %dma_start3A_61 = tpu.memref_slice %arg8[%add3A_59, %dma_start3A_60] : memref<106x96xi32, #tpu.memory_space<vmem>> -> memref<1x96xi32, #tpu.memory_space<vmem>>
        %dma_start3A_62 = tpu.memref_squeeze %dma_start3A_61 : memref<1x96xi32, #tpu.memory_space<vmem>> -> memref<96xi32, #tpu.memory_space<vmem>>
        %dma_start3A_63 = arith.constant 0 : i32
        %dma_start3A_64 = arith.constant 0 : i32
        %dma_start3A_65 = tpu.memref_slice %arg11[%dma_start3A_63, %dma_start3A_64] : memref<10128x128xf32, #tpu.memory_space<vmem_shared>> -> memref<10128x128xf32, #tpu.memory_space<vmem_shared>>
        tpu.enqueue_indirect_dma source(%arg10 : memref<96x128xf32, #tpu.memory_space<vmem>>) target(%dma_start3A_65 : memref<10128x128xf32, #tpu.memory_space<vmem_shared>>) offsets(%dma_start3A_62 : memref<96xi32, #tpu.memory_space<vmem>>) semaphore(%run_scoped3A : memref<!tpu.dma_semaphore, #tpu.memory_space<semaphore_mem>>) {add = true}
        %dma_wait3A_66 = arith.constant 0 : i32
        %dma_wait3A_67 = tpu.memref_slice %arg8[%add3A_59, %dma_wait3A_66] : memref<106x96xi32, #tpu.memory_space<vmem>> -> memref<1x96xi32, #tpu.memory_space<vmem>>
        %dma_wait3A_68 = tpu.memref_squeeze %dma_wait3A_67 : memref<1x96xi32, #tpu.memory_space<vmem>> -> memref<96xi32, #tpu.memory_space<vmem>>
        %dma_wait3A_69 = arith.constant 0 : i32
        %dma_wait3A_70 = arith.constant 0 : i32
        %dma_wait3A_71 = tpu.memref_slice %arg11[%dma_wait3A_69, %dma_wait3A_70] : memref<10128x128xf32, #tpu.memory_space<vmem_shared>> -> memref<10128x128xf32, #tpu.memory_space<vmem_shared>>
        tpu.wait_indirect_dma semaphore(%run_scoped3A : memref<!tpu.dma_semaphore, #tpu.memory_space<semaphore_mem>>) src(%arg10 : memref<96x128xf32, #tpu.memory_space<vmem>>) dst(%dma_wait3A_71 : memref<10128x128xf32, #tpu.memory_space<vmem_shared>>)
        tpu.yield
      }) : () -> ()
    }
    %scan3A_17 = arith.constant 53 : i32
    %barrier3A_18 = arith.constant 0 : index
    tpu.barrier barrier_id(%barrier3A_18)
    %lt3A_19 = arith.constant 15 : i32
    %lt3A_20 = arith.cmpi slt, %arg1, %lt3A_19 : i32
    %convert_element_type3A_21 = arith.extui %lt3A_20 : i1 to i32
    %cond3A_22 = arith.constant 0 : i32
    %cond3A_23 = arith.cmpi ne, %convert_element_type3A_21, %cond3A_22 : i32
    scf.if %cond3A_23 {
      %mul3A_29 = arith.constant 640 : i32
      %mul3A_30 = arith.muli %arg1, %mul3A_29 : i32
      %mul3A_31 = arith.constant 10000 : i32
      %mul3A_32 = arith.muli %arg0, %mul3A_31 : i32
      %mul3A_33 = arith.constant 640 : i32
      %mul3A_34 = arith.muli %arg1, %mul3A_33 : i32
      %add3A_35 = arith.addi %mul3A_32, %mul3A_34 : i32
      "tpu.region"() ({
        %run_scoped3A = tpu.sem_alloc : memref<!tpu.dma_semaphore, #tpu.memory_space<semaphore_mem>>
        %dma_start3A_36 = arith.constant 0 : i32
        %dma_start3A_37 = tpu.memref_slice %arg6[%add3A_35, %dma_start3A_36] : memref<20000x128xf32, #tpu.memory_space<hbm>> -> memref<640x128xf32, #tpu.memory_space<hbm>>
        %dma_start3A_38 = arith.constant 0 : i32
        %dma_start3A_39 = tpu.memref_slice %arg11[%mul3A_30, %dma_start3A_38] : memref<10128x128xf32, #tpu.memory_space<vmem_shared>> -> memref<640x128xf32, #tpu.memory_space<vmem_shared>>
        tpu.enqueue_dma source(%dma_start3A_39 : memref<640x128xf32, #tpu.memory_space<vmem_shared>>) target(%dma_start3A_37 : memref<640x128xf32, #tpu.memory_space<hbm>>) target_semaphore(%run_scoped3A : memref<!tpu.dma_semaphore, #tpu.memory_space<semaphore_mem>>)
        %dma_wait3A = arith.constant 0 : i32
        %dma_wait3A_40 = tpu.memref_slice %arg6[%add3A_35, %dma_wait3A] : memref<20000x128xf32, #tpu.memory_space<hbm>> -> memref<640x128xf32, #tpu.memory_space<hbm>>
        %dma_wait3A_41 = arith.constant 0 : i32
        %dma_wait3A_42 = tpu.memref_slice %arg11[%mul3A_30, %dma_wait3A_41] : memref<10128x128xf32, #tpu.memory_space<vmem_shared>> -> memref<640x128xf32, #tpu.memory_space<vmem_shared>>
        tpu.wait_dma2 semaphore(%run_scoped3A : memref<!tpu.dma_semaphore, #tpu.memory_space<semaphore_mem>>) src(%dma_wait3A_42 : memref<640x128xf32, #tpu.memory_space<vmem_shared>>) dst(%dma_wait3A_40 : memref<640x128xf32, #tpu.memory_space<hbm>>)
        tpu.yield
      }) : () -> ()
    } else {
    }
    %eq3A_24 = arith.constant 15 : i32
    %eq3A_25 = arith.cmpi eq, %arg1, %eq3A_24 : i32
    %convert_element_type3A_26 = arith.extui %eq3A_25 : i1 to i32
    %cond3A_27 = arith.constant 0 : i32
    %cond3A_28 = arith.cmpi ne, %convert_element_type3A_26, %cond3A_27 : i32
    scf.if %cond3A_28 {
      %mul3A_29 = arith.constant 10000 : i32
      %mul3A_30 = arith.muli %arg0, %mul3A_29 : i32
      %add3A_31 = arith.constant 9600 : i32
      %add3A_32 = arith.addi %mul3A_30, %add3A_31 : i32
      "tpu.region"() ({
        %run_scoped3A = tpu.sem_alloc : memref<!tpu.dma_semaphore, #tpu.memory_space<semaphore_mem>>
        %dma_start3A_33 = arith.constant 0 : i32
        %dma_start3A_34 = tpu.memref_slice %arg6[%add3A_32, %dma_start3A_33] : memref<20000x128xf32, #tpu.memory_space<hbm>> -> memref<400x128xf32, #tpu.memory_space<hbm>>
        %dma_start3A_35 = arith.constant 9600 : i32
        %dma_start3A_36 = arith.constant 0 : i32
        %dma_start3A_37 = tpu.memref_slice %arg11[%dma_start3A_35, %dma_start3A_36] : memref<10128x128xf32, #tpu.memory_space<vmem_shared>> -> memref<400x128xf32, #tpu.memory_space<vmem_shared>>
        tpu.enqueue_dma source(%dma_start3A_37 : memref<400x128xf32, #tpu.memory_space<vmem_shared>>) target(%dma_start3A_34 : memref<400x128xf32, #tpu.memory_space<hbm>>) target_semaphore(%run_scoped3A : memref<!tpu.dma_semaphore, #tpu.memory_space<semaphore_mem>>)
        %dma_wait3A = arith.constant 0 : i32
        %dma_wait3A_38 = tpu.memref_slice %arg6[%add3A_32, %dma_wait3A] : memref<20000x128xf32, #tpu.memory_space<hbm>> -> memref<400x128xf32, #tpu.memory_space<hbm>>
        %dma_wait3A_39 = arith.constant 9600 : i32
        %dma_wait3A_40 = arith.constant 0 : i32
        %dma_wait3A_41 = tpu.memref_slice %arg11[%dma_wait3A_39, %dma_wait3A_40] : memref<10128x128xf32, #tpu.memory_space<vmem_shared>> -> memref<400x128xf32, #tpu.memory_space<vmem_shared>>
        tpu.wait_dma2 semaphore(%run_scoped3A : memref<!tpu.dma_semaphore, #tpu.memory_space<semaphore_mem>>) src(%dma_wait3A_41 : memref<400x128xf32, #tpu.memory_space<vmem_shared>>) dst(%dma_wait3A_38 : memref<400x128xf32, #tpu.memory_space<hbm>>)
        tpu.yield
      }) : () -> ()
    } else {
    }
    return
  }
}

#map = affine_map<(d0, d1) -> (0, 0)>
#map1 = affine_map<(d0, d1) -> (0)>
#map2 = affine_map<(d0, d1) -> (0, 0, 0)>
module attributes {stable_mosaic.version = 14 : i64} {
  func.func @segsum(%arg0: i32, %arg1: i32, %arg2: memref<10000x128xf32, #tpu.memory_space<hbm>>, %arg3: memref<325632xi32, #tpu.memory_space<hbm>>, %arg4: memref<32x106x96xi32, #tpu.memory_space<hbm>>, %arg5: memref<640x128xf32, #tpu.memory_space<hbm>>, %arg6: memref<20000x128xf32, #tpu.memory_space<hbm>>, %arg7: memref<10176xi32, #tpu.memory_space<vmem>>, %arg8: memref<106x96xi32, #tpu.memory_space<vmem>>, %arg9: memref<96x128xf32, #tpu.memory_space<vmem>>, %arg10: memref<96x128xf32, #tpu.memory_space<vmem>>, %arg11: memref<10128x128xf32, #tpu.memory_space<vmem_shared>>, %arg12: memref<!tpu.dma_semaphore, #tpu.memory_space<semaphore_mem>>, %arg13: memref<!tpu.dma_semaphore, #tpu.memory_space<semaphore_mem>>) attributes {dimension_semantics = [#tpu.dimension_semantics<core_parallel>, #tpu.dimension_semantics<subcore_parallel>], iteration_bounds = array<i64: 2, 16>, scalar_prefetch = 0 : i64, scratch_operands = 7 : i64, tpu.core_type = #tpu.core_type<sc_vector_subcore>, window_params = [{transform_indices = #map}, {transform_indices = #map1}, {transform_indices = #map2}, {transform_indices = #map}, {transform_indices = #map}]} {
    %mul3A = arith.constant 2 : i32
    %mul3A_0 = arith.muli %arg1, %mul3A : i32
    %add3A = arith.addi %mul3A_0, %arg0 : i32
    %lt3A = arith.constant 15 : i32
    %lt3A_1 = arith.cmpi slt, %arg1, %lt3A : i32
    %convert_element_type3A = arith.extui %lt3A_1 : i1 to i32
    %cond3A = arith.constant 0 : i32
    %cond3A_2 = arith.cmpi ne, %convert_element_type3A, %cond3A : i32
    scf.if %cond3A_2 {
      %mul3A_29 = arith.constant 640 : i32
      %mul3A_30 = arith.muli %arg1, %mul3A_29 : i32
      "tpu.region"() ({
        %run_scoped3A = tpu.sem_alloc : memref<!tpu.dma_semaphore, #tpu.memory_space<semaphore_mem>>
        %dma_start3A_31 = arith.constant 0 : i32
        %dma_start3A_32 = tpu.memref_slice %arg11[%mul3A_30, %dma_start3A_31] : memref<10128x128xf32, #tpu.memory_space<vmem_shared>> -> memref<640x128xf32, #tpu.memory_space<vmem_shared>>
        tpu.enqueue_dma source(%arg5 : memref<640x128xf32, #tpu.memory_space<hbm>>) target(%dma_start3A_32 : memref<640x128xf32, #tpu.memory_space<vmem_shared>>) target_semaphore(%run_scoped3A : memref<!tpu.dma_semaphore, #tpu.memory_space<semaphore_mem>>)
        %dma_wait3A = arith.constant 0 : i32
        %dma_wait3A_33 = tpu.memref_slice %arg11[%mul3A_30, %dma_wait3A] : memref<10128x128xf32, #tpu.memory_space<vmem_shared>> -> memref<640x128xf32, #tpu.memory_space<vmem_shared>>
        tpu.wait_dma2 semaphore(%run_scoped3A : memref<!tpu.dma_semaphore, #tpu.memory_space<semaphore_mem>>) src(%arg5 : memref<640x128xf32, #tpu.memory_space<hbm>>) dst(%dma_wait3A_33 : memref<640x128xf32, #tpu.memory_space<vmem_shared>>)
        tpu.yield
      }) : () -> ()
    } else {
    }
    %eq3A = arith.constant 15 : i32
    %eq3A_3 = arith.cmpi eq, %arg1, %eq3A : i32
    %convert_element_type3A_4 = arith.extui %eq3A_3 : i1 to i32
    %cond3A_5 = arith.constant 0 : i32
    %cond3A_6 = arith.cmpi ne, %convert_element_type3A_4, %cond3A_5 : i32
    scf.if %cond3A_6 {
      "tpu.region"() ({
        %run_scoped3A = tpu.sem_alloc : memref<!tpu.dma_semaphore, #tpu.memory_space<semaphore_mem>>
        %dma_start3A_29 = arith.constant 9600 : i32
        %dma_start3A_30 = arith.constant 0 : i32
        %dma_start3A_31 = tpu.memref_slice %arg11[%dma_start3A_29, %dma_start3A_30] : memref<10128x128xf32, #tpu.memory_space<vmem_shared>> -> memref<400x128xf32, #tpu.memory_space<vmem_shared>>
        %dma_start3A_32 = arith.constant 0 : i32
        %dma_start3A_33 = arith.constant 0 : i32
        %dma_start3A_34 = tpu.memref_slice %arg5[%dma_start3A_32, %dma_start3A_33] : memref<640x128xf32, #tpu.memory_space<hbm>> -> memref<400x128xf32, #tpu.memory_space<hbm>>
        tpu.enqueue_dma source(%dma_start3A_34 : memref<400x128xf32, #tpu.memory_space<hbm>>) target(%dma_start3A_31 : memref<400x128xf32, #tpu.memory_space<vmem_shared>>) target_semaphore(%run_scoped3A : memref<!tpu.dma_semaphore, #tpu.memory_space<semaphore_mem>>)
        %dma_wait3A = arith.constant 9600 : i32
        %dma_wait3A_35 = arith.constant 0 : i32
        %dma_wait3A_36 = tpu.memref_slice %arg11[%dma_wait3A, %dma_wait3A_35] : memref<10128x128xf32, #tpu.memory_space<vmem_shared>> -> memref<400x128xf32, #tpu.memory_space<vmem_shared>>
        %dma_wait3A_37 = arith.constant 0 : i32
        %dma_wait3A_38 = arith.constant 0 : i32
        %dma_wait3A_39 = tpu.memref_slice %arg5[%dma_wait3A_37, %dma_wait3A_38] : memref<640x128xf32, #tpu.memory_space<hbm>> -> memref<400x128xf32, #tpu.memory_space<hbm>>
        tpu.wait_dma2 semaphore(%run_scoped3A : memref<!tpu.dma_semaphore, #tpu.memory_space<semaphore_mem>>) src(%dma_wait3A_39 : memref<400x128xf32, #tpu.memory_space<hbm>>) dst(%dma_wait3A_36 : memref<400x128xf32, #tpu.memory_space<vmem_shared>>)
        tpu.yield
      }) : () -> ()
    } else {
    }
    %mul3A_7 = arith.constant 10176 : i32
    %mul3A_8 = arith.muli %add3A, %mul3A_7 : i32
    "tpu.region"() ({
      %run_scoped3A = tpu.sem_alloc : memref<!tpu.dma_semaphore, #tpu.memory_space<semaphore_mem>>
      %dma_start3A_29 = tpu.memref_slice %arg3[%mul3A_8] : memref<325632xi32, #tpu.memory_space<hbm>> -> memref<10176xi32, #tpu.memory_space<hbm>>
      %dma_start3A_30 = tpu.memref_slice %arg3[%mul3A_8] : memref<325632xi32, #tpu.memory_space<hbm>> -> memref<10176xi32, #tpu.memory_space<hbm>>
      tpu.enqueue_dma source(%dma_start3A_30 : memref<10176xi32, #tpu.memory_space<hbm>>) target(%arg7 : memref<10176xi32, #tpu.memory_space<vmem>>) target_semaphore(%run_scoped3A : memref<!tpu.dma_semaphore, #tpu.memory_space<semaphore_mem>>)
      %dma_wait3A = tpu.memref_slice %arg3[%mul3A_8] : memref<325632xi32, #tpu.memory_space<hbm>> -> memref<10176xi32, #tpu.memory_space<hbm>>
      %dma_wait3A_31 = tpu.memref_slice %arg3[%mul3A_8] : memref<325632xi32, #tpu.memory_space<hbm>> -> memref<10176xi32, #tpu.memory_space<hbm>>
      tpu.wait_dma2 semaphore(%run_scoped3A : memref<!tpu.dma_semaphore, #tpu.memory_space<semaphore_mem>>) src(%dma_wait3A_31 : memref<10176xi32, #tpu.memory_space<hbm>>) dst(%arg7 : memref<10176xi32, #tpu.memory_space<vmem>>)
      tpu.yield
    }) : () -> ()
    "tpu.region"() ({
      %run_scoped3A = tpu.sem_alloc : memref<!tpu.dma_semaphore, #tpu.memory_space<semaphore_mem>>
      %dma_start3A_29 = arith.constant 0 : i32
      %dma_start3A_30 = arith.constant 0 : i32
      %dma_start3A_31 = tpu.memref_slice %arg4[%add3A, %dma_start3A_29, %dma_start3A_30] : memref<32x106x96xi32, #tpu.memory_space<hbm>> -> memref<1x106x96xi32, #tpu.memory_space<hbm>>
      %dma_start3A_32 = tpu.memref_squeeze %dma_start3A_31 : memref<1x106x96xi32, #tpu.memory_space<hbm>> -> memref<106x96xi32, #tpu.memory_space<hbm>>
      %dma_start3A_33 = arith.constant 0 : i32
      %dma_start3A_34 = arith.constant 0 : i32
      %dma_start3A_35 = tpu.memref_slice %arg4[%add3A, %dma_start3A_33, %dma_start3A_34] : memref<32x106x96xi32, #tpu.memory_space<hbm>> -> memref<1x106x96xi32, #tpu.memory_space<hbm>>
      %dma_start3A_36 = tpu.memref_squeeze %dma_start3A_35 : memref<1x106x96xi32, #tpu.memory_space<hbm>> -> memref<106x96xi32, #tpu.memory_space<hbm>>
      tpu.enqueue_dma source(%dma_start3A_36 : memref<106x96xi32, #tpu.memory_space<hbm>>) target(%arg8 : memref<106x96xi32, #tpu.memory_space<vmem>>) target_semaphore(%run_scoped3A : memref<!tpu.dma_semaphore, #tpu.memory_space<semaphore_mem>>)
      %dma_wait3A = arith.constant 0 : i32
      %dma_wait3A_37 = arith.constant 0 : i32
      %dma_wait3A_38 = tpu.memref_slice %arg4[%add3A, %dma_wait3A, %dma_wait3A_37] : memref<32x106x96xi32, #tpu.memory_space<hbm>> -> memref<1x106x96xi32, #tpu.memory_space<hbm>>
      %dma_wait3A_39 = tpu.memref_squeeze %dma_wait3A_38 : memref<1x106x96xi32, #tpu.memory_space<hbm>> -> memref<106x96xi32, #tpu.memory_space<hbm>>
      %dma_wait3A_40 = arith.constant 0 : i32
      %dma_wait3A_41 = arith.constant 0 : i32
      %dma_wait3A_42 = tpu.memref_slice %arg4[%add3A, %dma_wait3A_40, %dma_wait3A_41] : memref<32x106x96xi32, #tpu.memory_space<hbm>> -> memref<1x106x96xi32, #tpu.memory_space<hbm>>
      %dma_wait3A_43 = tpu.memref_squeeze %dma_wait3A_42 : memref<1x106x96xi32, #tpu.memory_space<hbm>> -> memref<106x96xi32, #tpu.memory_space<hbm>>
      tpu.wait_dma2 semaphore(%run_scoped3A : memref<!tpu.dma_semaphore, #tpu.memory_space<semaphore_mem>>) src(%dma_wait3A_43 : memref<106x96xi32, #tpu.memory_space<hbm>>) dst(%arg8 : memref<106x96xi32, #tpu.memory_space<vmem>>)
      tpu.yield
    }) : () -> ()
    %barrier3A = arith.constant 0 : index
    tpu.barrier barrier_id(%barrier3A)
    %dma_start3A = arith.constant 0 : i32
    %dma_start3A_9 = tpu.memref_slice %arg7[%dma_start3A] : memref<10176xi32, #tpu.memory_space<vmem>> -> memref<96xi32, #tpu.memory_space<vmem>>
    %dma_start3A_10 = arith.constant 0 : i32
    %dma_start3A_11 = arith.constant 0 : i32
    %dma_start3A_12 = tpu.memref_slice %arg2[%dma_start3A_10, %dma_start3A_11] : memref<10000x128xf32, #tpu.memory_space<hbm>> -> memref<10000x128xf32, #tpu.memory_space<hbm>>
    tpu.enqueue_indirect_dma source(%dma_start3A_12 : memref<10000x128xf32, #tpu.memory_space<hbm>>) target(%arg9 : memref<96x128xf32, #tpu.memory_space<vmem>>) offsets(%dma_start3A_9 : memref<96xi32, #tpu.memory_space<vmem>>) semaphore(%arg12 : memref<!tpu.dma_semaphore, #tpu.memory_space<semaphore_mem>>)
    %scan3A = arith.constant 0 : i32
    %scan3A_13 = arith.constant 0 : i32
    %scan3A_14 = arith.constant 53 : i32
    %scan3A_15 = arith.addi %scan3A_13, %scan3A_14 : i32
    %scan3A_16 = arith.constant 1 : i32
    scf.for %scan3A_29 = %scan3A_13 to %scan3A_15 step %scan3A_16  : i32 {
      %mul3A_30 = arith.constant 2 : i32
      %mul3A_31 = arith.muli %mul3A_30, %scan3A_29 : i32
      %add3A_32 = arith.constant 1 : i32
      %add3A_33 = arith.addi %mul3A_31, %add3A_32 : i32
      %mul3A_34 = arith.constant 96 : i32
      %mul3A_35 = arith.muli %add3A_33, %mul3A_34 : i32
      %dma_start3A_36 = tpu.memref_slice %arg7[%mul3A_35] : memref<10176xi32, #tpu.memory_space<vmem>> -> memref<96xi32, #tpu.memory_space<vmem>>
      %dma_start3A_37 = arith.constant 0 : i32
      %dma_start3A_38 = arith.constant 0 : i32
      %dma_start3A_39 = tpu.memref_slice %arg2[%dma_start3A_37, %dma_start3A_38] : memref<10000x128xf32, #tpu.memory_space<hbm>> -> memref<10000x128xf32, #tpu.memory_space<hbm>>
      tpu.enqueue_indirect_dma source(%dma_start3A_39 : memref<10000x128xf32, #tpu.memory_space<hbm>>) target(%arg10 : memref<96x128xf32, #tpu.memory_space<vmem>>) offsets(%dma_start3A_36 : memref<96xi32, #tpu.memory_space<vmem>>) semaphore(%arg13 : memref<!tpu.dma_semaphore, #tpu.memory_space<semaphore_mem>>)
      %mul3A_40 = arith.constant 96 : i32
      %mul3A_41 = arith.muli %mul3A_31, %mul3A_40 : i32
      %dma_wait3A = tpu.memref_slice %arg7[%mul3A_41] : memref<10176xi32, #tpu.memory_space<vmem>> -> memref<96xi32, #tpu.memory_space<vmem>>
      %dma_wait3A_42 = arith.constant 0 : i32
      %dma_wait3A_43 = arith.constant 0 : i32
      %dma_wait3A_44 = tpu.memref_slice %arg2[%dma_wait3A_42, %dma_wait3A_43] : memref<10000x128xf32, #tpu.memory_space<hbm>> -> memref<10000x128xf32, #tpu.memory_space<hbm>>
      tpu.wait_indirect_dma semaphore(%arg12 : memref<!tpu.dma_semaphore, #tpu.memory_space<semaphore_mem>>) src(%dma_wait3A_44 : memref<10000x128xf32, #tpu.memory_space<hbm>>) dst(%arg9 : memref<96x128xf32, #tpu.memory_space<vmem>>)
      "tpu.region"() ({
        %run_scoped3A = tpu.sem_alloc : memref<!tpu.dma_semaphore, #tpu.memory_space<semaphore_mem>>
        %dma_start3A_60 = arith.constant 0 : i32
        %dma_start3A_61 = tpu.memref_slice %arg8[%mul3A_31, %dma_start3A_60] : memref<106x96xi32, #tpu.memory_space<vmem>> -> memref<1x96xi32, #tpu.memory_space<vmem>>
        %dma_start3A_62 = tpu.memref_squeeze %dma_start3A_61 : memref<1x96xi32, #tpu.memory_space<vmem>> -> memref<96xi32, #tpu.memory_space<vmem>>
        %dma_start3A_63 = arith.constant 0 : i32
        %dma_start3A_64 = arith.constant 0 : i32
        %dma_start3A_65 = tpu.memref_slice %arg11[%dma_start3A_63, %dma_start3A_64] : memref<10128x128xf32, #tpu.memory_space<vmem_shared>> -> memref<10128x128xf32, #tpu.memory_space<vmem_shared>>
        tpu.enqueue_indirect_dma source(%arg9 : memref<96x128xf32, #tpu.memory_space<vmem>>) target(%dma_start3A_65 : memref<10128x128xf32, #tpu.memory_space<vmem_shared>>) offsets(%dma_start3A_62 : memref<96xi32, #tpu.memory_space<vmem>>) semaphore(%run_scoped3A : memref<!tpu.dma_semaphore, #tpu.memory_space<semaphore_mem>>) {add = true}
        %dma_wait3A_66 = arith.constant 0 : i32
        %dma_wait3A_67 = tpu.memref_slice %arg8[%mul3A_31, %dma_wait3A_66] : memref<106x96xi32, #tpu.memory_space<vmem>> -> memref<1x96xi32, #tpu.memory_space<vmem>>
        %dma_wait3A_68 = tpu.memref_squeeze %dma_wait3A_67 : memref<1x96xi32, #tpu.memory_space<vmem>> -> memref<96xi32, #tpu.memory_space<vmem>>
        %dma_wait3A_69 = arith.constant 0 : i32
        %dma_wait3A_70 = arith.constant 0 : i32
        %dma_wait3A_71 = tpu.memref_slice %arg11[%dma_wait3A_69, %dma_wait3A_70] : memref<10128x128xf32, #tpu.memory_space<vmem_shared>> -> memref<10128x128xf32, #tpu.memory_space<vmem_shared>>
        tpu.wait_indirect_dma semaphore(%run_scoped3A : memref<!tpu.dma_semaphore, #tpu.memory_space<semaphore_mem>>) src(%arg9 : memref<96x128xf32, #tpu.memory_space<vmem>>) dst(%dma_wait3A_71 : memref<10128x128xf32, #tpu.memory_space<vmem_shared>>)
        tpu.yield
      }) : () -> ()
      %lt3A_45 = arith.constant 52 : i32
      %lt3A_46 = arith.cmpi slt, %scan3A_29, %lt3A_45 : i32
      %convert_element_type3A_47 = arith.extui %lt3A_46 : i1 to i32
      %cond3A_48 = arith.constant 0 : i32
      %cond3A_49 = arith.cmpi ne, %convert_element_type3A_47, %cond3A_48 : i32
      scf.if %cond3A_49 {
        %add3A_60 = arith.constant 2 : i32
        %add3A_61 = arith.addi %mul3A_31, %add3A_60 : i32
        %mul3A_62 = arith.constant 96 : i32
        %mul3A_63 = arith.muli %add3A_61, %mul3A_62 : i32
        %dma_start3A_64 = tpu.memref_slice %arg7[%mul3A_63] : memref<10176xi32, #tpu.memory_space<vmem>> -> memref<96xi32, #tpu.memory_space<vmem>>
        %dma_start3A_65 = arith.constant 0 : i32
        %dma_start3A_66 = arith.constant 0 : i32
        %dma_start3A_67 = tpu.memref_slice %arg2[%dma_start3A_65, %dma_start3A_66] : memref<10000x128xf32, #tpu.memory_space<hbm>> -> memref<10000x128xf32, #tpu.memory_space<hbm>>
        tpu.enqueue_indirect_dma source(%dma_start3A_67 : memref<10000x128xf32, #tpu.memory_space<hbm>>) target(%arg9 : memref<96x128xf32, #tpu.memory_space<vmem>>) offsets(%dma_start3A_64 : memref<96xi32, #tpu.memory_space<vmem>>) semaphore(%arg12 : memref<!tpu.dma_semaphore, #tpu.memory_space<semaphore_mem>>)
      } else {
      }
      %add3A_50 = arith.constant 1 : i32
      %add3A_51 = arith.addi %mul3A_31, %add3A_50 : i32
      %mul3A_52 = arith.constant 96 : i32
      %mul3A_53 = arith.muli %add3A_51, %mul3A_52 : i32
      %dma_wait3A_54 = tpu.memref_slice %arg7[%mul3A_53] : memref<10176xi32, #tpu.memory_space<vmem>> -> memref<96xi32, #tpu.memory_space<vmem>>
      %dma_wait3A_55 = arith.constant 0 : i32
      %dma_wait3A_56 = arith.constant 0 : i32
      %dma_wait3A_57 = tpu.memref_slice %arg2[%dma_wait3A_55, %dma_wait3A_56] : memref<10000x128xf32, #tpu.memory_space<hbm>> -> memref<10000x128xf32, #tpu.memory_space<hbm>>
      tpu.wait_indirect_dma semaphore(%arg13 : memref<!tpu.dma_semaphore, #tpu.memory_space<semaphore_mem>>) src(%dma_wait3A_57 : memref<10000x128xf32, #tpu.memory_space<hbm>>) dst(%arg10 : memref<96x128xf32, #tpu.memory_space<vmem>>)
      %add3A_58 = arith.constant 1 : i32
      %add3A_59 = arith.addi %mul3A_31, %add3A_58 : i32
      "tpu.region"() ({
        %run_scoped3A = tpu.sem_alloc : memref<!tpu.dma_semaphore, #tpu.memory_space<semaphore_mem>>
        %dma_start3A_60 = arith.constant 0 : i32
        %dma_start3A_61 = tpu.memref_slice %arg8[%add3A_59, %dma_start3A_60] : memref<106x96xi32, #tpu.memory_space<vmem>> -> memref<1x96xi32, #tpu.memory_space<vmem>>
        %dma_start3A_62 = tpu.memref_squeeze %dma_start3A_61 : memref<1x96xi32, #tpu.memory_space<vmem>> -> memref<96xi32, #tpu.memory_space<vmem>>
        %dma_start3A_63 = arith.constant 0 : i32
        %dma_start3A_64 = arith.constant 0 : i32
        %dma_start3A_65 = tpu.memref_slice %arg11[%dma_start3A_63, %dma_start3A_64] : memref<10128x128xf32, #tpu.memory_space<vmem_shared>> -> memref<10128x128xf32, #tpu.memory_space<vmem_shared>>
        tpu.enqueue_indirect_dma source(%arg10 : memref<96x128xf32, #tpu.memory_space<vmem>>) target(%dma_start3A_65 : memref<10128x128xf32, #tpu.memory_space<vmem_shared>>) offsets(%dma_start3A_62 : memref<96xi32, #tpu.memory_space<vmem>>) semaphore(%run_scoped3A : memref<!tpu.dma_semaphore, #tpu.memory_space<semaphore_mem>>) {add = true}
        %dma_wait3A_66 = arith.constant 0 : i32
        %dma_wait3A_67 = tpu.memref_slice %arg8[%add3A_59, %dma_wait3A_66] : memref<106x96xi32, #tpu.memory_space<vmem>> -> memref<1x96xi32, #tpu.memory_space<vmem>>
        %dma_wait3A_68 = tpu.memref_squeeze %dma_wait3A_67 : memref<1x96xi32, #tpu.memory_space<vmem>> -> memref<96xi32, #tpu.memory_space<vmem>>
        %dma_wait3A_69 = arith.constant 0 : i32
        %dma_wait3A_70 = arith.constant 0 : i32
        %dma_wait3A_71 = tpu.memref_slice %arg11[%dma_wait3A_69, %dma_wait3A_70] : memref<10128x128xf32, #tpu.memory_space<vmem_shared>> -> memref<10128x128xf32, #tpu.memory_space<vmem_shared>>
        tpu.wait_indirect_dma semaphore(%run_scoped3A : memref<!tpu.dma_semaphore, #tpu.memory_space<semaphore_mem>>) src(%arg10 : memref<96x128xf32, #tpu.memory_space<vmem>>) dst(%dma_wait3A_71 : memref<10128x128xf32, #tpu.memory_space<vmem_shared>>)
        tpu.yield
      }) : () -> ()
    }
    %scan3A_17 = arith.constant 53 : i32
    %barrier3A_18 = arith.constant 0 : index
    tpu.barrier barrier_id(%barrier3A_18)
    %lt3A_19 = arith.constant 15 : i32
    %lt3A_20 = arith.cmpi slt, %arg1, %lt3A_19 : i32
    %convert_element_type3A_21 = arith.extui %lt3A_20 : i1 to i32
    %cond3A_22 = arith.constant 0 : i32
    %cond3A_23 = arith.cmpi ne, %convert_element_type3A_21, %cond3A_22 : i32
    scf.if %cond3A_23 {
      %mul3A_29 = arith.constant 640 : i32
      %mul3A_30 = arith.muli %arg1, %mul3A_29 : i32
      %mul3A_31 = arith.constant 10000 : i32
      %mul3A_32 = arith.muli %arg0, %mul3A_31 : i32
      %mul3A_33 = arith.constant 640 : i32
      %mul3A_34 = arith.muli %arg1, %mul3A_33 : i32
      %add3A_35 = arith.addi %mul3A_32, %mul3A_34 : i32
      "tpu.region"() ({
        %run_scoped3A = tpu.sem_alloc : memref<!tpu.dma_semaphore, #tpu.memory_space<semaphore_mem>>
        %dma_start3A_36 = arith.constant 0 : i32
        %dma_start3A_37 = tpu.memref_slice %arg6[%add3A_35, %dma_start3A_36] : memref<20000x128xf32, #tpu.memory_space<hbm>> -> memref<640x128xf32, #tpu.memory_space<hbm>>
        %dma_start3A_38 = arith.constant 0 : i32
        %dma_start3A_39 = tpu.memref_slice %arg11[%mul3A_30, %dma_start3A_38] : memref<10128x128xf32, #tpu.memory_space<vmem_shared>> -> memref<640x128xf32, #tpu.memory_space<vmem_shared>>
        tpu.enqueue_dma source(%dma_start3A_39 : memref<640x128xf32, #tpu.memory_space<vmem_shared>>) target(%dma_start3A_37 : memref<640x128xf32, #tpu.memory_space<hbm>>) target_semaphore(%run_scoped3A : memref<!tpu.dma_semaphore, #tpu.memory_space<semaphore_mem>>)
        %dma_wait3A = arith.constant 0 : i32
        %dma_wait3A_40 = tpu.memref_slice %arg6[%add3A_35, %dma_wait3A] : memref<20000x128xf32, #tpu.memory_space<hbm>> -> memref<640x128xf32, #tpu.memory_space<hbm>>
        %dma_wait3A_41 = arith.constant 0 : i32
        %dma_wait3A_42 = tpu.memref_slice %arg11[%mul3A_30, %dma_wait3A_41] : memref<10128x128xf32, #tpu.memory_space<vmem_shared>> -> memref<640x128xf32, #tpu.memory_space<vmem_shared>>
        tpu.wait_dma2 semaphore(%run_scoped3A : memref<!tpu.dma_semaphore, #tpu.memory_space<semaphore_mem>>) src(%dma_wait3A_42 : memref<640x128xf32, #tpu.memory_space<vmem_shared>>) dst(%dma_wait3A_40 : memref<640x128xf32, #tpu.memory_space<hbm>>)
        tpu.yield
      }) : () -> ()
    } else {
    }
    %eq3A_24 = arith.constant 15 : i32
    %eq3A_25 = arith.cmpi eq, %arg1, %eq3A_24 : i32
    %convert_element_type3A_26 = arith.extui %eq3A_25 : i1 to i32
    %cond3A_27 = arith.constant 0 : i32
    %cond3A_28 = arith.cmpi ne, %convert_element_type3A_26, %cond3A_27 : i32
    scf.if %cond3A_28 {
      %mul3A_29 = arith.constant 10000 : i32
      %mul3A_30 = arith.muli %arg0, %mul3A_29 : i32
      %add3A_31 = arith.constant 9600 : i32
      %add3A_32 = arith.addi %mul3A_30, %add3A_31 : i32
      "tpu.region"() ({
        %run_scoped3A = tpu.sem_alloc : memref<!tpu.dma_semaphore, #tpu.memory_space<semaphore_mem>>
        %dma_start3A_33 = arith.constant 0 : i32
        %dma_start3A_34 = tpu.memref_slice %arg6[%add3A_32, %dma_start3A_33] : memref<20000x128xf32, #tpu.memory_space<hbm>> -> memref<400x128xf32, #tpu.memory_space<hbm>>
        %dma_start3A_35 = arith.constant 9600 : i32
        %dma_start3A_36 = arith.constant 0 : i32
        %dma_start3A_37 = tpu.memref_slice %arg11[%dma_start3A_35, %dma_start3A_36] : memref<10128x128xf32, #tpu.memory_space<vmem_shared>> -> memref<400x128xf32, #tpu.memory_space<vmem_shared>>
        tpu.enqueue_dma source(%dma_start3A_37 : memref<400x128xf32, #tpu.memory_space<vmem_shared>>) target(%dma_start3A_34 : memref<400x128xf32, #tpu.memory_space<hbm>>) target_semaphore(%run_scoped3A : memref<!tpu.dma_semaphore, #tpu.memory_space<semaphore_mem>>)
        %dma_wait3A = arith.constant 0 : i32
        %dma_wait3A_38 = tpu.memref_slice %arg6[%add3A_32, %dma_wait3A] : memref<20000x128xf32, #tpu.memory_space<hbm>> -> memref<400x128xf32, #tpu.memory_space<hbm>>
        %dma_wait3A_39 = arith.constant 9600 : i32
        %dma_wait3A_40 = arith.constant 0 : i32
        %dma_wait3A_41 = tpu.memref_slice %arg11[%dma_wait3A_39, %dma_wait3A_40] : memref<10128x128xf32, #tpu.memory_space<vmem_shared>> -> memref<400x128xf32, #tpu.memory_space<vmem_shared>>
        tpu.wait_dma2 semaphore(%run_scoped3A : memref<!tpu.dma_semaphore, #tpu.memory_space<semaphore_mem>>) src(%dma_wait3A_41 : memref<400x128xf32, #tpu.memory_space<vmem_shared>>) dst(%dma_wait3A_38 : memref<400x128xf32, #tpu.memory_space<hbm>>)
        tpu.yield
      }) : () -> ()
    } else {
    }
    return
  }
}

#map = affine_map<(d0, d1) -> (0, 0)>
#map1 = affine_map<(d0, d1) -> (0)>
#map2 = affine_map<(d0, d1) -> (0, 0, 0)>
module attributes {stable_mosaic.version = 14 : i64} {
  func.func @segsum(%arg0: i32, %arg1: i32, %arg2: memref<10000x128xf32, #tpu.memory_space<hbm>>, %arg3: memref<325632xi32, #tpu.memory_space<hbm>>, %arg4: memref<32x106x96xi32, #tpu.memory_space<hbm>>, %arg5: memref<640x128xf32, #tpu.memory_space<hbm>>, %arg6: memref<20000x128xf32, #tpu.memory_space<hbm>>, %arg7: memref<10176xi32, #tpu.memory_space<vmem>>, %arg8: memref<106x96xi32, #tpu.memory_space<vmem>>, %arg9: memref<96x128xf32, #tpu.memory_space<vmem>>, %arg10: memref<96x128xf32, #tpu.memory_space<vmem>>, %arg11: memref<10128x128xf32, #tpu.memory_space<vmem_shared>>, %arg12: memref<!tpu.dma_semaphore, #tpu.memory_space<semaphore_mem>>, %arg13: memref<!tpu.dma_semaphore, #tpu.memory_space<semaphore_mem>>) attributes {dimension_semantics = [#tpu.dimension_semantics<core_parallel>, #tpu.dimension_semantics<subcore_parallel>], iteration_bounds = array<i64: 2, 16>, scalar_prefetch = 0 : i64, scratch_operands = 7 : i64, tpu.core_type = #tpu.core_type<sc_vector_subcore>, window_params = [{transform_indices = #map}, {transform_indices = #map1}, {transform_indices = #map2}, {transform_indices = #map}, {transform_indices = #map}]} {
    %mul3A = arith.constant 2 : i32
    %mul3A_0 = arith.muli %arg1, %mul3A : i32
    %add3A = arith.addi %mul3A_0, %arg0 : i32
    %lt3A = arith.constant 15 : i32
    %lt3A_1 = arith.cmpi slt, %arg1, %lt3A : i32
    %convert_element_type3A = arith.extui %lt3A_1 : i1 to i32
    %cond3A = arith.constant 0 : i32
    %cond3A_2 = arith.cmpi ne, %convert_element_type3A, %cond3A : i32
    scf.if %cond3A_2 {
      %mul3A_29 = arith.constant 640 : i32
      %mul3A_30 = arith.muli %arg1, %mul3A_29 : i32
      "tpu.region"() ({
        %run_scoped3A = tpu.sem_alloc : memref<!tpu.dma_semaphore, #tpu.memory_space<semaphore_mem>>
        %dma_start3A_31 = arith.constant 0 : i32
        %dma_start3A_32 = tpu.memref_slice %arg11[%mul3A_30, %dma_start3A_31] : memref<10128x128xf32, #tpu.memory_space<vmem_shared>> -> memref<640x128xf32, #tpu.memory_space<vmem_shared>>
        tpu.enqueue_dma source(%arg5 : memref<640x128xf32, #tpu.memory_space<hbm>>) target(%dma_start3A_32 : memref<640x128xf32, #tpu.memory_space<vmem_shared>>) target_semaphore(%run_scoped3A : memref<!tpu.dma_semaphore, #tpu.memory_space<semaphore_mem>>)
        %dma_wait3A = arith.constant 0 : i32
        %dma_wait3A_33 = tpu.memref_slice %arg11[%mul3A_30, %dma_wait3A] : memref<10128x128xf32, #tpu.memory_space<vmem_shared>> -> memref<640x128xf32, #tpu.memory_space<vmem_shared>>
        tpu.wait_dma2 semaphore(%run_scoped3A : memref<!tpu.dma_semaphore, #tpu.memory_space<semaphore_mem>>) src(%arg5 : memref<640x128xf32, #tpu.memory_space<hbm>>) dst(%dma_wait3A_33 : memref<640x128xf32, #tpu.memory_space<vmem_shared>>)
        tpu.yield
      }) : () -> ()
    } else {
    }
    %eq3A = arith.constant 15 : i32
    %eq3A_3 = arith.cmpi eq, %arg1, %eq3A : i32
    %convert_element_type3A_4 = arith.extui %eq3A_3 : i1 to i32
    %cond3A_5 = arith.constant 0 : i32
    %cond3A_6 = arith.cmpi ne, %convert_element_type3A_4, %cond3A_5 : i32
    scf.if %cond3A_6 {
      "tpu.region"() ({
        %run_scoped3A = tpu.sem_alloc : memref<!tpu.dma_semaphore, #tpu.memory_space<semaphore_mem>>
        %dma_start3A_29 = arith.constant 9600 : i32
        %dma_start3A_30 = arith.constant 0 : i32
        %dma_start3A_31 = tpu.memref_slice %arg11[%dma_start3A_29, %dma_start3A_30] : memref<10128x128xf32, #tpu.memory_space<vmem_shared>> -> memref<400x128xf32, #tpu.memory_space<vmem_shared>>
        %dma_start3A_32 = arith.constant 0 : i32
        %dma_start3A_33 = arith.constant 0 : i32
        %dma_start3A_34 = tpu.memref_slice %arg5[%dma_start3A_32, %dma_start3A_33] : memref<640x128xf32, #tpu.memory_space<hbm>> -> memref<400x128xf32, #tpu.memory_space<hbm>>
        tpu.enqueue_dma source(%dma_start3A_34 : memref<400x128xf32, #tpu.memory_space<hbm>>) target(%dma_start3A_31 : memref<400x128xf32, #tpu.memory_space<vmem_shared>>) target_semaphore(%run_scoped3A : memref<!tpu.dma_semaphore, #tpu.memory_space<semaphore_mem>>)
        %dma_wait3A = arith.constant 9600 : i32
        %dma_wait3A_35 = arith.constant 0 : i32
        %dma_wait3A_36 = tpu.memref_slice %arg11[%dma_wait3A, %dma_wait3A_35] : memref<10128x128xf32, #tpu.memory_space<vmem_shared>> -> memref<400x128xf32, #tpu.memory_space<vmem_shared>>
        %dma_wait3A_37 = arith.constant 0 : i32
        %dma_wait3A_38 = arith.constant 0 : i32
        %dma_wait3A_39 = tpu.memref_slice %arg5[%dma_wait3A_37, %dma_wait3A_38] : memref<640x128xf32, #tpu.memory_space<hbm>> -> memref<400x128xf32, #tpu.memory_space<hbm>>
        tpu.wait_dma2 semaphore(%run_scoped3A : memref<!tpu.dma_semaphore, #tpu.memory_space<semaphore_mem>>) src(%dma_wait3A_39 : memref<400x128xf32, #tpu.memory_space<hbm>>) dst(%dma_wait3A_36 : memref<400x128xf32, #tpu.memory_space<vmem_shared>>)
        tpu.yield
      }) : () -> ()
    } else {
    }
    %mul3A_7 = arith.constant 10176 : i32
    %mul3A_8 = arith.muli %add3A, %mul3A_7 : i32
    "tpu.region"() ({
      %run_scoped3A = tpu.sem_alloc : memref<!tpu.dma_semaphore, #tpu.memory_space<semaphore_mem>>
      %dma_start3A_29 = tpu.memref_slice %arg3[%mul3A_8] : memref<325632xi32, #tpu.memory_space<hbm>> -> memref<10176xi32, #tpu.memory_space<hbm>>
      %dma_start3A_30 = tpu.memref_slice %arg3[%mul3A_8] : memref<325632xi32, #tpu.memory_space<hbm>> -> memref<10176xi32, #tpu.memory_space<hbm>>
      tpu.enqueue_dma source(%dma_start3A_30 : memref<10176xi32, #tpu.memory_space<hbm>>) target(%arg7 : memref<10176xi32, #tpu.memory_space<vmem>>) target_semaphore(%run_scoped3A : memref<!tpu.dma_semaphore, #tpu.memory_space<semaphore_mem>>)
      %dma_wait3A = tpu.memref_slice %arg3[%mul3A_8] : memref<325632xi32, #tpu.memory_space<hbm>> -> memref<10176xi32, #tpu.memory_space<hbm>>
      %dma_wait3A_31 = tpu.memref_slice %arg3[%mul3A_8] : memref<325632xi32, #tpu.memory_space<hbm>> -> memref<10176xi32, #tpu.memory_space<hbm>>
      tpu.wait_dma2 semaphore(%run_scoped3A : memref<!tpu.dma_semaphore, #tpu.memory_space<semaphore_mem>>) src(%dma_wait3A_31 : memref<10176xi32, #tpu.memory_space<hbm>>) dst(%arg7 : memref<10176xi32, #tpu.memory_space<vmem>>)
      tpu.yield
    }) : () -> ()
    "tpu.region"() ({
      %run_scoped3A = tpu.sem_alloc : memref<!tpu.dma_semaphore, #tpu.memory_space<semaphore_mem>>
      %dma_start3A_29 = arith.constant 0 : i32
      %dma_start3A_30 = arith.constant 0 : i32
      %dma_start3A_31 = tpu.memref_slice %arg4[%add3A, %dma_start3A_29, %dma_start3A_30] : memref<32x106x96xi32, #tpu.memory_space<hbm>> -> memref<1x106x96xi32, #tpu.memory_space<hbm>>
      %dma_start3A_32 = tpu.memref_squeeze %dma_start3A_31 : memref<1x106x96xi32, #tpu.memory_space<hbm>> -> memref<106x96xi32, #tpu.memory_space<hbm>>
      %dma_start3A_33 = arith.constant 0 : i32
      %dma_start3A_34 = arith.constant 0 : i32
      %dma_start3A_35 = tpu.memref_slice %arg4[%add3A, %dma_start3A_33, %dma_start3A_34] : memref<32x106x96xi32, #tpu.memory_space<hbm>> -> memref<1x106x96xi32, #tpu.memory_space<hbm>>
      %dma_start3A_36 = tpu.memref_squeeze %dma_start3A_35 : memref<1x106x96xi32, #tpu.memory_space<hbm>> -> memref<106x96xi32, #tpu.memory_space<hbm>>
      tpu.enqueue_dma source(%dma_start3A_36 : memref<106x96xi32, #tpu.memory_space<hbm>>) target(%arg8 : memref<106x96xi32, #tpu.memory_space<vmem>>) target_semaphore(%run_scoped3A : memref<!tpu.dma_semaphore, #tpu.memory_space<semaphore_mem>>)
      %dma_wait3A = arith.constant 0 : i32
      %dma_wait3A_37 = arith.constant 0 : i32
      %dma_wait3A_38 = tpu.memref_slice %arg4[%add3A, %dma_wait3A, %dma_wait3A_37] : memref<32x106x96xi32, #tpu.memory_space<hbm>> -> memref<1x106x96xi32, #tpu.memory_space<hbm>>
      %dma_wait3A_39 = tpu.memref_squeeze %dma_wait3A_38 : memref<1x106x96xi32, #tpu.memory_space<hbm>> -> memref<106x96xi32, #tpu.memory_space<hbm>>
      %dma_wait3A_40 = arith.constant 0 : i32
      %dma_wait3A_41 = arith.constant 0 : i32
      %dma_wait3A_42 = tpu.memref_slice %arg4[%add3A, %dma_wait3A_40, %dma_wait3A_41] : memref<32x106x96xi32, #tpu.memory_space<hbm>> -> memref<1x106x96xi32, #tpu.memory_space<hbm>>
      %dma_wait3A_43 = tpu.memref_squeeze %dma_wait3A_42 : memref<1x106x96xi32, #tpu.memory_space<hbm>> -> memref<106x96xi32, #tpu.memory_space<hbm>>
      tpu.wait_dma2 semaphore(%run_scoped3A : memref<!tpu.dma_semaphore, #tpu.memory_space<semaphore_mem>>) src(%dma_wait3A_43 : memref<106x96xi32, #tpu.memory_space<hbm>>) dst(%arg8 : memref<106x96xi32, #tpu.memory_space<vmem>>)
      tpu.yield
    }) : () -> ()
    %barrier3A = arith.constant 0 : index
    tpu.barrier barrier_id(%barrier3A)
    %dma_start3A = arith.constant 0 : i32
    %dma_start3A_9 = tpu.memref_slice %arg7[%dma_start3A] : memref<10176xi32, #tpu.memory_space<vmem>> -> memref<96xi32, #tpu.memory_space<vmem>>
    %dma_start3A_10 = arith.constant 0 : i32
    %dma_start3A_11 = arith.constant 0 : i32
    %dma_start3A_12 = tpu.memref_slice %arg2[%dma_start3A_10, %dma_start3A_11] : memref<10000x128xf32, #tpu.memory_space<hbm>> -> memref<10000x128xf32, #tpu.memory_space<hbm>>
    tpu.enqueue_indirect_dma source(%dma_start3A_12 : memref<10000x128xf32, #tpu.memory_space<hbm>>) target(%arg9 : memref<96x128xf32, #tpu.memory_space<vmem>>) offsets(%dma_start3A_9 : memref<96xi32, #tpu.memory_space<vmem>>) semaphore(%arg12 : memref<!tpu.dma_semaphore, #tpu.memory_space<semaphore_mem>>)
    %scan3A = arith.constant 0 : i32
    %scan3A_13 = arith.constant 0 : i32
    %scan3A_14 = arith.constant 53 : i32
    %scan3A_15 = arith.addi %scan3A_13, %scan3A_14 : i32
    %scan3A_16 = arith.constant 1 : i32
    scf.for %scan3A_29 = %scan3A_13 to %scan3A_15 step %scan3A_16  : i32 {
      %mul3A_30 = arith.constant 2 : i32
      %mul3A_31 = arith.muli %mul3A_30, %scan3A_29 : i32
      %add3A_32 = arith.constant 1 : i32
      %add3A_33 = arith.addi %mul3A_31, %add3A_32 : i32
      %mul3A_34 = arith.constant 96 : i32
      %mul3A_35 = arith.muli %add3A_33, %mul3A_34 : i32
      %dma_start3A_36 = tpu.memref_slice %arg7[%mul3A_35] : memref<10176xi32, #tpu.memory_space<vmem>> -> memref<96xi32, #tpu.memory_space<vmem>>
      %dma_start3A_37 = arith.constant 0 : i32
      %dma_start3A_38 = arith.constant 0 : i32
      %dma_start3A_39 = tpu.memref_slice %arg2[%dma_start3A_37, %dma_start3A_38] : memref<10000x128xf32, #tpu.memory_space<hbm>> -> memref<10000x128xf32, #tpu.memory_space<hbm>>
      tpu.enqueue_indirect_dma source(%dma_start3A_39 : memref<10000x128xf32, #tpu.memory_space<hbm>>) target(%arg10 : memref<96x128xf32, #tpu.memory_space<vmem>>) offsets(%dma_start3A_36 : memref<96xi32, #tpu.memory_space<vmem>>) semaphore(%arg13 : memref<!tpu.dma_semaphore, #tpu.memory_space<semaphore_mem>>)
      %mul3A_40 = arith.constant 96 : i32
      %mul3A_41 = arith.muli %mul3A_31, %mul3A_40 : i32
      %dma_wait3A = tpu.memref_slice %arg7[%mul3A_41] : memref<10176xi32, #tpu.memory_space<vmem>> -> memref<96xi32, #tpu.memory_space<vmem>>
      %dma_wait3A_42 = arith.constant 0 : i32
      %dma_wait3A_43 = arith.constant 0 : i32
      %dma_wait3A_44 = tpu.memref_slice %arg2[%dma_wait3A_42, %dma_wait3A_43] : memref<10000x128xf32, #tpu.memory_space<hbm>> -> memref<10000x128xf32, #tpu.memory_space<hbm>>
      tpu.wait_indirect_dma semaphore(%arg12 : memref<!tpu.dma_semaphore, #tpu.memory_space<semaphore_mem>>) src(%dma_wait3A_44 : memref<10000x128xf32, #tpu.memory_space<hbm>>) dst(%arg9 : memref<96x128xf32, #tpu.memory_space<vmem>>)
      "tpu.region"() ({
        %run_scoped3A = tpu.sem_alloc : memref<!tpu.dma_semaphore, #tpu.memory_space<semaphore_mem>>
        %dma_start3A_60 = arith.constant 0 : i32
        %dma_start3A_61 = tpu.memref_slice %arg8[%mul3A_31, %dma_start3A_60] : memref<106x96xi32, #tpu.memory_space<vmem>> -> memref<1x96xi32, #tpu.memory_space<vmem>>
        %dma_start3A_62 = tpu.memref_squeeze %dma_start3A_61 : memref<1x96xi32, #tpu.memory_space<vmem>> -> memref<96xi32, #tpu.memory_space<vmem>>
        %dma_start3A_63 = arith.constant 0 : i32
        %dma_start3A_64 = arith.constant 0 : i32
        %dma_start3A_65 = tpu.memref_slice %arg11[%dma_start3A_63, %dma_start3A_64] : memref<10128x128xf32, #tpu.memory_space<vmem_shared>> -> memref<10128x128xf32, #tpu.memory_space<vmem_shared>>
        tpu.enqueue_indirect_dma source(%arg9 : memref<96x128xf32, #tpu.memory_space<vmem>>) target(%dma_start3A_65 : memref<10128x128xf32, #tpu.memory_space<vmem_shared>>) offsets(%dma_start3A_62 : memref<96xi32, #tpu.memory_space<vmem>>) semaphore(%run_scoped3A : memref<!tpu.dma_semaphore, #tpu.memory_space<semaphore_mem>>) {add = true}
        %dma_wait3A_66 = arith.constant 0 : i32
        %dma_wait3A_67 = tpu.memref_slice %arg8[%mul3A_31, %dma_wait3A_66] : memref<106x96xi32, #tpu.memory_space<vmem>> -> memref<1x96xi32, #tpu.memory_space<vmem>>
        %dma_wait3A_68 = tpu.memref_squeeze %dma_wait3A_67 : memref<1x96xi32, #tpu.memory_space<vmem>> -> memref<96xi32, #tpu.memory_space<vmem>>
        %dma_wait3A_69 = arith.constant 0 : i32
        %dma_wait3A_70 = arith.constant 0 : i32
        %dma_wait3A_71 = tpu.memref_slice %arg11[%dma_wait3A_69, %dma_wait3A_70] : memref<10128x128xf32, #tpu.memory_space<vmem_shared>> -> memref<10128x128xf32, #tpu.memory_space<vmem_shared>>
        tpu.wait_indirect_dma semaphore(%run_scoped3A : memref<!tpu.dma_semaphore, #tpu.memory_space<semaphore_mem>>) src(%arg9 : memref<96x128xf32, #tpu.memory_space<vmem>>) dst(%dma_wait3A_71 : memref<10128x128xf32, #tpu.memory_space<vmem_shared>>)
        tpu.yield
      }) : () -> ()
      %lt3A_45 = arith.constant 52 : i32
      %lt3A_46 = arith.cmpi slt, %scan3A_29, %lt3A_45 : i32
      %convert_element_type3A_47 = arith.extui %lt3A_46 : i1 to i32
      %cond3A_48 = arith.constant 0 : i32
      %cond3A_49 = arith.cmpi ne, %convert_element_type3A_47, %cond3A_48 : i32
      scf.if %cond3A_49 {
        %add3A_60 = arith.constant 2 : i32
        %add3A_61 = arith.addi %mul3A_31, %add3A_60 : i32
        %mul3A_62 = arith.constant 96 : i32
        %mul3A_63 = arith.muli %add3A_61, %mul3A_62 : i32
        %dma_start3A_64 = tpu.memref_slice %arg7[%mul3A_63] : memref<10176xi32, #tpu.memory_space<vmem>> -> memref<96xi32, #tpu.memory_space<vmem>>
        %dma_start3A_65 = arith.constant 0 : i32
        %dma_start3A_66 = arith.constant 0 : i32
        %dma_start3A_67 = tpu.memref_slice %arg2[%dma_start3A_65, %dma_start3A_66] : memref<10000x128xf32, #tpu.memory_space<hbm>> -> memref<10000x128xf32, #tpu.memory_space<hbm>>
        tpu.enqueue_indirect_dma source(%dma_start3A_67 : memref<10000x128xf32, #tpu.memory_space<hbm>>) target(%arg9 : memref<96x128xf32, #tpu.memory_space<vmem>>) offsets(%dma_start3A_64 : memref<96xi32, #tpu.memory_space<vmem>>) semaphore(%arg12 : memref<!tpu.dma_semaphore, #tpu.memory_space<semaphore_mem>>)
      } else {
      }
      %add3A_50 = arith.constant 1 : i32
      %add3A_51 = arith.addi %mul3A_31, %add3A_50 : i32
      %mul3A_52 = arith.constant 96 : i32
      %mul3A_53 = arith.muli %add3A_51, %mul3A_52 : i32
      %dma_wait3A_54 = tpu.memref_slice %arg7[%mul3A_53] : memref<10176xi32, #tpu.memory_space<vmem>> -> memref<96xi32, #tpu.memory_space<vmem>>
      %dma_wait3A_55 = arith.constant 0 : i32
      %dma_wait3A_56 = arith.constant 0 : i32
      %dma_wait3A_57 = tpu.memref_slice %arg2[%dma_wait3A_55, %dma_wait3A_56] : memref<10000x128xf32, #tpu.memory_space<hbm>> -> memref<10000x128xf32, #tpu.memory_space<hbm>>
      tpu.wait_indirect_dma semaphore(%arg13 : memref<!tpu.dma_semaphore, #tpu.memory_space<semaphore_mem>>) src(%dma_wait3A_57 : memref<10000x128xf32, #tpu.memory_space<hbm>>) dst(%arg10 : memref<96x128xf32, #tpu.memory_space<vmem>>)
      %add3A_58 = arith.constant 1 : i32
      %add3A_59 = arith.addi %mul3A_31, %add3A_58 : i32
      "tpu.region"() ({
        %run_scoped3A = tpu.sem_alloc : memref<!tpu.dma_semaphore, #tpu.memory_space<semaphore_mem>>
        %dma_start3A_60 = arith.constant 0 : i32
        %dma_start3A_61 = tpu.memref_slice %arg8[%add3A_59, %dma_start3A_60] : memref<106x96xi32, #tpu.memory_space<vmem>> -> memref<1x96xi32, #tpu.memory_space<vmem>>
        %dma_start3A_62 = tpu.memref_squeeze %dma_start3A_61 : memref<1x96xi32, #tpu.memory_space<vmem>> -> memref<96xi32, #tpu.memory_space<vmem>>
        %dma_start3A_63 = arith.constant 0 : i32
        %dma_start3A_64 = arith.constant 0 : i32
        %dma_start3A_65 = tpu.memref_slice %arg11[%dma_start3A_63, %dma_start3A_64] : memref<10128x128xf32, #tpu.memory_space<vmem_shared>> -> memref<10128x128xf32, #tpu.memory_space<vmem_shared>>
        tpu.enqueue_indirect_dma source(%arg10 : memref<96x128xf32, #tpu.memory_space<vmem>>) target(%dma_start3A_65 : memref<10128x128xf32, #tpu.memory_space<vmem_shared>>) offsets(%dma_start3A_62 : memref<96xi32, #tpu.memory_space<vmem>>) semaphore(%run_scoped3A : memref<!tpu.dma_semaphore, #tpu.memory_space<semaphore_mem>>) {add = true}
        %dma_wait3A_66 = arith.constant 0 : i32
        %dma_wait3A_67 = tpu.memref_slice %arg8[%add3A_59, %dma_wait3A_66] : memref<106x96xi32, #tpu.memory_space<vmem>> -> memref<1x96xi32, #tpu.memory_space<vmem>>
        %dma_wait3A_68 = tpu.memref_squeeze %dma_wait3A_67 : memref<1x96xi32, #tpu.memory_space<vmem>> -> memref<96xi32, #tpu.memory_space<vmem>>
        %dma_wait3A_69 = arith.constant 0 : i32
        %dma_wait3A_70 = arith.constant 0 : i32
        %dma_wait3A_71 = tpu.memref_slice %arg11[%dma_wait3A_69, %dma_wait3A_70] : memref<10128x128xf32, #tpu.memory_space<vmem_shared>> -> memref<10128x128xf32, #tpu.memory_space<vmem_shared>>
        tpu.wait_indirect_dma semaphore(%run_scoped3A : memref<!tpu.dma_semaphore, #tpu.memory_space<semaphore_mem>>) src(%arg10 : memref<96x128xf32, #tpu.memory_space<vmem>>) dst(%dma_wait3A_71 : memref<10128x128xf32, #tpu.memory_space<vmem_shared>>)
        tpu.yield
      }) : () -> ()
    }
    %scan3A_17 = arith.constant 53 : i32
    %barrier3A_18 = arith.constant 0 : index
    tpu.barrier barrier_id(%barrier3A_18)
    %lt3A_19 = arith.constant 15 : i32
    %lt3A_20 = arith.cmpi slt, %arg1, %lt3A_19 : i32
    %convert_element_type3A_21 = arith.extui %lt3A_20 : i1 to i32
    %cond3A_22 = arith.constant 0 : i32
    %cond3A_23 = arith.cmpi ne, %convert_element_type3A_21, %cond3A_22 : i32
    scf.if %cond3A_23 {
      %mul3A_29 = arith.constant 640 : i32
      %mul3A_30 = arith.muli %arg1, %mul3A_29 : i32
      %mul3A_31 = arith.constant 10000 : i32
      %mul3A_32 = arith.muli %arg0, %mul3A_31 : i32
      %mul3A_33 = arith.constant 640 : i32
      %mul3A_34 = arith.muli %arg1, %mul3A_33 : i32
      %add3A_35 = arith.addi %mul3A_32, %mul3A_34 : i32
      "tpu.region"() ({
        %run_scoped3A = tpu.sem_alloc : memref<!tpu.dma_semaphore, #tpu.memory_space<semaphore_mem>>
        %dma_start3A_36 = arith.constant 0 : i32
        %dma_start3A_37 = tpu.memref_slice %arg6[%add3A_35, %dma_start3A_36] : memref<20000x128xf32, #tpu.memory_space<hbm>> -> memref<640x128xf32, #tpu.memory_space<hbm>>
        %dma_start3A_38 = arith.constant 0 : i32
        %dma_start3A_39 = tpu.memref_slice %arg11[%mul3A_30, %dma_start3A_38] : memref<10128x128xf32, #tpu.memory_space<vmem_shared>> -> memref<640x128xf32, #tpu.memory_space<vmem_shared>>
        tpu.enqueue_dma source(%dma_start3A_39 : memref<640x128xf32, #tpu.memory_space<vmem_shared>>) target(%dma_start3A_37 : memref<640x128xf32, #tpu.memory_space<hbm>>) target_semaphore(%run_scoped3A : memref<!tpu.dma_semaphore, #tpu.memory_space<semaphore_mem>>)
        %dma_wait3A = arith.constant 0 : i32
        %dma_wait3A_40 = tpu.memref_slice %arg6[%add3A_35, %dma_wait3A] : memref<20000x128xf32, #tpu.memory_space<hbm>> -> memref<640x128xf32, #tpu.memory_space<hbm>>
        %dma_wait3A_41 = arith.constant 0 : i32
        %dma_wait3A_42 = tpu.memref_slice %arg11[%mul3A_30, %dma_wait3A_41] : memref<10128x128xf32, #tpu.memory_space<vmem_shared>> -> memref<640x128xf32, #tpu.memory_space<vmem_shared>>
        tpu.wait_dma2 semaphore(%run_scoped3A : memref<!tpu.dma_semaphore, #tpu.memory_space<semaphore_mem>>) src(%dma_wait3A_42 : memref<640x128xf32, #tpu.memory_space<vmem_shared>>) dst(%dma_wait3A_40 : memref<640x128xf32, #tpu.memory_space<hbm>>)
        tpu.yield
      }) : () -> ()
    } else {
    }
    %eq3A_24 = arith.constant 15 : i32
    %eq3A_25 = arith.cmpi eq, %arg1, %eq3A_24 : i32
    %convert_element_type3A_26 = arith.extui %eq3A_25 : i1 to i32
    %cond3A_27 = arith.constant 0 : i32
    %cond3A_28 = arith.cmpi ne, %convert_element_type3A_26, %cond3A_27 : i32
    scf.if %cond3A_28 {
      %mul3A_29 = arith.constant 10000 : i32
      %mul3A_30 = arith.muli %arg0, %mul3A_29 : i32
      %add3A_31 = arith.constant 9600 : i32
      %add3A_32 = arith.addi %mul3A_30, %add3A_31 : i32
      "tpu.region"() ({
        %run_scoped3A = tpu.sem_alloc : memref<!tpu.dma_semaphore, #tpu.memory_space<semaphore_mem>>
        %dma_start3A_33 = arith.constant 0 : i32
        %dma_start3A_34 = tpu.memref_slice %arg6[%add3A_32, %dma_start3A_33] : memref<20000x128xf32, #tpu.memory_space<hbm>> -> memref<400x128xf32, #tpu.memory_space<hbm>>
        %dma_start3A_35 = arith.constant 9600 : i32
        %dma_start3A_36 = arith.constant 0 : i32
        %dma_start3A_37 = tpu.memref_slice %arg11[%dma_start3A_35, %dma_start3A_36] : memref<10128x128xf32, #tpu.memory_space<vmem_shared>> -> memref<400x128xf32, #tpu.memory_space<vmem_shared>>
        tpu.enqueue_dma source(%dma_start3A_37 : memref<400x128xf32, #tpu.memory_space<vmem_shared>>) target(%dma_start3A_34 : memref<400x128xf32, #tpu.memory_space<hbm>>) target_semaphore(%run_scoped3A : memref<!tpu.dma_semaphore, #tpu.memory_space<semaphore_mem>>)
        %dma_wait3A = arith.constant 0 : i32
        %dma_wait3A_38 = tpu.memref_slice %arg6[%add3A_32, %dma_wait3A] : memref<20000x128xf32, #tpu.memory_space<hbm>> -> memref<400x128xf32, #tpu.memory_space<hbm>>
        %dma_wait3A_39 = arith.constant 9600 : i32
        %dma_wait3A_40 = arith.constant 0 : i32
        %dma_wait3A_41 = tpu.memref_slice %arg11[%dma_wait3A_39, %dma_wait3A_40] : memref<10128x128xf32, #tpu.memory_space<vmem_shared>> -> memref<400x128xf32, #tpu.memory_space<vmem_shared>>
        tpu.wait_dma2 semaphore(%run_scoped3A : memref<!tpu.dma_semaphore, #tpu.memory_space<semaphore_mem>>) src(%dma_wait3A_41 : memref<400x128xf32, #tpu.memory_space<vmem_shared>>) dst(%dma_wait3A_38 : memref<400x128xf32, #tpu.memory_space<hbm>>)
        tpu.yield
      }) : () -> ()
    } else {
    }
    return
  }
}

#map = affine_map<(d0, d1) -> (0, 0)>
#map1 = affine_map<(d0, d1) -> (0)>
#map2 = affine_map<(d0, d1) -> (0, 0, 0)>
module attributes {stable_mosaic.version = 14 : i64} {
  func.func @segsum(%arg0: i32, %arg1: i32, %arg2: memref<10000x128xf32, #tpu.memory_space<hbm>>, %arg3: memref<325632xi32, #tpu.memory_space<hbm>>, %arg4: memref<32x106x96xi32, #tpu.memory_space<hbm>>, %arg5: memref<640x128xf32, #tpu.memory_space<hbm>>, %arg6: memref<20000x128xf32, #tpu.memory_space<hbm>>, %arg7: memref<10176xi32, #tpu.memory_space<vmem>>, %arg8: memref<106x96xi32, #tpu.memory_space<vmem>>, %arg9: memref<96x128xf32, #tpu.memory_space<vmem>>, %arg10: memref<96x128xf32, #tpu.memory_space<vmem>>, %arg11: memref<10128x128xf32, #tpu.memory_space<vmem_shared>>, %arg12: memref<!tpu.dma_semaphore, #tpu.memory_space<semaphore_mem>>, %arg13: memref<!tpu.dma_semaphore, #tpu.memory_space<semaphore_mem>>) attributes {dimension_semantics = [#tpu.dimension_semantics<core_parallel>, #tpu.dimension_semantics<subcore_parallel>], iteration_bounds = array<i64: 2, 16>, scalar_prefetch = 0 : i64, scratch_operands = 7 : i64, tpu.core_type = #tpu.core_type<sc_vector_subcore>, window_params = [{transform_indices = #map}, {transform_indices = #map1}, {transform_indices = #map2}, {transform_indices = #map}, {transform_indices = #map}]} {
    %mul3A = arith.constant 2 : i32
    %mul3A_0 = arith.muli %arg1, %mul3A : i32
    %add3A = arith.addi %mul3A_0, %arg0 : i32
    %lt3A = arith.constant 15 : i32
    %lt3A_1 = arith.cmpi slt, %arg1, %lt3A : i32
    %convert_element_type3A = arith.extui %lt3A_1 : i1 to i32
    %cond3A = arith.constant 0 : i32
    %cond3A_2 = arith.cmpi ne, %convert_element_type3A, %cond3A : i32
    scf.if %cond3A_2 {
      %mul3A_29 = arith.constant 640 : i32
      %mul3A_30 = arith.muli %arg1, %mul3A_29 : i32
      "tpu.region"() ({
        %run_scoped3A = tpu.sem_alloc : memref<!tpu.dma_semaphore, #tpu.memory_space<semaphore_mem>>
        %dma_start3A_31 = arith.constant 0 : i32
        %dma_start3A_32 = tpu.memref_slice %arg11[%mul3A_30, %dma_start3A_31] : memref<10128x128xf32, #tpu.memory_space<vmem_shared>> -> memref<640x128xf32, #tpu.memory_space<vmem_shared>>
        tpu.enqueue_dma source(%arg5 : memref<640x128xf32, #tpu.memory_space<hbm>>) target(%dma_start3A_32 : memref<640x128xf32, #tpu.memory_space<vmem_shared>>) target_semaphore(%run_scoped3A : memref<!tpu.dma_semaphore, #tpu.memory_space<semaphore_mem>>)
        %dma_wait3A = arith.constant 0 : i32
        %dma_wait3A_33 = tpu.memref_slice %arg11[%mul3A_30, %dma_wait3A] : memref<10128x128xf32, #tpu.memory_space<vmem_shared>> -> memref<640x128xf32, #tpu.memory_space<vmem_shared>>
        tpu.wait_dma2 semaphore(%run_scoped3A : memref<!tpu.dma_semaphore, #tpu.memory_space<semaphore_mem>>) src(%arg5 : memref<640x128xf32, #tpu.memory_space<hbm>>) dst(%dma_wait3A_33 : memref<640x128xf32, #tpu.memory_space<vmem_shared>>)
        tpu.yield
      }) : () -> ()
    } else {
    }
    %eq3A = arith.constant 15 : i32
    %eq3A_3 = arith.cmpi eq, %arg1, %eq3A : i32
    %convert_element_type3A_4 = arith.extui %eq3A_3 : i1 to i32
    %cond3A_5 = arith.constant 0 : i32
    %cond3A_6 = arith.cmpi ne, %convert_element_type3A_4, %cond3A_5 : i32
    scf.if %cond3A_6 {
      "tpu.region"() ({
        %run_scoped3A = tpu.sem_alloc : memref<!tpu.dma_semaphore, #tpu.memory_space<semaphore_mem>>
        %dma_start3A_29 = arith.constant 9600 : i32
        %dma_start3A_30 = arith.constant 0 : i32
        %dma_start3A_31 = tpu.memref_slice %arg11[%dma_start3A_29, %dma_start3A_30] : memref<10128x128xf32, #tpu.memory_space<vmem_shared>> -> memref<400x128xf32, #tpu.memory_space<vmem_shared>>
        %dma_start3A_32 = arith.constant 0 : i32
        %dma_start3A_33 = arith.constant 0 : i32
        %dma_start3A_34 = tpu.memref_slice %arg5[%dma_start3A_32, %dma_start3A_33] : memref<640x128xf32, #tpu.memory_space<hbm>> -> memref<400x128xf32, #tpu.memory_space<hbm>>
        tpu.enqueue_dma source(%dma_start3A_34 : memref<400x128xf32, #tpu.memory_space<hbm>>) target(%dma_start3A_31 : memref<400x128xf32, #tpu.memory_space<vmem_shared>>) target_semaphore(%run_scoped3A : memref<!tpu.dma_semaphore, #tpu.memory_space<semaphore_mem>>)
        %dma_wait3A = arith.constant 9600 : i32
        %dma_wait3A_35 = arith.constant 0 : i32
        %dma_wait3A_36 = tpu.memref_slice %arg11[%dma_wait3A, %dma_wait3A_35] : memref<10128x128xf32, #tpu.memory_space<vmem_shared>> -> memref<400x128xf32, #tpu.memory_space<vmem_shared>>
        %dma_wait3A_37 = arith.constant 0 : i32
        %dma_wait3A_38 = arith.constant 0 : i32
        %dma_wait3A_39 = tpu.memref_slice %arg5[%dma_wait3A_37, %dma_wait3A_38] : memref<640x128xf32, #tpu.memory_space<hbm>> -> memref<400x128xf32, #tpu.memory_space<hbm>>
        tpu.wait_dma2 semaphore(%run_scoped3A : memref<!tpu.dma_semaphore, #tpu.memory_space<semaphore_mem>>) src(%dma_wait3A_39 : memref<400x128xf32, #tpu.memory_space<hbm>>) dst(%dma_wait3A_36 : memref<400x128xf32, #tpu.memory_space<vmem_shared>>)
        tpu.yield
      }) : () -> ()
    } else {
    }
    %mul3A_7 = arith.constant 10176 : i32
    %mul3A_8 = arith.muli %add3A, %mul3A_7 : i32
    "tpu.region"() ({
      %run_scoped3A = tpu.sem_alloc : memref<!tpu.dma_semaphore, #tpu.memory_space<semaphore_mem>>
      %dma_start3A_29 = tpu.memref_slice %arg3[%mul3A_8] : memref<325632xi32, #tpu.memory_space<hbm>> -> memref<10176xi32, #tpu.memory_space<hbm>>
      %dma_start3A_30 = tpu.memref_slice %arg3[%mul3A_8] : memref<325632xi32, #tpu.memory_space<hbm>> -> memref<10176xi32, #tpu.memory_space<hbm>>
      tpu.enqueue_dma source(%dma_start3A_30 : memref<10176xi32, #tpu.memory_space<hbm>>) target(%arg7 : memref<10176xi32, #tpu.memory_space<vmem>>) target_semaphore(%run_scoped3A : memref<!tpu.dma_semaphore, #tpu.memory_space<semaphore_mem>>)
      %dma_wait3A = tpu.memref_slice %arg3[%mul3A_8] : memref<325632xi32, #tpu.memory_space<hbm>> -> memref<10176xi32, #tpu.memory_space<hbm>>
      %dma_wait3A_31 = tpu.memref_slice %arg3[%mul3A_8] : memref<325632xi32, #tpu.memory_space<hbm>> -> memref<10176xi32, #tpu.memory_space<hbm>>
      tpu.wait_dma2 semaphore(%run_scoped3A : memref<!tpu.dma_semaphore, #tpu.memory_space<semaphore_mem>>) src(%dma_wait3A_31 : memref<10176xi32, #tpu.memory_space<hbm>>) dst(%arg7 : memref<10176xi32, #tpu.memory_space<vmem>>)
      tpu.yield
    }) : () -> ()
    "tpu.region"() ({
      %run_scoped3A = tpu.sem_alloc : memref<!tpu.dma_semaphore, #tpu.memory_space<semaphore_mem>>
      %dma_start3A_29 = arith.constant 0 : i32
      %dma_start3A_30 = arith.constant 0 : i32
      %dma_start3A_31 = tpu.memref_slice %arg4[%add3A, %dma_start3A_29, %dma_start3A_30] : memref<32x106x96xi32, #tpu.memory_space<hbm>> -> memref<1x106x96xi32, #tpu.memory_space<hbm>>
      %dma_start3A_32 = tpu.memref_squeeze %dma_start3A_31 : memref<1x106x96xi32, #tpu.memory_space<hbm>> -> memref<106x96xi32, #tpu.memory_space<hbm>>
      %dma_start3A_33 = arith.constant 0 : i32
      %dma_start3A_34 = arith.constant 0 : i32
      %dma_start3A_35 = tpu.memref_slice %arg4[%add3A, %dma_start3A_33, %dma_start3A_34] : memref<32x106x96xi32, #tpu.memory_space<hbm>> -> memref<1x106x96xi32, #tpu.memory_space<hbm>>
      %dma_start3A_36 = tpu.memref_squeeze %dma_start3A_35 : memref<1x106x96xi32, #tpu.memory_space<hbm>> -> memref<106x96xi32, #tpu.memory_space<hbm>>
      tpu.enqueue_dma source(%dma_start3A_36 : memref<106x96xi32, #tpu.memory_space<hbm>>) target(%arg8 : memref<106x96xi32, #tpu.memory_space<vmem>>) target_semaphore(%run_scoped3A : memref<!tpu.dma_semaphore, #tpu.memory_space<semaphore_mem>>)
      %dma_wait3A = arith.constant 0 : i32
      %dma_wait3A_37 = arith.constant 0 : i32
      %dma_wait3A_38 = tpu.memref_slice %arg4[%add3A, %dma_wait3A, %dma_wait3A_37] : memref<32x106x96xi32, #tpu.memory_space<hbm>> -> memref<1x106x96xi32, #tpu.memory_space<hbm>>
      %dma_wait3A_39 = tpu.memref_squeeze %dma_wait3A_38 : memref<1x106x96xi32, #tpu.memory_space<hbm>> -> memref<106x96xi32, #tpu.memory_space<hbm>>
      %dma_wait3A_40 = arith.constant 0 : i32
      %dma_wait3A_41 = arith.constant 0 : i32
      %dma_wait3A_42 = tpu.memref_slice %arg4[%add3A, %dma_wait3A_40, %dma_wait3A_41] : memref<32x106x96xi32, #tpu.memory_space<hbm>> -> memref<1x106x96xi32, #tpu.memory_space<hbm>>
      %dma_wait3A_43 = tpu.memref_squeeze %dma_wait3A_42 : memref<1x106x96xi32, #tpu.memory_space<hbm>> -> memref<106x96xi32, #tpu.memory_space<hbm>>
      tpu.wait_dma2 semaphore(%run_scoped3A : memref<!tpu.dma_semaphore, #tpu.memory_space<semaphore_mem>>) src(%dma_wait3A_43 : memref<106x96xi32, #tpu.memory_space<hbm>>) dst(%arg8 : memref<106x96xi32, #tpu.memory_space<vmem>>)
      tpu.yield
    }) : () -> ()
    %barrier3A = arith.constant 0 : index
    tpu.barrier barrier_id(%barrier3A)
    %dma_start3A = arith.constant 0 : i32
    %dma_start3A_9 = tpu.memref_slice %arg7[%dma_start3A] : memref<10176xi32, #tpu.memory_space<vmem>> -> memref<96xi32, #tpu.memory_space<vmem>>
    %dma_start3A_10 = arith.constant 0 : i32
    %dma_start3A_11 = arith.constant 0 : i32
    %dma_start3A_12 = tpu.memref_slice %arg2[%dma_start3A_10, %dma_start3A_11] : memref<10000x128xf32, #tpu.memory_space<hbm>> -> memref<10000x128xf32, #tpu.memory_space<hbm>>
    tpu.enqueue_indirect_dma source(%dma_start3A_12 : memref<10000x128xf32, #tpu.memory_space<hbm>>) target(%arg9 : memref<96x128xf32, #tpu.memory_space<vmem>>) offsets(%dma_start3A_9 : memref<96xi32, #tpu.memory_space<vmem>>) semaphore(%arg12 : memref<!tpu.dma_semaphore, #tpu.memory_space<semaphore_mem>>)
    %scan3A = arith.constant 0 : i32
    %scan3A_13 = arith.constant 0 : i32
    %scan3A_14 = arith.constant 53 : i32
    %scan3A_15 = arith.addi %scan3A_13, %scan3A_14 : i32
    %scan3A_16 = arith.constant 1 : i32
    scf.for %scan3A_29 = %scan3A_13 to %scan3A_15 step %scan3A_16  : i32 {
      %mul3A_30 = arith.constant 2 : i32
      %mul3A_31 = arith.muli %mul3A_30, %scan3A_29 : i32
      %add3A_32 = arith.constant 1 : i32
      %add3A_33 = arith.addi %mul3A_31, %add3A_32 : i32
      %mul3A_34 = arith.constant 96 : i32
      %mul3A_35 = arith.muli %add3A_33, %mul3A_34 : i32
      %dma_start3A_36 = tpu.memref_slice %arg7[%mul3A_35] : memref<10176xi32, #tpu.memory_space<vmem>> -> memref<96xi32, #tpu.memory_space<vmem>>
      %dma_start3A_37 = arith.constant 0 : i32
      %dma_start3A_38 = arith.constant 0 : i32
      %dma_start3A_39 = tpu.memref_slice %arg2[%dma_start3A_37, %dma_start3A_38] : memref<10000x128xf32, #tpu.memory_space<hbm>> -> memref<10000x128xf32, #tpu.memory_space<hbm>>
      tpu.enqueue_indirect_dma source(%dma_start3A_39 : memref<10000x128xf32, #tpu.memory_space<hbm>>) target(%arg10 : memref<96x128xf32, #tpu.memory_space<vmem>>) offsets(%dma_start3A_36 : memref<96xi32, #tpu.memory_space<vmem>>) semaphore(%arg13 : memref<!tpu.dma_semaphore, #tpu.memory_space<semaphore_mem>>)
      %mul3A_40 = arith.constant 96 : i32
      %mul3A_41 = arith.muli %mul3A_31, %mul3A_40 : i32
      %dma_wait3A = tpu.memref_slice %arg7[%mul3A_41] : memref<10176xi32, #tpu.memory_space<vmem>> -> memref<96xi32, #tpu.memory_space<vmem>>
      %dma_wait3A_42 = arith.constant 0 : i32
      %dma_wait3A_43 = arith.constant 0 : i32
      %dma_wait3A_44 = tpu.memref_slice %arg2[%dma_wait3A_42, %dma_wait3A_43] : memref<10000x128xf32, #tpu.memory_space<hbm>> -> memref<10000x128xf32, #tpu.memory_space<hbm>>
      tpu.wait_indirect_dma semaphore(%arg12 : memref<!tpu.dma_semaphore, #tpu.memory_space<semaphore_mem>>) src(%dma_wait3A_44 : memref<10000x128xf32, #tpu.memory_space<hbm>>) dst(%arg9 : memref<96x128xf32, #tpu.memory_space<vmem>>)
      "tpu.region"() ({
        %run_scoped3A = tpu.sem_alloc : memref<!tpu.dma_semaphore, #tpu.memory_space<semaphore_mem>>
        %dma_start3A_60 = arith.constant 0 : i32
        %dma_start3A_61 = tpu.memref_slice %arg8[%mul3A_31, %dma_start3A_60] : memref<106x96xi32, #tpu.memory_space<vmem>> -> memref<1x96xi32, #tpu.memory_space<vmem>>
        %dma_start3A_62 = tpu.memref_squeeze %dma_start3A_61 : memref<1x96xi32, #tpu.memory_space<vmem>> -> memref<96xi32, #tpu.memory_space<vmem>>
        %dma_start3A_63 = arith.constant 0 : i32
        %dma_start3A_64 = arith.constant 0 : i32
        %dma_start3A_65 = tpu.memref_slice %arg11[%dma_start3A_63, %dma_start3A_64] : memref<10128x128xf32, #tpu.memory_space<vmem_shared>> -> memref<10128x128xf32, #tpu.memory_space<vmem_shared>>
        tpu.enqueue_indirect_dma source(%arg9 : memref<96x128xf32, #tpu.memory_space<vmem>>) target(%dma_start3A_65 : memref<10128x128xf32, #tpu.memory_space<vmem_shared>>) offsets(%dma_start3A_62 : memref<96xi32, #tpu.memory_space<vmem>>) semaphore(%run_scoped3A : memref<!tpu.dma_semaphore, #tpu.memory_space<semaphore_mem>>) {add = true}
        %dma_wait3A_66 = arith.constant 0 : i32
        %dma_wait3A_67 = tpu.memref_slice %arg8[%mul3A_31, %dma_wait3A_66] : memref<106x96xi32, #tpu.memory_space<vmem>> -> memref<1x96xi32, #tpu.memory_space<vmem>>
        %dma_wait3A_68 = tpu.memref_squeeze %dma_wait3A_67 : memref<1x96xi32, #tpu.memory_space<vmem>> -> memref<96xi32, #tpu.memory_space<vmem>>
        %dma_wait3A_69 = arith.constant 0 : i32
        %dma_wait3A_70 = arith.constant 0 : i32
        %dma_wait3A_71 = tpu.memref_slice %arg11[%dma_wait3A_69, %dma_wait3A_70] : memref<10128x128xf32, #tpu.memory_space<vmem_shared>> -> memref<10128x128xf32, #tpu.memory_space<vmem_shared>>
        tpu.wait_indirect_dma semaphore(%run_scoped3A : memref<!tpu.dma_semaphore, #tpu.memory_space<semaphore_mem>>) src(%arg9 : memref<96x128xf32, #tpu.memory_space<vmem>>) dst(%dma_wait3A_71 : memref<10128x128xf32, #tpu.memory_space<vmem_shared>>)
        tpu.yield
      }) : () -> ()
      %lt3A_45 = arith.constant 52 : i32
      %lt3A_46 = arith.cmpi slt, %scan3A_29, %lt3A_45 : i32
      %convert_element_type3A_47 = arith.extui %lt3A_46 : i1 to i32
      %cond3A_48 = arith.constant 0 : i32
      %cond3A_49 = arith.cmpi ne, %convert_element_type3A_47, %cond3A_48 : i32
      scf.if %cond3A_49 {
        %add3A_60 = arith.constant 2 : i32
        %add3A_61 = arith.addi %mul3A_31, %add3A_60 : i32
        %mul3A_62 = arith.constant 96 : i32
        %mul3A_63 = arith.muli %add3A_61, %mul3A_62 : i32
        %dma_start3A_64 = tpu.memref_slice %arg7[%mul3A_63] : memref<10176xi32, #tpu.memory_space<vmem>> -> memref<96xi32, #tpu.memory_space<vmem>>
        %dma_start3A_65 = arith.constant 0 : i32
        %dma_start3A_66 = arith.constant 0 : i32
        %dma_start3A_67 = tpu.memref_slice %arg2[%dma_start3A_65, %dma_start3A_66] : memref<10000x128xf32, #tpu.memory_space<hbm>> -> memref<10000x128xf32, #tpu.memory_space<hbm>>
        tpu.enqueue_indirect_dma source(%dma_start3A_67 : memref<10000x128xf32, #tpu.memory_space<hbm>>) target(%arg9 : memref<96x128xf32, #tpu.memory_space<vmem>>) offsets(%dma_start3A_64 : memref<96xi32, #tpu.memory_space<vmem>>) semaphore(%arg12 : memref<!tpu.dma_semaphore, #tpu.memory_space<semaphore_mem>>)
      } else {
      }
      %add3A_50 = arith.constant 1 : i32
      %add3A_51 = arith.addi %mul3A_31, %add3A_50 : i32
      %mul3A_52 = arith.constant 96 : i32
      %mul3A_53 = arith.muli %add3A_51, %mul3A_52 : i32
      %dma_wait3A_54 = tpu.memref_slice %arg7[%mul3A_53] : memref<10176xi32, #tpu.memory_space<vmem>> -> memref<96xi32, #tpu.memory_space<vmem>>
      %dma_wait3A_55 = arith.constant 0 : i32
      %dma_wait3A_56 = arith.constant 0 : i32
      %dma_wait3A_57 = tpu.memref_slice %arg2[%dma_wait3A_55, %dma_wait3A_56] : memref<10000x128xf32, #tpu.memory_space<hbm>> -> memref<10000x128xf32, #tpu.memory_space<hbm>>
      tpu.wait_indirect_dma semaphore(%arg13 : memref<!tpu.dma_semaphore, #tpu.memory_space<semaphore_mem>>) src(%dma_wait3A_57 : memref<10000x128xf32, #tpu.memory_space<hbm>>) dst(%arg10 : memref<96x128xf32, #tpu.memory_space<vmem>>)
      %add3A_58 = arith.constant 1 : i32
      %add3A_59 = arith.addi %mul3A_31, %add3A_58 : i32
      "tpu.region"() ({
        %run_scoped3A = tpu.sem_alloc : memref<!tpu.dma_semaphore, #tpu.memory_space<semaphore_mem>>
        %dma_start3A_60 = arith.constant 0 : i32
        %dma_start3A_61 = tpu.memref_slice %arg8[%add3A_59, %dma_start3A_60] : memref<106x96xi32, #tpu.memory_space<vmem>> -> memref<1x96xi32, #tpu.memory_space<vmem>>
        %dma_start3A_62 = tpu.memref_squeeze %dma_start3A_61 : memref<1x96xi32, #tpu.memory_space<vmem>> -> memref<96xi32, #tpu.memory_space<vmem>>
        %dma_start3A_63 = arith.constant 0 : i32
        %dma_start3A_64 = arith.constant 0 : i32
        %dma_start3A_65 = tpu.memref_slice %arg11[%dma_start3A_63, %dma_start3A_64] : memref<10128x128xf32, #tpu.memory_space<vmem_shared>> -> memref<10128x128xf32, #tpu.memory_space<vmem_shared>>
        tpu.enqueue_indirect_dma source(%arg10 : memref<96x128xf32, #tpu.memory_space<vmem>>) target(%dma_start3A_65 : memref<10128x128xf32, #tpu.memory_space<vmem_shared>>) offsets(%dma_start3A_62 : memref<96xi32, #tpu.memory_space<vmem>>) semaphore(%run_scoped3A : memref<!tpu.dma_semaphore, #tpu.memory_space<semaphore_mem>>) {add = true}
        %dma_wait3A_66 = arith.constant 0 : i32
        %dma_wait3A_67 = tpu.memref_slice %arg8[%add3A_59, %dma_wait3A_66] : memref<106x96xi32, #tpu.memory_space<vmem>> -> memref<1x96xi32, #tpu.memory_space<vmem>>
        %dma_wait3A_68 = tpu.memref_squeeze %dma_wait3A_67 : memref<1x96xi32, #tpu.memory_space<vmem>> -> memref<96xi32, #tpu.memory_space<vmem>>
        %dma_wait3A_69 = arith.constant 0 : i32
        %dma_wait3A_70 = arith.constant 0 : i32
        %dma_wait3A_71 = tpu.memref_slice %arg11[%dma_wait3A_69, %dma_wait3A_70] : memref<10128x128xf32, #tpu.memory_space<vmem_shared>> -> memref<10128x128xf32, #tpu.memory_space<vmem_shared>>
        tpu.wait_indirect_dma semaphore(%run_scoped3A : memref<!tpu.dma_semaphore, #tpu.memory_space<semaphore_mem>>) src(%arg10 : memref<96x128xf32, #tpu.memory_space<vmem>>) dst(%dma_wait3A_71 : memref<10128x128xf32, #tpu.memory_space<vmem_shared>>)
        tpu.yield
      }) : () -> ()
    }
    %scan3A_17 = arith.constant 53 : i32
    %barrier3A_18 = arith.constant 0 : index
    tpu.barrier barrier_id(%barrier3A_18)
    %lt3A_19 = arith.constant 15 : i32
    %lt3A_20 = arith.cmpi slt, %arg1, %lt3A_19 : i32
    %convert_element_type3A_21 = arith.extui %lt3A_20 : i1 to i32
    %cond3A_22 = arith.constant 0 : i32
    %cond3A_23 = arith.cmpi ne, %convert_element_type3A_21, %cond3A_22 : i32
    scf.if %cond3A_23 {
      %mul3A_29 = arith.constant 640 : i32
      %mul3A_30 = arith.muli %arg1, %mul3A_29 : i32
      %mul3A_31 = arith.constant 10000 : i32
      %mul3A_32 = arith.muli %arg0, %mul3A_31 : i32
      %mul3A_33 = arith.constant 640 : i32
      %mul3A_34 = arith.muli %arg1, %mul3A_33 : i32
      %add3A_35 = arith.addi %mul3A_32, %mul3A_34 : i32
      "tpu.region"() ({
        %run_scoped3A = tpu.sem_alloc : memref<!tpu.dma_semaphore, #tpu.memory_space<semaphore_mem>>
        %dma_start3A_36 = arith.constant 0 : i32
        %dma_start3A_37 = tpu.memref_slice %arg6[%add3A_35, %dma_start3A_36] : memref<20000x128xf32, #tpu.memory_space<hbm>> -> memref<640x128xf32, #tpu.memory_space<hbm>>
        %dma_start3A_38 = arith.constant 0 : i32
        %dma_start3A_39 = tpu.memref_slice %arg11[%mul3A_30, %dma_start3A_38] : memref<10128x128xf32, #tpu.memory_space<vmem_shared>> -> memref<640x128xf32, #tpu.memory_space<vmem_shared>>
        tpu.enqueue_dma source(%dma_start3A_39 : memref<640x128xf32, #tpu.memory_space<vmem_shared>>) target(%dma_start3A_37 : memref<640x128xf32, #tpu.memory_space<hbm>>) target_semaphore(%run_scoped3A : memref<!tpu.dma_semaphore, #tpu.memory_space<semaphore_mem>>)
        %dma_wait3A = arith.constant 0 : i32
        %dma_wait3A_40 = tpu.memref_slice %arg6[%add3A_35, %dma_wait3A] : memref<20000x128xf32, #tpu.memory_space<hbm>> -> memref<640x128xf32, #tpu.memory_space<hbm>>
        %dma_wait3A_41 = arith.constant 0 : i32
        %dma_wait3A_42 = tpu.memref_slice %arg11[%mul3A_30, %dma_wait3A_41] : memref<10128x128xf32, #tpu.memory_space<vmem_shared>> -> memref<640x128xf32, #tpu.memory_space<vmem_shared>>
        tpu.wait_dma2 semaphore(%run_scoped3A : memref<!tpu.dma_semaphore, #tpu.memory_space<semaphore_mem>>) src(%dma_wait3A_42 : memref<640x128xf32, #tpu.memory_space<vmem_shared>>) dst(%dma_wait3A_40 : memref<640x128xf32, #tpu.memory_space<hbm>>)
        tpu.yield
      }) : () -> ()
    } else {
    }
    %eq3A_24 = arith.constant 15 : i32
    %eq3A_25 = arith.cmpi eq, %arg1, %eq3A_24 : i32
    %convert_element_type3A_26 = arith.extui %eq3A_25 : i1 to i32
    %cond3A_27 = arith.constant 0 : i32
    %cond3A_28 = arith.cmpi ne, %convert_element_type3A_26, %cond3A_27 : i32
    scf.if %cond3A_28 {
      %mul3A_29 = arith.constant 10000 : i32
      %mul3A_30 = arith.muli %arg0, %mul3A_29 : i32
      %add3A_31 = arith.constant 9600 : i32
      %add3A_32 = arith.addi %mul3A_30, %add3A_31 : i32
      "tpu.region"() ({
        %run_scoped3A = tpu.sem_alloc : memref<!tpu.dma_semaphore, #tpu.memory_space<semaphore_mem>>
        %dma_start3A_33 = arith.constant 0 : i32
        %dma_start3A_34 = tpu.memref_slice %arg6[%add3A_32, %dma_start3A_33] : memref<20000x128xf32, #tpu.memory_space<hbm>> -> memref<400x128xf32, #tpu.memory_space<hbm>>
        %dma_start3A_35 = arith.constant 9600 : i32
        %dma_start3A_36 = arith.constant 0 : i32
        %dma_start3A_37 = tpu.memref_slice %arg11[%dma_start3A_35, %dma_start3A_36] : memref<10128x128xf32, #tpu.memory_space<vmem_shared>> -> memref<400x128xf32, #tpu.memory_space<vmem_shared>>
        tpu.enqueue_dma source(%dma_start3A_37 : memref<400x128xf32, #tpu.memory_space<vmem_shared>>) target(%dma_start3A_34 : memref<400x128xf32, #tpu.memory_space<hbm>>) target_semaphore(%run_scoped3A : memref<!tpu.dma_semaphore, #tpu.memory_space<semaphore_mem>>)
        %dma_wait3A = arith.constant 0 : i32
        %dma_wait3A_38 = tpu.memref_slice %arg6[%add3A_32, %dma_wait3A] : memref<20000x128xf32, #tpu.memory_space<hbm>> -> memref<400x128xf32, #tpu.memory_space<hbm>>
        %dma_wait3A_39 = arith.constant 9600 : i32
        %dma_wait3A_40 = arith.constant 0 : i32
        %dma_wait3A_41 = tpu.memref_slice %arg11[%dma_wait3A_39, %dma_wait3A_40] : memref<10128x128xf32, #tpu.memory_space<vmem_shared>> -> memref<400x128xf32, #tpu.memory_space<vmem_shared>>
        tpu.wait_dma2 semaphore(%run_scoped3A : memref<!tpu.dma_semaphore, #tpu.memory_space<semaphore_mem>>) src(%dma_wait3A_41 : memref<400x128xf32, #tpu.memory_space<vmem_shared>>) dst(%dma_wait3A_38 : memref<400x128xf32, #tpu.memory_space<hbm>>)
        tpu.yield
      }) : () -> ()
    } else {
    }
    return
  }
}

module attributes {stable_mosaic.version = 14 : i64} {
  func.func @_tc2_body(%arg0: memref<10000x128xf32, #tpu.memory_space<vmem>>, %arg1: memref<20000x128xf32, #tpu.memory_space<vmem>>, %arg2: memref<64x128xf32, #tpu.memory_space<vmem>>, %arg3: memref<1x64xf32, #tpu.memory_space<vmem>>, %arg4: memref<64x64xf32, #tpu.memory_space<vmem>>, %arg5: memref<1x64xf32, #tpu.memory_space<vmem>>, %arg6: memref<1x64xf32, #tpu.memory_space<vmem>>, %arg7: memref<1x64xf32, #tpu.memory_space<vmem>>, %arg8: memref<10000x128xf32, #tpu.memory_space<vmem>>) attributes {dimension_semantics = [], scalar_prefetch = 0 : i64, scratch_operands = 0 : i64, tpu.core_type = #tpu.core_type<tc>} {
    %get3A = arith.constant 0 : index
    %get3A_0 = arith.constant 0 : index
    %get3A_1 = vector.load %arg0[%get3A, %get3A_0] : memref<10000x128xf32, #tpu.memory_space<vmem>>, vector<10000x128xf32>
    %get3A_2 = arith.constant 0 : index
    %get3A_3 = arith.constant 0 : index
    %get3A_4 = vector.load %arg1[%get3A_2, %get3A_3] : memref<20000x128xf32, #tpu.memory_space<vmem>>, vector<10000x128xf32>
    %add3A = arith.addf %get3A_1, %get3A_4 : vector<10000x128xf32>
    %get3A_5 = arith.constant 10000 : index
    %get3A_6 = arith.constant 0 : index
    %get3A_7 = vector.load %arg1[%get3A_5, %get3A_6] : memref<20000x128xf32, #tpu.memory_space<vmem>>, vector<10000x128xf32>
    %add3A_8 = arith.addf %add3A, %get3A_7 : vector<10000x128xf32>
    %get3A_9 = arith.constant 0 : index
    %get3A_10 = arith.constant 0 : index
    %get3A_11 = vector.load %arg2[%get3A_9, %get3A_10] : memref<64x128xf32, #tpu.memory_space<vmem>>, vector<64x128xf32>
    %convert_element_type3A = arith.truncf %add3A_8 : vector<10000x128xf32> to vector<10000x128xbf16>
    %convert_element_type3A_12 = arith.truncf %get3A_11 : vector<64x128xf32> to vector<64x128xbf16>
    %dot_general3A = arith.constant dense<0.000000e+00> : vector<10000x64xf32>
    %dot_general3A_13 = tpu.matmul %convert_element_type3A, %convert_element_type3A_12, %dot_general3A {dimension_numbers = #tpu.dot_dimension_numbers<[1], [1], [0], [0], [0, 0, 1, 0], [], []>, transpose_lhs_hint = false} : vector<10000x128xbf16>, vector<64x128xbf16>, vector<10000x64xf32> -> vector<10000x64xf32>
    %get3A_14 = arith.constant 0 : index
    %get3A_15 = arith.constant 0 : index
    %get3A_16 = vector.load %arg3[%get3A_14, %get3A_15] : memref<1x64xf32, #tpu.memory_space<vmem>>, vector<1x64xf32>
    %add3A_17 = vector.broadcast %get3A_16 : vector<1x64xf32> to vector<10000x64xf32>
    %add3A_18 = arith.addf %dot_general3A_13, %add3A_17 : vector<10000x64xf32>
    %ge3A = arith.constant 0.000000e+00 : f32
    %ge3A_19 = vector.broadcast %ge3A : f32 to vector<10000x64xf32>
    %ge3A_20 = arith.cmpf oge, %add3A_18, %ge3A_19 : vector<10000x64xf32>
    %mul3A = arith.constant 0.00999999977 : f32
    %mul3A_21 = vector.broadcast %mul3A : f32 to vector<10000x64xf32>
    %mul3A_22 = arith.mulf %mul3A_21, %add3A_18 : vector<10000x64xf32>
    %select_n3A = arith.select %ge3A_20, %add3A_18, %mul3A_22 : vector<10000x64xi1>, vector<10000x64xf32>
    %get3A_23 = arith.constant 0 : index
    %get3A_24 = arith.constant 0 : index
    %get3A_25 = vector.load %arg4[%get3A_23, %get3A_24] : memref<64x64xf32, #tpu.memory_space<vmem>>, vector<64x64xf32>
    %convert_element_type3A_26 = arith.truncf %select_n3A : vector<10000x64xf32> to vector<10000x64xbf16>
    %convert_element_type3A_27 = arith.truncf %get3A_25 : vector<64x64xf32> to vector<64x64xbf16>
    %dot_general3A_28 = arith.constant dense<0.000000e+00> : vector<10000x64xf32>
    %dot_general3A_29 = tpu.matmul %convert_element_type3A_26, %convert_element_type3A_27, %dot_general3A_28 {dimension_numbers = #tpu.dot_dimension_numbers<[1], [1], [0], [0], [0, 0, 1, 0], [], []>, transpose_lhs_hint = false} : vector<10000x64xbf16>, vector<64x64xbf16>, vector<10000x64xf32> -> vector<10000x64xf32>
    %get3A_30 = arith.constant 0 : index
    %get3A_31 = arith.constant 0 : index
    %get3A_32 = vector.load %arg5[%get3A_30, %get3A_31] : memref<1x64xf32, #tpu.memory_space<vmem>>, vector<1x64xf32>
    %add3A_33 = vector.broadcast %get3A_32 : vector<1x64xf32> to vector<10000x64xf32>
    %add3A_34 = arith.addf %dot_general3A_29, %add3A_33 : vector<10000x64xf32>
    %get3A_35 = arith.constant 0 : index
    %get3A_36 = arith.constant 0 : index
    %get3A_37 = vector.load %arg6[%get3A_35, %get3A_36] : memref<1x64xf32, #tpu.memory_space<vmem>>, vector<1x64xf32>
    %get3A_38 = arith.constant 0 : index
    %get3A_39 = arith.constant 0 : index
    %get3A_40 = vector.load %arg7[%get3A_38, %get3A_39] : memref<1x64xf32, #tpu.memory_space<vmem>>, vector<1x64xf32>
    %reduce_sum3A = arith.constant dense<0.000000e+00> : vector<64xf32>
    %reduce_sum3A_41 = vector.multi_reduction <add>, %add3A_34, %reduce_sum3A [0] : vector<10000x64xf32> to vector<64xf32>
    %div3A = arith.constant 1.000000e+04 : f32
    %div3A_42 = vector.broadcast %div3A : f32 to vector<64xf32>
    %div3A_43 = arith.divf %reduce_sum3A_41, %div3A_42 : vector<64xf32>
    %jit3A = arith.constant 0 : i32
    %reduce_sum3A_44 = arith.constant dense<0.000000e+00> : vector<64xf32>
    %reduce_sum3A_45 = vector.multi_reduction <add>, %add3A_34, %reduce_sum3A_44 [0] : vector<10000x64xf32> to vector<64xf32>
    %broadcast_in_dim3A = vector.shape_cast %reduce_sum3A_45 : vector<64xf32> to vector<1x64xf32>
    %div3A_46 = arith.constant 1.000000e+04 : f32
    %div3A_47 = vector.broadcast %div3A_46 : f32 to vector<1x64xf32>
    %div3A_48 = arith.divf %broadcast_in_dim3A, %div3A_47 : vector<1x64xf32>
    %sub3A = vector.broadcast %div3A_48 : vector<1x64xf32> to vector<10000x64xf32>
    %sub3A_49 = arith.subf %add3A_34, %sub3A : vector<10000x64xf32>
    %square3A = arith.mulf %sub3A_49, %sub3A_49 : vector<10000x64xf32>
    %convert_element_type3A_50 = arith.sitofp %jit3A : i32 to f32
    %sub3A_51 = arith.constant 1.000000e+04 : f32
    %sub3A_52 = arith.subf %sub3A_51, %convert_element_type3A_50 : f32
    %reduce_sum3A_53 = arith.constant dense<0.000000e+00> : vector<64xf32>
    %reduce_sum3A_54 = vector.multi_reduction <add>, %square3A, %reduce_sum3A_53 [0] : vector<10000x64xf32> to vector<64xf32>
    %div3A_55 = vector.broadcast %sub3A_52 : f32 to vector<64xf32>
    %div3A_56 = arith.divf %reduce_sum3A_54, %div3A_55 : vector<64xf32>
    %gt3A = arith.constant 0.000000e+00 : f32
    %gt3A_57 = arith.cmpf ogt, %sub3A_52, %gt3A : f32
    %jit3A_58 = arith.constant 0x7FC00000 : f32
    %broadcast_in_dim3A_59 = vector.broadcast %jit3A_58 : f32 to vector<64xf32>
    %select_n3A_60 = arith.select %gt3A_57, %div3A_56, %broadcast_in_dim3A_59 : vector<64xf32>
    %broadcast_in_dim3A_61 = vector.shape_cast %div3A_43 : vector<64xf32> to vector<1x64xf32>
    %sub3A_62 = vector.broadcast %broadcast_in_dim3A_61 : vector<1x64xf32> to vector<10000x64xf32>
    %sub3A_63 = arith.subf %add3A_34, %sub3A_62 : vector<10000x64xf32>
    %add3A_64 = arith.constant 9.99999974E-5 : f32
    %add3A_65 = vector.broadcast %add3A_64 : f32 to vector<64xf32>
    %add3A_66 = arith.addf %select_n3A_60, %add3A_65 : vector<64xf32>
    %sqrt3A = math.sqrt %add3A_66 : vector<64xf32>
    %broadcast_in_dim3A_67 = vector.shape_cast %sqrt3A : vector<64xf32> to vector<1x64xf32>
    %div3A_68 = vector.broadcast %broadcast_in_dim3A_67 : vector<1x64xf32> to vector<10000x64xf32>
    %div3A_69 = arith.divf %sub3A_63, %div3A_68 : vector<10000x64xf32>
    %mul3A_70 = vector.broadcast %get3A_37 : vector<1x64xf32> to vector<10000x64xf32>
    %mul3A_71 = arith.mulf %div3A_69, %mul3A_70 : vector<10000x64xf32>
    %add3A_72 = vector.broadcast %get3A_40 : vector<1x64xf32> to vector<10000x64xf32>
    %add3A_73 = arith.addf %mul3A_71, %add3A_72 : vector<10000x64xf32>
    %broadcast_in_dim3A_74 = arith.constant 0.000000e+00 : f32
    %broadcast_in_dim3A_75 = vector.broadcast %broadcast_in_dim3A_74 : f32 to vector<10000x64xf32>
    %concatenate3A = tpu.concatenate %add3A_73, %broadcast_in_dim3A_75 in 1 : vector<10000x64xf32>, vector<10000x64xf32> -> vector<10000x128xf32>
    %swap3A = arith.constant 0 : index
    %swap3A_76 = arith.constant 0 : index
    %swap3A_77 = vector.load %arg8[%swap3A, %swap3A_76] : memref<10000x128xf32, #tpu.memory_space<vmem>>, vector<10000x128xf32>
    tpu.vector_store %arg8[%swap3A, %swap3A_76], %concatenate3A {strides = array<i32>} : memref<10000x128xf32, #tpu.memory_space<vmem>>, vector<10000x128xf32>,
    return
  }
}

module attributes {stable_mosaic.version = 14 : i64} {
  func.func @_tc3_body(%arg0: memref<10000x128xf32, #tpu.memory_space<vmem>>, %arg1: memref<20000x128xf32, #tpu.memory_space<vmem>>, %arg2: memref<64x64xf32, #tpu.memory_space<vmem>>, %arg3: memref<1x64xf32, #tpu.memory_space<vmem>>, %arg4: memref<64x64xf32, #tpu.memory_space<vmem>>, %arg5: memref<1x64xf32, #tpu.memory_space<vmem>>, %arg6: memref<1x64xf32, #tpu.memory_space<vmem>>, %arg7: memref<1x64xf32, #tpu.memory_space<vmem>>, %arg8: memref<128x128xf32, #tpu.memory_space<vmem>>, %arg9: memref<1x128xf32, #tpu.memory_space<vmem>>, %arg10: memref<128x128xf32, #tpu.memory_space<vmem>>, %arg11: memref<1x128xf32, #tpu.memory_space<vmem>>, %arg12: memref<128x128xf32, #tpu.memory_space<vmem>>, %arg13: memref<1x128xf32, #tpu.memory_space<vmem>>, %arg14: memref<128x128xf32, #tpu.memory_space<vmem>>, %arg15: memref<1x128xf32, #tpu.memory_space<vmem>>, %arg16: memref<10000x128xf32, #tpu.memory_space<vmem>>) attributes {dimension_semantics = [], scalar_prefetch = 0 : i64, scratch_operands = 0 : i64, tpu.core_type = #tpu.core_type<tc>} {
    %get3A = arith.constant 0 : index
    %get3A_0 = arith.constant 0 : index
    %get3A_1 = vector.load %arg0[%get3A, %get3A_0] : memref<10000x128xf32, #tpu.memory_space<vmem>>, vector<10000x64xf32>
    %get3A_2 = arith.constant 0 : index
    %get3A_3 = arith.constant 0 : index
    %get3A_4 = vector.load %arg1[%get3A_2, %get3A_3] : memref<20000x128xf32, #tpu.memory_space<vmem>>, vector<10000x64xf32>
    %add3A = arith.addf %get3A_1, %get3A_4 : vector<10000x64xf32>
    %get3A_5 = arith.constant 10000 : index
    %get3A_6 = arith.constant 0 : index
    %get3A_7 = vector.load %arg1[%get3A_5, %get3A_6] : memref<20000x128xf32, #tpu.memory_space<vmem>>, vector<10000x64xf32>
    %add3A_8 = arith.addf %add3A, %get3A_7 : vector<10000x64xf32>
    %get3A_9 = arith.constant 0 : index
    %get3A_10 = arith.constant 0 : index
    %get3A_11 = vector.load %arg2[%get3A_9, %get3A_10] : memref<64x64xf32, #tpu.memory_space<vmem>>, vector<64x64xf32>
    %convert_element_type3A = arith.truncf %add3A_8 : vector<10000x64xf32> to vector<10000x64xbf16>
    %convert_element_type3A_12 = arith.truncf %get3A_11 : vector<64x64xf32> to vector<64x64xbf16>
    %dot_general3A = arith.constant dense<0.000000e+00> : vector<10000x64xf32>
    %dot_general3A_13 = tpu.matmul %convert_element_type3A, %convert_element_type3A_12, %dot_general3A {dimension_numbers = #tpu.dot_dimension_numbers<[1], [1], [0], [0], [0, 0, 1, 0], [], []>, transpose_lhs_hint = false} : vector<10000x64xbf16>, vector<64x64xbf16>, vector<10000x64xf32> -> vector<10000x64xf32>
    %get3A_14 = arith.constant 0 : index
    %get3A_15 = arith.constant 0 : index
    %get3A_16 = vector.load %arg3[%get3A_14, %get3A_15] : memref<1x64xf32, #tpu.memory_space<vmem>>, vector<1x64xf32>
    %add3A_17 = vector.broadcast %get3A_16 : vector<1x64xf32> to vector<10000x64xf32>
    %add3A_18 = arith.addf %dot_general3A_13, %add3A_17 : vector<10000x64xf32>
    %ge3A = arith.constant 0.000000e+00 : f32
    %ge3A_19 = vector.broadcast %ge3A : f32 to vector<10000x64xf32>
    %ge3A_20 = arith.cmpf oge, %add3A_18, %ge3A_19 : vector<10000x64xf32>
    %mul3A = arith.constant 0.00999999977 : f32
    %mul3A_21 = vector.broadcast %mul3A : f32 to vector<10000x64xf32>
    %mul3A_22 = arith.mulf %mul3A_21, %add3A_18 : vector<10000x64xf32>
    %select_n3A = arith.select %ge3A_20, %add3A_18, %mul3A_22 : vector<10000x64xi1>, vector<10000x64xf32>
    %get3A_23 = arith.constant 0 : index
    %get3A_24 = arith.constant 0 : index
    %get3A_25 = vector.load %arg4[%get3A_23, %get3A_24] : memref<64x64xf32, #tpu.memory_space<vmem>>, vector<64x64xf32>
    %convert_element_type3A_26 = arith.truncf %select_n3A : vector<10000x64xf32> to vector<10000x64xbf16>
    %convert_element_type3A_27 = arith.truncf %get3A_25 : vector<64x64xf32> to vector<64x64xbf16>
    %dot_general3A_28 = arith.constant dense<0.000000e+00> : vector<10000x64xf32>
    %dot_general3A_29 = tpu.matmul %convert_element_type3A_26, %convert_element_type3A_27, %dot_general3A_28 {dimension_numbers = #tpu.dot_dimension_numbers<[1], [1], [0], [0], [0, 0, 1, 0], [], []>, transpose_lhs_hint = false} : vector<10000x64xbf16>, vector<64x64xbf16>, vector<10000x64xf32> -> vector<10000x64xf32>
    %get3A_30 = arith.constant 0 : index
    %get3A_31 = arith.constant 0 : index
    %get3A_32 = vector.load %arg5[%get3A_30, %get3A_31] : memref<1x64xf32, #tpu.memory_space<vmem>>, vector<1x64xf32>
    %add3A_33 = vector.broadcast %get3A_32 : vector<1x64xf32> to vector<10000x64xf32>
    %add3A_34 = arith.addf %dot_general3A_29, %add3A_33 : vector<10000x64xf32>
    %get3A_35 = arith.constant 0 : index
    %get3A_36 = arith.constant 0 : index
    %get3A_37 = vector.load %arg6[%get3A_35, %get3A_36] : memref<1x64xf32, #tpu.memory_space<vmem>>, vector<1x64xf32>
    %get3A_38 = arith.constant 0 : index
    %get3A_39 = arith.constant 0 : index
    %get3A_40 = vector.load %arg7[%get3A_38, %get3A_39] : memref<1x64xf32, #tpu.memory_space<vmem>>, vector<1x64xf32>
    %reduce_sum3A = arith.constant dense<0.000000e+00> : vector<64xf32>
    %reduce_sum3A_41 = vector.multi_reduction <add>, %add3A_34, %reduce_sum3A [0] : vector<10000x64xf32> to vector<64xf32>
    %div3A = arith.constant 1.000000e+04 : f32
    %div3A_42 = vector.broadcast %div3A : f32 to vector<64xf32>
    %div3A_43 = arith.divf %reduce_sum3A_41, %div3A_42 : vector<64xf32>
    %jit3A = arith.constant 0 : i32
    %reduce_sum3A_44 = arith.constant dense<0.000000e+00> : vector<64xf32>
    %reduce_sum3A_45 = vector.multi_reduction <add>, %add3A_34, %reduce_sum3A_44 [0] : vector<10000x64xf32> to vector<64xf32>
    %broadcast_in_dim3A = vector.shape_cast %reduce_sum3A_45 : vector<64xf32> to vector<1x64xf32>
    %div3A_46 = arith.constant 1.000000e+04 : f32
    %div3A_47 = vector.broadcast %div3A_46 : f32 to vector<1x64xf32>
    %div3A_48 = arith.divf %broadcast_in_dim3A, %div3A_47 : vector<1x64xf32>
    %sub3A = vector.broadcast %div3A_48 : vector<1x64xf32> to vector<10000x64xf32>
    %sub3A_49 = arith.subf %add3A_34, %sub3A : vector<10000x64xf32>
    %square3A = arith.mulf %sub3A_49, %sub3A_49 : vector<10000x64xf32>
    %convert_element_type3A_50 = arith.sitofp %jit3A : i32 to f32
    %sub3A_51 = arith.constant 1.000000e+04 : f32
    %sub3A_52 = arith.subf %sub3A_51, %convert_element_type3A_50 : f32
    %reduce_sum3A_53 = arith.constant dense<0.000000e+00> : vector<64xf32>
    %reduce_sum3A_54 = vector.multi_reduction <add>, %square3A, %reduce_sum3A_53 [0] : vector<10000x64xf32> to vector<64xf32>
    %div3A_55 = vector.broadcast %sub3A_52 : f32 to vector<64xf32>
    %div3A_56 = arith.divf %reduce_sum3A_54, %div3A_55 : vector<64xf32>
    %gt3A = arith.constant 0.000000e+00 : f32
    %gt3A_57 = arith.cmpf ogt, %sub3A_52, %gt3A : f32
    %jit3A_58 = arith.constant 0x7FC00000 : f32
    %broadcast_in_dim3A_59 = vector.broadcast %jit3A_58 : f32 to vector<64xf32>
    %select_n3A_60 = arith.select %gt3A_57, %div3A_56, %broadcast_in_dim3A_59 : vector<64xf32>
    %broadcast_in_dim3A_61 = vector.shape_cast %div3A_43 : vector<64xf32> to vector<1x64xf32>
    %sub3A_62 = vector.broadcast %broadcast_in_dim3A_61 : vector<1x64xf32> to vector<10000x64xf32>
    %sub3A_63 = arith.subf %add3A_34, %sub3A_62 : vector<10000x64xf32>
    %add3A_64 = arith.constant 9.99999974E-5 : f32
    %add3A_65 = vector.broadcast %add3A_64 : f32 to vector<64xf32>
    %add3A_66 = arith.addf %select_n3A_60, %add3A_65 : vector<64xf32>
    %sqrt3A = math.sqrt %add3A_66 : vector<64xf32>
    %broadcast_in_dim3A_67 = vector.shape_cast %sqrt3A : vector<64xf32> to vector<1x64xf32>
    %div3A_68 = vector.broadcast %broadcast_in_dim3A_67 : vector<1x64xf32> to vector<10000x64xf32>
    %div3A_69 = arith.divf %sub3A_63, %div3A_68 : vector<10000x64xf32>
    %mul3A_70 = vector.broadcast %get3A_37 : vector<1x64xf32> to vector<10000x64xf32>
    %mul3A_71 = arith.mulf %div3A_69, %mul3A_70 : vector<10000x64xf32>
    %add3A_72 = vector.broadcast %get3A_40 : vector<1x64xf32> to vector<10000x64xf32>
    %add3A_73 = arith.addf %mul3A_71, %add3A_72 : vector<10000x64xf32>
    %get3A_74 = arith.constant 0 : index
    %get3A_75 = arith.constant 0 : index
    %get3A_76 = vector.load %arg0[%get3A_74, %get3A_75] : memref<10000x128xf32, #tpu.memory_space<vmem>>, vector<10000x64xf32>
    %concatenate3A = tpu.concatenate %get3A_76, %add3A_73 in 1 : vector<10000x64xf32>, vector<10000x64xf32> -> vector<10000x128xf32>
    %get3A_77 = arith.constant 0 : index
    %get3A_78 = arith.constant 0 : index
    %get3A_79 = vector.load %arg8[%get3A_77, %get3A_78] : memref<128x128xf32, #tpu.memory_space<vmem>>, vector<128x128xf32>
    %convert_element_type3A_80 = arith.truncf %concatenate3A : vector<10000x128xf32> to vector<10000x128xbf16>
    %convert_element_type3A_81 = arith.truncf %get3A_79 : vector<128x128xf32> to vector<128x128xbf16>
    %dot_general3A_82 = arith.constant dense<0.000000e+00> : vector<10000x128xf32>
    %dot_general3A_83 = tpu.matmul %convert_element_type3A_80, %convert_element_type3A_81, %dot_general3A_82 {dimension_numbers = #tpu.dot_dimension_numbers<[1], [1], [0], [0], [0, 0, 1, 0], [], []>, transpose_lhs_hint = false} : vector<10000x128xbf16>, vector<128x128xbf16>, vector<10000x128xf32> -> vector<10000x128xf32>
    %get3A_84 = arith.constant 0 : index
    %get3A_85 = arith.constant 0 : index
    %get3A_86 = vector.load %arg9[%get3A_84, %get3A_85] : memref<1x128xf32, #tpu.memory_space<vmem>>, vector<1x128xf32>
    %add3A_87 = vector.broadcast %get3A_86 : vector<1x128xf32> to vector<10000x128xf32>
    %add3A_88 = arith.addf %dot_general3A_83, %add3A_87 : vector<10000x128xf32>
    %ge3A_89 = arith.constant 0.000000e+00 : f32
    %ge3A_90 = vector.broadcast %ge3A_89 : f32 to vector<10000x128xf32>
    %ge3A_91 = arith.cmpf oge, %add3A_88, %ge3A_90 : vector<10000x128xf32>
    %mul3A_92 = arith.constant 0.00999999977 : f32
    %mul3A_93 = vector.broadcast %mul3A_92 : f32 to vector<10000x128xf32>
    %mul3A_94 = arith.mulf %mul3A_93, %add3A_88 : vector<10000x128xf32>
    %select_n3A_95 = arith.select %ge3A_91, %add3A_88, %mul3A_94 : vector<10000x128xi1>, vector<10000x128xf32>
    %get3A_96 = arith.constant 0 : index
    %get3A_97 = arith.constant 0 : index
    %get3A_98 = vector.load %arg10[%get3A_96, %get3A_97] : memref<128x128xf32, #tpu.memory_space<vmem>>, vector<128x128xf32>
    %convert_element_type3A_99 = arith.truncf %select_n3A_95 : vector<10000x128xf32> to vector<10000x128xbf16>
    %convert_element_type3A_100 = arith.truncf %get3A_98 : vector<128x128xf32> to vector<128x128xbf16>
    %dot_general3A_101 = arith.constant dense<0.000000e+00> : vector<10000x128xf32>
    %dot_general3A_102 = tpu.matmul %convert_element_type3A_99, %convert_element_type3A_100, %dot_general3A_101 {dimension_numbers = #tpu.dot_dimension_numbers<[1], [1], [0], [0], [0, 0, 1, 0], [], []>, transpose_lhs_hint = false} : vector<10000x128xbf16>, vector<128x128xbf16>, vector<10000x128xf32> -> vector<10000x128xf32>
    %get3A_103 = arith.constant 0 : index
    %get3A_104 = arith.constant 0 : index
    %get3A_105 = vector.load %arg11[%get3A_103, %get3A_104] : memref<1x128xf32, #tpu.memory_space<vmem>>, vector<1x128xf32>
    %add3A_106 = vector.broadcast %get3A_105 : vector<1x128xf32> to vector<10000x128xf32>
    %add3A_107 = arith.addf %dot_general3A_102, %add3A_106 : vector<10000x128xf32>
    %ge3A_108 = arith.constant 0.000000e+00 : f32
    %ge3A_109 = vector.broadcast %ge3A_108 : f32 to vector<10000x128xf32>
    %ge3A_110 = arith.cmpf oge, %add3A_107, %ge3A_109 : vector<10000x128xf32>
    %mul3A_111 = arith.constant 0.00999999977 : f32
    %mul3A_112 = vector.broadcast %mul3A_111 : f32 to vector<10000x128xf32>
    %mul3A_113 = arith.mulf %mul3A_112, %add3A_107 : vector<10000x128xf32>
    %select_n3A_114 = arith.select %ge3A_110, %add3A_107, %mul3A_113 : vector<10000x128xi1>, vector<10000x128xf32>
    %get3A_115 = arith.constant 0 : index
    %get3A_116 = arith.constant 0 : index
    %get3A_117 = vector.load %arg12[%get3A_115, %get3A_116] : memref<128x128xf32, #tpu.memory_space<vmem>>, vector<128x128xf32>
    %convert_element_type3A_118 = arith.truncf %select_n3A_114 : vector<10000x128xf32> to vector<10000x128xbf16>
    %convert_element_type3A_119 = arith.truncf %get3A_117 : vector<128x128xf32> to vector<128x128xbf16>
    %dot_general3A_120 = arith.constant dense<0.000000e+00> : vector<10000x128xf32>
    %dot_general3A_121 = tpu.matmul %convert_element_type3A_118, %convert_element_type3A_119, %dot_general3A_120 {dimension_numbers = #tpu.dot_dimension_numbers<[1], [1], [0], [0], [0, 0, 1, 0], [], []>, transpose_lhs_hint = false} : vector<10000x128xbf16>, vector<128x128xbf16>, vector<10000x128xf32> -> vector<10000x128xf32>
    %get3A_122 = arith.constant 0 : index
    %get3A_123 = arith.constant 0 : index
    %get3A_124 = vector.load %arg13[%get3A_122, %get3A_123] : memref<1x128xf32, #tpu.memory_space<vmem>>, vector<1x128xf32>
    %add3A_125 = vector.broadcast %get3A_124 : vector<1x128xf32> to vector<10000x128xf32>
    %add3A_126 = arith.addf %dot_general3A_121, %add3A_125 : vector<10000x128xf32>
    %ge3A_127 = arith.constant 0.000000e+00 : f32
    %ge3A_128 = vector.broadcast %ge3A_127 : f32 to vector<10000x128xf32>
    %ge3A_129 = arith.cmpf oge, %add3A_126, %ge3A_128 : vector<10000x128xf32>
    %mul3A_130 = arith.constant 0.00999999977 : f32
    %mul3A_131 = vector.broadcast %mul3A_130 : f32 to vector<10000x128xf32>
    %mul3A_132 = arith.mulf %mul3A_131, %add3A_126 : vector<10000x128xf32>
    %select_n3A_133 = arith.select %ge3A_129, %add3A_126, %mul3A_132 : vector<10000x128xi1>, vector<10000x128xf32>
    %get3A_134 = arith.constant 0 : index
    %get3A_135 = arith.constant 0 : index
    %get3A_136 = vector.load %arg14[%get3A_134, %get3A_135] : memref<128x128xf32, #tpu.memory_space<vmem>>, vector<128x128xf32>
    %convert_element_type3A_137 = arith.truncf %concatenate3A : vector<10000x128xf32> to vector<10000x128xbf16>
    %convert_element_type3A_138 = arith.truncf %get3A_136 : vector<128x128xf32> to vector<128x128xbf16>
    %dot_general3A_139 = arith.constant dense<0.000000e+00> : vector<10000x128xf32>
    %dot_general3A_140 = tpu.matmul %convert_element_type3A_137, %convert_element_type3A_138, %dot_general3A_139 {dimension_numbers = #tpu.dot_dimension_numbers<[1], [1], [0], [0], [0, 0, 1, 0], [], []>, transpose_lhs_hint = false} : vector<10000x128xbf16>, vector<128x128xbf16>, vector<10000x128xf32> -> vector<10000x128xf32>
    %add3A_141 = arith.addf %select_n3A_133, %dot_general3A_140 : vector<10000x128xf32>
    %get3A_142 = arith.constant 0 : index
    %get3A_143 = arith.constant 0 : index
    %get3A_144 = vector.load %arg15[%get3A_142, %get3A_143] : memref<1x128xf32, #tpu.memory_space<vmem>>, vector<1x128xf32>
    %add3A_145 = vector.broadcast %get3A_144 : vector<1x128xf32> to vector<10000x128xf32>
    %add3A_146 = arith.addf %add3A_141, %add3A_145 : vector<10000x128xf32>
    %swap3A = arith.constant 0 : index
    %swap3A_147 = arith.constant 0 : index
    %swap3A_148 = vector.load %arg16[%swap3A, %swap3A_147] : memref<10000x128xf32, #tpu.memory_space<vmem>>, vector<10000x128xf32>
    tpu.vector_store %arg16[%swap3A, %swap3A_147], %add3A_146 {strides = array<i32>} : memref<10000x128xf32, #tpu.memory_space<vmem>>, vector<10000x128xf32>,
    return
  }
}

module attributes {stable_mosaic.version = 14 : i64} {
  func.func @_tc4_body(%arg0: memref<10000x128xf32, #tpu.memory_space<vmem>>, %arg1: memref<20000x128xf32, #tpu.memory_space<vmem>>, %arg2: memref<64x128xf32, #tpu.memory_space<vmem>>, %arg3: memref<1x64xf32, #tpu.memory_space<vmem>>, %arg4: memref<64x64xf32, #tpu.memory_space<vmem>>, %arg5: memref<1x64xf32, #tpu.memory_space<vmem>>, %arg6: memref<1x64xf32, #tpu.memory_space<vmem>>, %arg7: memref<1x64xf32, #tpu.memory_space<vmem>>, %arg8: memref<64x128xf32, #tpu.memory_space<vmem>>, %arg9: memref<1x64xf32, #tpu.memory_space<vmem>>, %arg10: memref<64x64xf32, #tpu.memory_space<vmem>>, %arg11: memref<1x64xf32, #tpu.memory_space<vmem>>, %arg12: memref<1x64xf32, #tpu.memory_space<vmem>>, %arg13: memref<1x64xf32, #tpu.memory_space<vmem>>, %arg14: memref<10000x128xf32, #tpu.memory_space<vmem>>) attributes {dimension_semantics = [], scalar_prefetch = 0 : i64, scratch_operands = 0 : i64, tpu.core_type = #tpu.core_type<tc>} {
    %get3A = arith.constant 0 : index
    %get3A_0 = arith.constant 0 : index
    %get3A_1 = vector.load %arg0[%get3A, %get3A_0] : memref<10000x128xf32, #tpu.memory_space<vmem>>, vector<10000x128xf32>
    %get3A_2 = arith.constant 0 : index
    %get3A_3 = arith.constant 0 : index
    %get3A_4 = vector.load %arg1[%get3A_2, %get3A_3] : memref<20000x128xf32, #tpu.memory_space<vmem>>, vector<10000x128xf32>
    %add3A = arith.addf %get3A_1, %get3A_4 : vector<10000x128xf32>
    %get3A_5 = arith.constant 10000 : index
    %get3A_6 = arith.constant 0 : index
    %get3A_7 = vector.load %arg1[%get3A_5, %get3A_6] : memref<20000x128xf32, #tpu.memory_space<vmem>>, vector<10000x128xf32>
    %add3A_8 = arith.addf %add3A, %get3A_7 : vector<10000x128xf32>
    %get3A_9 = arith.constant 0 : index
    %get3A_10 = arith.constant 0 : index
    %get3A_11 = vector.load %arg2[%get3A_9, %get3A_10] : memref<64x128xf32, #tpu.memory_space<vmem>>, vector<64x128xf32>
    %convert_element_type3A = arith.truncf %add3A_8 : vector<10000x128xf32> to vector<10000x128xbf16>
    %convert_element_type3A_12 = arith.truncf %get3A_11 : vector<64x128xf32> to vector<64x128xbf16>
    %dot_general3A = arith.constant dense<0.000000e+00> : vector<10000x64xf32>
    %dot_general3A_13 = tpu.matmul %convert_element_type3A, %convert_element_type3A_12, %dot_general3A {dimension_numbers = #tpu.dot_dimension_numbers<[1], [1], [0], [0], [0, 0, 1, 0], [], []>, transpose_lhs_hint = false} : vector<10000x128xbf16>, vector<64x128xbf16>, vector<10000x64xf32> -> vector<10000x64xf32>
    %get3A_14 = arith.constant 0 : index
    %get3A_15 = arith.constant 0 : index
    %get3A_16 = vector.load %arg3[%get3A_14, %get3A_15] : memref<1x64xf32, #tpu.memory_space<vmem>>, vector<1x64xf32>
    %add3A_17 = vector.broadcast %get3A_16 : vector<1x64xf32> to vector<10000x64xf32>
    %add3A_18 = arith.addf %dot_general3A_13, %add3A_17 : vector<10000x64xf32>
    %ge3A = arith.constant 0.000000e+00 : f32
    %ge3A_19 = vector.broadcast %ge3A : f32 to vector<10000x64xf32>
    %ge3A_20 = arith.cmpf oge, %add3A_18, %ge3A_19 : vector<10000x64xf32>
    %mul3A = arith.constant 0.00999999977 : f32
    %mul3A_21 = vector.broadcast %mul3A : f32 to vector<10000x64xf32>
    %mul3A_22 = arith.mulf %mul3A_21, %add3A_18 : vector<10000x64xf32>
    %select_n3A = arith.select %ge3A_20, %add3A_18, %mul3A_22 : vector<10000x64xi1>, vector<10000x64xf32>
    %get3A_23 = arith.constant 0 : index
    %get3A_24 = arith.constant 0 : index
    %get3A_25 = vector.load %arg4[%get3A_23, %get3A_24] : memref<64x64xf32, #tpu.memory_space<vmem>>, vector<64x64xf32>
    %convert_element_type3A_26 = arith.truncf %select_n3A : vector<10000x64xf32> to vector<10000x64xbf16>
    %convert_element_type3A_27 = arith.truncf %get3A_25 : vector<64x64xf32> to vector<64x64xbf16>
    %dot_general3A_28 = arith.constant dense<0.000000e+00> : vector<10000x64xf32>
    %dot_general3A_29 = tpu.matmul %convert_element_type3A_26, %convert_element_type3A_27, %dot_general3A_28 {dimension_numbers = #tpu.dot_dimension_numbers<[1], [1], [0], [0], [0, 0, 1, 0], [], []>, transpose_lhs_hint = false} : vector<10000x64xbf16>, vector<64x64xbf16>, vector<10000x64xf32> -> vector<10000x64xf32>
    %get3A_30 = arith.constant 0 : index
    %get3A_31 = arith.constant 0 : index
    %get3A_32 = vector.load %arg5[%get3A_30, %get3A_31] : memref<1x64xf32, #tpu.memory_space<vmem>>, vector<1x64xf32>
    %add3A_33 = vector.broadcast %get3A_32 : vector<1x64xf32> to vector<10000x64xf32>
    %add3A_34 = arith.addf %dot_general3A_29, %add3A_33 : vector<10000x64xf32>
    %get3A_35 = arith.constant 0 : index
    %get3A_36 = arith.constant 0 : index
    %get3A_37 = vector.load %arg6[%get3A_35, %get3A_36] : memref<1x64xf32, #tpu.memory_space<vmem>>, vector<1x64xf32>
    %get3A_38 = arith.constant 0 : index
    %get3A_39 = arith.constant 0 : index
    %get3A_40 = vector.load %arg7[%get3A_38, %get3A_39] : memref<1x64xf32, #tpu.memory_space<vmem>>, vector<1x64xf32>
    %reduce_sum3A = arith.constant dense<0.000000e+00> : vector<64xf32>
    %reduce_sum3A_41 = vector.multi_reduction <add>, %add3A_34, %reduce_sum3A [0] : vector<10000x64xf32> to vector<64xf32>
    %div3A = arith.constant 1.000000e+04 : f32
    %div3A_42 = vector.broadcast %div3A : f32 to vector<64xf32>
    %div3A_43 = arith.divf %reduce_sum3A_41, %div3A_42 : vector<64xf32>
    %jit3A = arith.constant 0 : i32
    %reduce_sum3A_44 = arith.constant dense<0.000000e+00> : vector<64xf32>
    %reduce_sum3A_45 = vector.multi_reduction <add>, %add3A_34, %reduce_sum3A_44 [0] : vector<10000x64xf32> to vector<64xf32>
    %broadcast_in_dim3A = vector.shape_cast %reduce_sum3A_45 : vector<64xf32> to vector<1x64xf32>
    %div3A_46 = arith.constant 1.000000e+04 : f32
    %div3A_47 = vector.broadcast %div3A_46 : f32 to vector<1x64xf32>
    %div3A_48 = arith.divf %broadcast_in_dim3A, %div3A_47 : vector<1x64xf32>
    %sub3A = vector.broadcast %div3A_48 : vector<1x64xf32> to vector<10000x64xf32>
    %sub3A_49 = arith.subf %add3A_34, %sub3A : vector<10000x64xf32>
    %square3A = arith.mulf %sub3A_49, %sub3A_49 : vector<10000x64xf32>
    %convert_element_type3A_50 = arith.sitofp %jit3A : i32 to f32
    %sub3A_51 = arith.constant 1.000000e+04 : f32
    %sub3A_52 = arith.subf %sub3A_51, %convert_element_type3A_50 : f32
    %reduce_sum3A_53 = arith.constant dense<0.000000e+00> : vector<64xf32>
    %reduce_sum3A_54 = vector.multi_reduction <add>, %square3A, %reduce_sum3A_53 [0] : vector<10000x64xf32> to vector<64xf32>
    %div3A_55 = vector.broadcast %sub3A_52 : f32 to vector<64xf32>
    %div3A_56 = arith.divf %reduce_sum3A_54, %div3A_55 : vector<64xf32>
    %gt3A = arith.constant 0.000000e+00 : f32
    %gt3A_57 = arith.cmpf ogt, %sub3A_52, %gt3A : f32
    %jit3A_58 = arith.constant 0x7FC00000 : f32
    %broadcast_in_dim3A_59 = vector.broadcast %jit3A_58 : f32 to vector<64xf32>
    %select_n3A_60 = arith.select %gt3A_57, %div3A_56, %broadcast_in_dim3A_59 : vector<64xf32>
    %broadcast_in_dim3A_61 = vector.shape_cast %div3A_43 : vector<64xf32> to vector<1x64xf32>
    %sub3A_62 = vector.broadcast %broadcast_in_dim3A_61 : vector<1x64xf32> to vector<10000x64xf32>
    %sub3A_63 = arith.subf %add3A_34, %sub3A_62 : vector<10000x64xf32>
    %add3A_64 = arith.constant 9.99999974E-5 : f32
    %add3A_65 = vector.broadcast %add3A_64 : f32 to vector<64xf32>
    %add3A_66 = arith.addf %select_n3A_60, %add3A_65 : vector<64xf32>
    %sqrt3A = math.sqrt %add3A_66 : vector<64xf32>
    %broadcast_in_dim3A_67 = vector.shape_cast %sqrt3A : vector<64xf32> to vector<1x64xf32>
    %div3A_68 = vector.broadcast %broadcast_in_dim3A_67 : vector<1x64xf32> to vector<10000x64xf32>
    %div3A_69 = arith.divf %sub3A_63, %div3A_68 : vector<10000x64xf32>
    %mul3A_70 = vector.broadcast %get3A_37 : vector<1x64xf32> to vector<10000x64xf32>
    %mul3A_71 = arith.mulf %div3A_69, %mul3A_70 : vector<10000x64xf32>
    %add3A_72 = vector.broadcast %get3A_40 : vector<1x64xf32> to vector<10000x64xf32>
    %add3A_73 = arith.addf %mul3A_71, %add3A_72 : vector<10000x64xf32>
    %get3A_74 = arith.constant 0 : index
    %get3A_75 = arith.constant 0 : index
    %get3A_76 = vector.load %arg8[%get3A_74, %get3A_75] : memref<64x128xf32, #tpu.memory_space<vmem>>, vector<64x128xf32>
    %convert_element_type3A_77 = arith.truncf %add3A_8 : vector<10000x128xf32> to vector<10000x128xbf16>
    %convert_element_type3A_78 = arith.truncf %get3A_76 : vector<64x128xf32> to vector<64x128xbf16>
    %dot_general3A_79 = arith.constant dense<0.000000e+00> : vector<10000x64xf32>
    %dot_general3A_80 = tpu.matmul %convert_element_type3A_77, %convert_element_type3A_78, %dot_general3A_79 {dimension_numbers = #tpu.dot_dimension_numbers<[1], [1], [0], [0], [0, 0, 1, 0], [], []>, transpose_lhs_hint = false} : vector<10000x128xbf16>, vector<64x128xbf16>, vector<10000x64xf32> -> vector<10000x64xf32>
    %get3A_81 = arith.constant 0 : index
    %get3A_82 = arith.constant 0 : index
    %get3A_83 = vector.load %arg9[%get3A_81, %get3A_82] : memref<1x64xf32, #tpu.memory_space<vmem>>, vector<1x64xf32>
    %add3A_84 = vector.broadcast %get3A_83 : vector<1x64xf32> to vector<10000x64xf32>
    %add3A_85 = arith.addf %dot_general3A_80, %add3A_84 : vector<10000x64xf32>
    %ge3A_86 = arith.constant 0.000000e+00 : f32
    %ge3A_87 = vector.broadcast %ge3A_86 : f32 to vector<10000x64xf32>
    %ge3A_88 = arith.cmpf oge, %add3A_85, %ge3A_87 : vector<10000x64xf32>
    %mul3A_89 = arith.constant 0.00999999977 : f32
    %mul3A_90 = vector.broadcast %mul3A_89 : f32 to vector<10000x64xf32>
    %mul3A_91 = arith.mulf %mul3A_90, %add3A_85 : vector<10000x64xf32>
    %select_n3A_92 = arith.select %ge3A_88, %add3A_85, %mul3A_91 : vector<10000x64xi1>, vector<10000x64xf32>
    %get3A_93 = arith.constant 0 : index
    %get3A_94 = arith.constant 0 : index
    %get3A_95 = vector.load %arg10[%get3A_93, %get3A_94] : memref<64x64xf32, #tpu.memory_space<vmem>>, vector<64x64xf32>
    %convert_element_type3A_96 = arith.truncf %select_n3A_92 : vector<10000x64xf32> to vector<10000x64xbf16>
    %convert_element_type3A_97 = arith.truncf %get3A_95 : vector<64x64xf32> to vector<64x64xbf16>
    %dot_general3A_98 = arith.constant dense<0.000000e+00> : vector<10000x64xf32>
    %dot_general3A_99 = tpu.matmul %convert_element_type3A_96, %convert_element_type3A_97, %dot_general3A_98 {dimension_numbers = #tpu.dot_dimension_numbers<[1], [1], [0], [0], [0, 0, 1, 0], [], []>, transpose_lhs_hint = false} : vector<10000x64xbf16>, vector<64x64xbf16>, vector<10000x64xf32> -> vector<10000x64xf32>
    %get3A_100 = arith.constant 0 : index
    %get3A_101 = arith.constant 0 : index
    %get3A_102 = vector.load %arg11[%get3A_100, %get3A_101] : memref<1x64xf32, #tpu.memory_space<vmem>>, vector<1x64xf32>
    %add3A_103 = vector.broadcast %get3A_102 : vector<1x64xf32> to vector<10000x64xf32>
    %add3A_104 = arith.addf %dot_general3A_99, %add3A_103 : vector<10000x64xf32>
    %get3A_105 = arith.constant 0 : index
    %get3A_106 = arith.constant 0 : index
    %get3A_107 = vector.load %arg12[%get3A_105, %get3A_106] : memref<1x64xf32, #tpu.memory_space<vmem>>, vector<1x64xf32>
    %get3A_108 = arith.constant 0 : index
    %get3A_109 = arith.constant 0 : index
    %get3A_110 = vector.load %arg13[%get3A_108, %get3A_109] : memref<1x64xf32, #tpu.memory_space<vmem>>, vector<1x64xf32>
    %reduce_sum3A_111 = arith.constant dense<0.000000e+00> : vector<64xf32>
    %reduce_sum3A_112 = vector.multi_reduction <add>, %add3A_104, %reduce_sum3A_111 [0] : vector<10000x64xf32> to vector<64xf32>
    %div3A_113 = arith.constant 1.000000e+04 : f32
    %div3A_114 = vector.broadcast %div3A_113 : f32 to vector<64xf32>
    %div3A_115 = arith.divf %reduce_sum3A_112, %div3A_114 : vector<64xf32>
    %jit3A_116 = arith.constant 0 : i32
    %reduce_sum3A_117 = arith.constant dense<0.000000e+00> : vector<64xf32>
    %reduce_sum3A_118 = vector.multi_reduction <add>, %add3A_104, %reduce_sum3A_117 [0] : vector<10000x64xf32> to vector<64xf32>
    %broadcast_in_dim3A_119 = vector.shape_cast %reduce_sum3A_118 : vector<64xf32> to vector<1x64xf32>
    %div3A_120 = arith.constant 1.000000e+04 : f32
    %div3A_121 = vector.broadcast %div3A_120 : f32 to vector<1x64xf32>
    %div3A_122 = arith.divf %broadcast_in_dim3A_119, %div3A_121 : vector<1x64xf32>
    %sub3A_123 = vector.broadcast %div3A_122 : vector<1x64xf32> to vector<10000x64xf32>
    %sub3A_124 = arith.subf %add3A_104, %sub3A_123 : vector<10000x64xf32>
    %square3A_125 = arith.mulf %sub3A_124, %sub3A_124 : vector<10000x64xf32>
    %convert_element_type3A_126 = arith.sitofp %jit3A_116 : i32 to f32
    %sub3A_127 = arith.constant 1.000000e+04 : f32
    %sub3A_128 = arith.subf %sub3A_127, %convert_element_type3A_126 : f32
    %reduce_sum3A_129 = arith.constant dense<0.000000e+00> : vector<64xf32>
    %reduce_sum3A_130 = vector.multi_reduction <add>, %square3A_125, %reduce_sum3A_129 [0] : vector<10000x64xf32> to vector<64xf32>
    %div3A_131 = vector.broadcast %sub3A_128 : f32 to vector<64xf32>
    %div3A_132 = arith.divf %reduce_sum3A_130, %div3A_131 : vector<64xf32>
    %gt3A_133 = arith.constant 0.000000e+00 : f32
    %gt3A_134 = arith.cmpf ogt, %sub3A_128, %gt3A_133 : f32
    %jit3A_135 = arith.constant 0x7FC00000 : f32
    %broadcast_in_dim3A_136 = vector.broadcast %jit3A_135 : f32 to vector<64xf32>
    %select_n3A_137 = arith.select %gt3A_134, %div3A_132, %broadcast_in_dim3A_136 : vector<64xf32>
    %broadcast_in_dim3A_138 = vector.shape_cast %div3A_115 : vector<64xf32> to vector<1x64xf32>
    %sub3A_139 = vector.broadcast %broadcast_in_dim3A_138 : vector<1x64xf32> to vector<10000x64xf32>
    %sub3A_140 = arith.subf %add3A_104, %sub3A_139 : vector<10000x64xf32>
    %add3A_141 = arith.constant 9.99999974E-5 : f32
    %add3A_142 = vector.broadcast %add3A_141 : f32 to vector<64xf32>
    %add3A_143 = arith.addf %select_n3A_137, %add3A_142 : vector<64xf32>
    %sqrt3A_144 = math.sqrt %add3A_143 : vector<64xf32>
    %broadcast_in_dim3A_145 = vector.shape_cast %sqrt3A_144 : vector<64xf32> to vector<1x64xf32>
    %div3A_146 = vector.broadcast %broadcast_in_dim3A_145 : vector<1x64xf32> to vector<10000x64xf32>
    %div3A_147 = arith.divf %sub3A_140, %div3A_146 : vector<10000x64xf32>
    %mul3A_148 = vector.broadcast %get3A_107 : vector<1x64xf32> to vector<10000x64xf32>
    %mul3A_149 = arith.mulf %div3A_147, %mul3A_148 : vector<10000x64xf32>
    %add3A_150 = vector.broadcast %get3A_110 : vector<1x64xf32> to vector<10000x64xf32>
    %add3A_151 = arith.addf %mul3A_149, %add3A_150 : vector<10000x64xf32>
    %concatenate3A = tpu.concatenate %add3A_73, %add3A_151 in 1 : vector<10000x64xf32>, vector<10000x64xf32> -> vector<10000x128xf32>
    %swap3A = arith.constant 0 : index
    %swap3A_152 = arith.constant 0 : index
    %swap3A_153 = vector.load %arg14[%swap3A, %swap3A_152] : memref<10000x128xf32, #tpu.memory_space<vmem>>, vector<10000x128xf32>
    tpu.vector_store %arg14[%swap3A, %swap3A_152], %concatenate3A {strides = array<i32>} : memref<10000x128xf32, #tpu.memory_space<vmem>>, vector<10000x128xf32>,
    return
  }
}

module attributes {stable_mosaic.version = 14 : i64} {
  func.func @_tc5_body(%arg0: memref<10000x128xf32, #tpu.memory_space<vmem>>, %arg1: memref<20000x128xf32, #tpu.memory_space<vmem>>, %arg2: memref<10000x128xf32, #tpu.memory_space<vmem>>, %arg3: memref<64x64xf32, #tpu.memory_space<vmem>>, %arg4: memref<1x64xf32, #tpu.memory_space<vmem>>, %arg5: memref<64x64xf32, #tpu.memory_space<vmem>>, %arg6: memref<1x64xf32, #tpu.memory_space<vmem>>, %arg7: memref<1x64xf32, #tpu.memory_space<vmem>>, %arg8: memref<1x64xf32, #tpu.memory_space<vmem>>, %arg9: memref<64x64xf32, #tpu.memory_space<vmem>>, %arg10: memref<1x64xf32, #tpu.memory_space<vmem>>, %arg11: memref<64x64xf32, #tpu.memory_space<vmem>>, %arg12: memref<1x64xf32, #tpu.memory_space<vmem>>, %arg13: memref<1x64xf32, #tpu.memory_space<vmem>>, %arg14: memref<1x64xf32, #tpu.memory_space<vmem>>, %arg15: memref<128x128xf32, #tpu.memory_space<vmem>>, %arg16: memref<1x128xf32, #tpu.memory_space<vmem>>, %arg17: memref<128x128xf32, #tpu.memory_space<vmem>>, %arg18: memref<1x128xf32, #tpu.memory_space<vmem>>, %arg19: memref<128x128xf32, #tpu.memory_space<vmem>>, %arg20: memref<1x128xf32, #tpu.memory_space<vmem>>, %arg21: memref<128x128xf32, #tpu.memory_space<vmem>>, %arg22: memref<1x128xf32, #tpu.memory_space<vmem>>, %arg23: memref<128x128xf32, #tpu.memory_space<vmem>>, %arg24: memref<1x128xf32, #tpu.memory_space<vmem>>, %arg25: memref<128x128xf32, #tpu.memory_space<vmem>>, %arg26: memref<1x128xf32, #tpu.memory_space<vmem>>, %arg27: memref<128x128xf32, #tpu.memory_space<vmem>>, %arg28: memref<1x128xf32, #tpu.memory_space<vmem>>, %arg29: memref<128x128xf32, #tpu.memory_space<vmem>>, %arg30: memref<1x128xf32, #tpu.memory_space<vmem>>, %arg31: memref<10000x128xf32, #tpu.memory_space<vmem>>) attributes {dimension_semantics = [], scalar_prefetch = 0 : i64, scratch_operands = 0 : i64, tpu.core_type = #tpu.core_type<tc>} {
    %get3A = arith.constant 0 : index
    %get3A_0 = arith.constant 0 : index
    %get3A_1 = vector.load %arg1[%get3A, %get3A_0] : memref<20000x128xf32, #tpu.memory_space<vmem>>, vector<10000x128xf32>
    %get3A_2 = arith.constant 10000 : index
    %get3A_3 = arith.constant 0 : index
    %get3A_4 = vector.load %arg1[%get3A_2, %get3A_3] : memref<20000x128xf32, #tpu.memory_space<vmem>>, vector<10000x128xf32>
    %add3A = arith.addf %get3A_1, %get3A_4 : vector<10000x128xf32>
    %get3A_5 = arith.constant 0 : index
    %get3A_6 = arith.constant 0 : index
    %get3A_7 = vector.load %arg0[%get3A_5, %get3A_6] : memref<10000x128xf32, #tpu.memory_space<vmem>>, vector<10000x128xf32>
    %slice3A = vector.extract_strided_slice %get3A_7 {offsets = [0, 0], sizes = [10000, 64], strides = [1, 1]} : vector<10000x128xf32> to vector<10000x64xf32>
    %slice3A_8 = vector.extract_strided_slice %add3A {offsets = [0, 0], sizes = [10000, 64], strides = [1, 1]} : vector<10000x128xf32> to vector<10000x64xf32>
    %add3A_9 = arith.addf %slice3A, %slice3A_8 : vector<10000x64xf32>
    %get3A_10 = arith.constant 0 : index
    %get3A_11 = arith.constant 0 : index
    %get3A_12 = vector.load %arg3[%get3A_10, %get3A_11] : memref<64x64xf32, #tpu.memory_space<vmem>>, vector<64x64xf32>
    %convert_element_type3A = arith.truncf %add3A_9 : vector<10000x64xf32> to vector<10000x64xbf16>
    %convert_element_type3A_13 = arith.truncf %get3A_12 : vector<64x64xf32> to vector<64x64xbf16>
    %dot_general3A = arith.constant dense<0.000000e+00> : vector<10000x64xf32>
    %dot_general3A_14 = tpu.matmul %convert_element_type3A, %convert_element_type3A_13, %dot_general3A {dimension_numbers = #tpu.dot_dimension_numbers<[1], [1], [0], [0], [0, 0, 1, 0], [], []>, transpose_lhs_hint = false} : vector<10000x64xbf16>, vector<64x64xbf16>, vector<10000x64xf32> -> vector<10000x64xf32>
    %get3A_15 = arith.constant 0 : index
    %get3A_16 = arith.constant 0 : index
    %get3A_17 = vector.load %arg4[%get3A_15, %get3A_16] : memref<1x64xf32, #tpu.memory_space<vmem>>, vector<1x64xf32>
    %add3A_18 = vector.broadcast %get3A_17 : vector<1x64xf32> to vector<10000x64xf32>
    %add3A_19 = arith.addf %dot_general3A_14, %add3A_18 : vector<10000x64xf32>
    %ge3A = arith.constant 0.000000e+00 : f32
    %ge3A_20 = vector.broadcast %ge3A : f32 to vector<10000x64xf32>
    %ge3A_21 = arith.cmpf oge, %add3A_19, %ge3A_20 : vector<10000x64xf32>
    %mul3A = arith.constant 0.00999999977 : f32
    %mul3A_22 = vector.broadcast %mul3A : f32 to vector<10000x64xf32>
    %mul3A_23 = arith.mulf %mul3A_22, %add3A_19 : vector<10000x64xf32>
    %select_n3A = arith.select %ge3A_21, %add3A_19, %mul3A_23 : vector<10000x64xi1>, vector<10000x64xf32>
    %get3A_24 = arith.constant 0 : index
    %get3A_25 = arith.constant 0 : index
    %get3A_26 = vector.load %arg5[%get3A_24, %get3A_25] : memref<64x64xf32, #tpu.memory_space<vmem>>, vector<64x64xf32>
    %convert_element_type3A_27 = arith.truncf %select_n3A : vector<10000x64xf32> to vector<10000x64xbf16>
    %convert_element_type3A_28 = arith.truncf %get3A_26 : vector<64x64xf32> to vector<64x64xbf16>
    %dot_general3A_29 = arith.constant dense<0.000000e+00> : vector<10000x64xf32>
    %dot_general3A_30 = tpu.matmul %convert_element_type3A_27, %convert_element_type3A_28, %dot_general3A_29 {dimension_numbers = #tpu.dot_dimension_numbers<[1], [1], [0], [0], [0, 0, 1, 0], [], []>, transpose_lhs_hint = false} : vector<10000x64xbf16>, vector<64x64xbf16>, vector<10000x64xf32> -> vector<10000x64xf32>
    %get3A_31 = arith.constant 0 : index
    %get3A_32 = arith.constant 0 : index
    %get3A_33 = vector.load %arg6[%get3A_31, %get3A_32] : memref<1x64xf32, #tpu.memory_space<vmem>>, vector<1x64xf32>
    %add3A_34 = vector.broadcast %get3A_33 : vector<1x64xf32> to vector<10000x64xf32>
    %add3A_35 = arith.addf %dot_general3A_30, %add3A_34 : vector<10000x64xf32>
    %get3A_36 = arith.constant 0 : index
    %get3A_37 = arith.constant 0 : index
    %get3A_38 = vector.load %arg7[%get3A_36, %get3A_37] : memref<1x64xf32, #tpu.memory_space<vmem>>, vector<1x64xf32>
    %get3A_39 = arith.constant 0 : index
    %get3A_40 = arith.constant 0 : index
    %get3A_41 = vector.load %arg8[%get3A_39, %get3A_40] : memref<1x64xf32, #tpu.memory_space<vmem>>, vector<1x64xf32>
    %reduce_sum3A = arith.constant dense<0.000000e+00> : vector<64xf32>
    %reduce_sum3A_42 = vector.multi_reduction <add>, %add3A_35, %reduce_sum3A [0] : vector<10000x64xf32> to vector<64xf32>
    %div3A = arith.constant 1.000000e+04 : f32
    %div3A_43 = vector.broadcast %div3A : f32 to vector<64xf32>
    %div3A_44 = arith.divf %reduce_sum3A_42, %div3A_43 : vector<64xf32>
    %jit3A = arith.constant 0 : i32
    %reduce_sum3A_45 = arith.constant dense<0.000000e+00> : vector<64xf32>
    %reduce_sum3A_46 = vector.multi_reduction <add>, %add3A_35, %reduce_sum3A_45 [0] : vector<10000x64xf32> to vector<64xf32>
    %broadcast_in_dim3A = vector.shape_cast %reduce_sum3A_46 : vector<64xf32> to vector<1x64xf32>
    %div3A_47 = arith.constant 1.000000e+04 : f32
    %div3A_48 = vector.broadcast %div3A_47 : f32 to vector<1x64xf32>
    %div3A_49 = arith.divf %broadcast_in_dim3A, %div3A_48 : vector<1x64xf32>
    %sub3A = vector.broadcast %div3A_49 : vector<1x64xf32> to vector<10000x64xf32>
    %sub3A_50 = arith.subf %add3A_35, %sub3A : vector<10000x64xf32>
    %square3A = arith.mulf %sub3A_50, %sub3A_50 : vector<10000x64xf32>
    %convert_element_type3A_51 = arith.sitofp %jit3A : i32 to f32
    %sub3A_52 = arith.constant 1.000000e+04 : f32
    %sub3A_53 = arith.subf %sub3A_52, %convert_element_type3A_51 : f32
    %reduce_sum3A_54 = arith.constant dense<0.000000e+00> : vector<64xf32>
    %reduce_sum3A_55 = vector.multi_reduction <add>, %square3A, %reduce_sum3A_54 [0] : vector<10000x64xf32> to vector<64xf32>
    %div3A_56 = vector.broadcast %sub3A_53 : f32 to vector<64xf32>
    %div3A_57 = arith.divf %reduce_sum3A_55, %div3A_56 : vector<64xf32>
    %gt3A = arith.constant 0.000000e+00 : f32
    %gt3A_58 = arith.cmpf ogt, %sub3A_53, %gt3A : f32
    %jit3A_59 = arith.constant 0x7FC00000 : f32
    %broadcast_in_dim3A_60 = vector.broadcast %jit3A_59 : f32 to vector<64xf32>
    %select_n3A_61 = arith.select %gt3A_58, %div3A_57, %broadcast_in_dim3A_60 : vector<64xf32>
    %broadcast_in_dim3A_62 = vector.shape_cast %div3A_44 : vector<64xf32> to vector<1x64xf32>
    %sub3A_63 = vector.broadcast %broadcast_in_dim3A_62 : vector<1x64xf32> to vector<10000x64xf32>
    %sub3A_64 = arith.subf %add3A_35, %sub3A_63 : vector<10000x64xf32>
    %add3A_65 = arith.constant 9.99999974E-5 : f32
    %add3A_66 = vector.broadcast %add3A_65 : f32 to vector<64xf32>
    %add3A_67 = arith.addf %select_n3A_61, %add3A_66 : vector<64xf32>
    %sqrt3A = math.sqrt %add3A_67 : vector<64xf32>
    %broadcast_in_dim3A_68 = vector.shape_cast %sqrt3A : vector<64xf32> to vector<1x64xf32>
    %div3A_69 = vector.broadcast %broadcast_in_dim3A_68 : vector<1x64xf32> to vector<10000x64xf32>
    %div3A_70 = arith.divf %sub3A_64, %div3A_69 : vector<10000x64xf32>
    %mul3A_71 = vector.broadcast %get3A_38 : vector<1x64xf32> to vector<10000x64xf32>
    %mul3A_72 = arith.mulf %div3A_70, %mul3A_71 : vector<10000x64xf32>
    %add3A_73 = vector.broadcast %get3A_41 : vector<1x64xf32> to vector<10000x64xf32>
    %add3A_74 = arith.addf %mul3A_72, %add3A_73 : vector<10000x64xf32>
    %slice3A_75 = vector.extract_strided_slice %get3A_7 {offsets = [0, 64], sizes = [10000, 64], strides = [1, 1]} : vector<10000x128xf32> to vector<10000x64xf32>
    %slice3A_76 = vector.extract_strided_slice %add3A {offsets = [0, 64], sizes = [10000, 64], strides = [1, 1]} : vector<10000x128xf32> to vector<10000x64xf32>
    %add3A_77 = arith.addf %slice3A_75, %slice3A_76 : vector<10000x64xf32>
    %get3A_78 = arith.constant 0 : index
    %get3A_79 = arith.constant 0 : index
    %get3A_80 = vector.load %arg9[%get3A_78, %get3A_79] : memref<64x64xf32, #tpu.memory_space<vmem>>, vector<64x64xf32>
    %convert_element_type3A_81 = arith.truncf %add3A_77 : vector<10000x64xf32> to vector<10000x64xbf16>
    %convert_element_type3A_82 = arith.truncf %get3A_80 : vector<64x64xf32> to vector<64x64xbf16>
    %dot_general3A_83 = arith.constant dense<0.000000e+00> : vector<10000x64xf32>
    %dot_general3A_84 = tpu.matmul %convert_element_type3A_81, %convert_element_type3A_82, %dot_general3A_83 {dimension_numbers = #tpu.dot_dimension_numbers<[1], [1], [0], [0], [0, 0, 1, 0], [], []>, transpose_lhs_hint = false} : vector<10000x64xbf16>, vector<64x64xbf16>, vector<10000x64xf32> -> vector<10000x64xf32>
    %get3A_85 = arith.constant 0 : index
    %get3A_86 = arith.constant 0 : index
    %get3A_87 = vector.load %arg10[%get3A_85, %get3A_86] : memref<1x64xf32, #tpu.memory_space<vmem>>, vector<1x64xf32>
    %add3A_88 = vector.broadcast %get3A_87 : vector<1x64xf32> to vector<10000x64xf32>
    %add3A_89 = arith.addf %dot_general3A_84, %add3A_88 : vector<10000x64xf32>
    %ge3A_90 = arith.constant 0.000000e+00 : f32
    %ge3A_91 = vector.broadcast %ge3A_90 : f32 to vector<10000x64xf32>
    %ge3A_92 = arith.cmpf oge, %add3A_89, %ge3A_91 : vector<10000x64xf32>
    %mul3A_93 = arith.constant 0.00999999977 : f32
    %mul3A_94 = vector.broadcast %mul3A_93 : f32 to vector<10000x64xf32>
    %mul3A_95 = arith.mulf %mul3A_94, %add3A_89 : vector<10000x64xf32>
    %select_n3A_96 = arith.select %ge3A_92, %add3A_89, %mul3A_95 : vector<10000x64xi1>, vector<10000x64xf32>
    %get3A_97 = arith.constant 0 : index
    %get3A_98 = arith.constant 0 : index
    %get3A_99 = vector.load %arg11[%get3A_97, %get3A_98] : memref<64x64xf32, #tpu.memory_space<vmem>>, vector<64x64xf32>
    %convert_element_type3A_100 = arith.truncf %select_n3A_96 : vector<10000x64xf32> to vector<10000x64xbf16>
    %convert_element_type3A_101 = arith.truncf %get3A_99 : vector<64x64xf32> to vector<64x64xbf16>
    %dot_general3A_102 = arith.constant dense<0.000000e+00> : vector<10000x64xf32>
    %dot_general3A_103 = tpu.matmul %convert_element_type3A_100, %convert_element_type3A_101, %dot_general3A_102 {dimension_numbers = #tpu.dot_dimension_numbers<[1], [1], [0], [0], [0, 0, 1, 0], [], []>, transpose_lhs_hint = false} : vector<10000x64xbf16>, vector<64x64xbf16>, vector<10000x64xf32> -> vector<10000x64xf32>
    %get3A_104 = arith.constant 0 : index
    %get3A_105 = arith.constant 0 : index
    %get3A_106 = vector.load %arg12[%get3A_104, %get3A_105] : memref<1x64xf32, #tpu.memory_space<vmem>>, vector<1x64xf32>
    %add3A_107 = vector.broadcast %get3A_106 : vector<1x64xf32> to vector<10000x64xf32>
    %add3A_108 = arith.addf %dot_general3A_103, %add3A_107 : vector<10000x64xf32>
    %get3A_109 = arith.constant 0 : index
    %get3A_110 = arith.constant 0 : index
    %get3A_111 = vector.load %arg13[%get3A_109, %get3A_110] : memref<1x64xf32, #tpu.memory_space<vmem>>, vector<1x64xf32>
    %get3A_112 = arith.constant 0 : index
    %get3A_113 = arith.constant 0 : index
    %get3A_114 = vector.load %arg14[%get3A_112, %get3A_113] : memref<1x64xf32, #tpu.memory_space<vmem>>, vector<1x64xf32>
    %reduce_sum3A_115 = arith.constant dense<0.000000e+00> : vector<64xf32>
    %reduce_sum3A_116 = vector.multi_reduction <add>, %add3A_108, %reduce_sum3A_115 [0] : vector<10000x64xf32> to vector<64xf32>
    %div3A_117 = arith.constant 1.000000e+04 : f32
    %div3A_118 = vector.broadcast %div3A_117 : f32 to vector<64xf32>
    %div3A_119 = arith.divf %reduce_sum3A_116, %div3A_118 : vector<64xf32>
    %jit3A_120 = arith.constant 0 : i32
    %reduce_sum3A_121 = arith.constant dense<0.000000e+00> : vector<64xf32>
    %reduce_sum3A_122 = vector.multi_reduction <add>, %add3A_108, %reduce_sum3A_121 [0] : vector<10000x64xf32> to vector<64xf32>
    %broadcast_in_dim3A_123 = vector.shape_cast %reduce_sum3A_122 : vector<64xf32> to vector<1x64xf32>
    %div3A_124 = arith.constant 1.000000e+04 : f32
    %div3A_125 = vector.broadcast %div3A_124 : f32 to vector<1x64xf32>
    %div3A_126 = arith.divf %broadcast_in_dim3A_123, %div3A_125 : vector<1x64xf32>
    %sub3A_127 = vector.broadcast %div3A_126 : vector<1x64xf32> to vector<10000x64xf32>
    %sub3A_128 = arith.subf %add3A_108, %sub3A_127 : vector<10000x64xf32>
    %square3A_129 = arith.mulf %sub3A_128, %sub3A_128 : vector<10000x64xf32>
    %convert_element_type3A_130 = arith.sitofp %jit3A_120 : i32 to f32
    %sub3A_131 = arith.constant 1.000000e+04 : f32
    %sub3A_132 = arith.subf %sub3A_131, %convert_element_type3A_130 : f32
    %reduce_sum3A_133 = arith.constant dense<0.000000e+00> : vector<64xf32>
    %reduce_sum3A_134 = vector.multi_reduction <add>, %square3A_129, %reduce_sum3A_133 [0] : vector<10000x64xf32> to vector<64xf32>
    %div3A_135 = vector.broadcast %sub3A_132 : f32 to vector<64xf32>
    %div3A_136 = arith.divf %reduce_sum3A_134, %div3A_135 : vector<64xf32>
    %gt3A_137 = arith.constant 0.000000e+00 : f32
    %gt3A_138 = arith.cmpf ogt, %sub3A_132, %gt3A_137 : f32
    %jit3A_139 = arith.constant 0x7FC00000 : f32
    %broadcast_in_dim3A_140 = vector.broadcast %jit3A_139 : f32 to vector<64xf32>
    %select_n3A_141 = arith.select %gt3A_138, %div3A_136, %broadcast_in_dim3A_140 : vector<64xf32>
    %broadcast_in_dim3A_142 = vector.shape_cast %div3A_119 : vector<64xf32> to vector<1x64xf32>
    %sub3A_143 = vector.broadcast %broadcast_in_dim3A_142 : vector<1x64xf32> to vector<10000x64xf32>
    %sub3A_144 = arith.subf %add3A_108, %sub3A_143 : vector<10000x64xf32>
    %add3A_145 = arith.constant 9.99999974E-5 : f32
    %add3A_146 = vector.broadcast %add3A_145 : f32 to vector<64xf32>
    %add3A_147 = arith.addf %select_n3A_141, %add3A_146 : vector<64xf32>
    %sqrt3A_148 = math.sqrt %add3A_147 : vector<64xf32>
    %broadcast_in_dim3A_149 = vector.shape_cast %sqrt3A_148 : vector<64xf32> to vector<1x64xf32>
    %div3A_150 = vector.broadcast %broadcast_in_dim3A_149 : vector<1x64xf32> to vector<10000x64xf32>
    %div3A_151 = arith.divf %sub3A_144, %div3A_150 : vector<10000x64xf32>
    %mul3A_152 = vector.broadcast %get3A_111 : vector<1x64xf32> to vector<10000x64xf32>
    %mul3A_153 = arith.mulf %div3A_151, %mul3A_152 : vector<10000x64xf32>
    %add3A_154 = vector.broadcast %get3A_114 : vector<1x64xf32> to vector<10000x64xf32>
    %add3A_155 = arith.addf %mul3A_153, %add3A_154 : vector<10000x64xf32>
    %slice3A_156 = vector.extract_strided_slice %get3A_7 {offsets = [0, 0], sizes = [10000, 64], strides = [1, 1]} : vector<10000x128xf32> to vector<10000x64xf32>
    %concatenate3A = tpu.concatenate %slice3A_156, %add3A_74 in 1 : vector<10000x64xf32>, vector<10000x64xf32> -> vector<10000x128xf32>
    %get3A_157 = arith.constant 0 : index
    %get3A_158 = arith.constant 0 : index
    %get3A_159 = vector.load %arg15[%get3A_157, %get3A_158] : memref<128x128xf32, #tpu.memory_space<vmem>>, vector<128x128xf32>
    %get3A_160 = arith.constant 0 : index
    %get3A_161 = arith.constant 0 : index
    %get3A_162 = vector.load %arg16[%get3A_160, %get3A_161] : memref<1x128xf32, #tpu.memory_space<vmem>>, vector<1x128xf32>
    %get3A_163 = arith.constant 0 : index
    %get3A_164 = arith.constant 0 : index
    %get3A_165 = vector.load %arg17[%get3A_163, %get3A_164] : memref<128x128xf32, #tpu.memory_space<vmem>>, vector<128x128xf32>
    %get3A_166 = arith.constant 0 : index
    %get3A_167 = arith.constant 0 : index
    %get3A_168 = vector.load %arg18[%get3A_166, %get3A_167] : memref<1x128xf32, #tpu.memory_space<vmem>>, vector<1x128xf32>
    %get3A_169 = arith.constant 0 : index
    %get3A_170 = arith.constant 0 : index
    %get3A_171 = vector.load %arg19[%get3A_169, %get3A_170] : memref<128x128xf32, #tpu.memory_space<vmem>>, vector<128x128xf32>
    %get3A_172 = arith.constant 0 : index
    %get3A_173 = arith.constant 0 : index
    %get3A_174 = vector.load %arg20[%get3A_172, %get3A_173] : memref<1x128xf32, #tpu.memory_space<vmem>>, vector<1x128xf32>
    %get3A_175 = arith.constant 0 : index
    %get3A_176 = arith.constant 0 : index
    %get3A_177 = vector.load %arg21[%get3A_175, %get3A_176] : memref<128x128xf32, #tpu.memory_space<vmem>>, vector<128x128xf32>
    %get3A_178 = arith.constant 0 : index
    %get3A_179 = arith.constant 0 : index
    %get3A_180 = vector.load %arg22[%get3A_178, %get3A_179] : memref<1x128xf32, #tpu.memory_space<vmem>>, vector<1x128xf32>
    %convert_element_type3A_181 = arith.truncf %concatenate3A : vector<10000x128xf32> to vector<10000x128xbf16>
    %convert_element_type3A_182 = arith.truncf %get3A_159 : vector<128x128xf32> to vector<128x128xbf16>
    %dot_general3A_183 = arith.constant dense<0.000000e+00> : vector<10000x128xf32>
    %dot_general3A_184 = tpu.matmul %convert_element_type3A_181, %convert_element_type3A_182, %dot_general3A_183 {dimension_numbers = #tpu.dot_dimension_numbers<[1], [1], [0], [0], [0, 0, 1, 0], [], []>, transpose_lhs_hint = false} : vector<10000x128xbf16>, vector<128x128xbf16>, vector<10000x128xf32> -> vector<10000x128xf32>
    %add3A_185 = vector.broadcast %get3A_162 : vector<1x128xf32> to vector<10000x128xf32>
    %add3A_186 = arith.addf %dot_general3A_184, %add3A_185 : vector<10000x128xf32>
    %ge3A_187 = arith.constant 0.000000e+00 : f32
    %ge3A_188 = vector.broadcast %ge3A_187 : f32 to vector<10000x128xf32>
    %ge3A_189 = arith.cmpf oge, %add3A_186, %ge3A_188 : vector<10000x128xf32>
    %mul3A_190 = arith.constant 0.00999999977 : f32
    %mul3A_191 = vector.broadcast %mul3A_190 : f32 to vector<10000x128xf32>
    %mul3A_192 = arith.mulf %mul3A_191, %add3A_186 : vector<10000x128xf32>
    %select_n3A_193 = arith.select %ge3A_189, %add3A_186, %mul3A_192 : vector<10000x128xi1>, vector<10000x128xf32>
    %convert_element_type3A_194 = arith.truncf %select_n3A_193 : vector<10000x128xf32> to vector<10000x128xbf16>
    %convert_element_type3A_195 = arith.truncf %get3A_165 : vector<128x128xf32> to vector<128x128xbf16>
    %dot_general3A_196 = arith.constant dense<0.000000e+00> : vector<10000x128xf32>
    %dot_general3A_197 = tpu.matmul %convert_element_type3A_194, %convert_element_type3A_195, %dot_general3A_196 {dimension_numbers = #tpu.dot_dimension_numbers<[1], [1], [0], [0], [0, 0, 1, 0], [], []>, transpose_lhs_hint = false} : vector<10000x128xbf16>, vector<128x128xbf16>, vector<10000x128xf32> -> vector<10000x128xf32>
    %add3A_198 = vector.broadcast %get3A_168 : vector<1x128xf32> to vector<10000x128xf32>
    %add3A_199 = arith.addf %dot_general3A_197, %add3A_198 : vector<10000x128xf32>
    %ge3A_200 = arith.constant 0.000000e+00 : f32
    %ge3A_201 = vector.broadcast %ge3A_200 : f32 to vector<10000x128xf32>
    %ge3A_202 = arith.cmpf oge, %add3A_199, %ge3A_201 : vector<10000x128xf32>
    %mul3A_203 = arith.constant 0.00999999977 : f32
    %mul3A_204 = vector.broadcast %mul3A_203 : f32 to vector<10000x128xf32>
    %mul3A_205 = arith.mulf %mul3A_204, %add3A_199 : vector<10000x128xf32>
    %select_n3A_206 = arith.select %ge3A_202, %add3A_199, %mul3A_205 : vector<10000x128xi1>, vector<10000x128xf32>
    %convert_element_type3A_207 = arith.truncf %select_n3A_206 : vector<10000x128xf32> to vector<10000x128xbf16>
    %convert_element_type3A_208 = arith.truncf %get3A_171 : vector<128x128xf32> to vector<128x128xbf16>
    %dot_general3A_209 = arith.constant dense<0.000000e+00> : vector<10000x128xf32>
    %dot_general3A_210 = tpu.matmul %convert_element_type3A_207, %convert_element_type3A_208, %dot_general3A_209 {dimension_numbers = #tpu.dot_dimension_numbers<[1], [1], [0], [0], [0, 0, 1, 0], [], []>, transpose_lhs_hint = false} : vector<10000x128xbf16>, vector<128x128xbf16>, vector<10000x128xf32> -> vector<10000x128xf32>
    %add3A_211 = vector.broadcast %get3A_174 : vector<1x128xf32> to vector<10000x128xf32>
    %add3A_212 = arith.addf %dot_general3A_210, %add3A_211 : vector<10000x128xf32>
    %ge3A_213 = arith.constant 0.000000e+00 : f32
    %ge3A_214 = vector.broadcast %ge3A_213 : f32 to vector<10000x128xf32>
    %ge3A_215 = arith.cmpf oge, %add3A_212, %ge3A_214 : vector<10000x128xf32>
    %mul3A_216 = arith.constant 0.00999999977 : f32
    %mul3A_217 = vector.broadcast %mul3A_216 : f32 to vector<10000x128xf32>
    %mul3A_218 = arith.mulf %mul3A_217, %add3A_212 : vector<10000x128xf32>
    %select_n3A_219 = arith.select %ge3A_215, %add3A_212, %mul3A_218 : vector<10000x128xi1>, vector<10000x128xf32>
    %convert_element_type3A_220 = arith.truncf %concatenate3A : vector<10000x128xf32> to vector<10000x128xbf16>
    %convert_element_type3A_221 = arith.truncf %get3A_177 : vector<128x128xf32> to vector<128x128xbf16>
    %dot_general3A_222 = arith.constant dense<0.000000e+00> : vector<10000x128xf32>
    %dot_general3A_223 = tpu.matmul %convert_element_type3A_220, %convert_element_type3A_221, %dot_general3A_222 {dimension_numbers = #tpu.dot_dimension_numbers<[1], [1], [0], [0], [0, 0, 1, 0], [], []>, transpose_lhs_hint = false} : vector<10000x128xbf16>, vector<128x128xbf16>, vector<10000x128xf32> -> vector<10000x128xf32>
    %add3A_224 = arith.addf %select_n3A_219, %dot_general3A_223 : vector<10000x128xf32>
    %add3A_225 = vector.broadcast %get3A_180 : vector<1x128xf32> to vector<10000x128xf32>
    %add3A_226 = arith.addf %add3A_224, %add3A_225 : vector<10000x128xf32>
    %slice3A_227 = vector.extract_strided_slice %get3A_7 {offsets = [0, 64], sizes = [10000, 64], strides = [1, 1]} : vector<10000x128xf32> to vector<10000x64xf32>
    %concatenate3A_228 = tpu.concatenate %slice3A_227, %add3A_155 in 1 : vector<10000x64xf32>, vector<10000x64xf32> -> vector<10000x128xf32>
    %get3A_229 = arith.constant 0 : index
    %get3A_230 = arith.constant 0 : index
    %get3A_231 = vector.load %arg23[%get3A_229, %get3A_230] : memref<128x128xf32, #tpu.memory_space<vmem>>, vector<128x128xf32>
    %get3A_232 = arith.constant 0 : index
    %get3A_233 = arith.constant 0 : index
    %get3A_234 = vector.load %arg24[%get3A_232, %get3A_233] : memref<1x128xf32, #tpu.memory_space<vmem>>, vector<1x128xf32>
    %get3A_235 = arith.constant 0 : index
    %get3A_236 = arith.constant 0 : index
    %get3A_237 = vector.load %arg25[%get3A_235, %get3A_236] : memref<128x128xf32, #tpu.memory_space<vmem>>, vector<128x128xf32>
    %get3A_238 = arith.constant 0 : index
    %get3A_239 = arith.constant 0 : index
    %get3A_240 = vector.load %arg26[%get3A_238, %get3A_239] : memref<1x128xf32, #tpu.memory_space<vmem>>, vector<1x128xf32>
    %get3A_241 = arith.constant 0 : index
    %get3A_242 = arith.constant 0 : index
    %get3A_243 = vector.load %arg27[%get3A_241, %get3A_242] : memref<128x128xf32, #tpu.memory_space<vmem>>, vector<128x128xf32>
    %get3A_244 = arith.constant 0 : index
    %get3A_245 = arith.constant 0 : index
    %get3A_246 = vector.load %arg28[%get3A_244, %get3A_245] : memref<1x128xf32, #tpu.memory_space<vmem>>, vector<1x128xf32>
    %get3A_247 = arith.constant 0 : index
    %get3A_248 = arith.constant 0 : index
    %get3A_249 = vector.load %arg29[%get3A_247, %get3A_248] : memref<128x128xf32, #tpu.memory_space<vmem>>, vector<128x128xf32>
    %get3A_250 = arith.constant 0 : index
    %get3A_251 = arith.constant 0 : index
    %get3A_252 = vector.load %arg30[%get3A_250, %get3A_251] : memref<1x128xf32, #tpu.memory_space<vmem>>, vector<1x128xf32>
    %convert_element_type3A_253 = arith.truncf %concatenate3A_228 : vector<10000x128xf32> to vector<10000x128xbf16>
    %convert_element_type3A_254 = arith.truncf %get3A_231 : vector<128x128xf32> to vector<128x128xbf16>
    %dot_general3A_255 = arith.constant dense<0.000000e+00> : vector<10000x128xf32>
    %dot_general3A_256 = tpu.matmul %convert_element_type3A_253, %convert_element_type3A_254, %dot_general3A_255 {dimension_numbers = #tpu.dot_dimension_numbers<[1], [1], [0], [0], [0, 0, 1, 0], [], []>, transpose_lhs_hint = false} : vector<10000x128xbf16>, vector<128x128xbf16>, vector<10000x128xf32> -> vector<10000x128xf32>
    %add3A_257 = vector.broadcast %get3A_234 : vector<1x128xf32> to vector<10000x128xf32>
    %add3A_258 = arith.addf %dot_general3A_256, %add3A_257 : vector<10000x128xf32>
    %ge3A_259 = arith.constant 0.000000e+00 : f32
    %ge3A_260 = vector.broadcast %ge3A_259 : f32 to vector<10000x128xf32>
    %ge3A_261 = arith.cmpf oge, %add3A_258, %ge3A_260 : vector<10000x128xf32>
    %mul3A_262 = arith.constant 0.00999999977 : f32
    %mul3A_263 = vector.broadcast %mul3A_262 : f32 to vector<10000x128xf32>
    %mul3A_264 = arith.mulf %mul3A_263, %add3A_258 : vector<10000x128xf32>
    %select_n3A_265 = arith.select %ge3A_261, %add3A_258, %mul3A_264 : vector<10000x128xi1>, vector<10000x128xf32>
    %convert_element_type3A_266 = arith.truncf %select_n3A_265 : vector<10000x128xf32> to vector<10000x128xbf16>
    %convert_element_type3A_267 = arith.truncf %get3A_237 : vector<128x128xf32> to vector<128x128xbf16>
    %dot_general3A_268 = arith.constant dense<0.000000e+00> : vector<10000x128xf32>
    %dot_general3A_269 = tpu.matmul %convert_element_type3A_266, %convert_element_type3A_267, %dot_general3A_268 {dimension_numbers = #tpu.dot_dimension_numbers<[1], [1], [0], [0], [0, 0, 1, 0], [], []>, transpose_lhs_hint = false} : vector<10000x128xbf16>, vector<128x128xbf16>, vector<10000x128xf32> -> vector<10000x128xf32>
    %add3A_270 = vector.broadcast %get3A_240 : vector<1x128xf32> to vector<10000x128xf32>
    %add3A_271 = arith.addf %dot_general3A_269, %add3A_270 : vector<10000x128xf32>
    %ge3A_272 = arith.constant 0.000000e+00 : f32
    %ge3A_273 = vector.broadcast %ge3A_272 : f32 to vector<10000x128xf32>
    %ge3A_274 = arith.cmpf oge, %add3A_271, %ge3A_273 : vector<10000x128xf32>
    %mul3A_275 = arith.constant 0.00999999977 : f32
    %mul3A_276 = vector.broadcast %mul3A_275 : f32 to vector<10000x128xf32>
    %mul3A_277 = arith.mulf %mul3A_276, %add3A_271 : vector<10000x128xf32>
    %select_n3A_278 = arith.select %ge3A_274, %add3A_271, %mul3A_277 : vector<10000x128xi1>, vector<10000x128xf32>
    %convert_element_type3A_279 = arith.truncf %select_n3A_278 : vector<10000x128xf32> to vector<10000x128xbf16>
    %convert_element_type3A_280 = arith.truncf %get3A_243 : vector<128x128xf32> to vector<128x128xbf16>
    %dot_general3A_281 = arith.constant dense<0.000000e+00> : vector<10000x128xf32>
    %dot_general3A_282 = tpu.matmul %convert_element_type3A_279, %convert_element_type3A_280, %dot_general3A_281 {dimension_numbers = #tpu.dot_dimension_numbers<[1], [1], [0], [0], [0, 0, 1, 0], [], []>, transpose_lhs_hint = false} : vector<10000x128xbf16>, vector<128x128xbf16>, vector<10000x128xf32> -> vector<10000x128xf32>
    %add3A_283 = vector.broadcast %get3A_246 : vector<1x128xf32> to vector<10000x128xf32>
    %add3A_284 = arith.addf %dot_general3A_282, %add3A_283 : vector<10000x128xf32>
    %ge3A_285 = arith.constant 0.000000e+00 : f32
    %ge3A_286 = vector.broadcast %ge3A_285 : f32 to vector<10000x128xf32>
    %ge3A_287 = arith.cmpf oge, %add3A_284, %ge3A_286 : vector<10000x128xf32>
    %mul3A_288 = arith.constant 0.00999999977 : f32
    %mul3A_289 = vector.broadcast %mul3A_288 : f32 to vector<10000x128xf32>
    %mul3A_290 = arith.mulf %mul3A_289, %add3A_284 : vector<10000x128xf32>
    %select_n3A_291 = arith.select %ge3A_287, %add3A_284, %mul3A_290 : vector<10000x128xi1>, vector<10000x128xf32>
    %convert_element_type3A_292 = arith.truncf %concatenate3A_228 : vector<10000x128xf32> to vector<10000x128xbf16>
    %convert_element_type3A_293 = arith.truncf %get3A_249 : vector<128x128xf32> to vector<128x128xbf16>
    %dot_general3A_294 = arith.constant dense<0.000000e+00> : vector<10000x128xf32>
    %dot_general3A_295 = tpu.matmul %convert_element_type3A_292, %convert_element_type3A_293, %dot_general3A_294 {dimension_numbers = #tpu.dot_dimension_numbers<[1], [1], [0], [0], [0, 0, 1, 0], [], []>, transpose_lhs_hint = false} : vector<10000x128xbf16>, vector<128x128xbf16>, vector<10000x128xf32> -> vector<10000x128xf32>
    %add3A_296 = arith.addf %select_n3A_291, %dot_general3A_295 : vector<10000x128xf32>
    %add3A_297 = vector.broadcast %get3A_252 : vector<1x128xf32> to vector<10000x128xf32>
    %add3A_298 = arith.addf %add3A_296, %add3A_297 : vector<10000x128xf32>
    %get3A_299 = arith.constant 0 : index
    %get3A_300 = arith.constant 0 : index
    %get3A_301 = vector.load %arg2[%get3A_299, %get3A_300] : memref<10000x128xf32, #tpu.memory_space<vmem>>, vector<10000x128xf32>
    %exp3A = math.exp %add3A_298 : vector<10000x128xf32>
    %mul3A_302 = arith.mulf %get3A_301, %exp3A : vector<10000x128xf32>
    %add3A_303 = arith.addf %mul3A_302, %add3A_226 : vector<10000x128xf32>
    %swap3A = arith.constant 0 : index
    %swap3A_304 = arith.constant 0 : index
    %swap3A_305 = vector.load %arg31[%swap3A, %swap3A_304] : memref<10000x128xf32, #tpu.memory_space<vmem>>, vector<10000x128xf32>
    tpu.vector_store %arg31[%swap3A, %swap3A_304], %add3A_303 {strides = array<i32>} : memref<10000x128xf32, #tpu.memory_space<vmem>>, vector<10000x128xf32>,
    return
  }
}

module attributes {stable_mosaic.version = 14 : i64} {
  func.func @_decode_body(%arg0: i32, %arg1: i32, %arg2: memref<2000x128xf32, #tpu.memory_space<vmem>>, %arg3: memref<2048x128xf32, #tpu.memory_space<vmem>>, %arg4: memref<2000x2048xf32, #tpu.memory_space<vmem>>) attributes {dimension_semantics = [#tpu.dimension_semantics<arbitrary>, #tpu.dimension_semantics<arbitrary>], iteration_bounds = array<i64: 5, 5>, scalar_prefetch = 0 : i64, scratch_operands = 0 : i64, tpu.core_type = #tpu.core_type<tc>, window_params = [{transform_indices = @transform_0, window_bounds = array<i64: 2000, 128>}, {transform_indices = @transform_1, window_bounds = array<i64: 2048, 128>}, {transform_indices = @transform_2, window_bounds = array<i64: 2000, 2048>}]} {
    %get3A = arith.constant 0 : index
    %get3A_0 = arith.constant 0 : index
    %get3A_1 = vector.load %arg2[%get3A, %get3A_0] : memref<2000x128xf32, #tpu.memory_space<vmem>>, vector<2000x128xf32>
    %convert_element_type3A = arith.truncf %get3A_1 : vector<2000x128xf32> to vector<2000x128xbf16>
    %get3A_2 = arith.constant 0 : index
    %get3A_3 = arith.constant 0 : index
    %get3A_4 = vector.load %arg3[%get3A_2, %get3A_3] : memref<2048x128xf32, #tpu.memory_space<vmem>>, vector<2048x128xf32>
    %convert_element_type3A_5 = arith.truncf %get3A_4 : vector<2048x128xf32> to vector<2048x128xbf16>
    %dot_general3A = arith.constant dense<0.000000e+00> : vector<2000x2048xf32>
    %dot_general3A_6 = tpu.matmul %convert_element_type3A, %convert_element_type3A_5, %dot_general3A {dimension_numbers = #tpu.dot_dimension_numbers<[1], [1], [0], [0], [0, 0, 1, 0], [], []>, transpose_lhs_hint = false} : vector<2000x128xbf16>, vector<2048x128xbf16>, vector<2000x2048xf32> -> vector<2000x2048xf32>
    %logistic3A = arith.negf %dot_general3A_6 : vector<2000x2048xf32>
    %logistic3A_7 = math.exp %logistic3A : vector<2000x2048xf32>
    %logistic3A_8 = arith.constant 1.000000e+00 : f32
    %logistic3A_9 = vector.broadcast %logistic3A_8 : f32 to vector<2000x2048xf32>
    %logistic3A_10 = arith.addf %logistic3A_9, %logistic3A_7 : vector<2000x2048xf32>
    %logistic3A_11 = arith.divf %logistic3A_9, %logistic3A_10 : vector<2000x2048xf32>
    %swap3A = arith.constant 0 : index
    %swap3A_12 = arith.constant 0 : index
    %swap3A_13 = vector.load %arg4[%swap3A, %swap3A_12] : memref<2000x2048xf32, #tpu.memory_space<vmem>>, vector<2000x2048xf32>
    tpu.vector_store %arg4[%swap3A, %swap3A_12], %logistic3A_11 {strides = array<i32>} : memref<2000x2048xf32, #tpu.memory_space<vmem>>, vector<2000x2048xf32>,
    return
  }
  func.func @transform_0(%arg0: i32, %arg1: i32) -> (i32, i32) {
    %c0_i32 = arith.constant 0 : i32
    %c0_i32_0 = arith.constant 0 : i32
    return %arg0, %c0_i32 : i32, i32
  }
  func.func @transform_1(%arg0: i32, %arg1: i32) -> (i32, i32) {
    %c0_i32 = arith.constant 0 : i32
    %c0_i32_0 = arith.constant 0 : i32
    return %arg1, %c0_i32 : i32, i32
  }
  func.func @transform_2(%arg0: i32, %arg1: i32) -> (i32, i32) {
    %c0_i32 = arith.constant 0 : i32
    return %arg0, %arg1 : i32, i32
  }
}

</mosaic_0001>

<sc_bundles>
// kernel: gather_offload_async_start.1
scs
__scs_entry_jumppad:
0x0: {  	(pc) =	sbr.rel $0x88, $3  }
0x1: {  	(tag) =	ssettag $0x0;
	lr =	simm.s32 $0x1  }
0x2: {  	[smem:$0x3F62] =	sst lr;
	_ =	strace $0xD0000000  }
0x3: {  	_ = 	snop  }
0x4: {  	_ = 	snop  }
0x5: {  	_ = 	snop  }
0x6: {  	_ = 	snop  }
0x7: {  	_ = 	snop  }
__scs_overlays_trampoline_lowered:
0x8: {  	[smem:$0x3F71] =	sst s0  }
0x9: {  	[smem:$0x3F72] =	sst s1  }
0xa: {  	[smem:$0x3F73] =	sst s2  }
0xb: {  	[smem:$0x3F74] =	sst s3  }
0xc: {  	[smem:$0x3F75] =	sst s4  }
0xd: {  	[smem:$0x3F76] =	sst s5  }
0xe: {  	[smem:$0x3F77] =	sst s6  }
0xf: {  	[smem:$0x3F78] =	sst s7  }
0x10: {  	[smem:$0x3F79] =	sst s8  }
0x11: {  	[smem:$0x3F7A] =	sst s9;
	s0 =	simm.s32 @!p0 $0x0  }
0x12: {  	s1 =	sld [smem:$0x3F60];
	s0 =	simm.s32 @p0 $0x1  }
0x13: {  	[smem:$0x3F7B] =	sst s0;
	s0 =	simm.s32 @!p1 $0x0  }
0x14: {  	s2 =	sld [smem:$0x3F5F];
	s0 =	simm.s32 @p1 $0x1  }
0x15: {  	[smem:$0x3F7C] =	sst s0;
	s0 =	simm.s32 @!p2 $0x0  }
0x16: {  	s3 =	sld [smem:$0x3FDB];
	s0 =	simm.s32 @p2 $0x1  }
0x17: {  	s4 =	simm.s32 $0x1BF5;
	[smem:$0x3F7E] =	sst s0  }
0x18: {  	s0 =	sld [smem:$0x3F61];
	_ =	swait.ge [sflag:s4], $0x0  }
0x19: {  	s7 =	sld [smem:$0x3F62]  }
0x1a: {  	s8 =	sadd.s32 $0xFFFFE003, lr  }
0x1b: {  	s9 =	sadd.s32 $0xFFFFFEF7, lr;
	s5 =	simm.s32 $0xFFFFFFFF;
	p2 =	slt.u32 s8, $0xFFFFF086  }
0x1c: {  	p1 =	slt.u32 s9, $0xF7A;
	s5 =	simm.s32 @!p2 $0x0  }
0x1d: {  	s5 =	simm.s32 @p1 $0x1;
	p0 =	seq.s32 s7, s2  }
0x1e: {  	s7 =	smul.u32 @!p0 $0xF7A, s2;
	p2 =	seq.s32 @!p0 s5, $0x0  }
0x1f: {  	s9 =	smul.u32 $0xF7A, s1;
	s8 =	simm.s32 @!p0 $0x1BF5;
	p2 =	por !p2, p0  }
0x20: {  	[sflag:s8] =	ssyncset.s32 @!p0 $0xFFFFF086;
	s6 =	sadd.s32 @!p0 s3, s7;
	s7 =	simm.s32 @!p0 $0x108  }
0x21: {  	s3 =	sadd.s32 s3, s9;
	s6 =	sadd.s32 @!p0 $0x88, s6;
	s7 =	simm.s32 @p2 $0x1082  }
0x22: {  	[simem:s7], [sflag:s8] =	dma.local @!p0 [hbm:s6], $0xF7A  }
0x23: {  	s9 =	sor.u32 $0xD0000000, s2;
	s6 =	simm.s32 $0x108;
	_ =	swait.ge @!p0 [sflag:s8], $0x0  }
0x24: {  	s3 =	sadd.s32 $0x88, s3;
	s6 =	simm.s32 @!p1 $0x1082;
	[sflag:s4] =	ssyncset.s32 $0xFFFFF086  }
0x25: {  	[simem:s6], [sflag:s4] =	dma.local [hbm:s3], $0xF7A  }
0x26: {  	[smem:$0x3F62] =	sst s1;
	(tag) =	ssettag s2;
	_ =	strace s9  }
0x27: {  	s1 =	sld [smem:$0x3F72]  }
0x28: {  	s2 =	sld [smem:$0x3F73]  }
0x29: {  	s4 =	sld [smem:$0x3F75]  }
0x2a: {  	p0 =	seq.s32 s5, $0x0;
	s5 =	sld [smem:$0x3F76]  }
0x2b: {  	s6 =	sld [smem:$0x3F77]  }
0x2c: {  	s7 =	sld [smem:$0x3F78]  }
0x2d: {  	s3 =	simm.s32 $0x108;
	s8 =	sld [smem:$0x3F79]  }
0x2e: {  	s3 =	simm.s32 @!p0 $0x1082;
	s9 =	sld [smem:$0x3F7A]  }
0x2f: {  	lr =	sadd.s32 s0, s3;
	s0 =	sld [smem:$0x3F71]  }
0x30: {  	s3 =	sld [smem:$0x3F74]  }
0x31: {  	[smem:$0x3F7D] =	sst s10  }
0x32: {  	s10 =	sld [smem:$0x3F7B];
	_ =	sdelay $0x3  }
0x33: {  	p0 =	seq.s32 s10, $0x1;
	s10 =	sld [smem:$0x3F7D];
	_ =	sdelay $0x3  }
0x34: {  	[smem:$0x3F7D] =	sst s10  }
0x35: {  	s10 =	sld [smem:$0x3F7C];
	_ =	sdelay $0x3  }
0x36: {  	p1 =	seq.s32 s10, $0x1;
	s10 =	sld [smem:$0x3F7D];
	_ =	sdelay $0x3  }
0x37: {  	[smem:$0x3F7D] =	sst s10  }
0x38: {  	s10 =	sld [smem:$0x3F7E]  }
0x39: {  	_ = 	snop;
	(pc) =	sbr.ind lr, $3  }
0x3a: {  	_ = 	snop  }
0x3b: {  	_ = 	snop  }
0x3c: {  	p2 =	seq.s32 s10, $0x1;
	s10 =	sld [smem:$0x3F7D]  }
0x3d: {  	_ =	shalt  }
0x3e: {  	_ =	shalt  }
0x3f: {  	_ =	shalt  }
0x40: {  	_ =	shalt  }
0x41: {  	_ =	shalt  }
0x42: {  	_ =	shalt  }
0x43: {  	_ =	shalt  }
0x44: {  	_ =	shalt  }
0x45: {  	_ =	shalt  }
0x46: {  	_ =	shalt  }
0x47: {  	_ =	shalt  }
0x48: {  	_ =	shalt  }
0x49: {  	_ =	shalt  }
0x4a: {  	_ =	shalt  }
0x4b: {  	_ =	shalt  }
0x4c: {  	_ =	shalt  }
0x4d: {  	_ =	shalt  }
0x4e: {  	_ =	shalt  }
0x4f: {  	_ =	shalt  }
0x50: {  	_ =	shalt  }
0x51: {  	_ =	shalt  }
0x52: {  	_ =	shalt  }
0x53: {  	_ =	shalt  }
0x54: {  	_ =	shalt  }
0x55: {  	_ =	shalt  }
0x56: {  	_ =	shalt  }
0x57: {  	_ =	shalt  }
0x58: {  	_ =	shalt  }
0x59: {  	_ =	shalt  }
0x5a: {  	_ =	shalt  }
0x5b: {  	_ =	shalt  }
0x5c: {  	_ =	shalt  }
0x5d: {  	_ =	shalt  }
0x5e: {  	_ =	shalt  }
0x5f: {  	_ =	shalt  }
0x60: {  	_ =	shalt  }
0x61: {  	_ =	shalt  }
0x62: {  	_ =	shalt  }
0x63: {  	_ =	shalt  }
0x64: {  	_ =	shalt  }
0x65: {  	_ =	shalt  }
0x66: {  	_ =	shalt  }
0x67: {  	_ =	shalt  }
0x68: {  	_ =	shalt  }
0x69: {  	_ =	shalt  }
0x6a: {  	_ =	shalt  }
0x6b: {  	_ =	shalt  }
0x6c: {  	_ =	shalt  }
0x6d: {  	_ =	shalt  }
0x6e: {  	_ =	shalt  }
0x6f: {  	_ =	shalt  }
0x70: {  	_ =	shalt  }
0x71: {  	_ =	shalt  }
0x72: {  	_ =	shalt  }
0x73: {  	_ =	shalt  }
0x74: {  	_ =	shalt  }
0x75: {  	_ =	shalt  }
0x76: {  	_ =	shalt  }
0x77: {  	_ =	shalt  }
0x78: {  	_ =	shalt  }
0x79: {  	_ =	shalt  }
0x7a: {  	_ =	shalt  }
0x7b: {  	_ =	shalt  }
0x7c: {  	_ =	shalt  }
0x7d: {  	_ =	shalt  }
0x7e: {  	_ =	shalt  }
0x7f: {  	_ =	shalt  }
0x80: {  	_ =	shalt  }
0x81: {  	_ =	shalt  }
0x82: {  	_ =	shalt  }
0x83: {  	_ =	shalt  }
0x84: {  	_ =	shalt  }
0x85: {  	_ =	shalt  }
0x86: {  	_ =	shalt  }
0x87: {  	_ =	shalt  }
.Lfunc_end0:
.L_simem_size_0:
called_computation.1_lowered:
.L_overlay_start_0:
0x88: {  	s2 =	sld [smem:$0x3FD9]  }
0x89: {  	s3 =	sld [smem:$0x3FFE];
	_ =	sdelay $0x1  }
0x8a: {  	s1 =	srdreg.scid  }
0x8b: {  	s0 =	sand.u32 $0x1, s1  }
0x8c: {  	s16 =	sshll.u32 s0, $0xA;
	s2 =	sadd.s32 s3, s2  }
0x8d: {  	s2 =	sadd.s32 s2, s16  }
0x8e: {  	[smem:$0x3F89] =	sst s2  }
0x8f: {  	_ = 	snop  }
0x90: {  	(tm) =	ssettm $0x1  }
0x91: {  	s17 =	sld [smem:$0x3FFB];
	_ =	sdelay $0x3  }
0x92: {  	_ =	strace s17  }
0x93: {  	s2 =	sld [smem:$0x3FFC];
	_ =	sdelay $0x3  }
0x94: {  	_ =	strace s2  }
0x95: {  	s2 =	sld [smem:$0x3FFD];
	_ =	sdelay $0x3  }
0x96: {  	_ =	strace s2  }
0x97: {  	_ =	strace $0x8FFFFFFF  }
0x98: {  	s18 =	sld [smem:$0x3FDB];
	_ =	sdelay $0x1  }
0x99: {  	s19 =	simm.s32 $_scs_section_size  }
0x9a: {  	s4 =	simm.s32 $_size__tile_overlayer_lowered;
	s5 =	simm.s32 $_tile_overlayer_lowered  }
0x9b: {  	s22 =	simm.s32 $0x1BFF;
	s21 =	sshll.u32 s5, $0x1;
	s2 =	sadd.s32 s19, s18  }
0x9c: {  	s6 =	simm.s32 $0x0;
	s20 =	sshll.u32 s4, $0x1;
	s4 =	sadd.s32 s21, s2  }
0x9d: {  	[timem:s6], [sflag:s22] =	dma.local [hbm:s4], s20  }
0x9e: {  	_ =	swait.ge [sflag:s22], s20  }
0x9f: {  	s3 =	ssub.s32 $0x0, s20;
	[sflag:s22] =	ssyncset.done $0x0  }
0xa0: {  	[sflag:s22] =	ssyncadd.s32 s3;
	_ =	sdelay $0x1  }
0xa1: {  	s23 =	simm.s32 $0x1B8B  }
0xa2: {  	_ =	swait.ge [sflag:s23], $0x1  }
0xa3: {  	[sflag:s23] =	ssyncset.done $0x0  }
0xa4: {  	s25 =	simm.s32 $0x1B8E;
	s24 =	sld [smem:$0x3FFE];
	[sflag:s23] =	ssyncadd.s32 $0xFFFFFFFF  }
0xa5: {  	s26 =	simm.s32 $execute0_lowered;
	[smem:$0x3FD2] =	sst s25  }
0xa6: {  	s4 =	sshll.u32 s26, $0x1;
	_ =	strace $0x80000046;
	[dreg:$0x1] =	wrdreg $0xFFFFFFFF  }
0xa7: {  	s28 =	simm.s32 $_size_execute0_lowered;
	s2 =	sadd.s32 s2, s4;
	[dreg:$0x0] =	wrdreg $0x0  }
0xa8: {  	s4 =	sshll.u32 s28, $0x1;
	[dreg:$0x2] =	wrdreg s2  }
0xa9: {  	[dreg:$0x3] =	wrdreg s4  }
0xaa: {  	[dreg:$0x4] =	wrdreg $0xC0  }
0xab: {  	_ =	task [dreg:s6], $0x5FFFF  }
0xac: {  	[dreg:$0x1] =	wrdreg $0xFFFFFFFF  }
0xad: {  	[dreg:$0x0] =	wrdreg $0x60  }
0xae: {  	[dreg:$0x2] =	wrdreg s24  }
0xaf: {  	[dreg:$0x3] =	wrdreg $0x9  }
0xb0: {  	_ =	task.clear_ibuf [dreg:s6], $0x4FFFF;
	_ =	strace $0x90000046  }
0xb1: {  	s29 =	simm.s32 $0x9;
	_ =	strace $0x80000048  }
0xb2: {  	_ =	swait.ge [sflag:s29], $0x1  }
0xb3: {  	[sflag:s29] =	ssyncadd.s32 $0xFFFFFFFF  }
0xb4: {  	_ =	strace $0x90000048  }
0xb5: {  	_ =	sfence  }
0xb6: {  	s30 =	sld [smem:$0x0];
	_ =	sdelay $0x2  }
0xb7: {  	s31 =	sshll.u32 s1, $0xD;
	s1 =	sshrl.u32 s1, $0x2  }
0xb8: {  	s3 =	sand.u32 $0x4000, s31;
	s1 =	sadd.s32 s1, s30  }
0xb9: {  	s0 =	sor.u32 s3, s0;
	s1 =	sshll.u32 s1, $0x11  }
0xba: {  	s0 =	sor.u32 s1, s0  }
0xbb: {  	s0 =	sadd.s32 $0x8F2B, s0  }
0xbc: {  	[sflag:s0] =	ssyncadd.remote.s32 $0x1  }
0xbd: {  	_ =	sfence.sel $0xFFFF  }
0xbe: {  	[dreg:$0x0] =	wrdreg $0xFFFFFFFF;
	(pc) =	sbr.abs _section_cstart, $3  }
0xbf: {  	[dreg:$0x1] =	wrdreg $0xFFFFFFFF  }
0xc0: {  	_ =	task.clear_ibuf [dreg:s6], $0x2FFFF;
	_ =	strace $0x9FFFFFFF  }
0xc1: {  	(tm) =	ssettm $0x7FFFFFFF  }
tec
execute0_lowered:
.L_overlay_start_1:
0x0: {  	(tag) =	ssettag $0x1  }
0x1: {  	s8 =	rddreg [dreg:$0x0]  }
0x2: {  	s0 =	rddreg [dreg:$0x1];
	_ =	strace $0x80000047;
	s1 =	stileid.u32  }
0x3: {  	s3 =	srdreg.scid;
	s4 =	simm.s32 $0x1;
	s7 =	simm.s32 $0x1  }
0x4: {  	s9 =	simm.s32 $0x1;
	s10 =	simm.s32 $0x3;
	s13 =	simm.s32 $0x0  }
0x5: {  	s12 =	simm.s32 $0x0;
	s5 =	sand.u32 $0x1, s3;
	s6 =	sshll.u32 s1, $0x1  }
0x6: {  	s2 =	sadd.s32 $0x17C00, s8;
	s3 =	sadd.s32 $0x21A00, s8;
	s5 =	sor.u32 s6, s5  }
.Ltmp0:
0x7: {  	[sflag:s4] =	ssyncpa.u1 $0x0;
	p0 =	slt.u32 s5, $0x9;
	(pc) =	sbr.rel .LBB2_1-.Ltmp0, $4  }
0x8: {  	s6 =	simm.s32 $0x2;
	s7 =	simm.s32 @!p0 $0x0;
	p0 =	sne.s32 s5, $0x8  }
0x9: {  	[sflag:s6] =	ssyncpa.u1 $0x0;
	s5 =	smul.u32 $0x1F40, s5;
	s9 =	simm.s32 @!p0 $0x0  }
0xa: {  	s8 =	sadd.s32 $0x2B800, s8;
	[sflag:s10] =	ssyncpa.u1 $0x0;
	s7 =	sadd.s32 s9, s7  }
0xb: {  	vm0 =	vmmov $0xffff;
	s10 =	simm.s32 $0x0;
	s11 =	smov.u32 s5;
	s9 =	sadd.s32 $0x1, s7  }
.LBB2_4:
0xc: {  	v2 =	vnsel vm1, $0x0, v2  }
0xd: {  	vm1 =	vgt.s32 v0, $0x0;
	v2 =	vmin.u32 v2, $0x4E1FF  }
0xe: {  	v0 =	vnsel vm1, $0x0, v0  }
0xf: {  	v0 =	vmin.u32 v0, $0x4E1FF  }
0x10: {  	[tilespmem:s18], [sflag:$0x1] =	stream.indirect_vreg.gather [hbm4b:s2+s10], $0x1, v1, vm0, $0x4038;
	[tilespmem:$0x7D00] =	vst v63  }
0x11: {  	(ifvalue) =	ssetifvalue $0x7FFFFFFF  }
0x12: {  	[tilespmem:s15], [sflag:$0x1] =	stream.indirect_vreg.gather [hbm4b:s2+s10], $0x1, v2, vm0, $0x4038;
	[tilespmem:$0x7D00] =	vst v63  }
0x13: {  	s29 =	sadd.s32 $0x10, s15;
	(ifvalue) =	ssetifvalue $0x7FFFFFFF  }
0x14: {  	[tilespmem:s29], [sflag:$0x1] =	stream.indirect_vreg.gather [hbm4b:s2+s10], $0x1, v0, vm0, $0x4038;
	[tilespmem:$0x7D00] =	vst v63  }
0x15: {  	_ =	swait.ge [sflag:s4], $0x1F40  }
0x16: {  	s30 =	sshrl.u32 s13, $0x3;
	[sflag:s4] =	ssyncset.done $0x0  }
0x17: {  	s31 =	sand.u32 $0x7, s13;
	s15 =	sadd.s32 s8, s30;
	[sflag:s4] =	ssyncadd.s32 $0xFFFFE0C0  }
0x18: {  	[hbm4b:s15+s31] =	stream.linear.scatter [tilespmem:s14], [sflag:$0x3], $0x1F40, $0x38;
	[tilespmem:$0x7D00] =	vst v63  }
.LBB2_5:
0x19: {  	s15 =	sadd.s32 $0x3E800, s11  }
0x1a: {  	p1 =	sgt.s32 s15, $0x4E1FF  }
0x1b: {  	s15 =	smov.u32 @p1 s5;
	p1 =	sne.s32 s12, s9  }
.Ltmp1:
0x1c: {  	p0 =	slt.u32 s12, $0x2;
	(pc) =	sbr.rel @!p1 .LBB2_6-.Ltmp1, $4  }
0x1d: {  	s14 =	simm.s32 @!p0 $0x3  }
0x1e: {  	_ =	swait.ge @!p0 [sflag:s14], $0x1F40  }
0x1f: {  	s16 =	sadd.s32 $0x1, s12;
	s13 =	smov.u32 s11;
	[sflag:s14] =	ssyncset.done @!p0 $0x0  }
0x20: {  	s12 =	smov.u32 s16;
	s11 =	smov.u32 s15;
	[sflag:s14] =	ssyncadd.s32 @!p0 $0xFFFFE0C0  }
.LBB2_1:
0x21: {  	p0 =	sge.u32 s12, s7  }
0x22: {  	s14 =	sxor.u32 @!p0 $0x1, s12  }
0x23: {  	s14 =	smul.u32 @!p0 $0x7D00, s14  }
0x24: {  	s31 =	sadd.s32 $0xFFFFFFFF, s12;
	s15 =	sshrl.u32 @!p0 s11, $0x3  }
0x25: {  	s16 =	sand.u32 @!p0 $0x7, s11;
	s15 =	sadd.s32 @!p0 s3, s15;
	s14 =	sshra.s32 @!p0 s14, $0x2  }
0x26: {  	[tilespmem:s14], [sflag:$0x2] =	stream.linear.gather @!p0 [hbm4b:s15+s16], $0x1F40, $0x38;
	[tilespmem:$0x7D00] =	vst v63  }
0x27: {  	p0 =	sge.u32 s31, s7  }
.Ltmp2:
0x28: {  	_ = 	snop;
	(pc) =	sbr.rel @p0 .LBB2_5-.Ltmp2, $1  }
0x29: {  	_ =	sdelay $0x3  }
0x2a: {  	s14 =	sand.u32 $0x1, s12  }
0x2b: {  	_ =	swait.ge [sflag:s6], $0x1F40;
	p0 =	seq.s32 s14, $0x1;
	s14 =	simm.s32 $0x1F40  }
0x2c: {  	[sflag:s6] =	ssyncset.done $0x0;
	s14 =	simm.s32 @!p0 $0x0  }
0x2d: {  	[sflag:s6] =	ssyncadd.s32 $0xFFFFE0C0;
	(ifvalue) =	ssetifvalue $0x7FFFFFFF;
	v0 =	vld.msk [tilespmem:s14+$0x0 ss:$0x1], $0xffff;
	_ =	sdelay $0x4  }
0x2e: {  	s15 =	sadd.s32 $0x10, s14;
	vm1 =	vgt.s32 v0, $0x0  }
0x2f: {  	v2 =	vld.msk [tilespmem:s15+$0x0 ss:$0x1], $0xffff;
	v1 =	vnsel vm1, $0x0, v0  }
0x30: {  	v1 =	vmin.u32 v1, $0x4E1FF;
	_ =	sdelay $0x2  }
0x31: {  	s17 =	simm.s32 $0x20;
	s14 =	sadd.s32 $0x3E80, s14;
	s16 =	sadd.s32 $0x10, s15  }
0x32: {  	s15 =	sadd.s32 $0x10, s14;
	s18 =	smov.u32 s14;
	v0 =	vld.msk [tilespmem:s16+$0x0 ss:$0x1], $0xffff;
	vm1 =	vgt.s32 v2, $0x0;
	(ifvalue) =	ssetifvalue $0x7FFFFFFF  }
.LBB2_3:
0x33: {  	[tilespmem:s18], [sflag:$0x1] =	stream.indirect_vreg.gather [hbm4b:s2+s10], $0x1, v1, vm0, $0x4038;
	[tilespmem:$0x7D00] =	vst v63  }
0x34: {  	s17 =	sadd.s32 $0x10, s17  }
0x35: {  	v2 =	vnsel vm1, $0x0, v2;
	p0 =	slt.u32 s17, $0x1F30  }
.Ltmp3:
0x36: {  	s18 =	smov.u32 s15;
	v1 =	vmin.u32 v2, $0x4E1FF;
	(pc) =	sbr.rel @p0 .LBB2_3-.Ltmp3, $3  }
0x37: {  	_ =	sdelay $0x1  }
0x38: {  	s16 =	sadd.s32 $0x10, s16  }
0x39: {  	vm1 =	vgt.s32 v0, $0x0;
	s15 =	sadd.s32 $0x10, s15;
	v2 =	vmov v0;
	(ifvalue) =	ssetifvalue $0x7FFFFFFF;
	v0 =	vld.msk [tilespmem:s16+$0x0 ss:$0x1], $0xffff  }
.Ltmp4:
0x3a: {  	_ = 	snop;
	(pc) =	sbr.rel .LBB2_4-.Ltmp4, $1  }
0x3b: {  	_ =	sdelay $0x3  }
.LBB2_6:
0x3c: {  	_ =	sfence.sel $0x180000  }
0x3d: {  	s2 =	simm.s32 $0x2;
	[bflag:$0x0] =	sbarrier.arrive $0xFFFF  }
0x3e: {  	s30 =	simm.s32 $0x3;
	[sflag:s2] =	ssyncpa.u1 $0x1  }
0x3f: {  	s31 =	simm.s32 $0x1;
	[sflag:s30] =	ssyncpa.u1 $0x1  }
0x40: {  	[sflag:s31] =	ssyncpa.u1 $0x1  }
0x41: {  	p0 =	sne.s32 s1, $0x0;
	_ =	strace $0x90000047  }
0x42: {  	s0 =	sadd.s32 @!p0 $0x100000, s0;
	[bflag:$0x2] =	sbarrier.arrive $0xFFFF  }
0x43: {  	[sflag:s0] =	ssyncadd.tile.s32 @!p0 $0x1;
	_ =	shalt  }
.Lfunc_end2:
_tile_overlayer_lowered:
.L_overlay_start_2:
0x44: {  	(tag) =	ssettag $0x2  }
0x45: {  	s0 =	rddreg [dreg:$0x0];
	s2 =	stileid.u32  }
0x46: {  	s1 =	rddreg [dreg:$0x1];
	p0 =	sne.s32 s2, $0x0  }
0x47: {  	s3 =	rddreg [dreg:$0x2];
	[bflag:$0x3] =	sbarrier.arrive $0xFFFF;
	s2 =	simm.s32 @!p0 $0x1C01  }
0x48: {  	[timem:s3], [sflag:s2] =	dma.local @!p0 [hbm:s0], s1  }
0x49: {  	s0 =	simm.s32 @!p0 $0x1  }
0x4a: {  	_ =	swait.ge @!p0 [sflag:s0], s1  }
0x4b: {  	s1 =	ssub.s32 @!p0 $0x0, s1;
	[sflag:s0] =	ssyncset.done @!p0 $0x0  }
0x4c: {  	[sflag:s0] =	ssyncadd.s32 @!p0 s1  }
0x4d: {  	[bflag:$0x3] =	sbarrier.arrive $0xFFFF  }
0x4e: {  	_ =	shalt  }

// kernel: gather_offload_async_start.2
scs
__scs_entry_jumppad:
0x0: {  	(pc) =	sbr.rel $0x88, $3  }
0x1: {  	(tag) =	ssettag $0x0;
	lr =	simm.s32 $0x1  }
0x2: {  	[smem:$0x3F62] =	sst lr;
	_ =	strace $0xD0000000  }
0x3: {  	_ = 	snop  }
0x4: {  	_ = 	snop  }
0x5: {  	_ = 	snop  }
0x6: {  	_ = 	snop  }
0x7: {  	_ = 	snop  }
__scs_overlays_trampoline_lowered:
0x8: {  	[smem:$0x3F71] =	sst s0  }
0x9: {  	[smem:$0x3F72] =	sst s1  }
0xa: {  	[smem:$0x3F73] =	sst s2  }
0xb: {  	[smem:$0x3F74] =	sst s3  }
0xc: {  	[smem:$0x3F75] =	sst s4  }
0xd: {  	[smem:$0x3F76] =	sst s5  }
0xe: {  	[smem:$0x3F77] =	sst s6  }
0xf: {  	[smem:$0x3F78] =	sst s7  }
0x10: {  	[smem:$0x3F79] =	sst s8  }
0x11: {  	[smem:$0x3F7A] =	sst s9;
	s0 =	simm.s32 @!p0 $0x0  }
0x12: {  	s1 =	sld [smem:$0x3F60];
	s0 =	simm.s32 @p0 $0x1  }
0x13: {  	[smem:$0x3F7B] =	sst s0;
	s0 =	simm.s32 @!p1 $0x0  }
0x14: {  	s2 =	sld [smem:$0x3F5F];
	s0 =	simm.s32 @p1 $0x1  }
0x15: {  	[smem:$0x3F7C] =	sst s0;
	s0 =	simm.s32 @!p2 $0x0  }
0x16: {  	s3 =	sld [smem:$0x3FDB];
	s0 =	simm.s32 @p2 $0x1  }
0x17: {  	s4 =	simm.s32 $0x1BF5;
	[smem:$0x3F7E] =	sst s0  }
0x18: {  	s0 =	sld [smem:$0x3F61];
	_ =	swait.ge [sflag:s4], $0x0  }
0x19: {  	s7 =	sld [smem:$0x3F62]  }
0x1a: {  	s8 =	sadd.s32 $0xFFFFE003, lr  }
0x1b: {  	s9 =	sadd.s32 $0xFFFFFEF7, lr;
	s5 =	simm.s32 $0xFFFFFFFF;
	p2 =	slt.u32 s8, $0xFFFFF086  }
0x1c: {  	p1 =	slt.u32 s9, $0xF7A;
	s5 =	simm.s32 @!p2 $0x0  }
0x1d: {  	s5 =	simm.s32 @p1 $0x1;
	p0 =	seq.s32 s7, s2  }
0x1e: {  	s7 =	smul.u32 @!p0 $0xF7A, s2;
	p2 =	seq.s32 @!p0 s5, $0x0  }
0x1f: {  	s9 =	smul.u32 $0xF7A, s1;
	s8 =	simm.s32 @!p0 $0x1BF5;
	p2 =	por !p2, p0  }
0x20: {  	[sflag:s8] =	ssyncset.s32 @!p0 $0xFFFFF086;
	s6 =	sadd.s32 @!p0 s3, s7;
	s7 =	simm.s32 @!p0 $0x108  }
0x21: {  	s3 =	sadd.s32 s3, s9;
	s6 =	sadd.s32 @!p0 $0x88, s6;
	s7 =	simm.s32 @p2 $0x1082  }
0x22: {  	[simem:s7], [sflag:s8] =	dma.local @!p0 [hbm:s6], $0xF7A  }
0x23: {  	s9 =	sor.u32 $0xD0000000, s2;
	s6 =	simm.s32 $0x108;
	_ =	swait.ge @!p0 [sflag:s8], $0x0  }
0x24: {  	s3 =	sadd.s32 $0x88, s3;
	s6 =	simm.s32 @!p1 $0x1082;
	[sflag:s4] =	ssyncset.s32 $0xFFFFF086  }
0x25: {  	[simem:s6], [sflag:s4] =	dma.local [hbm:s3], $0xF7A  }
0x26: {  	[smem:$0x3F62] =	sst s1;
	(tag) =	ssettag s2;
	_ =	strace s9  }
0x27: {  	s1 =	sld [smem:$0x3F72]  }
0x28: {  	s2 =	sld [smem:$0x3F73]  }
0x29: {  	s4 =	sld [smem:$0x3F75]  }
0x2a: {  	p0 =	seq.s32 s5, $0x0;
	s5 =	sld [smem:$0x3F76]  }
0x2b: {  	s6 =	sld [smem:$0x3F77]  }
0x2c: {  	s7 =	sld [smem:$0x3F78]  }
0x2d: {  	s3 =	simm.s32 $0x108;
	s8 =	sld [smem:$0x3F79]  }
0x2e: {  	s3 =	simm.s32 @!p0 $0x1082;
	s9 =	sld [smem:$0x3F7A]  }
0x2f: {  	lr =	sadd.s32 s0, s3;
	s0 =	sld [smem:$0x3F71]  }
0x30: {  	s3 =	sld [smem:$0x3F74]  }
0x31: {  	[smem:$0x3F7D] =	sst s10  }
0x32: {  	s10 =	sld [smem:$0x3F7B];
	_ =	sdelay $0x3  }
0x33: {  	p0 =	seq.s32 s10, $0x1;
	s10 =	sld [smem:$0x3F7D];
	_ =	sdelay $0x3  }
0x34: {  	[smem:$0x3F7D] =	sst s10  }
0x35: {  	s10 =	sld [smem:$0x3F7C];
	_ =	sdelay $0x3  }
0x36: {  	p1 =	seq.s32 s10, $0x1;
	s10 =	sld [smem:$0x3F7D];
	_ =	sdelay $0x3  }
0x37: {  	[smem:$0x3F7D] =	sst s10  }
0x38: {  	s10 =	sld [smem:$0x3F7E]  }
0x39: {  	_ = 	snop;
	(pc) =	sbr.ind lr, $3  }
0x3a: {  	_ = 	snop  }
0x3b: {  	_ = 	snop  }
0x3c: {  	p2 =	seq.s32 s10, $0x1;
	s10 =	sld [smem:$0x3F7D]  }
0x3d: {  	_ =	shalt  }
0x3e: {  	_ =	shalt  }
0x3f: {  	_ =	shalt  }
0x40: {  	_ =	shalt  }
0x41: {  	_ =	shalt  }
0x42: {  	_ =	shalt  }
0x43: {  	_ =	shalt  }
0x44: {  	_ =	shalt  }
0x45: {  	_ =	shalt  }
0x46: {  	_ =	shalt  }
0x47: {  	_ =	shalt  }
0x48: {  	_ =	shalt  }
0x49: {  	_ =	shalt  }
0x4a: {  	_ =	shalt  }
0x4b: {  	_ =	shalt  }
0x4c: {  	_ =	shalt  }
0x4d: {  	_ =	shalt  }
0x4e: {  	_ =	shalt  }
0x4f: {  	_ =	shalt  }
0x50: {  	_ =	shalt  }
0x51: {  	_ =	shalt  }
0x52: {  	_ =	shalt  }
0x53: {  	_ =	shalt  }
0x54: {  	_ =	shalt  }
0x55: {  	_ =	shalt  }
0x56: {  	_ =	shalt  }
0x57: {  	_ =	shalt  }
0x58: {  	_ =	shalt  }
0x59: {  	_ =	shalt  }
0x5a: {  	_ =	shalt  }
0x5b: {  	_ =	shalt  }
0x5c: {  	_ =	shalt  }
0x5d: {  	_ =	shalt  }
0x5e: {  	_ =	shalt  }
0x5f: {  	_ =	shalt  }
0x60: {  	_ =	shalt  }
0x61: {  	_ =	shalt  }
0x62: {  	_ =	shalt  }
0x63: {  	_ =	shalt  }
0x64: {  	_ =	shalt  }
0x65: {  	_ =	shalt  }
0x66: {  	_ =	shalt  }
0x67: {  	_ =	shalt  }
0x68: {  	_ =	shalt  }
0x69: {  	_ =	shalt  }
0x6a: {  	_ =	shalt  }
0x6b: {  	_ =	shalt  }
0x6c: {  	_ =	shalt  }
0x6d: {  	_ =	shalt  }
0x6e: {  	_ =	shalt  }
0x6f: {  	_ =	shalt  }
0x70: {  	_ =	shalt  }
0x71: {  	_ =	shalt  }
0x72: {  	_ =	shalt  }
0x73: {  	_ =	shalt  }
0x74: {  	_ =	shalt  }
0x75: {  	_ =	shalt  }
0x76: {  	_ =	shalt  }
0x77: {  	_ =	shalt  }
0x78: {  	_ =	shalt  }
0x79: {  	_ =	shalt  }
0x7a: {  	_ =	shalt  }
0x7b: {  	_ =	shalt  }
0x7c: {  	_ =	shalt  }
0x7d: {  	_ =	shalt  }
0x7e: {  	_ =	shalt  }
0x7f: {  	_ =	shalt  }
0x80: {  	_ =	shalt  }
0x81: {  	_ =	shalt  }
0x82: {  	_ =	shalt  }
0x83: {  	_ =	shalt  }
0x84: {  	_ =	shalt  }
0x85: {  	_ =	shalt  }
0x86: {  	_ =	shalt  }
0x87: {  	_ =	shalt  }
.Lfunc_end0:
.L_simem_size_0:
called_computation.2_lowered:
.L_overlay_start_0:
0x88: {  	s2 =	sld [smem:$0x3FD9]  }
0x89: {  	s3 =	sld [smem:$0x3FFE];
	_ =	sdelay $0x1  }
0x8a: {  	s1 =	srdreg.scid  }
0x8b: {  	s0 =	sand.u32 $0x1, s1  }
0x8c: {  	s17 =	sshll.u32 s0, $0xA;
	s2 =	sadd.s32 s3, s2  }
0x8d: {  	s2 =	sadd.s32 s2, s17  }
0x8e: {  	[smem:$0x3F89] =	sst s2  }
0x8f: {  	_ = 	snop  }
0x90: {  	s2 =	sld [smem:$0x3FD0];
	(tm) =	ssettm $0x1  }
0x91: {  	s18 =	sld [smem:$0x3FFB];
	_ =	sdelay $0x3  }
0x92: {  	_ =	strace s18  }
0x93: {  	s3 =	sld [smem:$0x3FFC];
	_ =	sdelay $0x3  }
0x94: {  	_ =	strace s3  }
0x95: {  	s3 =	sld [smem:$0x3FFD];
	_ =	sdelay $0x3  }
0x96: {  	_ =	strace s3  }
0x97: {  	_ =	strace $0x8FFFFFFF  }
0x98: {  	s19 =	sld [smem:$0x3FDB];
	_ =	sdelay $0x1  }
0x99: {  	s4 =	simm.s32 $_scs_section_size  }
0x9a: {  	s5 =	simm.s32 $_size__tile_overlayer_lowered;
	s6 =	simm.s32 $_tile_overlayer_lowered  }
0x9b: {  	s22 =	simm.s32 $0x1BFF;
	s21 =	sshll.u32 s6, $0x1;
	s3 =	sadd.s32 s4, s19  }
0x9c: {  	s7 =	simm.s32 $0x0;
	s20 =	sshll.u32 s5, $0x1;
	s5 =	sadd.s32 s21, s3  }
0x9d: {  	[timem:s7], [sflag:s22] =	dma.local [hbm:s5], s20  }
0x9e: {  	_ =	swait.ge [sflag:s22], s20  }
0x9f: {  	s4 =	ssub.s32 $0x0, s20;
	[sflag:s22] =	ssyncset.done $0x0  }
0xa0: {  	[sflag:s22] =	ssyncadd.s32 s4;
	_ =	sdelay $0x1  }
0xa1: {  	s23 =	simm.s32 $0x1B8B  }
0xa2: {  	_ =	swait.ge [sflag:s23], $0x1  }
0xa3: {  	[sflag:s23] =	ssyncset.done $0x0  }
0xa4: {  	s25 =	simm.s32 $0x1B8E;
	s24 =	sld [smem:$0x3FFE];
	[sflag:s23] =	ssyncadd.s32 $0xFFFFFFFF  }
0xa5: {  	s26 =	simm.s32 $execute0_lowered;
	[smem:$0x3FD2] =	sst s25  }
0xa6: {  	s5 =	sshll.u32 s26, $0x1;
	_ =	strace $0x8000004C;
	[dreg:$0x1] =	wrdreg $0xFFFFFFFF  }
0xa7: {  	s28 =	simm.s32 $_size_execute0_lowered;
	s3 =	sadd.s32 s3, s5;
	[dreg:$0x0] =	wrdreg $0x0  }
0xa8: {  	s5 =	sshll.u32 s28, $0x1;
	[dreg:$0x2] =	wrdreg s3  }
0xa9: {  	[dreg:$0x3] =	wrdreg s5  }
0xaa: {  	[dreg:$0x4] =	wrdreg $0xC0  }
0xab: {  	_ =	task [dreg:s7], $0x5FFFF  }
0xac: {  	[dreg:$0x1] =	wrdreg $0xFFFFFFFF  }
0xad: {  	[dreg:$0x0] =	wrdreg $0x60  }
0xae: {  	[dreg:$0x2] =	wrdreg s24  }
0xaf: {  	[dreg:$0x3] =	wrdreg s2  }
0xb0: {  	[dreg:$0x4] =	wrdreg $0x9  }
0xb1: {  	_ =	task.clear_ibuf [dreg:s7], $0x5FFFF;
	_ =	strace $0x9000004C  }
0xb2: {  	s29 =	simm.s32 $0x9;
	_ =	strace $0x8000004E  }
0xb3: {  	_ =	swait.ge [sflag:s29], $0x1  }
0xb4: {  	[sflag:s29] =	ssyncadd.s32 $0xFFFFFFFF  }
0xb5: {  	_ =	strace $0x9000004E  }
0xb6: {  	_ =	sfence  }
0xb7: {  	s30 =	sld [smem:$0x0];
	_ =	sdelay $0x2  }
0xb8: {  	s31 =	sshll.u32 s1, $0xD;
	s1 =	sshrl.u32 s1, $0x2  }
0xb9: {  	s3 =	sand.u32 $0x4000, s31;
	s1 =	sadd.s32 s1, s30  }
0xba: {  	s0 =	sor.u32 s3, s0;
	s1 =	sshll.u32 s1, $0x11  }
0xbb: {  	s0 =	sor.u32 s1, s0  }
0xbc: {  	s0 =	sadd.s32 $0x8F2B, s0  }
0xbd: {  	[sflag:s0] =	ssyncadd.remote.s32 $0x1  }
0xbe: {  	_ =	sfence.sel $0xFFFF  }
0xbf: {  	[dreg:$0x0] =	wrdreg $0xFFFFFFFF;
	(pc) =	sbr.abs _section_cstart, $3  }
0xc0: {  	[dreg:$0x1] =	wrdreg $0xFFFFFFFF  }
0xc1: {  	_ =	task.clear_ibuf [dreg:s7], $0x2FFFF;
	_ =	strace $0x9FFFFFFF  }
0xc2: {  	(tm) =	ssettm $0x7FFFFFFF  }
0xc3: {  	_ =	shalt  }
tec
execute0_lowered:
.L_overlay_start_1:
0x0: {  	(tag) =	ssettag $0x1  }
0x1: {  	s8 =	rddreg [dreg:$0x0]  }
0x2: {  	s2 =	rddreg [dreg:$0x1]  }
0x3: {  	s0 =	rddreg [dreg:$0x2];
	s1 =	stileid.u32  }
0x4: {  	s3 =	srdreg.scid;
	_ =	strace $0x8000004D;
	s4 =	simm.s32 $0x1  }
0x5: {  	s7 =	simm.s32 $0x1;
	s9 =	simm.s32 $0x1;
	s10 =	simm.s32 $0x3  }
0x6: {  	s13 =	simm.s32 $0x0;
	s5 =	sand.u32 $0x1, s3;
	s6 =	sshll.u32 s1, $0x1  }
0x7: {  	s12 =	simm.s32 $0x0;
	s3 =	sadd.s32 $0x17C00, s8;
	s5 =	sor.u32 s6, s5  }
.Ltmp0:
0x8: {  	[sflag:s4] =	ssyncpa.u1 $0x0;
	p0 =	slt.u32 s5, $0x11;
	(pc) =	sbr.rel .LBB2_1-.Ltmp0, $4  }
0x9: {  	s6 =	simm.s32 $0x2;
	s7 =	simm.s32 @!p0 $0x0;
	p0 =	sne.s32 s5, $0x10  }
0xa: {  	[sflag:s6] =	ssyncpa.u1 $0x0;
	s5 =	smul.u32 $0x1A80, s5;
	s9 =	simm.s32 @!p0 $0x0  }
0xb: {  	s8 =	sadd.s32 $0x35600, s8;
	[sflag:s10] =	ssyncpa.u1 $0x0;
	s7 =	sadd.s32 s9, s7  }
0xc: {  	vm0 =	vmmov $0xffff;
	s10 =	simm.s32 $0x0;
	s11 =	smov.u32 s5;
	s9 =	sadd.s32 $0x1, s7  }
.LBB2_4:
0xd: {  	v2 =	vnsel vm1, $0x0, v2  }
0xe: {  	vm1 =	vgt.s32 v0, $0x0;
	v2 =	vmin.u32 v2, $0x4E1FF  }
0xf: {  	v0 =	vnsel vm1, $0x0, v0  }
0x10: {  	v0 =	vmin.u32 v0, $0x4E1FF  }
0x11: {  	[tilespmem:s18], [sflag:$0x1] =	stream.indirect_vreg.gather [hbm4b:s3+s10], $0x1, v1, vm0, $0x4038;
	[tilespmem:$0x6A00] =	vst v63  }
0x12: {  	(ifvalue) =	ssetifvalue $0x7FFFFFFF  }
0x13: {  	[tilespmem:s15], [sflag:$0x1] =	stream.indirect_vreg.gather [hbm4b:s3+s10], $0x1, v2, vm0, $0x4038;
	[tilespmem:$0x6A00] =	vst v63  }
0x14: {  	s29 =	sadd.s32 $0x10, s15;
	(ifvalue) =	ssetifvalue $0x7FFFFFFF  }
0x15: {  	[tilespmem:s29], [sflag:$0x1] =	stream.indirect_vreg.gather [hbm4b:s3+s10], $0x1, v0, vm0, $0x4038;
	[tilespmem:$0x6A00] =	vst v63  }
0x16: {  	_ =	swait.ge [sflag:s4], $0x1A80  }
0x17: {  	s30 =	sshrl.u32 s13, $0x3;
	[sflag:s4] =	ssyncset.done $0x0  }
0x18: {  	s31 =	sand.u32 $0x7, s13;
	s15 =	sadd.s32 s2, s30;
	[sflag:s4] =	ssyncadd.s32 $0xFFFFE580  }
0x19: {  	[hbm4b:s15+s31] =	stream.linear.scatter [tilespmem:s14], [sflag:$0x3], $0x1A80, $0x38;
	[tilespmem:$0x6A00] =	vst v63  }
.LBB2_5:
0x1a: {  	s15 =	sadd.s32 $0x35000, s11  }
0x1b: {  	p1 =	sgt.s32 s15, $0x4F7FF  }
0x1c: {  	s15 =	smov.u32 @p1 s5;
	p1 =	sne.s32 s12, s9  }
.Ltmp1:
0x1d: {  	p0 =	slt.u32 s12, $0x2;
	(pc) =	sbr.rel @!p1 .LBB2_6-.Ltmp1, $4  }
0x1e: {  	s14 =	simm.s32 @!p0 $0x3  }
0x1f: {  	_ =	swait.ge @!p0 [sflag:s14], $0x1A80  }
0x20: {  	s16 =	sadd.s32 $0x1, s12;
	s13 =	smov.u32 s11;
	[sflag:s14] =	ssyncset.done @!p0 $0x0  }
0x21: {  	s12 =	smov.u32 s16;
	s11 =	smov.u32 s15;
	[sflag:s14] =	ssyncadd.s32 @!p0 $0xFFFFE580  }
.LBB2_1:
0x22: {  	p0 =	sge.u32 s12, s7  }
0x23: {  	s14 =	sxor.u32 @!p0 $0x1, s12  }
0x24: {  	s14 =	smul.u32 @!p0 $0x6A00, s14  }
0x25: {  	s31 =	sadd.s32 $0xFFFFFFFF, s12;
	s15 =	sshrl.u32 @!p0 s11, $0x3  }
0x26: {  	s16 =	sand.u32 @!p0 $0x7, s11;
	s15 =	sadd.s32 @!p0 s8, s15;
	s14 =	sshra.s32 @!p0 s14, $0x2  }
0x27: {  	[tilespmem:s14], [sflag:$0x2] =	stream.linear.gather @!p0 [hbm4b:s15+s16], $0x1A80, $0x38;
	[tilespmem:$0x6A00] =	vst v63  }
0x28: {  	p0 =	sge.u32 s31, s7  }
.Ltmp2:
0x29: {  	_ = 	snop;
	(pc) =	sbr.rel @p0 .LBB2_5-.Ltmp2, $1  }
0x2a: {  	_ =	sdelay $0x3  }
0x2b: {  	s14 =	sand.u32 $0x1, s12  }
0x2c: {  	_ =	swait.ge [sflag:s6], $0x1A80;
	p0 =	seq.s32 s14, $0x1;
	s14 =	simm.s32 $0x1A80  }
0x2d: {  	[sflag:s6] =	ssyncset.done $0x0;
	s14 =	simm.s32 @!p0 $0x0  }
0x2e: {  	[sflag:s6] =	ssyncadd.s32 $0xFFFFE580;
	(ifvalue) =	ssetifvalue $0x7FFFFFFF;
	v0 =	vld.msk [tilespmem:s14+$0x0 ss:$0x1], $0xffff;
	_ =	sdelay $0x4  }
0x2f: {  	s15 =	sadd.s32 $0x10, s14;
	vm1 =	vgt.s32 v0, $0x0  }
0x30: {  	v2 =	vld.msk [tilespmem:s15+$0x0 ss:$0x1], $0xffff;
	v1 =	vnsel vm1, $0x0, v0  }
0x31: {  	v1 =	vmin.u32 v1, $0x4E1FF;
	_ =	sdelay $0x2  }
0x32: {  	s17 =	simm.s32 $0x20;
	s14 =	sadd.s32 $0x3500, s14;
	s16 =	sadd.s32 $0x10, s15  }
0x33: {  	s15 =	sadd.s32 $0x10, s14;
	s18 =	smov.u32 s14;
	v0 =	vld.msk [tilespmem:s16+$0x0 ss:$0x1], $0xffff;
	vm1 =	vgt.s32 v2, $0x0;
	(ifvalue) =	ssetifvalue $0x7FFFFFFF  }
.LBB2_3:
0x34: {  	[tilespmem:s18], [sflag:$0x1] =	stream.indirect_vreg.gather [hbm4b:s3+s10], $0x1, v1, vm0, $0x4038;
	[tilespmem:$0x6A00] =	vst v63  }
0x35: {  	s17 =	sadd.s32 $0x10, s17  }
0x36: {  	v2 =	vnsel vm1, $0x0, v2;
	p0 =	slt.u32 s17, $0x1A70  }
.Ltmp3:
0x37: {  	s18 =	smov.u32 s15;
	v1 =	vmin.u32 v2, $0x4E1FF;
	(pc) =	sbr.rel @p0 .LBB2_3-.Ltmp3, $3  }
0x38: {  	_ =	sdelay $0x1  }
0x39: {  	s16 =	sadd.s32 $0x10, s16  }
0x3a: {  	vm1 =	vgt.s32 v0, $0x0;
	s15 =	sadd.s32 $0x10, s15;
	v2 =	vmov v0;
	(ifvalue) =	ssetifvalue $0x7FFFFFFF;
	v0 =	vld.msk [tilespmem:s16+$0x0 ss:$0x1], $0xffff  }
.Ltmp4:
0x3b: {  	_ = 	snop;
	(pc) =	sbr.rel .LBB2_4-.Ltmp4, $1  }
0x3c: {  	_ =	sdelay $0x3  }
.LBB2_6:
0x3d: {  	_ =	sfence.sel $0x180000  }
0x3e: {  	s2 =	simm.s32 $0x2;
	[bflag:$0x0] =	sbarrier.arrive $0xFFFF  }
0x3f: {  	s30 =	simm.s32 $0x3;
	[sflag:s2] =	ssyncpa.u1 $0x1  }
0x40: {  	s31 =	simm.s32 $0x1;
	[sflag:s30] =	ssyncpa.u1 $0x1  }
0x41: {  	[sflag:s31] =	ssyncpa.u1 $0x1  }
0x42: {  	p0 =	sne.s32 s1, $0x0;
	_ =	strace $0x9000004D  }
0x43: {  	s0 =	sadd.s32 @!p0 $0x100000, s0;
	[bflag:$0x2] =	sbarrier.arrive $0xFFFF  }
0x44: {  	[sflag:s0] =	ssyncadd.tile.s32 @!p0 $0x1;
	_ =	shalt  }
.Lfunc_end2:
_tile_overlayer_lowered:
.L_overlay_start_2:
0x45: {  	(tag) =	ssettag $0x2  }
0x46: {  	s0 =	rddreg [dreg:$0x0];
	s2 =	stileid.u32  }
0x47: {  	s1 =	rddreg [dreg:$0x1];
	p0 =	sne.s32 s2, $0x0  }
0x48: {  	s3 =	rddreg [dreg:$0x2];
	[bflag:$0x3] =	sbarrier.arrive $0xFFFF;
	s2 =	simm.s32 @!p0 $0x1C01  }
0x49: {  	[timem:s3], [sflag:s2] =	dma.local @!p0 [hbm:s0], s1  }
0x4a: {  	s0 =	simm.s32 @!p0 $0x1  }
0x4b: {  	_ =	swait.ge @!p0 [sflag:s0], s1  }
0x4c: {  	s1 =	ssub.s32 @!p0 $0x0, s1;
	[sflag:s0] =	ssyncset.done @!p0 $0x0  }
0x4d: {  	[sflag:s0] =	ssyncadd.s32 @!p0 s1  }
0x4e: {  	[bflag:$0x3] =	sbarrier.arrive $0xFFFF  }
0x4f: {  	_ =	shalt  }

// kernel: gather_offload_async_start.3
scs
__scs_entry_jumppad:
0x0: {  	(pc) =	sbr.rel $0x88, $3  }
0x1: {  	(tag) =	ssettag $0x0;
	lr =	simm.s32 $0x1  }
0x2: {  	[smem:$0x3F62] =	sst lr;
	_ =	strace $0xD0000000  }
0x3: {  	_ = 	snop  }
0x4: {  	_ = 	snop  }
0x5: {  	_ = 	snop  }
0x6: {  	_ = 	snop  }
0x7: {  	_ = 	snop  }
__scs_overlays_trampoline_lowered:
0x8: {  	[smem:$0x3F71] =	sst s0  }
0x9: {  	[smem:$0x3F72] =	sst s1  }
0xa: {  	[smem:$0x3F73] =	sst s2  }
0xb: {  	[smem:$0x3F74] =	sst s3  }
0xc: {  	[smem:$0x3F75] =	sst s4  }
0xd: {  	[smem:$0x3F76] =	sst s5  }
0xe: {  	[smem:$0x3F77] =	sst s6  }
0xf: {  	[smem:$0x3F78] =	sst s7  }
0x10: {  	[smem:$0x3F79] =	sst s8  }
0x11: {  	[smem:$0x3F7A] =	sst s9;
	s0 =	simm.s32 @!p0 $0x0  }
0x12: {  	s1 =	sld [smem:$0x3F60];
	s0 =	simm.s32 @p0 $0x1  }
0x13: {  	[smem:$0x3F7B] =	sst s0;
	s0 =	simm.s32 @!p1 $0x0  }
0x14: {  	s2 =	sld [smem:$0x3F5F];
	s0 =	simm.s32 @p1 $0x1  }
0x15: {  	[smem:$0x3F7C] =	sst s0;
	s0 =	simm.s32 @!p2 $0x0  }
0x16: {  	s3 =	sld [smem:$0x3FDB];
	s0 =	simm.s32 @p2 $0x1  }
0x17: {  	s4 =	simm.s32 $0x1BF5;
	[smem:$0x3F7E] =	sst s0  }
0x18: {  	s0 =	sld [smem:$0x3F61];
	_ =	swait.ge [sflag:s4], $0x0  }
0x19: {  	s7 =	sld [smem:$0x3F62]  }
0x1a: {  	s8 =	sadd.s32 $0xFFFFE003, lr  }
0x1b: {  	s9 =	sadd.s32 $0xFFFFFEF7, lr;
	s5 =	simm.s32 $0xFFFFFFFF;
	p2 =	slt.u32 s8, $0xFFFFF086  }
0x1c: {  	p1 =	slt.u32 s9, $0xF7A;
	s5 =	simm.s32 @!p2 $0x0  }
0x1d: {  	s5 =	simm.s32 @p1 $0x1;
	p0 =	seq.s32 s7, s2  }
0x1e: {  	s7 =	smul.u32 @!p0 $0xF7A, s2;
	p2 =	seq.s32 @!p0 s5, $0x0  }
0x1f: {  	s9 =	smul.u32 $0xF7A, s1;
	s8 =	simm.s32 @!p0 $0x1BF5;
	p2 =	por !p2, p0  }
0x20: {  	[sflag:s8] =	ssyncset.s32 @!p0 $0xFFFFF086;
	s6 =	sadd.s32 @!p0 s3, s7;
	s7 =	simm.s32 @!p0 $0x108  }
0x21: {  	s3 =	sadd.s32 s3, s9;
	s6 =	sadd.s32 @!p0 $0x88, s6;
	s7 =	simm.s32 @p2 $0x1082  }
0x22: {  	[simem:s7], [sflag:s8] =	dma.local @!p0 [hbm:s6], $0xF7A  }
0x23: {  	s9 =	sor.u32 $0xD0000000, s2;
	s6 =	simm.s32 $0x108;
	_ =	swait.ge @!p0 [sflag:s8], $0x0  }
0x24: {  	s3 =	sadd.s32 $0x88, s3;
	s6 =	simm.s32 @!p1 $0x1082;
	[sflag:s4] =	ssyncset.s32 $0xFFFFF086  }
0x25: {  	[simem:s6], [sflag:s4] =	dma.local [hbm:s3], $0xF7A  }
0x26: {  	[smem:$0x3F62] =	sst s1;
	(tag) =	ssettag s2;
	_ =	strace s9  }
0x27: {  	s1 =	sld [smem:$0x3F72]  }
0x28: {  	s2 =	sld [smem:$0x3F73]  }
0x29: {  	s4 =	sld [smem:$0x3F75]  }
0x2a: {  	p0 =	seq.s32 s5, $0x0;
	s5 =	sld [smem:$0x3F76]  }
0x2b: {  	s6 =	sld [smem:$0x3F77]  }
0x2c: {  	s7 =	sld [smem:$0x3F78]  }
0x2d: {  	s3 =	simm.s32 $0x108;
	s8 =	sld [smem:$0x3F79]  }
0x2e: {  	s3 =	simm.s32 @!p0 $0x1082;
	s9 =	sld [smem:$0x3F7A]  }
0x2f: {  	lr =	sadd.s32 s0, s3;
	s0 =	sld [smem:$0x3F71]  }
0x30: {  	s3 =	sld [smem:$0x3F74]  }
0x31: {  	[smem:$0x3F7D] =	sst s10  }
0x32: {  	s10 =	sld [smem:$0x3F7B];
	_ =	sdelay $0x3  }
0x33: {  	p0 =	seq.s32 s10, $0x1;
	s10 =	sld [smem:$0x3F7D];
	_ =	sdelay $0x3  }
0x34: {  	[smem:$0x3F7D] =	sst s10  }
0x35: {  	s10 =	sld [smem:$0x3F7C];
	_ =	sdelay $0x3  }
0x36: {  	p1 =	seq.s32 s10, $0x1;
	s10 =	sld [smem:$0x3F7D];
	_ =	sdelay $0x3  }
0x37: {  	[smem:$0x3F7D] =	sst s10  }
0x38: {  	s10 =	sld [smem:$0x3F7E]  }
0x39: {  	_ = 	snop;
	(pc) =	sbr.ind lr, $3  }
0x3a: {  	_ = 	snop  }
0x3b: {  	_ = 	snop  }
0x3c: {  	p2 =	seq.s32 s10, $0x1;
	s10 =	sld [smem:$0x3F7D]  }
0x3d: {  	_ =	shalt  }
0x3e: {  	_ =	shalt  }
0x3f: {  	_ =	shalt  }
0x40: {  	_ =	shalt  }
0x41: {  	_ =	shalt  }
0x42: {  	_ =	shalt  }
0x43: {  	_ =	shalt  }
0x44: {  	_ =	shalt  }
0x45: {  	_ =	shalt  }
0x46: {  	_ =	shalt  }
0x47: {  	_ =	shalt  }
0x48: {  	_ =	shalt  }
0x49: {  	_ =	shalt  }
0x4a: {  	_ =	shalt  }
0x4b: {  	_ =	shalt  }
0x4c: {  	_ =	shalt  }
0x4d: {  	_ =	shalt  }
0x4e: {  	_ =	shalt  }
0x4f: {  	_ =	shalt  }
0x50: {  	_ =	shalt  }
0x51: {  	_ =	shalt  }
0x52: {  	_ =	shalt  }
0x53: {  	_ =	shalt  }
0x54: {  	_ =	shalt  }
0x55: {  	_ =	shalt  }
0x56: {  	_ =	shalt  }
0x57: {  	_ =	shalt  }
0x58: {  	_ =	shalt  }
0x59: {  	_ =	shalt  }
0x5a: {  	_ =	shalt  }
0x5b: {  	_ =	shalt  }
0x5c: {  	_ =	shalt  }
0x5d: {  	_ =	shalt  }
0x5e: {  	_ =	shalt  }
0x5f: {  	_ =	shalt  }
0x60: {  	_ =	shalt  }
0x61: {  	_ =	shalt  }
0x62: {  	_ =	shalt  }
0x63: {  	_ =	shalt  }
0x64: {  	_ =	shalt  }
0x65: {  	_ =	shalt  }
0x66: {  	_ =	shalt  }
0x67: {  	_ =	shalt  }
0x68: {  	_ =	shalt  }
0x69: {  	_ =	shalt  }
0x6a: {  	_ =	shalt  }
0x6b: {  	_ =	shalt  }
0x6c: {  	_ =	shalt  }
0x6d: {  	_ =	shalt  }
0x6e: {  	_ =	shalt  }
0x6f: {  	_ =	shalt  }
0x70: {  	_ =	shalt  }
0x71: {  	_ =	shalt  }
0x72: {  	_ =	shalt  }
0x73: {  	_ =	shalt  }
0x74: {  	_ =	shalt  }
0x75: {  	_ =	shalt  }
0x76: {  	_ =	shalt  }
0x77: {  	_ =	shalt  }
0x78: {  	_ =	shalt  }
0x79: {  	_ =	shalt  }
0x7a: {  	_ =	shalt  }
0x7b: {  	_ =	shalt  }
0x7c: {  	_ =	shalt  }
0x7d: {  	_ =	shalt  }
0x7e: {  	_ =	shalt  }
0x7f: {  	_ =	shalt  }
0x80: {  	_ =	shalt  }
0x81: {  	_ =	shalt  }
0x82: {  	_ =	shalt  }
0x83: {  	_ =	shalt  }
0x84: {  	_ =	shalt  }
0x85: {  	_ =	shalt  }
0x86: {  	_ =	shalt  }
0x87: {  	_ =	shalt  }
.Lfunc_end0:
.L_simem_size_0:
called_computation.3_lowered:
.L_overlay_start_0:
0x88: {  	s2 =	sld [smem:$0x3FD9]  }
0x89: {  	s3 =	sld [smem:$0x3FFE];
	_ =	sdelay $0x1  }
0x8a: {  	s1 =	srdreg.scid  }
0x8b: {  	s0 =	sand.u32 $0x1, s1  }
0x8c: {  	s16 =	sshll.u32 s0, $0xA;
	s2 =	sadd.s32 s3, s2  }
0x8d: {  	s2 =	sadd.s32 s2, s16  }
0x8e: {  	[smem:$0x3F89] =	sst s2  }
0x8f: {  	_ = 	snop  }
0x90: {  	(tm) =	ssettm $0x1  }
0x91: {  	s17 =	sld [smem:$0x3FFB];
	_ =	sdelay $0x3  }
0x92: {  	_ =	strace s17  }
0x93: {  	s2 =	sld [smem:$0x3FFC];
	_ =	sdelay $0x3  }
0x94: {  	_ =	strace s2  }
0x95: {  	s2 =	sld [smem:$0x3FFD];
	_ =	sdelay $0x3  }
0x96: {  	_ =	strace s2  }
0x97: {  	_ =	strace $0x8FFFFFFF  }
0x98: {  	s18 =	sld [smem:$0x3FDB];
	_ =	sdelay $0x1  }
0x99: {  	s19 =	simm.s32 $_scs_section_size  }
0x9a: {  	s4 =	simm.s32 $_size__tile_overlayer_lowered;
	s5 =	simm.s32 $_tile_overlayer_lowered  }
0x9b: {  	s22 =	simm.s32 $0x1BFF;
	s21 =	sshll.u32 s5, $0x1;
	s2 =	sadd.s32 s19, s18  }
0x9c: {  	s6 =	simm.s32 $0x0;
	s20 =	sshll.u32 s4, $0x1;
	s4 =	sadd.s32 s21, s2  }
0x9d: {  	[timem:s6], [sflag:s22] =	dma.local [hbm:s4], s20  }
0x9e: {  	_ =	swait.ge [sflag:s22], s20  }
0x9f: {  	s3 =	ssub.s32 $0x0, s20;
	[sflag:s22] =	ssyncset.done $0x0  }
0xa0: {  	[sflag:s22] =	ssyncadd.s32 s3;
	_ =	sdelay $0x1  }
0xa1: {  	s23 =	simm.s32 $0x1B8B  }
0xa2: {  	_ =	swait.ge [sflag:s23], $0x1  }
0xa3: {  	[sflag:s23] =	ssyncset.done $0x0  }
0xa4: {  	s25 =	simm.s32 $0x1B8E;
	s24 =	sld [smem:$0x3FFE];
	[sflag:s23] =	ssyncadd.s32 $0xFFFFFFFF  }
0xa5: {  	s26 =	simm.s32 $execute0_lowered;
	[smem:$0x3FD2] =	sst s25  }
0xa6: {  	s4 =	sshll.u32 s26, $0x1;
	_ =	strace $0x8000004F;
	[dreg:$0x1] =	wrdreg $0xFFFFFFFF  }
0xa7: {  	s28 =	simm.s32 $_size_execute0_lowered;
	s2 =	sadd.s32 s2, s4;
	[dreg:$0x0] =	wrdreg $0x0  }
0xa8: {  	s4 =	sshll.u32 s28, $0x1;
	[dreg:$0x2] =	wrdreg s2  }
0xa9: {  	[dreg:$0x3] =	wrdreg s4  }
0xaa: {  	[dreg:$0x4] =	wrdreg $0xC0  }
0xab: {  	_ =	task [dreg:s6], $0x5FFFF  }
0xac: {  	[dreg:$0x1] =	wrdreg $0xFFFFFFFF  }
0xad: {  	[dreg:$0x0] =	wrdreg $0x60  }
0xae: {  	[dreg:$0x2] =	wrdreg s24  }
0xaf: {  	[dreg:$0x3] =	wrdreg $0x9  }
0xb0: {  	_ =	task.clear_ibuf [dreg:s6], $0x4FFFF;
	_ =	strace $0x9000004F  }
0xb1: {  	s29 =	simm.s32 $0x9;
	_ =	strace $0x80000051  }
0xb2: {  	_ =	swait.ge [sflag:s29], $0x1  }
0xb3: {  	[sflag:s29] =	ssyncadd.s32 $0xFFFFFFFF  }
0xb4: {  	_ =	strace $0x90000051  }
0xb5: {  	_ =	sfence  }
0xb6: {  	s30 =	sld [smem:$0x0];
	_ =	sdelay $0x2  }
0xb7: {  	s31 =	sshll.u32 s1, $0xD;
	s1 =	sshrl.u32 s1, $0x2  }
0xb8: {  	s3 =	sand.u32 $0x4000, s31;
	s1 =	sadd.s32 s1, s30  }
0xb9: {  	s0 =	sor.u32 s3, s0;
	s1 =	sshll.u32 s1, $0x11  }
0xba: {  	s0 =	sor.u32 s1, s0  }
0xbb: {  	s0 =	sadd.s32 $0x8F2B, s0  }
0xbc: {  	[sflag:s0] =	ssyncadd.remote.s32 $0x1  }
0xbd: {  	_ =	sfence.sel $0xFFFF  }
0xbe: {  	[dreg:$0x0] =	wrdreg $0xFFFFFFFF;
	(pc) =	sbr.abs _section_cstart, $3  }
0xbf: {  	[dreg:$0x1] =	wrdreg $0xFFFFFFFF  }
0xc0: {  	_ =	task.clear_ibuf [dreg:s6], $0x2FFFF;
	_ =	strace $0x9FFFFFFF  }
0xc1: {  	(tm) =	ssettm $0x7FFFFFFF  }
tec
execute0_lowered:
.L_overlay_start_1:
0x0: {  	(tag) =	ssettag $0x1  }
0x1: {  	s8 =	rddreg [dreg:$0x0]  }
0x2: {  	s0 =	rddreg [dreg:$0x1];
	_ =	strace $0x80000050;
	s1 =	stileid.u32  }
0x3: {  	s3 =	srdreg.scid;
	s4 =	simm.s32 $0x1;
	s7 =	simm.s32 $0x1  }
0x4: {  	s9 =	simm.s32 $0x1;
	s10 =	simm.s32 $0x3;
	s13 =	simm.s32 $0x0  }
0x5: {  	s12 =	simm.s32 $0x0;
	s5 =	sand.u32 $0x1, s3;
	s6 =	sshll.u32 s1, $0x1  }
0x6: {  	s2 =	sadd.s32 $0x2B800, s8;
	s3 =	sadd.s32 $0x35600, s8;
	s5 =	sor.u32 s6, s5  }
.Ltmp0:
0x7: {  	[sflag:s4] =	ssyncpa.u1 $0x0;
	p0 =	slt.u32 s5, $0x11;
	(pc) =	sbr.rel .LBB2_1-.Ltmp0, $4  }
0x8: {  	s6 =	simm.s32 $0x2;
	s7 =	simm.s32 @!p0 $0x0;
	p0 =	sne.s32 s5, $0x10  }
0x9: {  	[sflag:s6] =	ssyncpa.u1 $0x0;
	s5 =	smul.u32 $0x1A80, s5;
	s9 =	simm.s32 @!p0 $0x0  }
0xa: {  	s8 =	sadd.s32 $0xDE00, s8;
	[sflag:s10] =	ssyncpa.u1 $0x0;
	s7 =	sadd.s32 s9, s7  }
0xb: {  	vm0 =	vmmov $0xffff;
	s10 =	simm.s32 $0x0;
	s11 =	smov.u32 s5;
	s9 =	sadd.s32 $0x1, s7  }
.LBB2_4:
0xc: {  	v2 =	vnsel vm1, $0x0, v2  }
0xd: {  	vm1 =	vgt.s32 v0, $0x0;
	v2 =	vmin.u32 v2, $0x4E1FF  }
0xe: {  	v0 =	vnsel vm1, $0x0, v0  }
0xf: {  	v0 =	vmin.u32 v0, $0x4E1FF  }
0x10: {  	[tilespmem:s18], [sflag:$0x1] =	stream.indirect_vreg.gather [hbm4b:s2+s10], $0x1, v1, vm0, $0x4038;
	[tilespmem:$0x6A00] =	vst v63  }
0x11: {  	(ifvalue) =	ssetifvalue $0x7FFFFFFF  }
0x12: {  	[tilespmem:s15], [sflag:$0x1] =	stream.indirect_vreg.gather [hbm4b:s2+s10], $0x1, v2, vm0, $0x4038;
	[tilespmem:$0x6A00] =	vst v63  }
0x13: {  	s29 =	sadd.s32 $0x10, s15;
	(ifvalue) =	ssetifvalue $0x7FFFFFFF  }
0x14: {  	[tilespmem:s29], [sflag:$0x1] =	stream.indirect_vreg.gather [hbm4b:s2+s10], $0x1, v0, vm0, $0x4038;
	[tilespmem:$0x6A00] =	vst v63  }
0x15: {  	_ =	swait.ge [sflag:s4], $0x1A80  }
0x16: {  	s30 =	sshrl.u32 s13, $0x3;
	[sflag:s4] =	ssyncset.done $0x0  }
0x17: {  	s31 =	sand.u32 $0x7, s13;
	s15 =	sadd.s32 s8, s30;
	[sflag:s4] =	ssyncadd.s32 $0xFFFFE580  }
0x18: {  	[hbm4b:s15+s31] =	stream.linear.scatter [tilespmem:s14], [sflag:$0x3], $0x1A80, $0x38;
	[tilespmem:$0x6A00] =	vst v63  }
.LBB2_5:
0x19: {  	s15 =	sadd.s32 $0x35000, s11  }
0x1a: {  	p1 =	sgt.s32 s15, $0x4F7FF  }
0x1b: {  	s15 =	smov.u32 @p1 s5;
	p1 =	sne.s32 s12, s9  }
.Ltmp1:
0x1c: {  	p0 =	slt.u32 s12, $0x2;
	(pc) =	sbr.rel @!p1 .LBB2_6-.Ltmp1, $4  }
0x1d: {  	s14 =	simm.s32 @!p0 $0x3  }
0x1e: {  	_ =	swait.ge @!p0 [sflag:s14], $0x1A80  }
0x1f: {  	s16 =	sadd.s32 $0x1, s12;
	s13 =	smov.u32 s11;
	[sflag:s14] =	ssyncset.done @!p0 $0x0  }
0x20: {  	s12 =	smov.u32 s16;
	s11 =	smov.u32 s15;
	[sflag:s14] =	ssyncadd.s32 @!p0 $0xFFFFE580  }
.LBB2_1:
0x21: {  	p0 =	sge.u32 s12, s7  }
0x22: {  	s14 =	sxor.u32 @!p0 $0x1, s12  }
0x23: {  	s14 =	smul.u32 @!p0 $0x6A00, s14  }
0x24: {  	s31 =	sadd.s32 $0xFFFFFFFF, s12;
	s15 =	sshrl.u32 @!p0 s11, $0x3  }
0x25: {  	s16 =	sand.u32 @!p0 $0x7, s11;
	s15 =	sadd.s32 @!p0 s3, s15;
	s14 =	sshra.s32 @!p0 s14, $0x2  }
0x26: {  	[tilespmem:s14], [sflag:$0x2] =	stream.linear.gather @!p0 [hbm4b:s15+s16], $0x1A80, $0x38;
	[tilespmem:$0x6A00] =	vst v63  }
0x27: {  	p0 =	sge.u32 s31, s7  }
.Ltmp2:
0x28: {  	_ = 	snop;
	(pc) =	sbr.rel @p0 .LBB2_5-.Ltmp2, $1  }
0x29: {  	_ =	sdelay $0x3  }
0x2a: {  	s14 =	sand.u32 $0x1, s12  }
0x2b: {  	_ =	swait.ge [sflag:s6], $0x1A80;
	p0 =	seq.s32 s14, $0x1;
	s14 =	simm.s32 $0x1A80  }
0x2c: {  	[sflag:s6] =	ssyncset.done $0x0;
	s14 =	simm.s32 @!p0 $0x0  }
0x2d: {  	[sflag:s6] =	ssyncadd.s32 $0xFFFFE580;
	(ifvalue) =	ssetifvalue $0x7FFFFFFF;
	v0 =	vld.msk [tilespmem:s14+$0x0 ss:$0x1], $0xffff;
	_ =	sdelay $0x4  }
0x2e: {  	s15 =	sadd.s32 $0x10, s14;
	vm1 =	vgt.s32 v0, $0x0  }
0x2f: {  	v2 =	vld.msk [tilespmem:s15+$0x0 ss:$0x1], $0xffff;
	v1 =	vnsel vm1, $0x0, v0  }
0x30: {  	v1 =	vmin.u32 v1, $0x4E1FF;
	_ =	sdelay $0x2  }
0x31: {  	s17 =	simm.s32 $0x20;
	s14 =	sadd.s32 $0x3500, s14;
	s16 =	sadd.s32 $0x10, s15  }
0x32: {  	s15 =	sadd.s32 $0x10, s14;
	s18 =	smov.u32 s14;
	v0 =	vld.msk [tilespmem:s16+$0x0 ss:$0x1], $0xffff;
	vm1 =	vgt.s32 v2, $0x0;
	(ifvalue) =	ssetifvalue $0x7FFFFFFF  }
.LBB2_3:
0x33: {  	[tilespmem:s18], [sflag:$0x1] =	stream.indirect_vreg.gather [hbm4b:s2+s10], $0x1, v1, vm0, $0x4038;
	[tilespmem:$0x6A00] =	vst v63  }
0x34: {  	s17 =	sadd.s32 $0x10, s17  }
0x35: {  	v2 =	vnsel vm1, $0x0, v2;
	p0 =	slt.u32 s17, $0x1A70  }
.Ltmp3:
0x36: {  	s18 =	smov.u32 s15;
	v1 =	vmin.u32 v2, $0x4E1FF;
	(pc) =	sbr.rel @p0 .LBB2_3-.Ltmp3, $3  }
0x37: {  	_ =	sdelay $0x1  }
0x38: {  	s16 =	sadd.s32 $0x10, s16  }
0x39: {  	vm1 =	vgt.s32 v0, $0x0;
	s15 =	sadd.s32 $0x10, s15;
	v2 =	vmov v0;
	(ifvalue) =	ssetifvalue $0x7FFFFFFF;
	v0 =	vld.msk [tilespmem:s16+$0x0 ss:$0x1], $0xffff  }
.Ltmp4:
0x3a: {  	_ = 	snop;
	(pc) =	sbr.rel .LBB2_4-.Ltmp4, $1  }
0x3b: {  	_ =	sdelay $0x3  }
.LBB2_6:
0x3c: {  	_ =	sfence.sel $0x180000  }
0x3d: {  	s2 =	simm.s32 $0x2;
	[bflag:$0x0] =	sbarrier.arrive $0xFFFF  }
0x3e: {  	s30 =	simm.s32 $0x3;
	[sflag:s2] =	ssyncpa.u1 $0x1  }
0x3f: {  	s31 =	simm.s32 $0x1;
	[sflag:s30] =	ssyncpa.u1 $0x1  }
0x40: {  	[sflag:s31] =	ssyncpa.u1 $0x1  }
0x41: {  	p0 =	sne.s32 s1, $0x0;
	_ =	strace $0x90000050  }
0x42: {  	s0 =	sadd.s32 @!p0 $0x100000, s0;
	[bflag:$0x2] =	sbarrier.arrive $0xFFFF  }
0x43: {  	[sflag:s0] =	ssyncadd.tile.s32 @!p0 $0x1;
	_ =	shalt  }
.Lfunc_end2:
_tile_overlayer_lowered:
.L_overlay_start_2:
0x44: {  	(tag) =	ssettag $0x2  }
0x45: {  	s0 =	rddreg [dreg:$0x0];
	s2 =	stileid.u32  }
0x46: {  	s1 =	rddreg [dreg:$0x1];
	p0 =	sne.s32 s2, $0x0  }
0x47: {  	s3 =	rddreg [dreg:$0x2];
	[bflag:$0x3] =	sbarrier.arrive $0xFFFF;
	s2 =	simm.s32 @!p0 $0x1C01  }
0x48: {  	[timem:s3], [sflag:s2] =	dma.local @!p0 [hbm:s0], s1  }
0x49: {  	s0 =	simm.s32 @!p0 $0x1  }
0x4a: {  	_ =	swait.ge @!p0 [sflag:s0], s1  }
0x4b: {  	s1 =	ssub.s32 @!p0 $0x0, s1;
	[sflag:s0] =	ssyncset.done @!p0 $0x0  }
0x4c: {  	[sflag:s0] =	ssyncadd.s32 @!p0 s1  }
0x4d: {  	[bflag:$0x3] =	sbarrier.arrive $0xFFFF  }
0x4e: {  	_ =	shalt  }

// kernel: gather_offload_async_start
scs
__scs_entry_jumppad:
0x0: {  	(pc) =	sbr.rel $0x88, $3  }
0x1: {  	(tag) =	ssettag $0x0;
	lr =	simm.s32 $0x1  }
0x2: {  	[smem:$0x3F62] =	sst lr;
	_ =	strace $0xD0000000  }
0x3: {  	_ = 	snop  }
0x4: {  	_ = 	snop  }
0x5: {  	_ = 	snop  }
0x6: {  	_ = 	snop  }
0x7: {  	_ = 	snop  }
__scs_overlays_trampoline_lowered:
0x8: {  	[smem:$0x3F71] =	sst s0  }
0x9: {  	[smem:$0x3F72] =	sst s1  }
0xa: {  	[smem:$0x3F73] =	sst s2  }
0xb: {  	[smem:$0x3F74] =	sst s3  }
0xc: {  	[smem:$0x3F75] =	sst s4  }
0xd: {  	[smem:$0x3F76] =	sst s5  }
0xe: {  	[smem:$0x3F77] =	sst s6  }
0xf: {  	[smem:$0x3F78] =	sst s7  }
0x10: {  	[smem:$0x3F79] =	sst s8  }
0x11: {  	[smem:$0x3F7A] =	sst s9;
	s0 =	simm.s32 @!p0 $0x0  }
0x12: {  	s1 =	sld [smem:$0x3F60];
	s0 =	simm.s32 @p0 $0x1  }
0x13: {  	[smem:$0x3F7B] =	sst s0;
	s0 =	simm.s32 @!p1 $0x0  }
0x14: {  	s2 =	sld [smem:$0x3F5F];
	s0 =	simm.s32 @p1 $0x1  }
0x15: {  	[smem:$0x3F7C] =	sst s0;
	s0 =	simm.s32 @!p2 $0x0  }
0x16: {  	s3 =	sld [smem:$0x3FDB];
	s0 =	simm.s32 @p2 $0x1  }
0x17: {  	s4 =	simm.s32 $0x1BF5;
	[smem:$0x3F7E] =	sst s0  }
0x18: {  	s0 =	sld [smem:$0x3F61];
	_ =	swait.ge [sflag:s4], $0x0  }
0x19: {  	s7 =	sld [smem:$0x3F62]  }
0x1a: {  	s8 =	sadd.s32 $0xFFFFE003, lr  }
0x1b: {  	s9 =	sadd.s32 $0xFFFFFEF7, lr;
	s5 =	simm.s32 $0xFFFFFFFF;
	p2 =	slt.u32 s8, $0xFFFFF086  }
0x1c: {  	p1 =	slt.u32 s9, $0xF7A;
	s5 =	simm.s32 @!p2 $0x0  }
0x1d: {  	s5 =	simm.s32 @p1 $0x1;
	p0 =	seq.s32 s7, s2  }
0x1e: {  	s7 =	smul.u32 @!p0 $0xF7A, s2;
	p2 =	seq.s32 @!p0 s5, $0x0  }
0x1f: {  	s9 =	smul.u32 $0xF7A, s1;
	s8 =	simm.s32 @!p0 $0x1BF5;
	p2 =	por !p2, p0  }
0x20: {  	[sflag:s8] =	ssyncset.s32 @!p0 $0xFFFFF086;
	s6 =	sadd.s32 @!p0 s3, s7;
	s7 =	simm.s32 @!p0 $0x108  }
0x21: {  	s3 =	sadd.s32 s3, s9;
	s6 =	sadd.s32 @!p0 $0x88, s6;
	s7 =	simm.s32 @p2 $0x1082  }
0x22: {  	[simem:s7], [sflag:s8] =	dma.local @!p0 [hbm:s6], $0xF7A  }
0x23: {  	s9 =	sor.u32 $0xD0000000, s2;
	s6 =	simm.s32 $0x108;
	_ =	swait.ge @!p0 [sflag:s8], $0x0  }
0x24: {  	s3 =	sadd.s32 $0x88, s3;
	s6 =	simm.s32 @!p1 $0x1082;
	[sflag:s4] =	ssyncset.s32 $0xFFFFF086  }
0x25: {  	[simem:s6], [sflag:s4] =	dma.local [hbm:s3], $0xF7A  }
0x26: {  	[smem:$0x3F62] =	sst s1;
	(tag) =	ssettag s2;
	_ =	strace s9  }
0x27: {  	s1 =	sld [smem:$0x3F72]  }
0x28: {  	s2 =	sld [smem:$0x3F73]  }
0x29: {  	s4 =	sld [smem:$0x3F75]  }
0x2a: {  	p0 =	seq.s32 s5, $0x0;
	s5 =	sld [smem:$0x3F76]  }
0x2b: {  	s6 =	sld [smem:$0x3F77]  }
0x2c: {  	s7 =	sld [smem:$0x3F78]  }
0x2d: {  	s3 =	simm.s32 $0x108;
	s8 =	sld [smem:$0x3F79]  }
0x2e: {  	s3 =	simm.s32 @!p0 $0x1082;
	s9 =	sld [smem:$0x3F7A]  }
0x2f: {  	lr =	sadd.s32 s0, s3;
	s0 =	sld [smem:$0x3F71]  }
0x30: {  	s3 =	sld [smem:$0x3F74]  }
0x31: {  	[smem:$0x3F7D] =	sst s10  }
0x32: {  	s10 =	sld [smem:$0x3F7B];
	_ =	sdelay $0x3  }
0x33: {  	p0 =	seq.s32 s10, $0x1;
	s10 =	sld [smem:$0x3F7D];
	_ =	sdelay $0x3  }
0x34: {  	[smem:$0x3F7D] =	sst s10  }
0x35: {  	s10 =	sld [smem:$0x3F7C];
	_ =	sdelay $0x3  }
0x36: {  	p1 =	seq.s32 s10, $0x1;
	s10 =	sld [smem:$0x3F7D];
	_ =	sdelay $0x3  }
0x37: {  	[smem:$0x3F7D] =	sst s10  }
0x38: {  	s10 =	sld [smem:$0x3F7E]  }
0x39: {  	_ = 	snop;
	(pc) =	sbr.ind lr, $3  }
0x3a: {  	_ = 	snop  }
0x3b: {  	_ = 	snop  }
0x3c: {  	p2 =	seq.s32 s10, $0x1;
	s10 =	sld [smem:$0x3F7D]  }
0x3d: {  	_ =	shalt  }
0x3e: {  	_ =	shalt  }
0x3f: {  	_ =	shalt  }
0x40: {  	_ =	shalt  }
0x41: {  	_ =	shalt  }
0x42: {  	_ =	shalt  }
0x43: {  	_ =	shalt  }
0x44: {  	_ =	shalt  }
0x45: {  	_ =	shalt  }
0x46: {  	_ =	shalt  }
0x47: {  	_ =	shalt  }
0x48: {  	_ =	shalt  }
0x49: {  	_ =	shalt  }
0x4a: {  	_ =	shalt  }
0x4b: {  	_ =	shalt  }
0x4c: {  	_ =	shalt  }
0x4d: {  	_ =	shalt  }
0x4e: {  	_ =	shalt  }
0x4f: {  	_ =	shalt  }
0x50: {  	_ =	shalt  }
0x51: {  	_ =	shalt  }
0x52: {  	_ =	shalt  }
0x53: {  	_ =	shalt  }
0x54: {  	_ =	shalt  }
0x55: {  	_ =	shalt  }
0x56: {  	_ =	shalt  }
0x57: {  	_ =	shalt  }
0x58: {  	_ =	shalt  }
0x59: {  	_ =	shalt  }
0x5a: {  	_ =	shalt  }
0x5b: {  	_ =	shalt  }
0x5c: {  	_ =	shalt  }
0x5d: {  	_ =	shalt  }
0x5e: {  	_ =	shalt  }
0x5f: {  	_ =	shalt  }
0x60: {  	_ =	shalt  }
0x61: {  	_ =	shalt  }
0x62: {  	_ =	shalt  }
0x63: {  	_ =	shalt  }
0x64: {  	_ =	shalt  }
0x65: {  	_ =	shalt  }
0x66: {  	_ =	shalt  }
0x67: {  	_ =	shalt  }
0x68: {  	_ =	shalt  }
0x69: {  	_ =	shalt  }
0x6a: {  	_ =	shalt  }
0x6b: {  	_ =	shalt  }
0x6c: {  	_ =	shalt  }
0x6d: {  	_ =	shalt  }
0x6e: {  	_ =	shalt  }
0x6f: {  	_ =	shalt  }
0x70: {  	_ =	shalt  }
0x71: {  	_ =	shalt  }
0x72: {  	_ =	shalt  }
0x73: {  	_ =	shalt  }
0x74: {  	_ =	shalt  }
0x75: {  	_ =	shalt  }
0x76: {  	_ =	shalt  }
0x77: {  	_ =	shalt  }
0x78: {  	_ =	shalt  }
0x79: {  	_ =	shalt  }
0x7a: {  	_ =	shalt  }
0x7b: {  	_ =	shalt  }
0x7c: {  	_ =	shalt  }
0x7d: {  	_ =	shalt  }
0x7e: {  	_ =	shalt  }
0x7f: {  	_ =	shalt  }
0x80: {  	_ =	shalt  }
0x81: {  	_ =	shalt  }
0x82: {  	_ =	shalt  }
0x83: {  	_ =	shalt  }
0x84: {  	_ =	shalt  }
0x85: {  	_ =	shalt  }
0x86: {  	_ =	shalt  }
0x87: {  	_ =	shalt  }
.Lfunc_end0:
.L_simem_size_0:
called_computation_lowered:
.L_overlay_start_0:
0x88: {  	s2 =	sld [smem:$0x3FD9]  }
0x89: {  	s3 =	sld [smem:$0x3FFE];
	_ =	sdelay $0x1  }
0x8a: {  	s1 =	srdreg.scid  }
0x8b: {  	s0 =	sand.u32 $0x1, s1  }
0x8c: {  	s16 =	sshll.u32 s0, $0xA;
	s2 =	sadd.s32 s3, s2  }
0x8d: {  	s2 =	sadd.s32 s2, s16  }
0x8e: {  	[smem:$0x3F89] =	sst s2  }
0x8f: {  	_ = 	snop  }
0x90: {  	(tm) =	ssettm $0x1  }
0x91: {  	s17 =	sld [smem:$0x3FFB];
	_ =	sdelay $0x3  }
0x92: {  	_ =	strace s17  }
0x93: {  	s2 =	sld [smem:$0x3FFC];
	_ =	sdelay $0x3  }
0x94: {  	_ =	strace s2  }
0x95: {  	s2 =	sld [smem:$0x3FFD];
	_ =	sdelay $0x3  }
0x96: {  	_ =	strace s2  }
0x97: {  	_ =	strace $0x8FFFFFFF  }
0x98: {  	s18 =	sld [smem:$0x3FDB];
	_ =	sdelay $0x1  }
0x99: {  	s19 =	simm.s32 $_scs_section_size  }
0x9a: {  	s4 =	simm.s32 $_size__tile_overlayer_lowered;
	s5 =	simm.s32 $_tile_overlayer_lowered  }
0x9b: {  	s22 =	simm.s32 $0x1BFF;
	s21 =	sshll.u32 s5, $0x1;
	s2 =	sadd.s32 s19, s18  }
0x9c: {  	s6 =	simm.s32 $0x0;
	s20 =	sshll.u32 s4, $0x1;
	s4 =	sadd.s32 s21, s2  }
0x9d: {  	[timem:s6], [sflag:s22] =	dma.local [hbm:s4], s20  }
0x9e: {  	_ =	swait.ge [sflag:s22], s20  }
0x9f: {  	s3 =	ssub.s32 $0x0, s20;
	[sflag:s22] =	ssyncset.done $0x0  }
0xa0: {  	[sflag:s22] =	ssyncadd.s32 s3;
	_ =	sdelay $0x1  }
0xa1: {  	s23 =	simm.s32 $0x1B8B  }
0xa2: {  	_ =	swait.ge [sflag:s23], $0x1  }
0xa3: {  	[sflag:s23] =	ssyncset.done $0x0  }
0xa4: {  	s25 =	simm.s32 $0x1B8E;
	s24 =	sld [smem:$0x3FFE];
	[sflag:s23] =	ssyncadd.s32 $0xFFFFFFFF  }
0xa5: {  	s26 =	simm.s32 $execute0_lowered;
	[smem:$0x3FD2] =	sst s25  }
0xa6: {  	s4 =	sshll.u32 s26, $0x1;
	_ =	strace $0x80000049;
	[dreg:$0x1] =	wrdreg $0xFFFFFFFF  }
0xa7: {  	s28 =	simm.s32 $_size_execute0_lowered;
	s2 =	sadd.s32 s2, s4;
	[dreg:$0x0] =	wrdreg $0x0  }
0xa8: {  	s4 =	sshll.u32 s28, $0x1;
	[dreg:$0x2] =	wrdreg s2  }
0xa9: {  	[dreg:$0x3] =	wrdreg s4  }
0xaa: {  	[dreg:$0x4] =	wrdreg $0xC0  }
0xab: {  	_ =	task [dreg:s6], $0x5FFFF  }
0xac: {  	[dreg:$0x1] =	wrdreg $0xFFFFFFFF  }
0xad: {  	[dreg:$0x0] =	wrdreg $0x60  }
0xae: {  	[dreg:$0x2] =	wrdreg s24  }
0xaf: {  	[dreg:$0x3] =	wrdreg $0x9  }
0xb0: {  	_ =	task.clear_ibuf [dreg:s6], $0x4FFFF;
	_ =	strace $0x90000049  }
0xb1: {  	s29 =	simm.s32 $0x9;
	_ =	strace $0x8000004B  }
0xb2: {  	_ =	swait.ge [sflag:s29], $0x1  }
0xb3: {  	[sflag:s29] =	ssyncadd.s32 $0xFFFFFFFF  }
0xb4: {  	_ =	strace $0x9000004B  }
0xb5: {  	_ =	sfence  }
0xb6: {  	s30 =	sld [smem:$0x0];
	_ =	sdelay $0x2  }
0xb7: {  	s31 =	sshll.u32 s1, $0xD;
	s1 =	sshrl.u32 s1, $0x2  }
0xb8: {  	s3 =	sand.u32 $0x4000, s31;
	s1 =	sadd.s32 s1, s30  }
0xb9: {  	s0 =	sor.u32 s3, s0;
	s1 =	sshll.u32 s1, $0x11  }
0xba: {  	s0 =	sor.u32 s1, s0  }
0xbb: {  	s0 =	sadd.s32 $0x8F2B, s0  }
0xbc: {  	[sflag:s0] =	ssyncadd.remote.s32 $0x1  }
0xbd: {  	_ =	sfence.sel $0xFFFF  }
0xbe: {  	[dreg:$0x0] =	wrdreg $0xFFFFFFFF;
	(pc) =	sbr.abs _section_cstart, $3  }
0xbf: {  	[dreg:$0x1] =	wrdreg $0xFFFFFFFF  }
0xc0: {  	_ =	task.clear_ibuf [dreg:s6], $0x2FFFF;
	_ =	strace $0x9FFFFFFF  }
0xc1: {  	(tm) =	ssettm $0x7FFFFFFF  }
tec
execute0_lowered:
.L_overlay_start_1:
0x0: {  	(tag) =	ssettag $0x1  }
0x1: {  	s8 =	rddreg [dreg:$0x0]  }
0x2: {  	s0 =	rddreg [dreg:$0x1];
	_ =	strace $0x8000004A;
	s1 =	stileid.u32  }
0x3: {  	s3 =	srdreg.scid;
	s4 =	simm.s32 $0x1;
	s7 =	simm.s32 $0x1  }
0x4: {  	s9 =	simm.s32 $0x1;
	s10 =	simm.s32 $0x3;
	s13 =	simm.s32 $0x0  }
0x5: {  	s12 =	simm.s32 $0x0;
	s5 =	sand.u32 $0x1, s3;
	s6 =	sshll.u32 s1, $0x1  }
0x6: {  	s2 =	sadd.s32 $0xDE00, s8;
	s3 =	sadd.s32 $0x21A00, s8;
	s5 =	sor.u32 s6, s5  }
.Ltmp0:
0x7: {  	[sflag:s4] =	ssyncpa.u1 $0x0;
	p0 =	slt.u32 s5, $0x9;
	(pc) =	sbr.rel .LBB2_1-.Ltmp0, $4  }
0x8: {  	s6 =	simm.s32 $0x2;
	s7 =	simm.s32 @!p0 $0x0;
	p0 =	sne.s32 s5, $0x8  }
0x9: {  	[sflag:s6] =	ssyncpa.u1 $0x0;
	s5 =	smul.u32 $0x1F40, s5;
	s9 =	simm.s32 @!p0 $0x0  }
0xa: {  	s8 =	sadd.s32 $0x17C00, s8;
	[sflag:s10] =	ssyncpa.u1 $0x0;
	s7 =	sadd.s32 s9, s7  }
0xb: {  	vm0 =	vmmov $0xffff;
	s10 =	simm.s32 $0x0;
	s11 =	smov.u32 s5;
	s9 =	sadd.s32 $0x1, s7  }
.LBB2_4:
0xc: {  	v2 =	vnsel vm1, $0x0, v2  }
0xd: {  	vm1 =	vgt.s32 v0, $0x0;
	v2 =	vmin.u32 v2, $0x4E1FF  }
0xe: {  	v0 =	vnsel vm1, $0x0, v0  }
0xf: {  	v0 =	vmin.u32 v0, $0x4E1FF  }
0x10: {  	[tilespmem:s18], [sflag:$0x1] =	stream.indirect_vreg.gather [hbm4b:s2+s10], $0x1, v1, vm0, $0x4038;
	[tilespmem:$0x7D00] =	vst v63  }
0x11: {  	(ifvalue) =	ssetifvalue $0x7FFFFFFF  }
0x12: {  	[tilespmem:s15], [sflag:$0x1] =	stream.indirect_vreg.gather [hbm4b:s2+s10], $0x1, v2, vm0, $0x4038;
	[tilespmem:$0x7D00] =	vst v63  }
0x13: {  	s29 =	sadd.s32 $0x10, s15;
	(ifvalue) =	ssetifvalue $0x7FFFFFFF  }
0x14: {  	[tilespmem:s29], [sflag:$0x1] =	stream.indirect_vreg.gather [hbm4b:s2+s10], $0x1, v0, vm0, $0x4038;
	[tilespmem:$0x7D00] =	vst v63  }
0x15: {  	_ =	swait.ge [sflag:s4], $0x1F40  }
0x16: {  	s30 =	sshrl.u32 s13, $0x3;
	[sflag:s4] =	ssyncset.done $0x0  }
0x17: {  	s31 =	sand.u32 $0x7, s13;
	s15 =	sadd.s32 s8, s30;
	[sflag:s4] =	ssyncadd.s32 $0xFFFFE0C0  }
0x18: {  	[hbm4b:s15+s31] =	stream.linear.scatter [tilespmem:s14], [sflag:$0x3], $0x1F40, $0x38;
	[tilespmem:$0x7D00] =	vst v63  }
.LBB2_5:
0x19: {  	s15 =	sadd.s32 $0x3E800, s11  }
0x1a: {  	p1 =	sgt.s32 s15, $0x4E1FF  }
0x1b: {  	s15 =	smov.u32 @p1 s5;
	p1 =	sne.s32 s12, s9  }
.Ltmp1:
0x1c: {  	p0 =	slt.u32 s12, $0x2;
	(pc) =	sbr.rel @!p1 .LBB2_6-.Ltmp1, $4  }
0x1d: {  	s14 =	simm.s32 @!p0 $0x3  }
0x1e: {  	_ =	swait.ge @!p0 [sflag:s14], $0x1F40  }
0x1f: {  	s16 =	sadd.s32 $0x1, s12;
	s13 =	smov.u32 s11;
	[sflag:s14] =	ssyncset.done @!p0 $0x0  }
0x20: {  	s12 =	smov.u32 s16;
	s11 =	smov.u32 s15;
	[sflag:s14] =	ssyncadd.s32 @!p0 $0xFFFFE0C0  }
.LBB2_1:
0x21: {  	p0 =	sge.u32 s12, s7  }
0x22: {  	s14 =	sxor.u32 @!p0 $0x1, s12  }
0x23: {  	s14 =	smul.u32 @!p0 $0x7D00, s14  }
0x24: {  	s31 =	sadd.s32 $0xFFFFFFFF, s12;
	s15 =	sshrl.u32 @!p0 s11, $0x3  }
0x25: {  	s16 =	sand.u32 @!p0 $0x7, s11;
	s15 =	sadd.s32 @!p0 s3, s15;
	s14 =	sshra.s32 @!p0 s14, $0x2  }
0x26: {  	[tilespmem:s14], [sflag:$0x2] =	stream.linear.gather @!p0 [hbm4b:s15+s16], $0x1F40, $0x38;
	[tilespmem:$0x7D00] =	vst v63  }
0x27: {  	p0 =	sge.u32 s31, s7  }
.Ltmp2:
0x28: {  	_ = 	snop;
	(pc) =	sbr.rel @p0 .LBB2_5-.Ltmp2, $1  }
0x29: {  	_ =	sdelay $0x3  }
0x2a: {  	s14 =	sand.u32 $0x1, s12  }
0x2b: {  	_ =	swait.ge [sflag:s6], $0x1F40;
	p0 =	seq.s32 s14, $0x1;
	s14 =	simm.s32 $0x1F40  }
0x2c: {  	[sflag:s6] =	ssyncset.done $0x0;
	s14 =	simm.s32 @!p0 $0x0  }
0x2d: {  	[sflag:s6] =	ssyncadd.s32 $0xFFFFE0C0;
	(ifvalue) =	ssetifvalue $0x7FFFFFFF;
	v0 =	vld.msk [tilespmem:s14+$0x0 ss:$0x1], $0xffff;
	_ =	sdelay $0x4  }
0x2e: {  	s15 =	sadd.s32 $0x10, s14;
	vm1 =	vgt.s32 v0, $0x0  }
0x2f: {  	v2 =	vld.msk [tilespmem:s15+$0x0 ss:$0x1], $0xffff;
	v1 =	vnsel vm1, $0x0, v0  }
0x30: {  	v1 =	vmin.u32 v1, $0x4E1FF;
	_ =	sdelay $0x2  }
0x31: {  	s17 =	simm.s32 $0x20;
	s14 =	sadd.s32 $0x3E80, s14;
	s16 =	sadd.s32 $0x10, s15  }
0x32: {  	s15 =	sadd.s32 $0x10, s14;
	s18 =	smov.u32 s14;
	v0 =	vld.msk [tilespmem:s16+$0x0 ss:$0x1], $0xffff;
	vm1 =	vgt.s32 v2, $0x0;
	(ifvalue) =	ssetifvalue $0x7FFFFFFF  }
.LBB2_3:
0x33: {  	[tilespmem:s18], [sflag:$0x1] =	stream.indirect_vreg.gather [hbm4b:s2+s10], $0x1, v1, vm0, $0x4038;
	[tilespmem:$0x7D00] =	vst v63  }
0x34: {  	s17 =	sadd.s32 $0x10, s17  }
0x35: {  	v2 =	vnsel vm1, $0x0, v2;
	p0 =	slt.u32 s17, $0x1F30  }
.Ltmp3:
0x36: {  	s18 =	smov.u32 s15;
	v1 =	vmin.u32 v2, $0x4E1FF;
	(pc) =	sbr.rel @p0 .LBB2_3-.Ltmp3, $3  }
0x37: {  	_ =	sdelay $0x1  }
0x38: {  	s16 =	sadd.s32 $0x10, s16  }
0x39: {  	vm1 =	vgt.s32 v0, $0x0;
	s15 =	sadd.s32 $0x10, s15;
	v2 =	vmov v0;
	(ifvalue) =	ssetifvalue $0x7FFFFFFF;
	v0 =	vld.msk [tilespmem:s16+$0x0 ss:$0x1], $0xffff  }
.Ltmp4:
0x3a: {  	_ = 	snop;
	(pc) =	sbr.rel .LBB2_4-.Ltmp4, $1  }
0x3b: {  	_ =	sdelay $0x3  }
.LBB2_6:
0x3c: {  	_ =	sfence.sel $0x180000  }
0x3d: {  	s2 =	simm.s32 $0x2;
	[bflag:$0x0] =	sbarrier.arrive $0xFFFF  }
0x3e: {  	s30 =	simm.s32 $0x3;
	[sflag:s2] =	ssyncpa.u1 $0x1  }
0x3f: {  	s31 =	simm.s32 $0x1;
	[sflag:s30] =	ssyncpa.u1 $0x1  }
0x40: {  	[sflag:s31] =	ssyncpa.u1 $0x1  }
0x41: {  	p0 =	sne.s32 s1, $0x0;
	_ =	strace $0x9000004A  }
0x42: {  	s0 =	sadd.s32 @!p0 $0x100000, s0;
	[bflag:$0x2] =	sbarrier.arrive $0xFFFF  }
0x43: {  	[sflag:s0] =	ssyncadd.tile.s32 @!p0 $0x1;
	_ =	shalt  }
.Lfunc_end2:
_tile_overlayer_lowered:
.L_overlay_start_2:
0x44: {  	(tag) =	ssettag $0x2  }
0x45: {  	s0 =	rddreg [dreg:$0x0];
	s2 =	stileid.u32  }
0x46: {  	s1 =	rddreg [dreg:$0x1];
	p0 =	sne.s32 s2, $0x0  }
0x47: {  	s3 =	rddreg [dreg:$0x2];
	[bflag:$0x3] =	sbarrier.arrive $0xFFFF;
	s2 =	simm.s32 @!p0 $0x1C01  }
0x48: {  	[timem:s3], [sflag:s2] =	dma.local @!p0 [hbm:s0], s1  }
0x49: {  	s0 =	simm.s32 @!p0 $0x1  }
0x4a: {  	_ =	swait.ge @!p0 [sflag:s0], s1  }
0x4b: {  	s1 =	ssub.s32 @!p0 $0x0, s1;
	[sflag:s0] =	ssyncset.done @!p0 $0x0  }
0x4c: {  	[sflag:s0] =	ssyncadd.s32 @!p0 s1  }
0x4d: {  	[bflag:$0x3] =	sbarrier.arrive $0xFFFF  }
0x4e: {  	_ =	shalt  }

// kernel: kernel.11.cloned.1.call-start
scs
__scs_entry_jumppad:
0x0: {  	(pc) =	sbr.rel $0x88, $3  }
0x1: {  	(tag) =	ssettag $0x0;
	lr =	simm.s32 $0x1  }
0x2: {  	[smem:$0x3F62] =	sst lr;
	_ =	strace $0xD0000000  }
0x3: {  	_ = 	snop  }
0x4: {  	_ = 	snop  }
0x5: {  	_ = 	snop  }
0x6: {  	_ = 	snop  }
0x7: {  	_ = 	snop  }
__scs_overlays_trampoline_lowered:
0x8: {  	[smem:$0x3F71] =	sst s0  }
0x9: {  	[smem:$0x3F72] =	sst s1  }
0xa: {  	[smem:$0x3F73] =	sst s2  }
0xb: {  	[smem:$0x3F74] =	sst s3  }
0xc: {  	[smem:$0x3F75] =	sst s4  }
0xd: {  	[smem:$0x3F76] =	sst s5  }
0xe: {  	[smem:$0x3F77] =	sst s6  }
0xf: {  	[smem:$0x3F78] =	sst s7  }
0x10: {  	[smem:$0x3F79] =	sst s8  }
0x11: {  	[smem:$0x3F7A] =	sst s9;
	s0 =	simm.s32 @!p0 $0x0  }
0x12: {  	s1 =	sld [smem:$0x3F60];
	s0 =	simm.s32 @p0 $0x1  }
0x13: {  	[smem:$0x3F7B] =	sst s0;
	s0 =	simm.s32 @!p1 $0x0  }
0x14: {  	s2 =	sld [smem:$0x3F5F];
	s0 =	simm.s32 @p1 $0x1  }
0x15: {  	[smem:$0x3F7C] =	sst s0;
	s0 =	simm.s32 @!p2 $0x0  }
0x16: {  	s3 =	sld [smem:$0x3FDB];
	s0 =	simm.s32 @p2 $0x1  }
0x17: {  	s4 =	simm.s32 $0x1BF5;
	[smem:$0x3F7E] =	sst s0  }
0x18: {  	s0 =	sld [smem:$0x3F61];
	_ =	swait.ge [sflag:s4], $0x0  }
0x19: {  	s7 =	sld [smem:$0x3F62]  }
0x1a: {  	s8 =	sadd.s32 $0xFFFFE003, lr  }
0x1b: {  	s9 =	sadd.s32 $0xFFFFFEF7, lr;
	s5 =	simm.s32 $0xFFFFFFFF;
	p2 =	slt.u32 s8, $0xFFFFF086  }
0x1c: {  	p1 =	slt.u32 s9, $0xF7A;
	s5 =	simm.s32 @!p2 $0x0  }
0x1d: {  	s5 =	simm.s32 @p1 $0x1;
	p0 =	seq.s32 s7, s2  }
0x1e: {  	s7 =	smul.u32 @!p0 $0xF7A, s2;
	p2 =	seq.s32 @!p0 s5, $0x0  }
0x1f: {  	s9 =	smul.u32 $0xF7A, s1;
	s8 =	simm.s32 @!p0 $0x1BF5;
	p2 =	por !p2, p0  }
0x20: {  	[sflag:s8] =	ssyncset.s32 @!p0 $0xFFFFF086;
	s6 =	sadd.s32 @!p0 s3, s7;
	s7 =	simm.s32 @!p0 $0x108  }
0x21: {  	s3 =	sadd.s32 s3, s9;
	s6 =	sadd.s32 @!p0 $0x88, s6;
	s7 =	simm.s32 @p2 $0x1082  }
0x22: {  	[simem:s7], [sflag:s8] =	dma.local @!p0 [hbm:s6], $0xF7A  }
0x23: {  	s9 =	sor.u32 $0xD0000000, s2;
	s6 =	simm.s32 $0x108;
	_ =	swait.ge @!p0 [sflag:s8], $0x0  }
0x24: {  	s3 =	sadd.s32 $0x88, s3;
	s6 =	simm.s32 @!p1 $0x1082;
	[sflag:s4] =	ssyncset.s32 $0xFFFFF086  }
0x25: {  	[simem:s6], [sflag:s4] =	dma.local [hbm:s3], $0xF7A  }
0x26: {  	[smem:$0x3F62] =	sst s1;
	(tag) =	ssettag s2;
	_ =	strace s9  }
0x27: {  	s1 =	sld [smem:$0x3F72]  }
0x28: {  	s2 =	sld [smem:$0x3F73]  }
0x29: {  	s4 =	sld [smem:$0x3F75]  }
0x2a: {  	p0 =	seq.s32 s5, $0x0;
	s5 =	sld [smem:$0x3F76]  }
0x2b: {  	s6 =	sld [smem:$0x3F77]  }
0x2c: {  	s7 =	sld [smem:$0x3F78]  }
0x2d: {  	s3 =	simm.s32 $0x108;
	s8 =	sld [smem:$0x3F79]  }
0x2e: {  	s3 =	simm.s32 @!p0 $0x1082;
	s9 =	sld [smem:$0x3F7A]  }
0x2f: {  	lr =	sadd.s32 s0, s3;
	s0 =	sld [smem:$0x3F71]  }
0x30: {  	s3 =	sld [smem:$0x3F74]  }
0x31: {  	[smem:$0x3F7D] =	sst s10  }
0x32: {  	s10 =	sld [smem:$0x3F7B];
	_ =	sdelay $0x3  }
0x33: {  	p0 =	seq.s32 s10, $0x1;
	s10 =	sld [smem:$0x3F7D];
	_ =	sdelay $0x3  }
0x34: {  	[smem:$0x3F7D] =	sst s10  }
0x35: {  	s10 =	sld [smem:$0x3F7C];
	_ =	sdelay $0x3  }
0x36: {  	p1 =	seq.s32 s10, $0x1;
	s10 =	sld [smem:$0x3F7D];
	_ =	sdelay $0x3  }
0x37: {  	[smem:$0x3F7D] =	sst s10  }
0x38: {  	s10 =	sld [smem:$0x3F7E]  }
0x39: {  	_ = 	snop;
	(pc) =	sbr.ind lr, $3  }
0x3a: {  	_ = 	snop  }
0x3b: {  	_ = 	snop  }
0x3c: {  	p2 =	seq.s32 s10, $0x1;
	s10 =	sld [smem:$0x3F7D]  }
0x3d: {  	_ =	shalt  }
0x3e: {  	_ =	shalt  }
0x3f: {  	_ =	shalt  }
0x40: {  	_ =	shalt  }
0x41: {  	_ =	shalt  }
0x42: {  	_ =	shalt  }
0x43: {  	_ =	shalt  }
0x44: {  	_ =	shalt  }
0x45: {  	_ =	shalt  }
0x46: {  	_ =	shalt  }
0x47: {  	_ =	shalt  }
0x48: {  	_ =	shalt  }
0x49: {  	_ =	shalt  }
0x4a: {  	_ =	shalt  }
0x4b: {  	_ =	shalt  }
0x4c: {  	_ =	shalt  }
0x4d: {  	_ =	shalt  }
0x4e: {  	_ =	shalt  }
0x4f: {  	_ =	shalt  }
0x50: {  	_ =	shalt  }
0x51: {  	_ =	shalt  }
0x52: {  	_ =	shalt  }
0x53: {  	_ =	shalt  }
0x54: {  	_ =	shalt  }
0x55: {  	_ =	shalt  }
0x56: {  	_ =	shalt  }
0x57: {  	_ =	shalt  }
0x58: {  	_ =	shalt  }
0x59: {  	_ =	shalt  }
0x5a: {  	_ =	shalt  }
0x5b: {  	_ =	shalt  }
0x5c: {  	_ =	shalt  }
0x5d: {  	_ =	shalt  }
0x5e: {  	_ =	shalt  }
0x5f: {  	_ =	shalt  }
0x60: {  	_ =	shalt  }
0x61: {  	_ =	shalt  }
0x62: {  	_ =	shalt  }
0x63: {  	_ =	shalt  }
0x64: {  	_ =	shalt  }
0x65: {  	_ =	shalt  }
0x66: {  	_ =	shalt  }
0x67: {  	_ =	shalt  }
0x68: {  	_ =	shalt  }
0x69: {  	_ =	shalt  }
0x6a: {  	_ =	shalt  }
0x6b: {  	_ =	shalt  }
0x6c: {  	_ =	shalt  }
0x6d: {  	_ =	shalt  }
0x6e: {  	_ =	shalt  }
0x6f: {  	_ =	shalt  }
0x70: {  	_ =	shalt  }
0x71: {  	_ =	shalt  }
0x72: {  	_ =	shalt  }
0x73: {  	_ =	shalt  }
0x74: {  	_ =	shalt  }
0x75: {  	_ =	shalt  }
0x76: {  	_ =	shalt  }
0x77: {  	_ =	shalt  }
0x78: {  	_ =	shalt  }
0x79: {  	_ =	shalt  }
0x7a: {  	_ =	shalt  }
0x7b: {  	_ =	shalt  }
0x7c: {  	_ =	shalt  }
0x7d: {  	_ =	shalt  }
0x7e: {  	_ =	shalt  }
0x7f: {  	_ =	shalt  }
0x80: {  	_ =	shalt  }
0x81: {  	_ =	shalt  }
0x82: {  	_ =	shalt  }
0x83: {  	_ =	shalt  }
0x84: {  	_ =	shalt  }
0x85: {  	_ =	shalt  }
0x86: {  	_ =	shalt  }
0x87: {  	_ =	shalt  }
.Lfunc_end0:
.L_simem_size_0:
called_computation.4_lowered:
.L_overlay_start_0:
0x88: {  	s2 =	sld [smem:$0x3FD9]  }
0x89: {  	s3 =	sld [smem:$0x3FFE];
	_ =	sdelay $0x1  }
0x8a: {  	s1 =	srdreg.scid  }
0x8b: {  	s0 =	sand.u32 $0x1, s1  }
0x8c: {  	s17 =	sshll.u32 s0, $0xA;
	s2 =	sadd.s32 s3, s2  }
0x8d: {  	s2 =	sadd.s32 s2, s17  }
0x8e: {  	[smem:$0x3F89] =	sst s2  }
0x8f: {  	_ = 	snop  }
0x90: {  	s2 =	sld [smem:$0x3FC9]  }
0x91: {  	s18 =	sld [smem:$0x3FD0];
	(tm) =	ssettm $0x1  }
0x92: {  	s4 =	sld [smem:$0x3FFB];
	_ =	sdelay $0x3  }
0x93: {  	_ =	strace s4  }
0x94: {  	s4 =	sld [smem:$0x3FFC];
	_ =	sdelay $0x3  }
0x95: {  	_ =	strace s4  }
0x96: {  	s4 =	sld [smem:$0x3FFD];
	_ =	sdelay $0x3  }
0x97: {  	_ =	strace s4  }
0x98: {  	_ =	strace $0x8FFFFFFF  }
0x99: {  	s19 =	sld [smem:$0x3FDB];
	_ =	sdelay $0x1  }
0x9a: {  	s5 =	simm.s32 $_scs_section_size  }
0x9b: {  	s6 =	simm.s32 $_size__tile_overlayer_lowered;
	s7 =	simm.s32 $_tile_overlayer_lowered  }
0x9c: {  	s22 =	simm.s32 $0x1BFF;
	s21 =	sshll.u32 s7, $0x1;
	s4 =	sadd.s32 s5, s19  }
0x9d: {  	s8 =	simm.s32 $0x0;
	s20 =	sshll.u32 s6, $0x1;
	s6 =	sadd.s32 s21, s4  }
0x9e: {  	[timem:s8], [sflag:s22] =	dma.local [hbm:s6], s20  }
0x9f: {  	_ =	swait.ge [sflag:s22], s20  }
0xa0: {  	s5 =	ssub.s32 $0x0, s20;
	[sflag:s22] =	ssyncset.done $0x0  }
0xa1: {  	[sflag:s22] =	ssyncadd.s32 s5;
	_ =	sdelay $0x1  }
0xa2: {  	s23 =	simm.s32 $0x1B8B  }
0xa3: {  	_ =	swait.ge [sflag:s23], $0x1  }
0xa4: {  	[sflag:s23] =	ssyncset.done $0x0  }
0xa5: {  	s25 =	simm.s32 $0x1B8E;
	s24 =	sld [smem:$0x3FFE];
	[sflag:s23] =	ssyncadd.s32 $0xFFFFFFFF  }
0xa6: {  	s26 =	simm.s32 $execute0_lowered;
	[smem:$0x3FD2] =	sst s25  }
0xa7: {  	s6 =	sshll.u32 s26, $0x1;
	_ =	strace $0x80000052;
	[dreg:$0x1] =	wrdreg $0xFFFFFFFF  }
0xa8: {  	s28 =	simm.s32 $_size_execute0_lowered;
	s4 =	sadd.s32 s4, s6;
	[dreg:$0x0] =	wrdreg $0x0  }
0xa9: {  	s6 =	sshll.u32 s28, $0x1;
	[dreg:$0x2] =	wrdreg s4  }
0xaa: {  	[dreg:$0x3] =	wrdreg s6  }
0xab: {  	[dreg:$0x4] =	wrdreg $0xC0  }
0xac: {  	_ =	task [dreg:s8], $0x5FFFF  }
0xad: {  	[dreg:$0x1] =	wrdreg $0xFFFFFFFF  }
0xae: {  	[dreg:$0x0] =	wrdreg $0x60  }
0xaf: {  	[dreg:$0x2] =	wrdreg s2  }
0xb0: {  	[dreg:$0x3] =	wrdreg s24  }
0xb1: {  	[dreg:$0x4] =	wrdreg s18  }
0xb2: {  	[dreg:$0x5] =	wrdreg $0xC0000  }
0xb3: {  	[dreg:$0x6] =	wrdreg $0x9  }
0xb4: {  	_ =	task.clear_ibuf [dreg:s8], $0x7FFFF;
	_ =	strace $0x90000052  }
0xb5: {  	s29 =	simm.s32 $0x9;
	_ =	strace $0x80000054  }
0xb6: {  	_ =	swait.ge [sflag:s29], $0x1  }
0xb7: {  	[sflag:s29] =	ssyncadd.s32 $0xFFFFFFFF  }
0xb8: {  	_ =	strace $0x90000054  }
0xb9: {  	_ =	sfence  }
0xba: {  	s30 =	sld [smem:$0x0];
	_ =	sdelay $0x2  }
0xbb: {  	s31 =	sshll.u32 s1, $0xD;
	s1 =	sshrl.u32 s1, $0x2  }
0xbc: {  	s3 =	sand.u32 $0x4000, s31;
	s1 =	sadd.s32 s1, s30  }
0xbd: {  	s0 =	sor.u32 s3, s0;
	s1 =	sshll.u32 s1, $0x11  }
0xbe: {  	s0 =	sor.u32 s1, s0  }
0xbf: {  	s0 =	sadd.s32 $0x8F2B, s0  }
0xc0: {  	[sflag:s0] =	ssyncadd.remote.s32 $0x1  }
0xc1: {  	_ =	sfence.sel $0xFFFF  }
0xc2: {  	[dreg:$0x0] =	wrdreg $0xFFFFFFFF;
	(pc) =	sbr.abs _section_cstart, $3  }
0xc3: {  	[dreg:$0x1] =	wrdreg $0xFFFFFFFF  }
0xc4: {  	_ =	task.clear_ibuf [dreg:s8], $0x2FFFF;
	_ =	strace $0x9FFFFFFF  }
0xc5: {  	(tm) =	ssettm $0x7FFFFFFF  }
tec
execute0_lowered:
.L_overlay_start_1:
0x0: {  	(tag) =	ssettag $0x1  }
0x1: {  	s1 =	rddreg [dreg:$0x0]  }
0x2: {  	s5 =	rddreg [dreg:$0x1]  }
0x3: {  	s2 =	srdreg.scid;
	s8 =	rddreg [dreg:$0x2]  }
0x4: {  	s0 =	stileid.u32;
	s3 =	rddreg [dreg:$0x3];
	s4 =	simm.s32 $0x0  }
0x5: {  	s16 =	simm.s32 $0x6000;
	s17 =	simm.s32 $0x60;
	s18 =	simm.s32 $0x9000  }
0x6: {  	s19 =	simm.s32 $0x1;
	s20 =	simm.s32 $0x2;
	s21 =	simm.s32 $0x2760  }
0x7: {  	s22 =	simm.s32 $0x5C00;
	s23 =	simm.s32 $0x5C80;
	s24 =	simm.s32 $0x0  }
0x8: {  	s6 =	sand.u32 $0x1, s2;
	s2 =	rddreg [dreg:$0x4];
	s11 =	smul.u32 $0x50000, s0  }
0x9: {  	s28 =	sshll.u32 s0, $0x1;
	[smem:$0x7FF] =	sst s4;
	s15 =	smul.u32 $0x2800, s0  }
0xa: {  	p0 =	seq.s32 s0, $0xF;
	s7 =	sor.u32 s6, s28;
	s13 =	smul.u32 $0x27100, s6  }
0xb: {  	_ =	strace $0x80000053;
	s10 =	ssub.s32 $0x2, s6;
	s29 =	smul.u32 $0x138800, s6  }
0xc: {  	s9 =	smul.u32 $0x4F8, s7;
	s12 =	sshrl.u32 s10, $0x1;
	s11 =	sshrl.u32 s11, $0x2  }
0xd: {  	s7 =	smul.u32 $0x700, s7;
	s10 =	ssub.s32 s10, s12;
	s14 =	sadd.s32 s11, s3  }
0xe: {  	s11 =	sadd.s32 $0x12C000, s3;
	s30 =	sshrl.u32 s29, $0x3;
	s31 =	sadd.s32 s15, s13  }
0xf: {  	s12 =	sshll.u32 @!p0 s0, $0x6;
	s15 =	simm.s32 $0x2800;
	s9 =	sadd.s32 s9, s5  }
0x10: {  	s7 =	sadd.s32 s7, s5;
	s5 =	sadd.s32 $0xC000, s5;
	s10 =	smax.u32 s10, $0x1  }
0x11: {  	s11 =	sshrl.u32 @p0 s11, $0x3;
	s12 =	sor.u32 @!p0 $0x1C03, s12;
	s13 =	sshrl.u32 @!p0 s14, $0x3  }
0x12: {  	s14 =	simm.s32 $0x3;
	s6 =	sadd.s32 $0x17E00, s9;
	s9 =	sadd.s32 s8, s30  }
0x13: {  	s7 =	sadd.s32 $0x21E00, s7;
	s8 =	sadd.s32 s8, s31;
	s9 =	sadd.s32 $0x25800, s9  }
.LBB2_1:
0x14: {  	s25 =	simm.s32 @p0 $0x1FC3  }
0x15: {  	[spmem:s11], [sflag:s25] =	dma.local @p0 [hbm:s5], $0x1900  }
0x16: {  	s25 =	simm.s32 @p0 $0x3  }
0x17: {  	_ =	swait.ge @p0 [sflag:s25], $0x1900  }
0x18: {  	[sflag:s25] =	ssyncset.done @p0 $0x0  }
0x19: {  	[sflag:s25] =	ssyncadd.s32 @p0 $0xFFFFE700;
	s25 =	simm.s32 @!p0 $0x3  }
0x1a: {  	[spmem:s13], [sflag:s12] =	dma.local @!p0 [hbm:s5], $0x2800  }
0x1b: {  	_ =	swait.ge @!p0 [sflag:s25], $0x2800  }
0x1c: {  	[sflag:s25] =	ssyncset.done @!p0 $0x0  }
0x1d: {  	[sflag:s25] =	ssyncadd.s32 @!p0 $0xFFFFD800  }
0x1e: {  	[tilespmem:s4], [sflag:$0x3] =	stream.linear.gather [hbm4b:s6+s4], $0x27C0, $0x38;
	[tilespmem:$0x1FC80] =	vst v63  }
0x1f: {  	_ =	swait.ge [sflag:s14], $0x27C0  }
0x20: {  	[sflag:s14] =	ssyncset.done $0x0  }
0x21: {  	[sflag:s14] =	ssyncadd.s32 $0xFFFFD840  }
0x22: {  	[tilespmem:s15], [sflag:$0x3] =	stream.linear.gather [hbm4b:s7+s4], $0x3500, $0x38;
	[tilespmem:$0x1FC80] =	vst v63  }
0x23: {  	_ =	swait.ge [sflag:s14], $0x3500  }
0x24: {  	[sflag:s14] =	ssyncset.done $0x0  }
0x25: {  	[sflag:s14] =	ssyncadd.s32 $0xFFFFCB00  }
0x26: {  	[bflag:$0x0] =	sbarrier.arrive $0xFFFF  }
0x27: {  	[tilespmem:s16], [sflag:$0x1] =	stream.indirect.gather [hbm4b:s1+s17], $0x80, s4, s17, $0xb8;
	[tilespmem:$0x1FC80] =	vst v63  }
0x28: {  	_ = 	snop  }
0x29: {  	[tilespmem:s18], [sflag:$0x2] =	stream.indirect.gather [hbm4b:s1+s17], $0x80, s17, s17, $0xb8;
	[tilespmem:$0x1FC80] =	vst v63  }
0x2a: {  	_ =	swait.ge [sflag:s19], $0x3000  }
0x2b: {  	[sflag:s19] =	ssyncset.done $0x0  }
0x2c: {  	s29 =	simm.s32 $0x2800;
	[sflag:s19] =	ssyncadd.s32 $0xFFFFD000  }
0x2d: {  	[spmem:s3] =	stream.indirect.scatter.add.f32 [tilespmem:s16], [sflag:$0x3], $0x80, s29, s17, $0xb8;
	[tilespmem:$0x1FC80] =	vst v63  }
0x2e: {  	_ =	swait.ge [sflag:s14], $0x3000  }
0x2f: {  	[sflag:s14] =	ssyncset.done $0x0  }
0x30: {  	s30 =	simm.s32 $0xC0;
	[sflag:s14] =	ssyncadd.s32 $0xFFFFD000  }
0x31: {  	[tilespmem:s16], [sflag:$0x1] =	stream.indirect.gather [hbm4b:s1+s17], $0x80, s30, s17, $0xb8;
	[tilespmem:$0x1FC80] =	vst v63  }
0x32: {  	_ =	swait.ge [sflag:s20], $0x3000  }
0x33: {  	[sflag:s20] =	ssyncset.done $0x0  }
0x34: {  	s31 =	simm.s32 $0x2880;
	[sflag:s20] =	ssyncadd.s32 $0xFFFFD000  }
0x35: {  	[spmem:s3] =	stream.indirect.scatter.add.f32 [tilespmem:s18], [sflag:$0x3], $0x80, s31, s17, $0xb8;
	[tilespmem:$0x1FC80] =	vst v63  }
0x36: {  	_ =	swait.ge [sflag:s14], $0x3000  }
0x37: {  	s26 =	simm.s32 $0x60;
	s25 =	simm.s32 $0x400;
	[sflag:s14] =	ssyncset.done $0x0  }
.LBB2_2:
0x38: {  	p1 =	sne.s32 s25, $0xCC00;
	[sflag:s14] =	ssyncadd.s32 $0xFFFFD000;
	s26 =	sadd.s32 $0xC0, s26  }
0x39: {  	[tilespmem:s18], [sflag:$0x2] =	stream.indirect.gather [hbm4b:s1+s17], $0x80, s26, s17, $0xb8;
	[tilespmem:$0x1FC80] =	vst v63  }
0x3a: {  	s28 =	smov.u32 s25;
	s25 =	sadd.s32 $0x400, s25;
	_ =	swait.ge [sflag:s19], $0x3000  }
0x3b: {  	s28 =	sshra.s32 s28, $0x2;
	[sflag:s19] =	ssyncset.done $0x0  }
0x3c: {  	s29 =	sadd.s32 $0x2800, s28;
	[sflag:s19] =	ssyncadd.s32 $0xFFFFD000  }
0x3d: {  	[spmem:s3] =	stream.indirect.scatter.add.f32 [tilespmem:s16], [sflag:$0x3], $0x80, s29, s17, $0xb8;
	[tilespmem:$0x1FC80] =	vst v63  }
0x3e: {  	_ =	swait.ge [sflag:s14], $0x3000  }
0x3f: {  	[sflag:s14] =	ssyncset.done $0x0  }
0x40: {  	s29 =	sadd.s32 $0x60, s26;
	[sflag:s14] =	ssyncadd.s32 $0xFFFFD000  }
0x41: {  	[tilespmem:s16], [sflag:$0x1] =	stream.indirect.gather [hbm4b:s1+s17], $0x80, s29, s17, $0xb8;
	[tilespmem:$0x1FC80] =	vst v63  }
0x42: {  	_ =	swait.ge [sflag:s20], $0x3000  }
.Ltmp0:
0x43: {  	[sflag:s20] =	ssyncset.done $0x0;
	(pc) =	sbr.rel @p1 .LBB2_2-.Ltmp0, $4  }
0x44: {  	s28 =	sadd.s32 $0x2880, s28;
	[sflag:s20] =	ssyncadd.s32 $0xFFFFD000  }
0x45: {  	[spmem:s3] =	stream.indirect.scatter.add.f32 [tilespmem:s18], [sflag:$0x3], $0x80, s28, s17, $0xb8;
	[tilespmem:$0x1FC80] =	vst v63  }
0x46: {  	_ =	swait.ge [sflag:s14], $0x3000  }
0x47: {  	[sflag:s14] =	ssyncset.done $0x0  }
0x48: {  	[sflag:s14] =	ssyncadd.s32 $0xFFFFD000  }
0x49: {  	[tilespmem:s18], [sflag:$0x2] =	stream.indirect.gather [hbm4b:s1+s17], $0x80, s21, s17, $0xb8;
	[tilespmem:$0x1FC80] =	vst v63  }
0x4a: {  	_ =	swait.ge [sflag:s19], $0x3000  }
0x4b: {  	[sflag:s19] =	ssyncset.done $0x0  }
0x4c: {  	[sflag:s19] =	ssyncadd.s32 $0xFFFFD000  }
0x4d: {  	[spmem:s3] =	stream.indirect.scatter.add.f32 [tilespmem:s16], [sflag:$0x3], $0x80, s22, s17, $0xb8;
	[tilespmem:$0x1FC80] =	vst v63  }
0x4e: {  	_ =	swait.ge [sflag:s14], $0x3000  }
0x4f: {  	[sflag:s14] =	ssyncset.done $0x0  }
0x50: {  	[sflag:s14] =	ssyncadd.s32 $0xFFFFD000  }
0x51: {  	_ =	swait.ge [sflag:s20], $0x3000  }
0x52: {  	[sflag:s20] =	ssyncset.done $0x0  }
0x53: {  	[sflag:s20] =	ssyncadd.s32 $0xFFFFD000  }
0x54: {  	[spmem:s3] =	stream.indirect.scatter.add.f32 [tilespmem:s18], [sflag:$0x3], $0x80, s23, s17, $0xb8;
	[tilespmem:$0x1FC80] =	vst v63  }
0x55: {  	_ =	swait.ge [sflag:s14], $0x3000  }
0x56: {  	[sflag:s14] =	ssyncset.done $0x0  }
0x57: {  	[sflag:s14] =	ssyncadd.s32 $0xFFFFD000  }
0x58: {  	s25 =	simm.s32 @p0 $0x1FC3;
	[bflag:$0x0] =	sbarrier.arrive $0xFFFF  }
0x59: {  	[hbm:s9], [sflag:s25] =	dma.local @p0 [spmem:s11], $0x1900  }
0x5a: {  	s25 =	simm.s32 @p0 $0x3  }
0x5b: {  	s24 =	sadd.s32 $0x1, s24;
	_ =	swait.ge @p0 [sflag:s25], $0x1900  }
0x5c: {  	p1 =	sne.s32 s24, s10;
	[sflag:s25] =	ssyncset.done @p0 $0x0  }
.Ltmp1:
0x5d: {  	[sflag:s25] =	ssyncadd.s32 @p0 $0xFFFFE700;
	s25 =	simm.s32 @!p0 $0x3;
	(pc) =	sbr.rel @p1 .LBB2_1-.Ltmp1, $4  }
0x5e: {  	[hbm:s8], [sflag:s12] =	dma.local @!p0 [spmem:s13], $0x2800  }
0x5f: {  	_ =	swait.ge @!p0 [sflag:s25], $0x2800  }
0x60: {  	[sflag:s25] =	ssyncset.done @!p0 $0x0  }
0x61: {  	[sflag:s25] =	ssyncadd.s32 @!p0 $0xFFFFD800  }
0x62: {  	_ =	sfence.sel $0x180000  }
0x63: {  	[bflag:$0x0] =	sbarrier.arrive $0xFFFF  }
0x64: {  	p0 =	sne.s32 s0, $0x0;
	_ =	strace $0x90000053  }
0x65: {  	s0 =	sadd.s32 @!p0 $0x100000, s2;
	[bflag:$0x2] =	sbarrier.arrive $0xFFFF  }
0x66: {  	[sflag:s0] =	ssyncadd.tile.s32 @!p0 $0x1;
	_ =	shalt  }
.Lfunc_end2:
_tile_overlayer_lowered:
.L_overlay_start_2:
0x67: {  	(tag) =	ssettag $0x2  }
0x68: {  	s0 =	rddreg [dreg:$0x0];
	s2 =	stileid.u32  }
0x69: {  	s1 =	rddreg [dreg:$0x1];
	p0 =	sne.s32 s2, $0x0  }
0x6a: {  	s3 =	rddreg [dreg:$0x2];
	[bflag:$0x3] =	sbarrier.arrive $0xFFFF;
	s2 =	simm.s32 @!p0 $0x1C03  }
0x6b: {  	[timem:s3], [sflag:s2] =	dma.local @!p0 [hbm:s0], s1  }
0x6c: {  	s0 =	simm.s32 @!p0 $0x3  }
0x6d: {  	_ =	swait.ge @!p0 [sflag:s0], s1  }
0x6e: {  	s1 =	ssub.s32 @!p0 $0x0, s1;
	[sflag:s0] =	ssyncset.done @!p0 $0x0  }
0x6f: {  	[sflag:s0] =	ssyncadd.s32 @!p0 s1  }
0x70: {  	[bflag:$0x3] =	sbarrier.arrive $0xFFFF  }
0x71: {  	_ =	shalt  }

// kernel: kernel.14.cloned.1.call-start
scs
__scs_entry_jumppad:
0x0: {  	(pc) =	sbr.rel $0x88, $3  }
0x1: {  	(tag) =	ssettag $0x0;
	lr =	simm.s32 $0x1  }
0x2: {  	[smem:$0x3F62] =	sst lr;
	_ =	strace $0xD0000000  }
0x3: {  	_ = 	snop  }
0x4: {  	_ = 	snop  }
0x5: {  	_ = 	snop  }
0x6: {  	_ = 	snop  }
0x7: {  	_ = 	snop  }
__scs_overlays_trampoline_lowered:
0x8: {  	[smem:$0x3F71] =	sst s0  }
0x9: {  	[smem:$0x3F72] =	sst s1  }
0xa: {  	[smem:$0x3F73] =	sst s2  }
0xb: {  	[smem:$0x3F74] =	sst s3  }
0xc: {  	[smem:$0x3F75] =	sst s4  }
0xd: {  	[smem:$0x3F76] =	sst s5  }
0xe: {  	[smem:$0x3F77] =	sst s6  }
0xf: {  	[smem:$0x3F78] =	sst s7  }
0x10: {  	[smem:$0x3F79] =	sst s8  }
0x11: {  	[smem:$0x3F7A] =	sst s9;
	s0 =	simm.s32 @!p0 $0x0  }
0x12: {  	s1 =	sld [smem:$0x3F60];
	s0 =	simm.s32 @p0 $0x1  }
0x13: {  	[smem:$0x3F7B] =	sst s0;
	s0 =	simm.s32 @!p1 $0x0  }
0x14: {  	s2 =	sld [smem:$0x3F5F];
	s0 =	simm.s32 @p1 $0x1  }
0x15: {  	[smem:$0x3F7C] =	sst s0;
	s0 =	simm.s32 @!p2 $0x0  }
0x16: {  	s3 =	sld [smem:$0x3FDB];
	s0 =	simm.s32 @p2 $0x1  }
0x17: {  	s4 =	simm.s32 $0x1BF5;
	[smem:$0x3F7E] =	sst s0  }
0x18: {  	s0 =	sld [smem:$0x3F61];
	_ =	swait.ge [sflag:s4], $0x0  }
0x19: {  	s7 =	sld [smem:$0x3F62]  }
0x1a: {  	s8 =	sadd.s32 $0xFFFFE003, lr  }
0x1b: {  	s9 =	sadd.s32 $0xFFFFFEF7, lr;
	s5 =	simm.s32 $0xFFFFFFFF;
	p2 =	slt.u32 s8, $0xFFFFF086  }
0x1c: {  	p1 =	slt.u32 s9, $0xF7A;
	s5 =	simm.s32 @!p2 $0x0  }
0x1d: {  	s5 =	simm.s32 @p1 $0x1;
	p0 =	seq.s32 s7, s2  }
0x1e: {  	s7 =	smul.u32 @!p0 $0xF7A, s2;
	p2 =	seq.s32 @!p0 s5, $0x0  }
0x1f: {  	s9 =	smul.u32 $0xF7A, s1;
	s8 =	simm.s32 @!p0 $0x1BF5;
	p2 =	por !p2, p0  }
0x20: {  	[sflag:s8] =	ssyncset.s32 @!p0 $0xFFFFF086;
	s6 =	sadd.s32 @!p0 s3, s7;
	s7 =	simm.s32 @!p0 $0x108  }
0x21: {  	s3 =	sadd.s32 s3, s9;
	s6 =	sadd.s32 @!p0 $0x88, s6;
	s7 =	simm.s32 @p2 $0x1082  }
0x22: {  	[simem:s7], [sflag:s8] =	dma.local @!p0 [hbm:s6], $0xF7A  }
0x23: {  	s9 =	sor.u32 $0xD0000000, s2;
	s6 =	simm.s32 $0x108;
	_ =	swait.ge @!p0 [sflag:s8], $0x0  }
0x24: {  	s3 =	sadd.s32 $0x88, s3;
	s6 =	simm.s32 @!p1 $0x1082;
	[sflag:s4] =	ssyncset.s32 $0xFFFFF086  }
0x25: {  	[simem:s6], [sflag:s4] =	dma.local [hbm:s3], $0xF7A  }
0x26: {  	[smem:$0x3F62] =	sst s1;
	(tag) =	ssettag s2;
	_ =	strace s9  }
0x27: {  	s1 =	sld [smem:$0x3F72]  }
0x28: {  	s2 =	sld [smem:$0x3F73]  }
0x29: {  	s4 =	sld [smem:$0x3F75]  }
0x2a: {  	p0 =	seq.s32 s5, $0x0;
	s5 =	sld [smem:$0x3F76]  }
0x2b: {  	s6 =	sld [smem:$0x3F77]  }
0x2c: {  	s7 =	sld [smem:$0x3F78]  }
0x2d: {  	s3 =	simm.s32 $0x108;
	s8 =	sld [smem:$0x3F79]  }
0x2e: {  	s3 =	simm.s32 @!p0 $0x1082;
	s9 =	sld [smem:$0x3F7A]  }
0x2f: {  	lr =	sadd.s32 s0, s3;
	s0 =	sld [smem:$0x3F71]  }
0x30: {  	s3 =	sld [smem:$0x3F74]  }
0x31: {  	[smem:$0x3F7D] =	sst s10  }
0x32: {  	s10 =	sld [smem:$0x3F7B];
	_ =	sdelay $0x3  }
0x33: {  	p0 =	seq.s32 s10, $0x1;
	s10 =	sld [smem:$0x3F7D];
	_ =	sdelay $0x3  }
0x34: {  	[smem:$0x3F7D] =	sst s10  }
0x35: {  	s10 =	sld [smem:$0x3F7C];
	_ =	sdelay $0x3  }
0x36: {  	p1 =	seq.s32 s10, $0x1;
	s10 =	sld [smem:$0x3F7D];
	_ =	sdelay $0x3  }
0x37: {  	[smem:$0x3F7D] =	sst s10  }
0x38: {  	s10 =	sld [smem:$0x3F7E]  }
0x39: {  	_ = 	snop;
	(pc) =	sbr.ind lr, $3  }
0x3a: {  	_ = 	snop  }
0x3b: {  	_ = 	snop  }
0x3c: {  	p2 =	seq.s32 s10, $0x1;
	s10 =	sld [smem:$0x3F7D]  }
0x3d: {  	_ =	shalt  }
0x3e: {  	_ =	shalt  }
0x3f: {  	_ =	shalt  }
0x40: {  	_ =	shalt  }
0x41: {  	_ =	shalt  }
0x42: {  	_ =	shalt  }
0x43: {  	_ =	shalt  }
0x44: {  	_ =	shalt  }
0x45: {  	_ =	shalt  }
0x46: {  	_ =	shalt  }
0x47: {  	_ =	shalt  }
0x48: {  	_ =	shalt  }
0x49: {  	_ =	shalt  }
0x4a: {  	_ =	shalt  }
0x4b: {  	_ =	shalt  }
0x4c: {  	_ =	shalt  }
0x4d: {  	_ =	shalt  }
0x4e: {  	_ =	shalt  }
0x4f: {  	_ =	shalt  }
0x50: {  	_ =	shalt  }
0x51: {  	_ =	shalt  }
0x52: {  	_ =	shalt  }
0x53: {  	_ =	shalt  }
0x54: {  	_ =	shalt  }
0x55: {  	_ =	shalt  }
0x56: {  	_ =	shalt  }
0x57: {  	_ =	shalt  }
0x58: {  	_ =	shalt  }
0x59: {  	_ =	shalt  }
0x5a: {  	_ =	shalt  }
0x5b: {  	_ =	shalt  }
0x5c: {  	_ =	shalt  }
0x5d: {  	_ =	shalt  }
0x5e: {  	_ =	shalt  }
0x5f: {  	_ =	shalt  }
0x60: {  	_ =	shalt  }
0x61: {  	_ =	shalt  }
0x62: {  	_ =	shalt  }
0x63: {  	_ =	shalt  }
0x64: {  	_ =	shalt  }
0x65: {  	_ =	shalt  }
0x66: {  	_ =	shalt  }
0x67: {  	_ =	shalt  }
0x68: {  	_ =	shalt  }
0x69: {  	_ =	shalt  }
0x6a: {  	_ =	shalt  }
0x6b: {  	_ =	shalt  }
0x6c: {  	_ =	shalt  }
0x6d: {  	_ =	shalt  }
0x6e: {  	_ =	shalt  }
0x6f: {  	_ =	shalt  }
0x70: {  	_ =	shalt  }
0x71: {  	_ =	shalt  }
0x72: {  	_ =	shalt  }
0x73: {  	_ =	shalt  }
0x74: {  	_ =	shalt  }
0x75: {  	_ =	shalt  }
0x76: {  	_ =	shalt  }
0x77: {  	_ =	shalt  }
0x78: {  	_ =	shalt  }
0x79: {  	_ =	shalt  }
0x7a: {  	_ =	shalt  }
0x7b: {  	_ =	shalt  }
0x7c: {  	_ =	shalt  }
0x7d: {  	_ =	shalt  }
0x7e: {  	_ =	shalt  }
0x7f: {  	_ =	shalt  }
0x80: {  	_ =	shalt  }
0x81: {  	_ =	shalt  }
0x82: {  	_ =	shalt  }
0x83: {  	_ =	shalt  }
0x84: {  	_ =	shalt  }
0x85: {  	_ =	shalt  }
0x86: {  	_ =	shalt  }
0x87: {  	_ =	shalt  }
.Lfunc_end0:
.L_simem_size_0:
called_computation.5_lowered:
.L_overlay_start_0:
0x88: {  	s2 =	sld [smem:$0x3FD9]  }
0x89: {  	s3 =	sld [smem:$0x3FFE];
	_ =	sdelay $0x1  }
0x8a: {  	s1 =	srdreg.scid  }
0x8b: {  	s0 =	sand.u32 $0x1, s1  }
0x8c: {  	s17 =	sshll.u32 s0, $0xA;
	s2 =	sadd.s32 s3, s2  }
0x8d: {  	s2 =	sadd.s32 s2, s17  }
0x8e: {  	[smem:$0x3F89] =	sst s2  }
0x8f: {  	_ = 	snop  }
0x90: {  	s2 =	sld [smem:$0x3FD0];
	(tm) =	ssettm $0x1  }
0x91: {  	s18 =	sld [smem:$0x3FFB];
	_ =	sdelay $0x3  }
0x92: {  	_ =	strace s18  }
0x93: {  	s3 =	sld [smem:$0x3FFC];
	_ =	sdelay $0x3  }
0x94: {  	_ =	strace s3  }
0x95: {  	s3 =	sld [smem:$0x3FFD];
	_ =	sdelay $0x3  }
0x96: {  	_ =	strace s3  }
0x97: {  	_ =	strace $0x8FFFFFFF  }
0x98: {  	s19 =	sld [smem:$0x3FDB];
	_ =	sdelay $0x1  }
0x99: {  	s4 =	simm.s32 $_scs_section_size  }
0x9a: {  	s5 =	simm.s32 $_size__tile_overlayer_lowered;
	s6 =	simm.s32 $_tile_overlayer_lowered  }
0x9b: {  	s22 =	simm.s32 $0x1BFF;
	s21 =	sshll.u32 s6, $0x1;
	s3 =	sadd.s32 s4, s19  }
0x9c: {  	s7 =	simm.s32 $0x0;
	s20 =	sshll.u32 s5, $0x1;
	s5 =	sadd.s32 s21, s3  }
0x9d: {  	[timem:s7], [sflag:s22] =	dma.local [hbm:s5], s20  }
0x9e: {  	_ =	swait.ge [sflag:s22], s20  }
0x9f: {  	s4 =	ssub.s32 $0x0, s20;
	[sflag:s22] =	ssyncset.done $0x0  }
0xa0: {  	[sflag:s22] =	ssyncadd.s32 s4;
	_ =	sdelay $0x1  }
0xa1: {  	s23 =	simm.s32 $0x1B8B  }
0xa2: {  	_ =	swait.ge [sflag:s23], $0x1  }
0xa3: {  	[sflag:s23] =	ssyncset.done $0x0  }
0xa4: {  	s25 =	simm.s32 $0x1B8E;
	s24 =	sld [smem:$0x3FFE];
	[sflag:s23] =	ssyncadd.s32 $0xFFFFFFFF  }
0xa5: {  	s26 =	simm.s32 $execute0_lowered;
	[smem:$0x3FD2] =	sst s25  }
0xa6: {  	s5 =	sshll.u32 s26, $0x1;
	_ =	strace $0x80000055;
	[dreg:$0x1] =	wrdreg $0xFFFFFFFF  }
0xa7: {  	s28 =	simm.s32 $_size_execute0_lowered;
	s3 =	sadd.s32 s3, s5;
	[dreg:$0x0] =	wrdreg $0x0  }
0xa8: {  	s5 =	sshll.u32 s28, $0x1;
	[dreg:$0x2] =	wrdreg s3  }
0xa9: {  	[dreg:$0x3] =	wrdreg s5  }
0xaa: {  	[dreg:$0x4] =	wrdreg $0xC0  }
0xab: {  	_ =	task [dreg:s7], $0x5FFFF  }
0xac: {  	[dreg:$0x1] =	wrdreg $0xFFFFFFFF  }
0xad: {  	[dreg:$0x0] =	wrdreg $0x60  }
0xae: {  	[dreg:$0x2] =	wrdreg s24  }
0xaf: {  	[dreg:$0x3] =	wrdreg s2  }
0xb0: {  	[dreg:$0x4] =	wrdreg $0xC0000  }
0xb1: {  	[dreg:$0x5] =	wrdreg $0x9  }
0xb2: {  	_ =	task.clear_ibuf [dreg:s7], $0x6FFFF;
	_ =	strace $0x90000055  }
0xb3: {  	s29 =	simm.s32 $0x9;
	_ =	strace $0x80000057  }
0xb4: {  	_ =	swait.ge [sflag:s29], $0x1  }
0xb5: {  	[sflag:s29] =	ssyncadd.s32 $0xFFFFFFFF  }
0xb6: {  	_ =	strace $0x90000057  }
0xb7: {  	_ =	sfence  }
0xb8: {  	s30 =	sld [smem:$0x0];
	_ =	sdelay $0x2  }
0xb9: {  	s31 =	sshll.u32 s1, $0xD;
	s1 =	sshrl.u32 s1, $0x2  }
0xba: {  	s3 =	sand.u32 $0x4000, s31;
	s1 =	sadd.s32 s1, s30  }
0xbb: {  	s0 =	sor.u32 s3, s0;
	s1 =	sshll.u32 s1, $0x11  }
0xbc: {  	s0 =	sor.u32 s1, s0  }
0xbd: {  	s0 =	sadd.s32 $0x8F2B, s0  }
0xbe: {  	[sflag:s0] =	ssyncadd.remote.s32 $0x1  }
0xbf: {  	_ =	sfence.sel $0xFFFF  }
0xc0: {  	[dreg:$0x0] =	wrdreg $0xFFFFFFFF;
	(pc) =	sbr.abs _section_cstart, $3  }
0xc1: {  	[dreg:$0x1] =	wrdreg $0xFFFFFFFF  }
0xc2: {  	_ =	task.clear_ibuf [dreg:s7], $0x2FFFF;
	_ =	strace $0x9FFFFFFF  }
0xc3: {  	(tm) =	ssettm $0x7FFFFFFF  }
tec
execute0_lowered:
.L_overlay_start_1:
0x0: {  	(tag) =	ssettag $0x1  }
0x1: {  	s5 =	rddreg [dreg:$0x0];
	s1 =	srdreg.scid  }
0x2: {  	s0 =	stileid.u32;
	s8 =	rddreg [dreg:$0x1]  }
0x3: {  	s2 =	rddreg [dreg:$0x2];
	s3 =	simm.s32 $0x0;
	s16 =	simm.s32 $0x6000  }
0x4: {  	s17 =	simm.s32 $0x60;
	s18 =	simm.s32 $0x9000;
	s19 =	simm.s32 $0x1  }
0x5: {  	s20 =	simm.s32 $0x2;
	s21 =	simm.s32 $0x2760;
	s22 =	simm.s32 $0x5C00  }
0x6: {  	s23 =	simm.s32 $0x5C80;
	s24 =	simm.s32 $0x0;
	s11 =	smul.u32 $0x50000, s0  }
0x7: {  	s6 =	sand.u32 $0x1, s1;
	s1 =	rddreg [dreg:$0x3];
	s15 =	smul.u32 $0x2800, s0  }
0x8: {  	s28 =	sshll.u32 s0, $0x1;
	[smem:$0x7FF] =	sst s3;
	s13 =	smul.u32 $0x27100, s6  }
0x9: {  	p0 =	seq.s32 s0, $0xF;
	s4 =	sor.u32 s6, s28;
	s29 =	smul.u32 $0x138800, s6  }
0xa: {  	_ =	strace $0x80000056;
	s10 =	ssub.s32 $0x2, s6;
	s7 =	smul.u32 $0x4F8, s4  }
0xb: {  	s9 =	smul.u32 $0x700, s4;
	s12 =	sshrl.u32 s10, $0x1;
	s11 =	sshrl.u32 s11, $0x2  }
0xc: {  	s4 =	sadd.s32 $0x2FE00, s5;
	s10 =	ssub.s32 s10, s12;
	s14 =	sadd.s32 s11, s2  }
0xd: {  	s11 =	sadd.s32 $0x12C000, s2;
	s30 =	sshrl.u32 s29, $0x3;
	s31 =	sadd.s32 s15, s13  }
0xe: {  	s12 =	sshll.u32 @!p0 s0, $0x6;
	s15 =	simm.s32 $0x2800;
	s7 =	sadd.s32 s7, s5  }
0xf: {  	s9 =	sadd.s32 s9, s5;
	s5 =	sadd.s32 $0xC000, s5;
	s10 =	smax.u32 s10, $0x1  }
0x10: {  	s11 =	sshrl.u32 @p0 s11, $0x3;
	s12 =	sor.u32 @!p0 $0x1C03, s12;
	s13 =	sshrl.u32 @!p0 s14, $0x3  }
0x11: {  	s6 =	sadd.s32 $0x17E00, s7;
	s7 =	sadd.s32 $0x21E00, s9;
	s9 =	sadd.s32 s8, s30  }
0x12: {  	s14 =	simm.s32 $0x3;
	s8 =	sadd.s32 s8, s31;
	s9 =	sadd.s32 $0x25800, s9  }
.LBB2_1:
0x13: {  	s25 =	simm.s32 @p0 $0x1FC3  }
0x14: {  	[spmem:s11], [sflag:s25] =	dma.local @p0 [hbm:s5], $0x1900  }
0x15: {  	s25 =	simm.s32 @p0 $0x3  }
0x16: {  	_ =	swait.ge @p0 [sflag:s25], $0x1900  }
0x17: {  	[sflag:s25] =	ssyncset.done @p0 $0x0  }
0x18: {  	[sflag:s25] =	ssyncadd.s32 @p0 $0xFFFFE700;
	s25 =	simm.s32 @!p0 $0x3  }
0x19: {  	[spmem:s13], [sflag:s12] =	dma.local @!p0 [hbm:s5], $0x2800  }
0x1a: {  	_ =	swait.ge @!p0 [sflag:s25], $0x2800  }
0x1b: {  	[sflag:s25] =	ssyncset.done @!p0 $0x0  }
0x1c: {  	[sflag:s25] =	ssyncadd.s32 @!p0 $0xFFFFD800  }
0x1d: {  	[tilespmem:s3], [sflag:$0x3] =	stream.linear.gather [hbm4b:s6+s3], $0x27C0, $0x38;
	[tilespmem:$0x1FC80] =	vst v63  }
0x1e: {  	_ =	swait.ge [sflag:s14], $0x27C0  }
0x1f: {  	[sflag:s14] =	ssyncset.done $0x0  }
0x20: {  	[sflag:s14] =	ssyncadd.s32 $0xFFFFD840  }
0x21: {  	[tilespmem:s15], [sflag:$0x3] =	stream.linear.gather [hbm4b:s7+s3], $0x3500, $0x38;
	[tilespmem:$0x1FC80] =	vst v63  }
0x22: {  	_ =	swait.ge [sflag:s14], $0x3500  }
0x23: {  	[sflag:s14] =	ssyncset.done $0x0  }
0x24: {  	[sflag:s14] =	ssyncadd.s32 $0xFFFFCB00  }
0x25: {  	[bflag:$0x0] =	sbarrier.arrive $0xFFFF  }
0x26: {  	[tilespmem:s16], [sflag:$0x1] =	stream.indirect.gather [hbm4b:s4+s17], $0x80, s3, s17, $0xb8;
	[tilespmem:$0x1FC80] =	vst v63  }
0x27: {  	_ = 	snop  }
0x28: {  	[tilespmem:s18], [sflag:$0x2] =	stream.indirect.gather [hbm4b:s4+s17], $0x80, s17, s17, $0xb8;
	[tilespmem:$0x1FC80] =	vst v63  }
0x29: {  	_ =	swait.ge [sflag:s19], $0x3000  }
0x2a: {  	[sflag:s19] =	ssyncset.done $0x0  }
0x2b: {  	s29 =	simm.s32 $0x2800;
	[sflag:s19] =	ssyncadd.s32 $0xFFFFD000  }
0x2c: {  	[spmem:s2] =	stream.indirect.scatter.add.f32 [tilespmem:s16], [sflag:$0x3], $0x80, s29, s17, $0xb8;
	[tilespmem:$0x1FC80] =	vst v63  }
0x2d: {  	_ =	swait.ge [sflag:s14], $0x3000  }
0x2e: {  	[sflag:s14] =	ssyncset.done $0x0  }
0x2f: {  	s30 =	simm.s32 $0xC0;
	[sflag:s14] =	ssyncadd.s32 $0xFFFFD000  }
0x30: {  	[tilespmem:s16], [sflag:$0x1] =	stream.indirect.gather [hbm4b:s4+s17], $0x80, s30, s17, $0xb8;
	[tilespmem:$0x1FC80] =	vst v63  }
0x31: {  	_ =	swait.ge [sflag:s20], $0x3000  }
0x32: {  	[sflag:s20] =	ssyncset.done $0x0  }
0x33: {  	s31 =	simm.s32 $0x2880;
	[sflag:s20] =	ssyncadd.s32 $0xFFFFD000  }
0x34: {  	[spmem:s2] =	stream.indirect.scatter.add.f32 [tilespmem:s18], [sflag:$0x3], $0x80, s31, s17, $0xb8;
	[tilespmem:$0x1FC80] =	vst v63  }
0x35: {  	_ =	swait.ge [sflag:s14], $0x3000  }
0x36: {  	s26 =	simm.s32 $0x60;
	s25 =	simm.s32 $0x400;
	[sflag:s14] =	ssyncset.done $0x0  }
.LBB2_2:
0x37: {  	p1 =	sne.s32 s25, $0xCC00;
	[sflag:s14] =	ssyncadd.s32 $0xFFFFD000;
	s26 =	sadd.s32 $0xC0, s26  }
0x38: {  	[tilespmem:s18], [sflag:$0x2] =	stream.indirect.gather [hbm4b:s4+s17], $0x80, s26, s17, $0xb8;
	[tilespmem:$0x1FC80] =	vst v63  }
0x39: {  	s28 =	smov.u32 s25;
	s25 =	sadd.s32 $0x400, s25;
	_ =	swait.ge [sflag:s19], $0x3000  }
0x3a: {  	s28 =	sshra.s32 s28, $0x2;
	[sflag:s19] =	ssyncset.done $0x0  }
0x3b: {  	s29 =	sadd.s32 $0x2800, s28;
	[sflag:s19] =	ssyncadd.s32 $0xFFFFD000  }
0x3c: {  	[spmem:s2] =	stream.indirect.scatter.add.f32 [tilespmem:s16], [sflag:$0x3], $0x80, s29, s17, $0xb8;
	[tilespmem:$0x1FC80] =	vst v63  }
0x3d: {  	_ =	swait.ge [sflag:s14], $0x3000  }
0x3e: {  	[sflag:s14] =	ssyncset.done $0x0  }
0x3f: {  	s29 =	sadd.s32 $0x60, s26;
	[sflag:s14] =	ssyncadd.s32 $0xFFFFD000  }
0x40: {  	[tilespmem:s16], [sflag:$0x1] =	stream.indirect.gather [hbm4b:s4+s17], $0x80, s29, s17, $0xb8;
	[tilespmem:$0x1FC80] =	vst v63  }
0x41: {  	_ =	swait.ge [sflag:s20], $0x3000  }
.Ltmp0:
0x42: {  	[sflag:s20] =	ssyncset.done $0x0;
	(pc) =	sbr.rel @p1 .LBB2_2-.Ltmp0, $4  }
0x43: {  	s28 =	sadd.s32 $0x2880, s28;
	[sflag:s20] =	ssyncadd.s32 $0xFFFFD000  }
0x44: {  	[spmem:s2] =	stream.indirect.scatter.add.f32 [tilespmem:s18], [sflag:$0x3], $0x80, s28, s17, $0xb8;
	[tilespmem:$0x1FC80] =	vst v63  }
0x45: {  	_ =	swait.ge [sflag:s14], $0x3000  }
0x46: {  	[sflag:s14] =	ssyncset.done $0x0  }
0x47: {  	[sflag:s14] =	ssyncadd.s32 $0xFFFFD000  }
0x48: {  	[tilespmem:s18], [sflag:$0x2] =	stream.indirect.gather [hbm4b:s4+s17], $0x80, s21, s17, $0xb8;
	[tilespmem:$0x1FC80] =	vst v63  }
0x49: {  	_ =	swait.ge [sflag:s19], $0x3000  }
0x4a: {  	[sflag:s19] =	ssyncset.done $0x0  }
0x4b: {  	[sflag:s19] =	ssyncadd.s32 $0xFFFFD000  }
0x4c: {  	[spmem:s2] =	stream.indirect.scatter.add.f32 [tilespmem:s16], [sflag:$0x3], $0x80, s22, s17, $0xb8;
	[tilespmem:$0x1FC80] =	vst v63  }
0x4d: {  	_ =	swait.ge [sflag:s14], $0x3000  }
0x4e: {  	[sflag:s14] =	ssyncset.done $0x0  }
0x4f: {  	[sflag:s14] =	ssyncadd.s32 $0xFFFFD000  }
0x50: {  	_ =	swait.ge [sflag:s20], $0x3000  }
0x51: {  	[sflag:s20] =	ssyncset.done $0x0  }
0x52: {  	[sflag:s20] =	ssyncadd.s32 $0xFFFFD000  }
0x53: {  	[spmem:s2] =	stream.indirect.scatter.add.f32 [tilespmem:s18], [sflag:$0x3], $0x80, s23, s17, $0xb8;
	[tilespmem:$0x1FC80] =	vst v63  }
0x54: {  	_ =	swait.ge [sflag:s14], $0x3000  }
0x55: {  	[sflag:s14] =	ssyncset.done $0x0  }
0x56: {  	[sflag:s14] =	ssyncadd.s32 $0xFFFFD000  }
0x57: {  	s25 =	simm.s32 @p0 $0x1FC3;
	[bflag:$0x0] =	sbarrier.arrive $0xFFFF  }
0x58: {  	[hbm:s9], [sflag:s25] =	dma.local @p0 [spmem:s11], $0x1900  }
0x59: {  	s25 =	simm.s32 @p0 $0x3  }
0x5a: {  	s24 =	sadd.s32 $0x1, s24;
	_ =	swait.ge @p0 [sflag:s25], $0x1900  }
0x5b: {  	p1 =	sne.s32 s24, s10;
	[sflag:s25] =	ssyncset.done @p0 $0x0  }
.Ltmp1:
0x5c: {  	[sflag:s25] =	ssyncadd.s32 @p0 $0xFFFFE700;
	s25 =	simm.s32 @!p0 $0x3;
	(pc) =	sbr.rel @p1 .LBB2_1-.Ltmp1, $4  }
0x5d: {  	[hbm:s8], [sflag:s12] =	dma.local @!p0 [spmem:s13], $0x2800  }
0x5e: {  	_ =	swait.ge @!p0 [sflag:s25], $0x2800  }
0x5f: {  	[sflag:s25] =	ssyncset.done @!p0 $0x0  }
0x60: {  	[sflag:s25] =	ssyncadd.s32 @!p0 $0xFFFFD800  }
0x61: {  	_ =	sfence.sel $0x180000  }
0x62: {  	[bflag:$0x0] =	sbarrier.arrive $0xFFFF  }
0x63: {  	p0 =	sne.s32 s0, $0x0;
	_ =	strace $0x90000056  }
0x64: {  	s0 =	sadd.s32 @!p0 $0x100000, s1;
	[bflag:$0x2] =	sbarrier.arrive $0xFFFF  }
0x65: {  	[sflag:s0] =	ssyncadd.tile.s32 @!p0 $0x1;
	_ =	shalt  }
.Lfunc_end2:
_tile_overlayer_lowered:
.L_overlay_start_2:
0x66: {  	(tag) =	ssettag $0x2  }
0x67: {  	s0 =	rddreg [dreg:$0x0];
	s2 =	stileid.u32  }
0x68: {  	s1 =	rddreg [dreg:$0x1];
	p0 =	sne.s32 s2, $0x0  }
0x69: {  	s3 =	rddreg [dreg:$0x2];
	[bflag:$0x3] =	sbarrier.arrive $0xFFFF;
	s2 =	simm.s32 @!p0 $0x1C03  }
0x6a: {  	[timem:s3], [sflag:s2] =	dma.local @!p0 [hbm:s0], s1  }
0x6b: {  	s0 =	simm.s32 @!p0 $0x3  }
0x6c: {  	_ =	swait.ge @!p0 [sflag:s0], s1  }
0x6d: {  	s1 =	ssub.s32 @!p0 $0x0, s1;
	[sflag:s0] =	ssyncset.done @!p0 $0x0  }
0x6e: {  	[sflag:s0] =	ssyncadd.s32 @!p0 s1  }
0x6f: {  	[bflag:$0x3] =	sbarrier.arrive $0xFFFF  }
0x70: {  	_ =	shalt  }

// kernel: kernel.17.cloned.1.call-start
scs
__scs_entry_jumppad:
0x0: {  	(pc) =	sbr.rel $0x88, $3  }
0x1: {  	(tag) =	ssettag $0x0;
	lr =	simm.s32 $0x1  }
0x2: {  	[smem:$0x3F62] =	sst lr;
	_ =	strace $0xD0000000  }
0x3: {  	_ = 	snop  }
0x4: {  	_ = 	snop  }
0x5: {  	_ = 	snop  }
0x6: {  	_ = 	snop  }
0x7: {  	_ = 	snop  }
__scs_overlays_trampoline_lowered:
0x8: {  	[smem:$0x3F71] =	sst s0  }
0x9: {  	[smem:$0x3F72] =	sst s1  }
0xa: {  	[smem:$0x3F73] =	sst s2  }
0xb: {  	[smem:$0x3F74] =	sst s3  }
0xc: {  	[smem:$0x3F75] =	sst s4  }
0xd: {  	[smem:$0x3F76] =	sst s5  }
0xe: {  	[smem:$0x3F77] =	sst s6  }
0xf: {  	[smem:$0x3F78] =	sst s7  }
0x10: {  	[smem:$0x3F79] =	sst s8  }
0x11: {  	[smem:$0x3F7A] =	sst s9;
	s0 =	simm.s32 @!p0 $0x0  }
0x12: {  	s1 =	sld [smem:$0x3F60];
	s0 =	simm.s32 @p0 $0x1  }
0x13: {  	[smem:$0x3F7B] =	sst s0;
	s0 =	simm.s32 @!p1 $0x0  }
0x14: {  	s2 =	sld [smem:$0x3F5F];
	s0 =	simm.s32 @p1 $0x1  }
0x15: {  	[smem:$0x3F7C] =	sst s0;
	s0 =	simm.s32 @!p2 $0x0  }
0x16: {  	s3 =	sld [smem:$0x3FDB];
	s0 =	simm.s32 @p2 $0x1  }
0x17: {  	s4 =	simm.s32 $0x1BF5;
	[smem:$0x3F7E] =	sst s0  }
0x18: {  	s0 =	sld [smem:$0x3F61];
	_ =	swait.ge [sflag:s4], $0x0  }
0x19: {  	s7 =	sld [smem:$0x3F62]  }
0x1a: {  	s8 =	sadd.s32 $0xFFFFE003, lr  }
0x1b: {  	s9 =	sadd.s32 $0xFFFFFEF7, lr;
	s5 =	simm.s32 $0xFFFFFFFF;
	p2 =	slt.u32 s8, $0xFFFFF086  }
0x1c: {  	p1 =	slt.u32 s9, $0xF7A;
	s5 =	simm.s32 @!p2 $0x0  }
0x1d: {  	s5 =	simm.s32 @p1 $0x1;
	p0 =	seq.s32 s7, s2  }
0x1e: {  	s7 =	smul.u32 @!p0 $0xF7A, s2;
	p2 =	seq.s32 @!p0 s5, $0x0  }
0x1f: {  	s9 =	smul.u32 $0xF7A, s1;
	s8 =	simm.s32 @!p0 $0x1BF5;
	p2 =	por !p2, p0  }
0x20: {  	[sflag:s8] =	ssyncset.s32 @!p0 $0xFFFFF086;
	s6 =	sadd.s32 @!p0 s3, s7;
	s7 =	simm.s32 @!p0 $0x108  }
0x21: {  	s3 =	sadd.s32 s3, s9;
	s6 =	sadd.s32 @!p0 $0x88, s6;
	s7 =	simm.s32 @p2 $0x1082  }
0x22: {  	[simem:s7], [sflag:s8] =	dma.local @!p0 [hbm:s6], $0xF7A  }
0x23: {  	s9 =	sor.u32 $0xD0000000, s2;
	s6 =	simm.s32 $0x108;
	_ =	swait.ge @!p0 [sflag:s8], $0x0  }
0x24: {  	s3 =	sadd.s32 $0x88, s3;
	s6 =	simm.s32 @!p1 $0x1082;
	[sflag:s4] =	ssyncset.s32 $0xFFFFF086  }
0x25: {  	[simem:s6], [sflag:s4] =	dma.local [hbm:s3], $0xF7A  }
0x26: {  	[smem:$0x3F62] =	sst s1;
	(tag) =	ssettag s2;
	_ =	strace s9  }
0x27: {  	s1 =	sld [smem:$0x3F72]  }
0x28: {  	s2 =	sld [smem:$0x3F73]  }
0x29: {  	s4 =	sld [smem:$0x3F75]  }
0x2a: {  	p0 =	seq.s32 s5, $0x0;
	s5 =	sld [smem:$0x3F76]  }
0x2b: {  	s6 =	sld [smem:$0x3F77]  }
0x2c: {  	s7 =	sld [smem:$0x3F78]  }
0x2d: {  	s3 =	simm.s32 $0x108;
	s8 =	sld [smem:$0x3F79]  }
0x2e: {  	s3 =	simm.s32 @!p0 $0x1082;
	s9 =	sld [smem:$0x3F7A]  }
0x2f: {  	lr =	sadd.s32 s0, s3;
	s0 =	sld [smem:$0x3F71]  }
0x30: {  	s3 =	sld [smem:$0x3F74]  }
0x31: {  	[smem:$0x3F7D] =	sst s10  }
0x32: {  	s10 =	sld [smem:$0x3F7B];
	_ =	sdelay $0x3  }
0x33: {  	p0 =	seq.s32 s10, $0x1;
	s10 =	sld [smem:$0x3F7D];
	_ =	sdelay $0x3  }
0x34: {  	[smem:$0x3F7D] =	sst s10  }
0x35: {  	s10 =	sld [smem:$0x3F7C];
	_ =	sdelay $0x3  }
0x36: {  	p1 =	seq.s32 s10, $0x1;
	s10 =	sld [smem:$0x3F7D];
	_ =	sdelay $0x3  }
0x37: {  	[smem:$0x3F7D] =	sst s10  }
0x38: {  	s10 =	sld [smem:$0x3F7E]  }
0x39: {  	_ = 	snop;
	(pc) =	sbr.ind lr, $3  }
0x3a: {  	_ = 	snop  }
0x3b: {  	_ = 	snop  }
0x3c: {  	p2 =	seq.s32 s10, $0x1;
	s10 =	sld [smem:$0x3F7D]  }
0x3d: {  	_ =	shalt  }
0x3e: {  	_ =	shalt  }
0x3f: {  	_ =	shalt  }
0x40: {  	_ =	shalt  }
0x41: {  	_ =	shalt  }
0x42: {  	_ =	shalt  }
0x43: {  	_ =	shalt  }
0x44: {  	_ =	shalt  }
0x45: {  	_ =	shalt  }
0x46: {  	_ =	shalt  }
0x47: {  	_ =	shalt  }
0x48: {  	_ =	shalt  }
0x49: {  	_ =	shalt  }
0x4a: {  	_ =	shalt  }
0x4b: {  	_ =	shalt  }
0x4c: {  	_ =	shalt  }
0x4d: {  	_ =	shalt  }
0x4e: {  	_ =	shalt  }
0x4f: {  	_ =	shalt  }
0x50: {  	_ =	shalt  }
0x51: {  	_ =	shalt  }
0x52: {  	_ =	shalt  }
0x53: {  	_ =	shalt  }
0x54: {  	_ =	shalt  }
0x55: {  	_ =	shalt  }
0x56: {  	_ =	shalt  }
0x57: {  	_ =	shalt  }
0x58: {  	_ =	shalt  }
0x59: {  	_ =	shalt  }
0x5a: {  	_ =	shalt  }
0x5b: {  	_ =	shalt  }
0x5c: {  	_ =	shalt  }
0x5d: {  	_ =	shalt  }
0x5e: {  	_ =	shalt  }
0x5f: {  	_ =	shalt  }
0x60: {  	_ =	shalt  }
0x61: {  	_ =	shalt  }
0x62: {  	_ =	shalt  }
0x63: {  	_ =	shalt  }
0x64: {  	_ =	shalt  }
0x65: {  	_ =	shalt  }
0x66: {  	_ =	shalt  }
0x67: {  	_ =	shalt  }
0x68: {  	_ =	shalt  }
0x69: {  	_ =	shalt  }
0x6a: {  	_ =	shalt  }
0x6b: {  	_ =	shalt  }
0x6c: {  	_ =	shalt  }
0x6d: {  	_ =	shalt  }
0x6e: {  	_ =	shalt  }
0x6f: {  	_ =	shalt  }
0x70: {  	_ =	shalt  }
0x71: {  	_ =	shalt  }
0x72: {  	_ =	shalt  }
0x73: {  	_ =	shalt  }
0x74: {  	_ =	shalt  }
0x75: {  	_ =	shalt  }
0x76: {  	_ =	shalt  }
0x77: {  	_ =	shalt  }
0x78: {  	_ =	shalt  }
0x79: {  	_ =	shalt  }
0x7a: {  	_ =	shalt  }
0x7b: {  	_ =	shalt  }
0x7c: {  	_ =	shalt  }
0x7d: {  	_ =	shalt  }
0x7e: {  	_ =	shalt  }
0x7f: {  	_ =	shalt  }
0x80: {  	_ =	shalt  }
0x81: {  	_ =	shalt  }
0x82: {  	_ =	shalt  }
0x83: {  	_ =	shalt  }
0x84: {  	_ =	shalt  }
0x85: {  	_ =	shalt  }
0x86: {  	_ =	shalt  }
0x87: {  	_ =	shalt  }
.Lfunc_end0:
.L_simem_size_0:
called_computation.6_lowered:
.L_overlay_start_0:
0x88: {  	s2 =	sld [smem:$0x3FD9]  }
0x89: {  	s3 =	sld [smem:$0x3FFE];
	_ =	sdelay $0x1  }
0x8a: {  	s1 =	srdreg.scid  }
0x8b: {  	s0 =	sand.u32 $0x1, s1  }
0x8c: {  	s17 =	sshll.u32 s0, $0xA;
	s2 =	sadd.s32 s3, s2  }
0x8d: {  	s2 =	sadd.s32 s2, s17  }
0x8e: {  	[smem:$0x3F89] =	sst s2  }
0x8f: {  	_ = 	snop  }
0x90: {  	s2 =	sld [smem:$0x3FD0];
	(tm) =	ssettm $0x1  }
0x91: {  	s18 =	sld [smem:$0x3FFB];
	_ =	sdelay $0x3  }
0x92: {  	_ =	strace s18  }
0x93: {  	s3 =	sld [smem:$0x3FFC];
	_ =	sdelay $0x3  }
0x94: {  	_ =	strace s3  }
0x95: {  	s3 =	sld [smem:$0x3FFD];
	_ =	sdelay $0x3  }
0x96: {  	_ =	strace s3  }
0x97: {  	_ =	strace $0x8FFFFFFF  }
0x98: {  	s19 =	sld [smem:$0x3FDB];
	_ =	sdelay $0x1  }
0x99: {  	s4 =	simm.s32 $_scs_section_size  }
0x9a: {  	s5 =	simm.s32 $_size__tile_overlayer_lowered;
	s6 =	simm.s32 $_tile_overlayer_lowered  }
0x9b: {  	s22 =	simm.s32 $0x1BFF;
	s21 =	sshll.u32 s6, $0x1;
	s3 =	sadd.s32 s4, s19  }
0x9c: {  	s7 =	simm.s32 $0x0;
	s20 =	sshll.u32 s5, $0x1;
	s5 =	sadd.s32 s21, s3  }
0x9d: {  	[timem:s7], [sflag:s22] =	dma.local [hbm:s5], s20  }
0x9e: {  	_ =	swait.ge [sflag:s22], s20  }
0x9f: {  	s4 =	ssub.s32 $0x0, s20;
	[sflag:s22] =	ssyncset.done $0x0  }
0xa0: {  	[sflag:s22] =	ssyncadd.s32 s4;
	_ =	sdelay $0x1  }
0xa1: {  	s23 =	simm.s32 $0x1B8B  }
0xa2: {  	_ =	swait.ge [sflag:s23], $0x1  }
0xa3: {  	[sflag:s23] =	ssyncset.done $0x0  }
0xa4: {  	s25 =	simm.s32 $0x1B8E;
	s24 =	sld [smem:$0x3FFE];
	[sflag:s23] =	ssyncadd.s32 $0xFFFFFFFF  }
0xa5: {  	s26 =	simm.s32 $execute0_lowered;
	[smem:$0x3FD2] =	sst s25  }
0xa6: {  	s5 =	sshll.u32 s26, $0x1;
	_ =	strace $0x80000058;
	[dreg:$0x1] =	wrdreg $0xFFFFFFFF  }
0xa7: {  	s28 =	simm.s32 $_size_execute0_lowered;
	s3 =	sadd.s32 s3, s5;
	[dreg:$0x0] =	wrdreg $0x0  }
0xa8: {  	s5 =	sshll.u32 s28, $0x1;
	[dreg:$0x2] =	wrdreg s3  }
0xa9: {  	[dreg:$0x3] =	wrdreg s5  }
0xaa: {  	[dreg:$0x4] =	wrdreg $0xC0  }
0xab: {  	_ =	task [dreg:s7], $0x5FFFF  }
0xac: {  	[dreg:$0x1] =	wrdreg $0xFFFFFFFF  }
0xad: {  	[dreg:$0x0] =	wrdreg $0x60  }
0xae: {  	[dreg:$0x2] =	wrdreg s24  }
0xaf: {  	[dreg:$0x3] =	wrdreg s2  }
0xb0: {  	[dreg:$0x4] =	wrdreg $0xC0000  }
0xb1: {  	[dreg:$0x5] =	wrdreg $0x9  }
0xb2: {  	_ =	task.clear_ibuf [dreg:s7], $0x6FFFF;
	_ =	strace $0x90000058  }
0xb3: {  	s29 =	simm.s32 $0x9;
	_ =	strace $0x8000005A  }
0xb4: {  	_ =	swait.ge [sflag:s29], $0x1  }
0xb5: {  	[sflag:s29] =	ssyncadd.s32 $0xFFFFFFFF  }
0xb6: {  	_ =	strace $0x9000005A  }
0xb7: {  	_ =	sfence  }
0xb8: {  	s30 =	sld [smem:$0x0];
	_ =	sdelay $0x2  }
0xb9: {  	s31 =	sshll.u32 s1, $0xD;
	s1 =	sshrl.u32 s1, $0x2  }
0xba: {  	s3 =	sand.u32 $0x4000, s31;
	s1 =	sadd.s32 s1, s30  }
0xbb: {  	s0 =	sor.u32 s3, s0;
	s1 =	sshll.u32 s1, $0x11  }
0xbc: {  	s0 =	sor.u32 s1, s0  }
0xbd: {  	s0 =	sadd.s32 $0x8F2B, s0  }
0xbe: {  	[sflag:s0] =	ssyncadd.remote.s32 $0x1  }
0xbf: {  	_ =	sfence.sel $0xFFFF  }
0xc0: {  	[dreg:$0x0] =	wrdreg $0xFFFFFFFF;
	(pc) =	sbr.abs _section_cstart, $3  }
0xc1: {  	[dreg:$0x1] =	wrdreg $0xFFFFFFFF  }
0xc2: {  	_ =	task.clear_ibuf [dreg:s7], $0x2FFFF;
	_ =	strace $0x9FFFFFFF  }
0xc3: {  	(tm) =	ssettm $0x7FFFFFFF  }
tec
execute0_lowered:
.L_overlay_start_1:
0x0: {  	(tag) =	ssettag $0x1  }
0x1: {  	s5 =	rddreg [dreg:$0x0];
	s1 =	srdreg.scid  }
0x2: {  	s0 =	stileid.u32;
	s8 =	rddreg [dreg:$0x1]  }
0x3: {  	s2 =	rddreg [dreg:$0x2];
	s3 =	simm.s32 $0x0;
	s16 =	simm.s32 $0x6000  }
0x4: {  	s17 =	simm.s32 $0x60;
	s18 =	simm.s32 $0x9000;
	s19 =	simm.s32 $0x1  }
0x5: {  	s20 =	simm.s32 $0x2;
	s21 =	simm.s32 $0x2760;
	s22 =	simm.s32 $0x5C00  }
0x6: {  	s23 =	simm.s32 $0x5C80;
	s24 =	simm.s32 $0x0;
	s11 =	smul.u32 $0x50000, s0  }
0x7: {  	s6 =	sand.u32 $0x1, s1;
	s1 =	rddreg [dreg:$0x3];
	s15 =	smul.u32 $0x2800, s0  }
0x8: {  	s28 =	sshll.u32 s0, $0x1;
	[smem:$0x7FF] =	sst s3;
	s13 =	smul.u32 $0x27100, s6  }
0x9: {  	p0 =	seq.s32 s0, $0xF;
	s4 =	sor.u32 s6, s28;
	s29 =	smul.u32 $0x138800, s6  }
0xa: {  	_ =	strace $0x80000059;
	s10 =	ssub.s32 $0x2, s6;
	s7 =	smul.u32 $0x4F8, s4  }
0xb: {  	s9 =	smul.u32 $0x700, s4;
	s12 =	sshrl.u32 s10, $0x1;
	s11 =	sshrl.u32 s11, $0x2  }
0xc: {  	s4 =	sadd.s32 $0x2FE00, s5;
	s10 =	ssub.s32 s10, s12;
	s14 =	sadd.s32 s11, s2  }
0xd: {  	s11 =	sadd.s32 $0x12C000, s2;
	s30 =	sshrl.u32 s29, $0x3;
	s31 =	sadd.s32 s15, s13  }
0xe: {  	s12 =	sshll.u32 @!p0 s0, $0x6;
	s15 =	simm.s32 $0x2800;
	s7 =	sadd.s32 s7, s5  }
0xf: {  	s9 =	sadd.s32 s9, s5;
	s5 =	sadd.s32 $0xC000, s5;
	s10 =	smax.u32 s10, $0x1  }
0x10: {  	s11 =	sshrl.u32 @p0 s11, $0x3;
	s12 =	sor.u32 @!p0 $0x1C03, s12;
	s13 =	sshrl.u32 @!p0 s14, $0x3  }
0x11: {  	s6 =	sadd.s32 $0x17E00, s7;
	s7 =	sadd.s32 $0x21E00, s9;
	s9 =	sadd.s32 s8, s30  }
0x12: {  	s14 =	simm.s32 $0x3;
	s8 =	sadd.s32 s8, s31;
	s9 =	sadd.s32 $0x25800, s9  }
.LBB2_1:
0x13: {  	s25 =	simm.s32 @p0 $0x1FC3  }
0x14: {  	[spmem:s11], [sflag:s25] =	dma.local @p0 [hbm:s5], $0x1900  }
0x15: {  	s25 =	simm.s32 @p0 $0x3  }
0x16: {  	_ =	swait.ge @p0 [sflag:s25], $0x1900  }
0x17: {  	[sflag:s25] =	ssyncset.done @p0 $0x0  }
0x18: {  	[sflag:s25] =	ssyncadd.s32 @p0 $0xFFFFE700;
	s25 =	simm.s32 @!p0 $0x3  }
0x19: {  	[spmem:s13], [sflag:s12] =	dma.local @!p0 [hbm:s5], $0x2800  }
0x1a: {  	_ =	swait.ge @!p0 [sflag:s25], $0x2800  }
0x1b: {  	[sflag:s25] =	ssyncset.done @!p0 $0x0  }
0x1c: {  	[sflag:s25] =	ssyncadd.s32 @!p0 $0xFFFFD800  }
0x1d: {  	[tilespmem:s3], [sflag:$0x3] =	stream.linear.gather [hbm4b:s6+s3], $0x27C0, $0x38;
	[tilespmem:$0x1FC80] =	vst v63  }
0x1e: {  	_ =	swait.ge [sflag:s14], $0x27C0  }
0x1f: {  	[sflag:s14] =	ssyncset.done $0x0  }
0x20: {  	[sflag:s14] =	ssyncadd.s32 $0xFFFFD840  }
0x21: {  	[tilespmem:s15], [sflag:$0x3] =	stream.linear.gather [hbm4b:s7+s3], $0x3500, $0x38;
	[tilespmem:$0x1FC80] =	vst v63  }
0x22: {  	_ =	swait.ge [sflag:s14], $0x3500  }
0x23: {  	[sflag:s14] =	ssyncset.done $0x0  }
0x24: {  	[sflag:s14] =	ssyncadd.s32 $0xFFFFCB00  }
0x25: {  	[bflag:$0x0] =	sbarrier.arrive $0xFFFF  }
0x26: {  	[tilespmem:s16], [sflag:$0x1] =	stream.indirect.gather [hbm4b:s4+s17], $0x80, s3, s17, $0xb8;
	[tilespmem:$0x1FC80] =	vst v63  }
0x27: {  	_ = 	snop  }
0x28: {  	[tilespmem:s18], [sflag:$0x2] =	stream.indirect.gather [hbm4b:s4+s17], $0x80, s17, s17, $0xb8;
	[tilespmem:$0x1FC80] =	vst v63  }
0x29: {  	_ =	swait.ge [sflag:s19], $0x3000  }
0x2a: {  	[sflag:s19] =	ssyncset.done $0x0  }
0x2b: {  	s29 =	simm.s32 $0x2800;
	[sflag:s19] =	ssyncadd.s32 $0xFFFFD000  }
0x2c: {  	[spmem:s2] =	stream.indirect.scatter.add.f32 [tilespmem:s16], [sflag:$0x3], $0x80, s29, s17, $0xb8;
	[tilespmem:$0x1FC80] =	vst v63  }
0x2d: {  	_ =	swait.ge [sflag:s14], $0x3000  }
0x2e: {  	[sflag:s14] =	ssyncset.done $0x0  }
0x2f: {  	s30 =	simm.s32 $0xC0;
	[sflag:s14] =	ssyncadd.s32 $0xFFFFD000  }
0x30: {  	[tilespmem:s16], [sflag:$0x1] =	stream.indirect.gather [hbm4b:s4+s17], $0x80, s30, s17, $0xb8;
	[tilespmem:$0x1FC80] =	vst v63  }
0x31: {  	_ =	swait.ge [sflag:s20], $0x3000  }
0x32: {  	[sflag:s20] =	ssyncset.done $0x0  }
0x33: {  	s31 =	simm.s32 $0x2880;
	[sflag:s20] =	ssyncadd.s32 $0xFFFFD000  }
0x34: {  	[spmem:s2] =	stream.indirect.scatter.add.f32 [tilespmem:s18], [sflag:$0x3], $0x80, s31, s17, $0xb8;
	[tilespmem:$0x1FC80] =	vst v63  }
0x35: {  	_ =	swait.ge [sflag:s14], $0x3000  }
0x36: {  	s26 =	simm.s32 $0x60;
	s25 =	simm.s32 $0x400;
	[sflag:s14] =	ssyncset.done $0x0  }
.LBB2_2:
0x37: {  	p1 =	sne.s32 s25, $0xCC00;
	[sflag:s14] =	ssyncadd.s32 $0xFFFFD000;
	s26 =	sadd.s32 $0xC0, s26  }
0x38: {  	[tilespmem:s18], [sflag:$0x2] =	stream.indirect.gather [hbm4b:s4+s17], $0x80, s26, s17, $0xb8;
	[tilespmem:$0x1FC80] =	vst v63  }
0x39: {  	s28 =	smov.u32 s25;
	s25 =	sadd.s32 $0x400, s25;
	_ =	swait.ge [sflag:s19], $0x3000  }
0x3a: {  	s28 =	sshra.s32 s28, $0x2;
	[sflag:s19] =	ssyncset.done $0x0  }
0x3b: {  	s29 =	sadd.s32 $0x2800, s28;
	[sflag:s19] =	ssyncadd.s32 $0xFFFFD000  }
0x3c: {  	[spmem:s2] =	stream.indirect.scatter.add.f32 [tilespmem:s16], [sflag:$0x3], $0x80, s29, s17, $0xb8;
	[tilespmem:$0x1FC80] =	vst v63  }
0x3d: {  	_ =	swait.ge [sflag:s14], $0x3000  }
0x3e: {  	[sflag:s14] =	ssyncset.done $0x0  }
0x3f: {  	s29 =	sadd.s32 $0x60, s26;
	[sflag:s14] =	ssyncadd.s32 $0xFFFFD000  }
0x40: {  	[tilespmem:s16], [sflag:$0x1] =	stream.indirect.gather [hbm4b:s4+s17], $0x80, s29, s17, $0xb8;
	[tilespmem:$0x1FC80] =	vst v63  }
0x41: {  	_ =	swait.ge [sflag:s20], $0x3000  }
.Ltmp0:
0x42: {  	[sflag:s20] =	ssyncset.done $0x0;
	(pc) =	sbr.rel @p1 .LBB2_2-.Ltmp0, $4  }
0x43: {  	s28 =	sadd.s32 $0x2880, s28;
	[sflag:s20] =	ssyncadd.s32 $0xFFFFD000  }
0x44: {  	[spmem:s2] =	stream.indirect.scatter.add.f32 [tilespmem:s18], [sflag:$0x3], $0x80, s28, s17, $0xb8;
	[tilespmem:$0x1FC80] =	vst v63  }
0x45: {  	_ =	swait.ge [sflag:s14], $0x3000  }
0x46: {  	[sflag:s14] =	ssyncset.done $0x0  }
0x47: {  	[sflag:s14] =	ssyncadd.s32 $0xFFFFD000  }
0x48: {  	[tilespmem:s18], [sflag:$0x2] =	stream.indirect.gather [hbm4b:s4+s17], $0x80, s21, s17, $0xb8;
	[tilespmem:$0x1FC80] =	vst v63  }
0x49: {  	_ =	swait.ge [sflag:s19], $0x3000  }
0x4a: {  	[sflag:s19] =	ssyncset.done $0x0  }
0x4b: {  	[sflag:s19] =	ssyncadd.s32 $0xFFFFD000  }
0x4c: {  	[spmem:s2] =	stream.indirect.scatter.add.f32 [tilespmem:s16], [sflag:$0x3], $0x80, s22, s17, $0xb8;
	[tilespmem:$0x1FC80] =	vst v63  }
0x4d: {  	_ =	swait.ge [sflag:s14], $0x3000  }
0x4e: {  	[sflag:s14] =	ssyncset.done $0x0  }
0x4f: {  	[sflag:s14] =	ssyncadd.s32 $0xFFFFD000  }
0x50: {  	_ =	swait.ge [sflag:s20], $0x3000  }
0x51: {  	[sflag:s20] =	ssyncset.done $0x0  }
0x52: {  	[sflag:s20] =	ssyncadd.s32 $0xFFFFD000  }
0x53: {  	[spmem:s2] =	stream.indirect.scatter.add.f32 [tilespmem:s18], [sflag:$0x3], $0x80, s23, s17, $0xb8;
	[tilespmem:$0x1FC80] =	vst v63  }
0x54: {  	_ =	swait.ge [sflag:s14], $0x3000  }
0x55: {  	[sflag:s14] =	ssyncset.done $0x0  }
0x56: {  	[sflag:s14] =	ssyncadd.s32 $0xFFFFD000  }
0x57: {  	s25 =	simm.s32 @p0 $0x1FC3;
	[bflag:$0x0] =	sbarrier.arrive $0xFFFF  }
0x58: {  	[hbm:s9], [sflag:s25] =	dma.local @p0 [spmem:s11], $0x1900  }
0x59: {  	s25 =	simm.s32 @p0 $0x3  }
0x5a: {  	s24 =	sadd.s32 $0x1, s24;
	_ =	swait.ge @p0 [sflag:s25], $0x1900  }
0x5b: {  	p1 =	sne.s32 s24, s10;
	[sflag:s25] =	ssyncset.done @p0 $0x0  }
.Ltmp1:
0x5c: {  	[sflag:s25] =	ssyncadd.s32 @p0 $0xFFFFE700;
	s25 =	simm.s32 @!p0 $0x3;
	(pc) =	sbr.rel @p1 .LBB2_1-.Ltmp1, $4  }
0x5d: {  	[hbm:s8], [sflag:s12] =	dma.local @!p0 [spmem:s13], $0x2800  }
0x5e: {  	_ =	swait.ge @!p0 [sflag:s25], $0x2800  }
0x5f: {  	[sflag:s25] =	ssyncset.done @!p0 $0x0  }
0x60: {  	[sflag:s25] =	ssyncadd.s32 @!p0 $0xFFFFD800  }
0x61: {  	_ =	sfence.sel $0x180000  }
0x62: {  	[bflag:$0x0] =	sbarrier.arrive $0xFFFF  }
0x63: {  	p0 =	sne.s32 s0, $0x0;
	_ =	strace $0x90000059  }
0x64: {  	s0 =	sadd.s32 @!p0 $0x100000, s1;
	[bflag:$0x2] =	sbarrier.arrive $0xFFFF  }
0x65: {  	[sflag:s0] =	ssyncadd.tile.s32 @!p0 $0x1;
	_ =	shalt  }
.Lfunc_end2:
_tile_overlayer_lowered:
.L_overlay_start_2:
0x66: {  	(tag) =	ssettag $0x2  }
0x67: {  	s0 =	rddreg [dreg:$0x0];
	s2 =	stileid.u32  }
0x68: {  	s1 =	rddreg [dreg:$0x1];
	p0 =	sne.s32 s2, $0x0  }
0x69: {  	s3 =	rddreg [dreg:$0x2];
	[bflag:$0x3] =	sbarrier.arrive $0xFFFF;
	s2 =	simm.s32 @!p0 $0x1C03  }
0x6a: {  	[timem:s3], [sflag:s2] =	dma.local @!p0 [hbm:s0], s1  }
0x6b: {  	s0 =	simm.s32 @!p0 $0x3  }
0x6c: {  	_ =	swait.ge @!p0 [sflag:s0], s1  }
0x6d: {  	s1 =	ssub.s32 @!p0 $0x0, s1;
	[sflag:s0] =	ssyncset.done @!p0 $0x0  }
0x6e: {  	[sflag:s0] =	ssyncadd.s32 @!p0 s1  }
0x6f: {  	[bflag:$0x3] =	sbarrier.arrive $0xFFFF  }
0x70: {  	_ =	shalt  }

// kernel: kernel.20.cloned.1.call-start
scs
__scs_entry_jumppad:
0x0: {  	(pc) =	sbr.rel $0x88, $3  }
0x1: {  	(tag) =	ssettag $0x0;
	lr =	simm.s32 $0x1  }
0x2: {  	[smem:$0x3F62] =	sst lr;
	_ =	strace $0xD0000000  }
0x3: {  	_ = 	snop  }
0x4: {  	_ = 	snop  }
0x5: {  	_ = 	snop  }
0x6: {  	_ = 	snop  }
0x7: {  	_ = 	snop  }
__scs_overlays_trampoline_lowered:
0x8: {  	[smem:$0x3F71] =	sst s0  }
0x9: {  	[smem:$0x3F72] =	sst s1  }
0xa: {  	[smem:$0x3F73] =	sst s2  }
0xb: {  	[smem:$0x3F74] =	sst s3  }
0xc: {  	[smem:$0x3F75] =	sst s4  }
0xd: {  	[smem:$0x3F76] =	sst s5  }
0xe: {  	[smem:$0x3F77] =	sst s6  }
0xf: {  	[smem:$0x3F78] =	sst s7  }
0x10: {  	[smem:$0x3F79] =	sst s8  }
0x11: {  	[smem:$0x3F7A] =	sst s9;
	s0 =	simm.s32 @!p0 $0x0  }
0x12: {  	s1 =	sld [smem:$0x3F60];
	s0 =	simm.s32 @p0 $0x1  }
0x13: {  	[smem:$0x3F7B] =	sst s0;
	s0 =	simm.s32 @!p1 $0x0  }
0x14: {  	s2 =	sld [smem:$0x3F5F];
	s0 =	simm.s32 @p1 $0x1  }
0x15: {  	[smem:$0x3F7C] =	sst s0;
	s0 =	simm.s32 @!p2 $0x0  }
0x16: {  	s3 =	sld [smem:$0x3FDB];
	s0 =	simm.s32 @p2 $0x1  }
0x17: {  	s4 =	simm.s32 $0x1BF5;
	[smem:$0x3F7E] =	sst s0  }
0x18: {  	s0 =	sld [smem:$0x3F61];
	_ =	swait.ge [sflag:s4], $0x0  }
0x19: {  	s7 =	sld [smem:$0x3F62]  }
0x1a: {  	s8 =	sadd.s32 $0xFFFFE003, lr  }
0x1b: {  	s9 =	sadd.s32 $0xFFFFFEF7, lr;
	s5 =	simm.s32 $0xFFFFFFFF;
	p2 =	slt.u32 s8, $0xFFFFF086  }
0x1c: {  	p1 =	slt.u32 s9, $0xF7A;
	s5 =	simm.s32 @!p2 $0x0  }
0x1d: {  	s5 =	simm.s32 @p1 $0x1;
	p0 =	seq.s32 s7, s2  }
0x1e: {  	s7 =	smul.u32 @!p0 $0xF7A, s2;
	p2 =	seq.s32 @!p0 s5, $0x0  }
0x1f: {  	s9 =	smul.u32 $0xF7A, s1;
	s8 =	simm.s32 @!p0 $0x1BF5;
	p2 =	por !p2, p0  }
0x20: {  	[sflag:s8] =	ssyncset.s32 @!p0 $0xFFFFF086;
	s6 =	sadd.s32 @!p0 s3, s7;
	s7 =	simm.s32 @!p0 $0x108  }
0x21: {  	s3 =	sadd.s32 s3, s9;
	s6 =	sadd.s32 @!p0 $0x88, s6;
	s7 =	simm.s32 @p2 $0x1082  }
0x22: {  	[simem:s7], [sflag:s8] =	dma.local @!p0 [hbm:s6], $0xF7A  }
0x23: {  	s9 =	sor.u32 $0xD0000000, s2;
	s6 =	simm.s32 $0x108;
	_ =	swait.ge @!p0 [sflag:s8], $0x0  }
0x24: {  	s3 =	sadd.s32 $0x88, s3;
	s6 =	simm.s32 @!p1 $0x1082;
	[sflag:s4] =	ssyncset.s32 $0xFFFFF086  }
0x25: {  	[simem:s6], [sflag:s4] =	dma.local [hbm:s3], $0xF7A  }
0x26: {  	[smem:$0x3F62] =	sst s1;
	(tag) =	ssettag s2;
	_ =	strace s9  }
0x27: {  	s1 =	sld [smem:$0x3F72]  }
0x28: {  	s2 =	sld [smem:$0x3F73]  }
0x29: {  	s4 =	sld [smem:$0x3F75]  }
0x2a: {  	p0 =	seq.s32 s5, $0x0;
	s5 =	sld [smem:$0x3F76]  }
0x2b: {  	s6 =	sld [smem:$0x3F77]  }
0x2c: {  	s7 =	sld [smem:$0x3F78]  }
0x2d: {  	s3 =	simm.s32 $0x108;
	s8 =	sld [smem:$0x3F79]  }
0x2e: {  	s3 =	simm.s32 @!p0 $0x1082;
	s9 =	sld [smem:$0x3F7A]  }
0x2f: {  	lr =	sadd.s32 s0, s3;
	s0 =	sld [smem:$0x3F71]  }
0x30: {  	s3 =	sld [smem:$0x3F74]  }
0x31: {  	[smem:$0x3F7D] =	sst s10  }
0x32: {  	s10 =	sld [smem:$0x3F7B];
	_ =	sdelay $0x3  }
0x33: {  	p0 =	seq.s32 s10, $0x1;
	s10 =	sld [smem:$0x3F7D];
	_ =	sdelay $0x3  }
0x34: {  	[smem:$0x3F7D] =	sst s10  }
0x35: {  	s10 =	sld [smem:$0x3F7C];
	_ =	sdelay $0x3  }
0x36: {  	p1 =	seq.s32 s10, $0x1;
	s10 =	sld [smem:$0x3F7D];
	_ =	sdelay $0x3  }
0x37: {  	[smem:$0x3F7D] =	sst s10  }
0x38: {  	s10 =	sld [smem:$0x3F7E]  }
0x39: {  	_ = 	snop;
	(pc) =	sbr.ind lr, $3  }
0x3a: {  	_ = 	snop  }
0x3b: {  	_ = 	snop  }
0x3c: {  	p2 =	seq.s32 s10, $0x1;
	s10 =	sld [smem:$0x3F7D]  }
0x3d: {  	_ =	shalt  }
0x3e: {  	_ =	shalt  }
0x3f: {  	_ =	shalt  }
0x40: {  	_ =	shalt  }
0x41: {  	_ =	shalt  }
0x42: {  	_ =	shalt  }
0x43: {  	_ =	shalt  }
0x44: {  	_ =	shalt  }
0x45: {  	_ =	shalt  }
0x46: {  	_ =	shalt  }
0x47: {  	_ =	shalt  }
0x48: {  	_ =	shalt  }
0x49: {  	_ =	shalt  }
0x4a: {  	_ =	shalt  }
0x4b: {  	_ =	shalt  }
0x4c: {  	_ =	shalt  }
0x4d: {  	_ =	shalt  }
0x4e: {  	_ =	shalt  }
0x4f: {  	_ =	shalt  }
0x50: {  	_ =	shalt  }
0x51: {  	_ =	shalt  }
0x52: {  	_ =	shalt  }
0x53: {  	_ =	shalt  }
0x54: {  	_ =	shalt  }
0x55: {  	_ =	shalt  }
0x56: {  	_ =	shalt  }
0x57: {  	_ =	shalt  }
0x58: {  	_ =	shalt  }
0x59: {  	_ =	shalt  }
0x5a: {  	_ =	shalt  }
0x5b: {  	_ =	shalt  }
0x5c: {  	_ =	shalt  }
0x5d: {  	_ =	shalt  }
0x5e: {  	_ =	shalt  }
0x5f: {  	_ =	shalt  }
0x60: {  	_ =	shalt  }
0x61: {  	_ =	shalt  }
0x62: {  	_ =	shalt  }
0x63: {  	_ =	shalt  }
0x64: {  	_ =	shalt  }
0x65: {  	_ =	shalt  }
0x66: {  	_ =	shalt  }
0x67: {  	_ =	shalt  }
0x68: {  	_ =	shalt  }
0x69: {  	_ =	shalt  }
0x6a: {  	_ =	shalt  }
0x6b: {  	_ =	shalt  }
0x6c: {  	_ =	shalt  }
0x6d: {  	_ =	shalt  }
0x6e: {  	_ =	shalt  }
0x6f: {  	_ =	shalt  }
0x70: {  	_ =	shalt  }
0x71: {  	_ =	shalt  }
0x72: {  	_ =	shalt  }
0x73: {  	_ =	shalt  }
0x74: {  	_ =	shalt  }
0x75: {  	_ =	shalt  }
0x76: {  	_ =	shalt  }
0x77: {  	_ =	shalt  }
0x78: {  	_ =	shalt  }
0x79: {  	_ =	shalt  }
0x7a: {  	_ =	shalt  }
0x7b: {  	_ =	shalt  }
0x7c: {  	_ =	shalt  }
0x7d: {  	_ =	shalt  }
0x7e: {  	_ =	shalt  }
0x7f: {  	_ =	shalt  }
0x80: {  	_ =	shalt  }
0x81: {  	_ =	shalt  }
0x82: {  	_ =	shalt  }
0x83: {  	_ =	shalt  }
0x84: {  	_ =	shalt  }
0x85: {  	_ =	shalt  }
0x86: {  	_ =	shalt  }
0x87: {  	_ =	shalt  }
.Lfunc_end0:
.L_simem_size_0:
called_computation.7_lowered:
.L_overlay_start_0:
0x88: {  	s2 =	sld [smem:$0x3FD9]  }
0x89: {  	s3 =	sld [smem:$0x3FFE];
	_ =	sdelay $0x1  }
0x8a: {  	s1 =	srdreg.scid  }
0x8b: {  	s0 =	sand.u32 $0x1, s1  }
0x8c: {  	s17 =	sshll.u32 s0, $0xA;
	s2 =	sadd.s32 s3, s2  }
0x8d: {  	s2 =	sadd.s32 s2, s17  }
0x8e: {  	[smem:$0x3F89] =	sst s2  }
0x8f: {  	_ = 	snop  }
0x90: {  	s2 =	sld [smem:$0x3FD0];
	(tm) =	ssettm $0x1  }
0x91: {  	s18 =	sld [smem:$0x3FFB];
	_ =	sdelay $0x3  }
0x92: {  	_ =	strace s18  }
0x93: {  	s3 =	sld [smem:$0x3FFC];
	_ =	sdelay $0x3  }
0x94: {  	_ =	strace s3  }
0x95: {  	s3 =	sld [smem:$0x3FFD];
	_ =	sdelay $0x3  }
0x96: {  	_ =	strace s3  }
0x97: {  	_ =	strace $0x8FFFFFFF  }
0x98: {  	s19 =	sld [smem:$0x3FDB];
	_ =	sdelay $0x1  }
0x99: {  	s4 =	simm.s32 $_scs_section_size  }
0x9a: {  	s5 =	simm.s32 $_size__tile_overlayer_lowered;
	s6 =	simm.s32 $_tile_overlayer_lowered  }
0x9b: {  	s22 =	simm.s32 $0x1BFF;
	s21 =	sshll.u32 s6, $0x1;
	s3 =	sadd.s32 s4, s19  }
0x9c: {  	s7 =	simm.s32 $0x0;
	s20 =	sshll.u32 s5, $0x1;
	s5 =	sadd.s32 s21, s3  }
0x9d: {  	[timem:s7], [sflag:s22] =	dma.local [hbm:s5], s20  }
0x9e: {  	_ =	swait.ge [sflag:s22], s20  }
0x9f: {  	s4 =	ssub.s32 $0x0, s20;
	[sflag:s22] =	ssyncset.done $0x0  }
0xa0: {  	[sflag:s22] =	ssyncadd.s32 s4;
	_ =	sdelay $0x1  }
0xa1: {  	s23 =	simm.s32 $0x1B8B  }
0xa2: {  	_ =	swait.ge [sflag:s23], $0x1  }
0xa3: {  	[sflag:s23] =	ssyncset.done $0x0  }
0xa4: {  	s25 =	simm.s32 $0x1B8E;
	s24 =	sld [smem:$0x3FFE];
	[sflag:s23] =	ssyncadd.s32 $0xFFFFFFFF  }
0xa5: {  	s26 =	simm.s32 $execute0_lowered;
	[smem:$0x3FD2] =	sst s25  }
0xa6: {  	s5 =	sshll.u32 s26, $0x1;
	_ =	strace $0x8000005B;
	[dreg:$0x1] =	wrdreg $0xFFFFFFFF  }
0xa7: {  	s28 =	simm.s32 $_size_execute0_lowered;
	s3 =	sadd.s32 s3, s5;
	[dreg:$0x0] =	wrdreg $0x0  }
0xa8: {  	s5 =	sshll.u32 s28, $0x1;
	[dreg:$0x2] =	wrdreg s3  }
0xa9: {  	[dreg:$0x3] =	wrdreg s5  }
0xaa: {  	[dreg:$0x4] =	wrdreg $0xC0  }
0xab: {  	_ =	task [dreg:s7], $0x5FFFF  }
0xac: {  	[dreg:$0x1] =	wrdreg $0xFFFFFFFF  }
0xad: {  	[dreg:$0x0] =	wrdreg $0x60  }
0xae: {  	[dreg:$0x2] =	wrdreg s24  }
0xaf: {  	[dreg:$0x3] =	wrdreg s2  }
0xb0: {  	[dreg:$0x4] =	wrdreg $0xC0000  }
0xb1: {  	[dreg:$0x5] =	wrdreg $0x9  }
0xb2: {  	_ =	task.clear_ibuf [dreg:s7], $0x6FFFF;
	_ =	strace $0x9000005B  }
0xb3: {  	s29 =	simm.s32 $0x9;
	_ =	strace $0x8000005D  }
0xb4: {  	_ =	swait.ge [sflag:s29], $0x1  }
0xb5: {  	[sflag:s29] =	ssyncadd.s32 $0xFFFFFFFF  }
0xb6: {  	_ =	strace $0x9000005D  }
0xb7: {  	_ =	sfence  }
0xb8: {  	s30 =	sld [smem:$0x0];
	_ =	sdelay $0x2  }
0xb9: {  	s31 =	sshll.u32 s1, $0xD;
	s1 =	sshrl.u32 s1, $0x2  }
0xba: {  	s3 =	sand.u32 $0x4000, s31;
	s1 =	sadd.s32 s1, s30  }
0xbb: {  	s0 =	sor.u32 s3, s0;
	s1 =	sshll.u32 s1, $0x11  }
0xbc: {  	s0 =	sor.u32 s1, s0  }
0xbd: {  	s0 =	sadd.s32 $0x8F2B, s0  }
0xbe: {  	[sflag:s0] =	ssyncadd.remote.s32 $0x1  }
0xbf: {  	_ =	sfence.sel $0xFFFF  }
0xc0: {  	[dreg:$0x0] =	wrdreg $0xFFFFFFFF;
	(pc) =	sbr.abs _section_cstart, $3  }
0xc1: {  	[dreg:$0x1] =	wrdreg $0xFFFFFFFF  }
0xc2: {  	_ =	task.clear_ibuf [dreg:s7], $0x2FFFF;
	_ =	strace $0x9FFFFFFF  }
0xc3: {  	(tm) =	ssettm $0x7FFFFFFF  }
tec
execute0_lowered:
.L_overlay_start_1:
0x0: {  	(tag) =	ssettag $0x1  }
0x1: {  	s5 =	rddreg [dreg:$0x0];
	s1 =	srdreg.scid  }
0x2: {  	s0 =	stileid.u32;
	s8 =	rddreg [dreg:$0x1]  }
0x3: {  	s2 =	rddreg [dreg:$0x2];
	s3 =	simm.s32 $0x0;
	s16 =	simm.s32 $0x6000  }
0x4: {  	s17 =	simm.s32 $0x60;
	s18 =	simm.s32 $0x9000;
	s19 =	simm.s32 $0x1  }
0x5: {  	s20 =	simm.s32 $0x2;
	s21 =	simm.s32 $0x2760;
	s22 =	simm.s32 $0x5C00  }
0x6: {  	s23 =	simm.s32 $0x5C80;
	s24 =	simm.s32 $0x0;
	s11 =	smul.u32 $0x50000, s0  }
0x7: {  	s6 =	sand.u32 $0x1, s1;
	s1 =	rddreg [dreg:$0x3];
	s15 =	smul.u32 $0x2800, s0  }
0x8: {  	s28 =	sshll.u32 s0, $0x1;
	[smem:$0x7FF] =	sst s3;
	s13 =	smul.u32 $0x27100, s6  }
0x9: {  	p0 =	seq.s32 s0, $0xF;
	s4 =	sor.u32 s6, s28;
	s29 =	smul.u32 $0x138800, s6  }
0xa: {  	_ =	strace $0x8000005C;
	s10 =	ssub.s32 $0x2, s6;
	s7 =	smul.u32 $0x4F8, s4  }
0xb: {  	s9 =	smul.u32 $0x700, s4;
	s12 =	sshrl.u32 s10, $0x1;
	s11 =	sshrl.u32 s11, $0x2  }
0xc: {  	s4 =	sadd.s32 $0x2FE00, s5;
	s10 =	ssub.s32 s10, s12;
	s14 =	sadd.s32 s11, s2  }
0xd: {  	s11 =	sadd.s32 $0x12C000, s2;
	s30 =	sshrl.u32 s29, $0x3;
	s31 =	sadd.s32 s15, s13  }
0xe: {  	s12 =	sshll.u32 @!p0 s0, $0x6;
	s15 =	simm.s32 $0x2800;
	s7 =	sadd.s32 s7, s5  }
0xf: {  	s9 =	sadd.s32 s9, s5;
	s5 =	sadd.s32 $0xC000, s5;
	s10 =	smax.u32 s10, $0x1  }
0x10: {  	s11 =	sshrl.u32 @p0 s11, $0x3;
	s12 =	sor.u32 @!p0 $0x1C03, s12;
	s13 =	sshrl.u32 @!p0 s14, $0x3  }
0x11: {  	s6 =	sadd.s32 $0x17E00, s7;
	s7 =	sadd.s32 $0x21E00, s9;
	s9 =	sadd.s32 s8, s30  }
0x12: {  	s14 =	simm.s32 $0x3;
	s8 =	sadd.s32 s8, s31;
	s9 =	sadd.s32 $0x25800, s9  }
.LBB2_1:
0x13: {  	s25 =	simm.s32 @p0 $0x1FC3  }
0x14: {  	[spmem:s11], [sflag:s25] =	dma.local @p0 [hbm:s5], $0x1900  }
0x15: {  	s25 =	simm.s32 @p0 $0x3  }
0x16: {  	_ =	swait.ge @p0 [sflag:s25], $0x1900  }
0x17: {  	[sflag:s25] =	ssyncset.done @p0 $0x0  }
0x18: {  	[sflag:s25] =	ssyncadd.s32 @p0 $0xFFFFE700;
	s25 =	simm.s32 @!p0 $0x3  }
0x19: {  	[spmem:s13], [sflag:s12] =	dma.local @!p0 [hbm:s5], $0x2800  }
0x1a: {  	_ =	swait.ge @!p0 [sflag:s25], $0x2800  }
0x1b: {  	[sflag:s25] =	ssyncset.done @!p0 $0x0  }
0x1c: {  	[sflag:s25] =	ssyncadd.s32 @!p0 $0xFFFFD800  }
0x1d: {  	[tilespmem:s3], [sflag:$0x3] =	stream.linear.gather [hbm4b:s6+s3], $0x27C0, $0x38;
	[tilespmem:$0x1FC80] =	vst v63  }
0x1e: {  	_ =	swait.ge [sflag:s14], $0x27C0  }
0x1f: {  	[sflag:s14] =	ssyncset.done $0x0  }
0x20: {  	[sflag:s14] =	ssyncadd.s32 $0xFFFFD840  }
0x21: {  	[tilespmem:s15], [sflag:$0x3] =	stream.linear.gather [hbm4b:s7+s3], $0x3500, $0x38;
	[tilespmem:$0x1FC80] =	vst v63  }
0x22: {  	_ =	swait.ge [sflag:s14], $0x3500  }
0x23: {  	[sflag:s14] =	ssyncset.done $0x0  }
0x24: {  	[sflag:s14] =	ssyncadd.s32 $0xFFFFCB00  }
0x25: {  	[bflag:$0x0] =	sbarrier.arrive $0xFFFF  }
0x26: {  	[tilespmem:s16], [sflag:$0x1] =	stream.indirect.gather [hbm4b:s4+s17], $0x80, s3, s17, $0xb8;
	[tilespmem:$0x1FC80] =	vst v63  }
0x27: {  	_ = 	snop  }
0x28: {  	[tilespmem:s18], [sflag:$0x2] =	stream.indirect.gather [hbm4b:s4+s17], $0x80, s17, s17, $0xb8;
	[tilespmem:$0x1FC80] =	vst v63  }
0x29: {  	_ =	swait.ge [sflag:s19], $0x3000  }
0x2a: {  	[sflag:s19] =	ssyncset.done $0x0  }
0x2b: {  	s29 =	simm.s32 $0x2800;
	[sflag:s19] =	ssyncadd.s32 $0xFFFFD000  }
0x2c: {  	[spmem:s2] =	stream.indirect.scatter.add.f32 [tilespmem:s16], [sflag:$0x3], $0x80, s29, s17, $0xb8;
	[tilespmem:$0x1FC80] =	vst v63  }
0x2d: {  	_ =	swait.ge [sflag:s14], $0x3000  }
0x2e: {  	[sflag:s14] =	ssyncset.done $0x0  }
0x2f: {  	s30 =	simm.s32 $0xC0;
	[sflag:s14] =	ssyncadd.s32 $0xFFFFD000  }
0x30: {  	[tilespmem:s16], [sflag:$0x1] =	stream.indirect.gather [hbm4b:s4+s17], $0x80, s30, s17, $0xb8;
	[tilespmem:$0x1FC80] =	vst v63  }
0x31: {  	_ =	swait.ge [sflag:s20], $0x3000  }
0x32: {  	[sflag:s20] =	ssyncset.done $0x0  }
0x33: {  	s31 =	simm.s32 $0x2880;
	[sflag:s20] =	ssyncadd.s32 $0xFFFFD000  }
0x34: {  	[spmem:s2] =	stream.indirect.scatter.add.f32 [tilespmem:s18], [sflag:$0x3], $0x80, s31, s17, $0xb8;
	[tilespmem:$0x1FC80] =	vst v63  }
0x35: {  	_ =	swait.ge [sflag:s14], $0x3000  }
0x36: {  	s26 =	simm.s32 $0x60;
	s25 =	simm.s32 $0x400;
	[sflag:s14] =	ssyncset.done $0x0  }
.LBB2_2:
0x37: {  	p1 =	sne.s32 s25, $0xCC00;
	[sflag:s14] =	ssyncadd.s32 $0xFFFFD000;
	s26 =	sadd.s32 $0xC0, s26  }
0x38: {  	[tilespmem:s18], [sflag:$0x2] =	stream.indirect.gather [hbm4b:s4+s17], $0x80, s26, s17, $0xb8;
	[tilespmem:$0x1FC80] =	vst v63  }
0x39: {  	s28 =	smov.u32 s25;
	s25 =	sadd.s32 $0x400, s25;
	_ =	swait.ge [sflag:s19], $0x3000  }
0x3a: {  	s28 =	sshra.s32 s28, $0x2;
	[sflag:s19] =	ssyncset.done $0x0  }
0x3b: {  	s29 =	sadd.s32 $0x2800, s28;
	[sflag:s19] =	ssyncadd.s32 $0xFFFFD000  }
0x3c: {  	[spmem:s2] =	stream.indirect.scatter.add.f32 [tilespmem:s16], [sflag:$0x3], $0x80, s29, s17, $0xb8;
	[tilespmem:$0x1FC80] =	vst v63  }
0x3d: {  	_ =	swait.ge [sflag:s14], $0x3000  }
0x3e: {  	[sflag:s14] =	ssyncset.done $0x0  }
0x3f: {  	s29 =	sadd.s32 $0x60, s26;
	[sflag:s14] =	ssyncadd.s32 $0xFFFFD000  }
0x40: {  	[tilespmem:s16], [sflag:$0x1] =	stream.indirect.gather [hbm4b:s4+s17], $0x80, s29, s17, $0xb8;
	[tilespmem:$0x1FC80] =	vst v63  }
0x41: {  	_ =	swait.ge [sflag:s20], $0x3000  }
.Ltmp0:
0x42: {  	[sflag:s20] =	ssyncset.done $0x0;
	(pc) =	sbr.rel @p1 .LBB2_2-.Ltmp0, $4  }
0x43: {  	s28 =	sadd.s32 $0x2880, s28;
	[sflag:s20] =	ssyncadd.s32 $0xFFFFD000  }
0x44: {  	[spmem:s2] =	stream.indirect.scatter.add.f32 [tilespmem:s18], [sflag:$0x3], $0x80, s28, s17, $0xb8;
	[tilespmem:$0x1FC80] =	vst v63  }
0x45: {  	_ =	swait.ge [sflag:s14], $0x3000  }
0x46: {  	[sflag:s14] =	ssyncset.done $0x0  }
0x47: {  	[sflag:s14] =	ssyncadd.s32 $0xFFFFD000  }
0x48: {  	[tilespmem:s18], [sflag:$0x2] =	stream.indirect.gather [hbm4b:s4+s17], $0x80, s21, s17, $0xb8;
	[tilespmem:$0x1FC80] =	vst v63  }
0x49: {  	_ =	swait.ge [sflag:s19], $0x3000  }
0x4a: {  	[sflag:s19] =	ssyncset.done $0x0  }
0x4b: {  	[sflag:s19] =	ssyncadd.s32 $0xFFFFD000  }
0x4c: {  	[spmem:s2] =	stream.indirect.scatter.add.f32 [tilespmem:s16], [sflag:$0x3], $0x80, s22, s17, $0xb8;
	[tilespmem:$0x1FC80] =	vst v63  }
0x4d: {  	_ =	swait.ge [sflag:s14], $0x3000  }
0x4e: {  	[sflag:s14] =	ssyncset.done $0x0  }
0x4f: {  	[sflag:s14] =	ssyncadd.s32 $0xFFFFD000  }
0x50: {  	_ =	swait.ge [sflag:s20], $0x3000  }
0x51: {  	[sflag:s20] =	ssyncset.done $0x0  }
0x52: {  	[sflag:s20] =	ssyncadd.s32 $0xFFFFD000  }
0x53: {  	[spmem:s2] =	stream.indirect.scatter.add.f32 [tilespmem:s18], [sflag:$0x3], $0x80, s23, s17, $0xb8;
	[tilespmem:$0x1FC80] =	vst v63  }
0x54: {  	_ =	swait.ge [sflag:s14], $0x3000  }
0x55: {  	[sflag:s14] =	ssyncset.done $0x0  }
0x56: {  	[sflag:s14] =	ssyncadd.s32 $0xFFFFD000  }
0x57: {  	s25 =	simm.s32 @p0 $0x1FC3;
	[bflag:$0x0] =	sbarrier.arrive $0xFFFF  }
0x58: {  	[hbm:s9], [sflag:s25] =	dma.local @p0 [spmem:s11], $0x1900  }
0x59: {  	s25 =	simm.s32 @p0 $0x3  }
0x5a: {  	s24 =	sadd.s32 $0x1, s24;
	_ =	swait.ge @p0 [sflag:s25], $0x1900  }
0x5b: {  	p1 =	sne.s32 s24, s10;
	[sflag:s25] =	ssyncset.done @p0 $0x0  }
.Ltmp1:
0x5c: {  	[sflag:s25] =	ssyncadd.s32 @p0 $0xFFFFE700;
	s25 =	simm.s32 @!p0 $0x3;
	(pc) =	sbr.rel @p1 .LBB2_1-.Ltmp1, $4  }
0x5d: {  	[hbm:s8], [sflag:s12] =	dma.local @!p0 [spmem:s13], $0x2800  }
0x5e: {  	_ =	swait.ge @!p0 [sflag:s25], $0x2800  }
0x5f: {  	[sflag:s25] =	ssyncset.done @!p0 $0x0  }
0x60: {  	[sflag:s25] =	ssyncadd.s32 @!p0 $0xFFFFD800  }
0x61: {  	_ =	sfence.sel $0x180000  }
0x62: {  	[bflag:$0x0] =	sbarrier.arrive $0xFFFF  }
0x63: {  	p0 =	sne.s32 s0, $0x0;
	_ =	strace $0x9000005C  }
0x64: {  	s0 =	sadd.s32 @!p0 $0x100000, s1;
	[bflag:$0x2] =	sbarrier.arrive $0xFFFF  }
0x65: {  	[sflag:s0] =	ssyncadd.tile.s32 @!p0 $0x1;
	_ =	shalt  }
.Lfunc_end2:
_tile_overlayer_lowered:
.L_overlay_start_2:
0x66: {  	(tag) =	ssettag $0x2  }
0x67: {  	s0 =	rddreg [dreg:$0x0];
	s2 =	stileid.u32  }
0x68: {  	s1 =	rddreg [dreg:$0x1];
	p0 =	sne.s32 s2, $0x0  }
0x69: {  	s3 =	rddreg [dreg:$0x2];
	[bflag:$0x3] =	sbarrier.arrive $0xFFFF;
	s2 =	simm.s32 @!p0 $0x1C03  }
0x6a: {  	[timem:s3], [sflag:s2] =	dma.local @!p0 [hbm:s0], s1  }
0x6b: {  	s0 =	simm.s32 @!p0 $0x3  }
0x6c: {  	_ =	swait.ge @!p0 [sflag:s0], s1  }
0x6d: {  	s1 =	ssub.s32 @!p0 $0x0, s1;
	[sflag:s0] =	ssyncset.done @!p0 $0x0  }
0x6e: {  	[sflag:s0] =	ssyncadd.s32 @!p0 s1  }
0x6f: {  	[bflag:$0x3] =	sbarrier.arrive $0xFFFF  }
0x70: {  	_ =	shalt  }

</sc_bundles>
